<compile_context>
chip_gen: v7x
topology: tpu7x:2x2x1
jax: 0.10.2.dev20260603
libtpu: 0.0.44.dev20260713+nightly
codegen_flags: <defaults>
</compile_context>

<pallas_src>
import functools

import jax
import jax.numpy as jnp
from jax import lax
from jax.experimental import pallas as pl
from jax.experimental.pallas import tpu as pltpu
from jax.experimental.pallas import tpu_sc as plsc

NC = 2
NS = 16
NW = NC * NS
CH = 128
G = 16


def _sc_mesh():
  return plsc.VectorSubcoreMesh(
      core_axis_name="c", subcore_axis_name="s", num_cores=NC, num_subcores=NS
  )


def _make_deg_kernel(NP, E_pad):
  nch = E_pad // (NW * CH)
  rpt = NP // NS

  @functools.partial(
      pl.kernel,
      mesh=_sc_mesh(),
      out_type=jax.ShapeDtypeStruct((NC * NP,), jnp.float32),
      scratch_types=[
          pltpu.VMEM((nch, CH), jnp.int32),
          pltpu.VMEM((CH,), jnp.float32),
          pltpu.VMEM((rpt,), jnp.float32),
          pltpu.VMEM_SHARED((NP,), jnp.float32),
      ],
  )
  def deg_kernel(col_hbm, ones_hbm, zeros_hbm, out_hbm, cidx, ones_v, zbuf,
                 dacc):
    c = lax.axis_index("c")
    s = lax.axis_index("s")
    w = c * NS + s
    rows = pl.ds(s * rpt, rpt)
    pltpu.sync_copy(zeros_hbm.at[rows], zbuf)
    pltpu.sync_copy(zbuf, dacc.at[rows])
    pltpu.sync_copy(ones_hbm, ones_v)
    pltpu.sync_copy(col_hbm.at[pl.ds(w * nch, nch)], cidx)
    plsc.subcore_barrier()

    def chunk(j, carry):
      pltpu.sync_copy(ones_v, dacc.at[cidx.at[j]], add=True)
      return carry

    lax.fori_loop(0, nch, chunk, 0)
    plsc.subcore_barrier()
    pltpu.sync_copy(dacc.at[rows], zbuf)
    pltpu.sync_copy(zbuf, out_hbm.at[pl.ds(c * NP + s * rpt, rpt)])

  return deg_kernel


def _make_scatter_kernel(NP, E_pad, D):
  nch = E_pad // (NW * CH)
  ngr = nch // G
  rpt = NP // NS

  @functools.partial(
      pl.kernel,
      mesh=_sc_mesh(),
      out_type=jax.ShapeDtypeStruct((NC, NP, D), jnp.float32),
      scratch_types=[
          pltpu.VMEM((2, G, CH), jnp.int32),
          pltpu.VMEM((2, G, CH), jnp.int32),
          pltpu.VMEM((2, CH, D), jnp.float32),
          pltpu.VMEM_SHARED((NP, D), jnp.float32),
          pltpu.SemaphoreType.DMA,
          pltpu.SemaphoreType.DMA,
          pltpu.SemaphoreType.DMA,
      ],
  )
  def scatter_kernel(z_hbm, row_hbm, col_hbm, zeros_hbm, out_hbm,
                     ridx, cidx, msg, acc, sem_g0, sem_g1, sem_i):
    c = lax.axis_index("c")
    s = lax.axis_index("s")
    w = c * NS + s
    base = w * nch
    rows = pl.ds(s * rpt, rpt)
    pltpu.sync_copy(zeros_hbm.at[rows], acc.at[rows])

    def start_idx(g, gb):
      pltpu.async_copy(row_hbm.at[pl.ds(base + g * G, G)], ridx.at[gb], sem_i)
      pltpu.async_copy(col_hbm.at[pl.ds(base + g * G, G)], cidx.at[gb], sem_i)

    def wait_idx(g, gb):
      pltpu.make_async_copy(
          row_hbm.at[pl.ds(base + g * G, G)], ridx.at[gb], sem_i).wait()
      pltpu.make_async_copy(
          col_hbm.at[pl.ds(base + g * G, G)], cidx.at[gb], sem_i).wait()

    start_idx(0, 0)

    def gather(gb, j, buf, sem):
      pltpu.async_copy(z_hbm.at[ridx.at[gb, j]], msg.at[buf], sem)

    def scatter(gb, j, buf):
      pltpu.sync_copy(msg.at[buf], acc.at[cidx.at[gb, j]], add=True)

    def group(g, carry):
      gb = lax.rem(g, 2)
      wait_idx(g, gb)

      @pl.when(g + 1 < ngr)
      def _():
        start_idx(g + 1, 1 - gb)

      gather(gb, 0, 0, sem_g0)

      def pair(t, carry2):
        pltpu.async_copy(z_hbm.at[ridx.at[gb, 2 * t + 1]], msg.at[1], sem_g1)
        pltpu.make_async_copy(
            z_hbm.at[ridx.at[gb, 2 * t]], msg.at[0], sem_g0).wait()
        scatter(gb, 2 * t, 0)

        @pl.when(2 * t + 2 < G)
        def _():
          gather(gb, 2 * t + 2, 0, sem_g0)

        pltpu.make_async_copy(
            z_hbm.at[ridx.at[gb, 2 * t + 1]], msg.at[1], sem_g1).wait()
        scatter(gb, 2 * t + 1, 1)
        return carry2

      lax.fori_loop(0, G // 2, pair, 0)
      return carry

    plsc.subcore_barrier()
    lax.fori_loop(0, ngr, group, 0)
    plsc.subcore_barrier()
    pltpu.sync_copy(acc.at[rows], out_hbm.at[c, rows])

  return scatter_kernel


def _prep_body(d0, d1, x, z_out, dv_out):
  d = d0[...] + d1[...]
  dinv = jnp.where(d > 0.0, lax.rsqrt(jnp.where(d > 0.0, d, 1.0)), 0.0)
  dv_out[...] = dinv
  z_out[...] = x[...] * dinv


def _combine_body(scale, last, dv, P, t_in, t_out, *z_out):
  dinv = dv[...]
  x = dinv * (P[0] + P[1])
  t_out[...] = (t_in[...] + x) * scale
  if not last:
    z_out[0][...] = dinv * x


def _tc_prep(d0c, d1c, x0, NP, D, B):
  spec = pl.BlockSpec((B, D), lambda i: (i, 0))
  spec1 = pl.BlockSpec((B, 1), lambda i: (i, 0))
  return pl.pallas_call(
      _prep_body,
      grid=(NP // B,),
      in_specs=[spec1, spec1, spec],
      out_specs=[spec, spec1],
      out_shape=[
          jax.ShapeDtypeStruct((NP, D), jnp.float32),
          jax.ShapeDtypeStruct((NP, 1), jnp.float32),
      ],
  )(d0c, d1c, x0)


def _tc_combine(dv, P, total, scale, last, NP, D, B):
  spec = pl.BlockSpec((B, D), lambda i: (i, 0))
  spec1 = pl.BlockSpec((B, 1), lambda i: (i, 0))
  specP = pl.BlockSpec((2, B, D), lambda i: (0, i, 0))
  out_specs = [spec] if last else [spec, spec]
  out_shape = [jax.ShapeDtypeStruct((NP, D), jnp.float32)] * len(out_specs)
  res = pl.pallas_call(
      functools.partial(_combine_body, scale, last),
      grid=(NP // B,),
      in_specs=[spec1, specP, spec],
      out_specs=out_specs,
      out_shape=out_shape,
  )(dv, P, total)
  return res if not last else (res[0], None)


@jax.jit
def kernel(user_weight, item_weight, edge_index):
  NU, D = user_weight.shape
  NI = item_weight.shape[0]
  N = NU + NI
  E = edge_index.shape[1]
  NP = -(-(N + 1) // 128) * 128
  npad = NP - N
  assert NP % (8 * NS) == 0 and D % 16 == 0

  epw = -(-E // (NW * G * CH)) * G * CH
  E_pad = epw * NW
  pad_ids = (jnp.arange(E_pad - E, dtype=jnp.int32) % npad) + N
  row = jnp.concatenate([edge_index[0], pad_ids])
  col = jnp.concatenate([edge_index[1], pad_ids])
  row2 = row.reshape(E_pad // CH, CH)
  col2 = col.reshape(E_pad // CH, CH)

  x0 = jnp.concatenate(
      [user_weight, item_weight, jnp.zeros((npad, D), jnp.float32)], axis=0
  )
  zerosD = jnp.zeros((NP, D), jnp.float32)
  ones1 = jnp.ones((CH,), jnp.float32)
  zeros1 = jnp.zeros((NP,), jnp.float32)

  B = NP // 4 if (NP // 4) % 8 == 0 else NP
  num_layers = 4

  degF = _make_deg_kernel(NP, E_pad)(col2, ones1, zeros1)
  d0c = degF[:NP].reshape(NP, 1)
  d1c = degF[NP:].reshape(NP, 1)

  z, dv = _tc_prep(d0c, d1c, x0, NP, D, B)
  total = x0
  sc_scatter = _make_scatter_kernel(NP, E_pad, D)
  for l in range(num_layers):
    P = sc_scatter(z, row2, col2, zerosD)
    last = l == num_layers - 1
    scale = 1.0 / ((num_layers + 1) ** 2) if last else 1.0
    total, z = _tc_combine(dv, P, total, scale, last, NP, D, B)

  return total[:NU], total[NU:N]

# --- scband reference (transcript-rebuilt; emitter-appended) ---
"""Pipeline reference for scband-light-gcn-3539053052410 (READ-ONLY COPY).

The authoritative reference and input builder live on the scoring server;
editing this copy changes nothing except your own understanding.
"""

import jax, jax.numpy as jnp
import numpy as np

NUM_USERS = 5000
NUM_ITEMS = 5000
EMBED_DIM = 128
NUM_LAYERS = 4
NUM_EDGES = 320000
N_NODES = NUM_USERS + NUM_ITEMS


def setup_inputs(seed: int = 0) -> dict:
    key = jax.random.key(seed)
    k1, k2, k3 = jax.random.split(key, 3)
    edge_index = jax.random.randint(k1, (2, NUM_EDGES), 0, N_NODES, dtype=jnp.int32)
    user_weight = jax.random.normal(k2, (NUM_USERS, EMBED_DIM), dtype=jnp.float32)
    item_weight = jax.random.normal(k3, (NUM_ITEMS, EMBED_DIM), dtype=jnp.float32)
    return {"user_weight": user_weight, "item_weight": item_weight, "edge_index": edge_index}


def _lgconv(x, edge_index):
    # PyG LGConv: gcn_norm without self-loops, then scatter-add aggregation at dst (col)
    N = x.shape[0]
    row = edge_index[0]
    col = edge_index[1]
    deg = jnp.zeros((N,), dtype=x.dtype).at[col].add(1.0)
    safe_deg = jnp.where(deg > 0, deg, 1.0)
    deg_inv_sqrt = jnp.where(deg > 0, 1.0 / jnp.sqrt(safe_deg), 0.0)
    norm = deg_inv_sqrt[row] * deg_inv_sqrt[col]
    msg = jnp.take(x, row, axis=0) * norm[:, None]
    out = jnp.zeros_like(x).at[col].add(msg)
    return out


def reference(user_weight, item_weight, edge_index):
    emb = jnp.concatenate([user_weight, item_weight], axis=0)
    embs = [emb]
    for _ in range(NUM_LAYERS):
        emb = _lgconv(emb, edge_index)
        embs.append(emb)
    # faithful to original: 1/(L+1) * mean over the L+1 stacked embeddings
    emb_final = (1.0 / (NUM_LAYERS + 1)) * jnp.mean(jnp.stack(embs, axis=1), axis=1)
    emb_users_final = emb_final[:NUM_USERS]
    emb_items_final = emb_final[NUM_USERS:]
    return (emb_users_final, emb_items_final)

if __name__ == "__main__":
    import jax
    _d = setup_inputs()
    print(jax.jit(kernel)(*tuple(_d.values())))

</pallas_src>

<mosaic_0001>
#map = affine_map<(d0, d1) -> (0, 0)>
#map1 = affine_map<(d0, d1) -> (0)>
module attributes {stable_mosaic.version = 14 : i64} {
  func.func @deg_kernel(%arg0: i32, %arg1: i32, %arg2: memref<2560x128xi32, #tpu.memory_space<hbm>>, %arg3: memref<128xf32, #tpu.memory_space<hbm>>, %arg4: memref<10112xf32, #tpu.memory_space<hbm>>, %arg5: memref<20224xf32, #tpu.memory_space<hbm>>, %arg6: memref<80x128xi32, #tpu.memory_space<vmem>>, %arg7: memref<128xf32, #tpu.memory_space<vmem>>, %arg8: memref<632xf32, #tpu.memory_space<vmem>>, %arg9: memref<10112xf32, #tpu.memory_space<vmem_shared>>) attributes {dimension_semantics = [#tpu.dimension_semantics<core_parallel>, #tpu.dimension_semantics<subcore_parallel>], iteration_bounds = array<i64: 2, 16>, scalar_prefetch = 0 : i64, scratch_operands = 4 : i64, tpu.core_type = #tpu.core_type<sc_vector_subcore>, window_params = [{transform_indices = #map}, {transform_indices = #map1}, {transform_indices = #map1}, {transform_indices = #map1}]} {
    %mul3A = arith.constant 16 : i32
    %mul3A_0 = arith.muli %arg0, %mul3A : i32
    %add3A = arith.addi %mul3A_0, %arg1 : i32
    %mul3A_1 = arith.constant 632 : i32
    %mul3A_2 = arith.muli %arg1, %mul3A_1 : i32
    "tpu.region"() ({
      %run_scoped3A = tpu.sem_alloc : memref<!tpu.dma_semaphore, #tpu.memory_space<semaphore_mem>>
      %dma_start3A = tpu.memref_slice %arg4[%mul3A_2] : memref<10112xf32, #tpu.memory_space<hbm>> -> memref<632xf32, #tpu.memory_space<hbm>>
      %dma_start3A_16 = tpu.memref_slice %arg4[%mul3A_2] : memref<10112xf32, #tpu.memory_space<hbm>> -> memref<632xf32, #tpu.memory_space<hbm>>
      tpu.enqueue_dma source(%dma_start3A_16 : memref<632xf32, #tpu.memory_space<hbm>>) target(%arg8 : memref<632xf32, #tpu.memory_space<vmem>>) target_semaphore(%run_scoped3A : memref<!tpu.dma_semaphore, #tpu.memory_space<semaphore_mem>>)
      %dma_wait3A = tpu.memref_slice %arg4[%mul3A_2] : memref<10112xf32, #tpu.memory_space<hbm>> -> memref<632xf32, #tpu.memory_space<hbm>>
      %dma_wait3A_17 = tpu.memref_slice %arg4[%mul3A_2] : memref<10112xf32, #tpu.memory_space<hbm>> -> memref<632xf32, #tpu.memory_space<hbm>>
      tpu.wait_dma2 semaphore(%run_scoped3A : memref<!tpu.dma_semaphore, #tpu.memory_space<semaphore_mem>>) src(%dma_wait3A_17 : memref<632xf32, #tpu.memory_space<hbm>>) dst(%arg8 : memref<632xf32, #tpu.memory_space<vmem>>)
      tpu.yield
    }) : () -> ()
    "tpu.region"() ({
      %run_scoped3A = tpu.sem_alloc : memref<!tpu.dma_semaphore, #tpu.memory_space<semaphore_mem>>
      %dma_start3A = tpu.memref_slice %arg9[%mul3A_2] : memref<10112xf32, #tpu.memory_space<vmem_shared>> -> memref<632xf32, #tpu.memory_space<vmem_shared>>
      %dma_start3A_16 = tpu.memref_slice %arg9[%mul3A_2] : memref<10112xf32, #tpu.memory_space<vmem_shared>> -> memref<632xf32, #tpu.memory_space<vmem_shared>>
      tpu.enqueue_dma source(%arg8 : memref<632xf32, #tpu.memory_space<vmem>>) target(%dma_start3A_16 : memref<632xf32, #tpu.memory_space<vmem_shared>>) target_semaphore(%run_scoped3A : memref<!tpu.dma_semaphore, #tpu.memory_space<semaphore_mem>>)
      %dma_wait3A = tpu.memref_slice %arg9[%mul3A_2] : memref<10112xf32, #tpu.memory_space<vmem_shared>> -> memref<632xf32, #tpu.memory_space<vmem_shared>>
      %dma_wait3A_17 = tpu.memref_slice %arg9[%mul3A_2] : memref<10112xf32, #tpu.memory_space<vmem_shared>> -> memref<632xf32, #tpu.memory_space<vmem_shared>>
      tpu.wait_dma2 semaphore(%run_scoped3A : memref<!tpu.dma_semaphore, #tpu.memory_space<semaphore_mem>>) src(%arg8 : memref<632xf32, #tpu.memory_space<vmem>>) dst(%dma_wait3A_17 : memref<632xf32, #tpu.memory_space<vmem_shared>>)
      tpu.yield
    }) : () -> ()
    "tpu.region"() ({
      %run_scoped3A = tpu.sem_alloc : memref<!tpu.dma_semaphore, #tpu.memory_space<semaphore_mem>>
      tpu.enqueue_dma source(%arg3 : memref<128xf32, #tpu.memory_space<hbm>>) target(%arg7 : memref<128xf32, #tpu.memory_space<vmem>>) target_semaphore(%run_scoped3A : memref<!tpu.dma_semaphore, #tpu.memory_space<semaphore_mem>>)
      tpu.wait_dma2 semaphore(%run_scoped3A : memref<!tpu.dma_semaphore, #tpu.memory_space<semaphore_mem>>) src(%arg3 : memref<128xf32, #tpu.memory_space<hbm>>) dst(%arg7 : memref<128xf32, #tpu.memory_space<vmem>>)
      tpu.yield
    }) : () -> ()
    %mul3A_3 = arith.constant 80 : i32
    %mul3A_4 = arith.muli %add3A, %mul3A_3 : i32
    "tpu.region"() ({
      %run_scoped3A = tpu.sem_alloc : memref<!tpu.dma_semaphore, #tpu.memory_space<semaphore_mem>>
      %dma_start3A = arith.constant 0 : i32
      %dma_start3A_16 = tpu.memref_slice %arg2[%mul3A_4, %dma_start3A] : memref<2560x128xi32, #tpu.memory_space<hbm>> -> memref<80x128xi32, #tpu.memory_space<hbm>>
      %dma_start3A_17 = arith.constant 0 : i32
      %dma_start3A_18 = tpu.memref_slice %arg2[%mul3A_4, %dma_start3A_17] : memref<2560x128xi32, #tpu.memory_space<hbm>> -> memref<80x128xi32, #tpu.memory_space<hbm>>
      tpu.enqueue_dma source(%dma_start3A_18 : memref<80x128xi32, #tpu.memory_space<hbm>>) target(%arg6 : memref<80x128xi32, #tpu.memory_space<vmem>>) target_semaphore(%run_scoped3A : memref<!tpu.dma_semaphore, #tpu.memory_space<semaphore_mem>>)
      %dma_wait3A = arith.constant 0 : i32
      %dma_wait3A_19 = tpu.memref_slice %arg2[%mul3A_4, %dma_wait3A] : memref<2560x128xi32, #tpu.memory_space<hbm>> -> memref<80x128xi32, #tpu.memory_space<hbm>>
      %dma_wait3A_20 = arith.constant 0 : i32
      %dma_wait3A_21 = tpu.memref_slice %arg2[%mul3A_4, %dma_wait3A_20] : memref<2560x128xi32, #tpu.memory_space<hbm>> -> memref<80x128xi32, #tpu.memory_space<hbm>>
      tpu.wait_dma2 semaphore(%run_scoped3A : memref<!tpu.dma_semaphore, #tpu.memory_space<semaphore_mem>>) src(%dma_wait3A_21 : memref<80x128xi32, #tpu.memory_space<hbm>>) dst(%arg6 : memref<80x128xi32, #tpu.memory_space<vmem>>)
      tpu.yield
    }) : () -> ()
    %barrier3A = arith.constant 0 : index
    tpu.barrier barrier_id(%barrier3A)
    %scan3A = arith.constant 0 : i32
    %scan3A_5 = arith.constant 0 : i32
    %scan3A_6 = arith.constant 80 : i32
    %scan3A_7 = arith.addi %scan3A_5, %scan3A_6 : i32
    %scan3A_8 = arith.constant 1 : i32
    scf.for %scan3A_16 = %scan3A_5 to %scan3A_7 step %scan3A_8  : i32 {
      "tpu.region"() ({
        %run_scoped3A = tpu.sem_alloc : memref<!tpu.dma_semaphore, #tpu.memory_space<semaphore_mem>>
        %dma_start3A = arith.constant 0 : i32
        %dma_start3A_17 = tpu.memref_slice %arg6[%scan3A_16, %dma_start3A] : memref<80x128xi32, #tpu.memory_space<vmem>> -> memref<1x128xi32, #tpu.memory_space<vmem>>
        %dma_start3A_18 = tpu.memref_squeeze %dma_start3A_17 : memref<1x128xi32, #tpu.memory_space<vmem>> -> memref<128xi32, #tpu.memory_space<vmem>>
        %dma_start3A_19 = arith.constant 0 : i32
        %dma_start3A_20 = tpu.memref_slice %arg9[%dma_start3A_19] : memref<10112xf32, #tpu.memory_space<vmem_shared>> -> memref<10112xf32, #tpu.memory_space<vmem_shared>>
        tpu.enqueue_indirect_dma source(%arg7 : memref<128xf32, #tpu.memory_space<vmem>>) target(%dma_start3A_20 : memref<10112xf32, #tpu.memory_space<vmem_shared>>) offsets(%dma_start3A_18 : memref<128xi32, #tpu.memory_space<vmem>>) semaphore(%run_scoped3A : memref<!tpu.dma_semaphore, #tpu.memory_space<semaphore_mem>>) {add = true}
        %dma_wait3A = arith.constant 0 : i32
        %dma_wait3A_21 = tpu.memref_slice %arg6[%scan3A_16, %dma_wait3A] : memref<80x128xi32, #tpu.memory_space<vmem>> -> memref<1x128xi32, #tpu.memory_space<vmem>>
        %dma_wait3A_22 = tpu.memref_squeeze %dma_wait3A_21 : memref<1x128xi32, #tpu.memory_space<vmem>> -> memref<128xi32, #tpu.memory_space<vmem>>
        %dma_wait3A_23 = arith.constant 0 : i32
        %dma_wait3A_24 = tpu.memref_slice %arg9[%dma_wait3A_23] : memref<10112xf32, #tpu.memory_space<vmem_shared>> -> memref<10112xf32, #tpu.memory_space<vmem_shared>>
        tpu.wait_indirect_dma semaphore(%run_scoped3A : memref<!tpu.dma_semaphore, #tpu.memory_space<semaphore_mem>>) src(%arg7 : memref<128xf32, #tpu.memory_space<vmem>>) dst(%dma_wait3A_24 : memref<10112xf32, #tpu.memory_space<vmem_shared>>)
        tpu.yield
      }) : () -> ()
    }
    %scan3A_9 = arith.constant 80 : i32
    %barrier3A_10 = arith.constant 0 : index
    tpu.barrier barrier_id(%barrier3A_10)
    "tpu.region"() ({
      %run_scoped3A = tpu.sem_alloc : memref<!tpu.dma_semaphore, #tpu.memory_space<semaphore_mem>>
      %dma_start3A = tpu.memref_slice %arg9[%mul3A_2] : memref<10112xf32, #tpu.memory_space<vmem_shared>> -> memref<632xf32, #tpu.memory_space<vmem_shared>>
      %dma_start3A_16 = tpu.memref_slice %arg9[%mul3A_2] : memref<10112xf32, #tpu.memory_space<vmem_shared>> -> memref<632xf32, #tpu.memory_space<vmem_shared>>
      tpu.enqueue_dma source(%dma_start3A_16 : memref<632xf32, #tpu.memory_space<vmem_shared>>) target(%arg8 : memref<632xf32, #tpu.memory_space<vmem>>) target_semaphore(%run_scoped3A : memref<!tpu.dma_semaphore, #tpu.memory_space<semaphore_mem>>)
      %dma_wait3A = tpu.memref_slice %arg9[%mul3A_2] : memref<10112xf32, #tpu.memory_space<vmem_shared>> -> memref<632xf32, #tpu.memory_space<vmem_shared>>
      %dma_wait3A_17 = tpu.memref_slice %arg9[%mul3A_2] : memref<10112xf32, #tpu.memory_space<vmem_shared>> -> memref<632xf32, #tpu.memory_space<vmem_shared>>
      tpu.wait_dma2 semaphore(%run_scoped3A : memref<!tpu.dma_semaphore, #tpu.memory_space<semaphore_mem>>) src(%dma_wait3A_17 : memref<632xf32, #tpu.memory_space<vmem_shared>>) dst(%arg8 : memref<632xf32, #tpu.memory_space<vmem>>)
      tpu.yield
    }) : () -> ()
    %mul3A_11 = arith.constant 10112 : i32
    %mul3A_12 = arith.muli %arg0, %mul3A_11 : i32
    %mul3A_13 = arith.constant 632 : i32
    %mul3A_14 = arith.muli %arg1, %mul3A_13 : i32
    %add3A_15 = arith.addi %mul3A_12, %mul3A_14 : i32
    "tpu.region"() ({
      %run_scoped3A = tpu.sem_alloc : memref<!tpu.dma_semaphore, #tpu.memory_space<semaphore_mem>>
      %dma_start3A = tpu.memref_slice %arg5[%add3A_15] : memref<20224xf32, #tpu.memory_space<hbm>> -> memref<632xf32, #tpu.memory_space<hbm>>
      %dma_start3A_16 = tpu.memref_slice %arg5[%add3A_15] : memref<20224xf32, #tpu.memory_space<hbm>> -> memref<632xf32, #tpu.memory_space<hbm>>
      tpu.enqueue_dma source(%arg8 : memref<632xf32, #tpu.memory_space<vmem>>) target(%dma_start3A_16 : memref<632xf32, #tpu.memory_space<hbm>>) target_semaphore(%run_scoped3A : memref<!tpu.dma_semaphore, #tpu.memory_space<semaphore_mem>>)
      %dma_wait3A = tpu.memref_slice %arg5[%add3A_15] : memref<20224xf32, #tpu.memory_space<hbm>> -> memref<632xf32, #tpu.memory_space<hbm>>
      %dma_wait3A_17 = tpu.memref_slice %arg5[%add3A_15] : memref<20224xf32, #tpu.memory_space<hbm>> -> memref<632xf32, #tpu.memory_space<hbm>>
      tpu.wait_dma2 semaphore(%run_scoped3A : memref<!tpu.dma_semaphore, #tpu.memory_space<semaphore_mem>>) src(%arg8 : memref<632xf32, #tpu.memory_space<vmem>>) dst(%dma_wait3A_17 : memref<632xf32, #tpu.memory_space<hbm>>)
      tpu.yield
    }) : () -> ()
    return
  }
}

#map = affine_map<(d0, d1) -> (0, 0)>
#map1 = affine_map<(d0, d1) -> (0, 0, 0)>
module attributes {stable_mosaic.version = 14 : i64} {
  func.func @scatter_kernel(%arg0: i32, %arg1: i32, %arg2: memref<10112x128xf32, #tpu.memory_space<hbm>>, %arg3: memref<2560x128xi32, #tpu.memory_space<hbm>>, %arg4: memref<2560x128xi32, #tpu.memory_space<hbm>>, %arg5: memref<10112x128xf32, #tpu.memory_space<hbm>>, %arg6: memref<2x10112x128xf32, #tpu.memory_space<hbm>>, %arg7: memref<2x16x128xi32, #tpu.memory_space<vmem>>, %arg8: memref<2x16x128xi32, #tpu.memory_space<vmem>>, %arg9: memref<2x128x128xf32, #tpu.memory_space<vmem>>, %arg10: memref<10112x128xf32, #tpu.memory_space<vmem_shared>>, %arg11: memref<!tpu.dma_semaphore, #tpu.memory_space<semaphore_mem>>, %arg12: memref<!tpu.dma_semaphore, #tpu.memory_space<semaphore_mem>>, %arg13: memref<!tpu.dma_semaphore, #tpu.memory_space<semaphore_mem>>) attributes {dimension_semantics = [#tpu.dimension_semantics<core_parallel>, #tpu.dimension_semantics<subcore_parallel>], iteration_bounds = array<i64: 2, 16>, scalar_prefetch = 0 : i64, scratch_operands = 7 : i64, tpu.core_type = #tpu.core_type<sc_vector_subcore>, window_params = [{transform_indices = #map}, {transform_indices = #map}, {transform_indices = #map}, {transform_indices = #map}, {transform_indices = #map1}]} {
    %mul3A = arith.constant 16 : i32
    %mul3A_0 = arith.muli %arg0, %mul3A : i32
    %add3A = arith.addi %mul3A_0, %arg1 : i32
    %mul3A_1 = arith.constant 80 : i32
    %mul3A_2 = arith.muli %add3A, %mul3A_1 : i32
    %mul3A_3 = arith.constant 632 : i32
    %mul3A_4 = arith.muli %arg1, %mul3A_3 : i32
    "tpu.region"() ({
      %run_scoped3A = tpu.sem_alloc : memref<!tpu.dma_semaphore, #tpu.memory_space<semaphore_mem>>
      %dma_start3A_40 = arith.constant 0 : i32
      %dma_start3A_41 = tpu.memref_slice %arg10[%mul3A_4, %dma_start3A_40] : memref<10112x128xf32, #tpu.memory_space<vmem_shared>> -> memref<632x128xf32, #tpu.memory_space<vmem_shared>>
      %dma_start3A_42 = arith.constant 0 : i32
      %dma_start3A_43 = tpu.memref_slice %arg5[%mul3A_4, %dma_start3A_42] : memref<10112x128xf32, #tpu.memory_space<hbm>> -> memref<632x128xf32, #tpu.memory_space<hbm>>
      tpu.enqueue_dma source(%dma_start3A_43 : memref<632x128xf32, #tpu.memory_space<hbm>>) target(%dma_start3A_41 : memref<632x128xf32, #tpu.memory_space<vmem_shared>>) target_semaphore(%run_scoped3A : memref<!tpu.dma_semaphore, #tpu.memory_space<semaphore_mem>>)
      %dma_wait3A = arith.constant 0 : i32
      %dma_wait3A_44 = tpu.memref_slice %arg10[%mul3A_4, %dma_wait3A] : memref<10112x128xf32, #tpu.memory_space<vmem_shared>> -> memref<632x128xf32, #tpu.memory_space<vmem_shared>>
      %dma_wait3A_45 = arith.constant 0 : i32
      %dma_wait3A_46 = tpu.memref_slice %arg5[%mul3A_4, %dma_wait3A_45] : memref<10112x128xf32, #tpu.memory_space<hbm>> -> memref<632x128xf32, #tpu.memory_space<hbm>>
      tpu.wait_dma2 semaphore(%run_scoped3A : memref<!tpu.dma_semaphore, #tpu.memory_space<semaphore_mem>>) src(%dma_wait3A_46 : memref<632x128xf32, #tpu.memory_space<hbm>>) dst(%dma_wait3A_44 : memref<632x128xf32, #tpu.memory_space<vmem_shared>>)
      tpu.yield
    }) : () -> ()
    %add3A_5 = arith.constant 0 : i32
    %add3A_6 = arith.addi %mul3A_2, %add3A_5 : i32
    %dma_start3A = arith.constant 0 : i32
    %dma_start3A_7 = arith.constant 0 : i32
    %dma_start3A_8 = arith.constant 0 : i32
    %dma_start3A_9 = tpu.memref_slice %arg7[%dma_start3A, %dma_start3A_7, %dma_start3A_8] : memref<2x16x128xi32, #tpu.memory_space<vmem>> -> memref<1x16x128xi32, #tpu.memory_space<vmem>>
    %dma_start3A_10 = tpu.memref_squeeze %dma_start3A_9 : memref<1x16x128xi32, #tpu.memory_space<vmem>> -> memref<16x128xi32, #tpu.memory_space<vmem>>
    %dma_start3A_11 = arith.constant 0 : i32
    %dma_start3A_12 = tpu.memref_slice %arg3[%add3A_6, %dma_start3A_11] : memref<2560x128xi32, #tpu.memory_space<hbm>> -> memref<16x128xi32, #tpu.memory_space<hbm>>
    %dma_start3A_13 = arith.constant 0 : i32
    %dma_start3A_14 = arith.constant 0 : i32
    %dma_start3A_15 = tpu.memref_slice %arg7[%dma_start3A, %dma_start3A_13, %dma_start3A_14] : memref<2x16x128xi32, #tpu.memory_space<vmem>> -> memref<1x16x128xi32, #tpu.memory_space<vmem>>
    %dma_start3A_16 = tpu.memref_squeeze %dma_start3A_15 : memref<1x16x128xi32, #tpu.memory_space<vmem>> -> memref<16x128xi32, #tpu.memory_space<vmem>>
    %dma_start3A_17 = arith.constant 0 : i32
    %dma_start3A_18 = tpu.memref_slice %arg3[%add3A_6, %dma_start3A_17] : memref<2560x128xi32, #tpu.memory_space<hbm>> -> memref<16x128xi32, #tpu.memory_space<hbm>>
    tpu.enqueue_dma source(%dma_start3A_18 : memref<16x128xi32, #tpu.memory_space<hbm>>) target(%dma_start3A_16 : memref<16x128xi32, #tpu.memory_space<vmem>>) target_semaphore(%arg13 : memref<!tpu.dma_semaphore, #tpu.memory_space<semaphore_mem>>)
    %add3A_19 = arith.constant 0 : i32
    %add3A_20 = arith.addi %mul3A_2, %add3A_19 : i32
    %dma_start3A_21 = arith.constant 0 : i32
    %dma_start3A_22 = arith.constant 0 : i32
    %dma_start3A_23 = arith.constant 0 : i32
    %dma_start3A_24 = tpu.memref_slice %arg8[%dma_start3A_21, %dma_start3A_22, %dma_start3A_23] : memref<2x16x128xi32, #tpu.memory_space<vmem>> -> memref<1x16x128xi32, #tpu.memory_space<vmem>>
    %dma_start3A_25 = tpu.memref_squeeze %dma_start3A_24 : memref<1x16x128xi32, #tpu.memory_space<vmem>> -> memref<16x128xi32, #tpu.memory_space<vmem>>
    %dma_start3A_26 = arith.constant 0 : i32
    %dma_start3A_27 = tpu.memref_slice %arg4[%add3A_20, %dma_start3A_26] : memref<2560x128xi32, #tpu.memory_space<hbm>> -> memref<16x128xi32, #tpu.memory_space<hbm>>
    %dma_start3A_28 = arith.constant 0 : i32
    %dma_start3A_29 = arith.constant 0 : i32
    %dma_start3A_30 = tpu.memref_slice %arg8[%dma_start3A_21, %dma_start3A_28, %dma_start3A_29] : memref<2x16x128xi32, #tpu.memory_space<vmem>> -> memref<1x16x128xi32, #tpu.memory_space<vmem>>
    %dma_start3A_31 = tpu.memref_squeeze %dma_start3A_30 : memref<1x16x128xi32, #tpu.memory_space<vmem>> -> memref<16x128xi32, #tpu.memory_space<vmem>>
    %dma_start3A_32 = arith.constant 0 : i32
    %dma_start3A_33 = tpu.memref_slice %arg4[%add3A_20, %dma_start3A_32] : memref<2560x128xi32, #tpu.memory_space<hbm>> -> memref<16x128xi32, #tpu.memory_space<hbm>>
    tpu.enqueue_dma source(%dma_start3A_33 : memref<16x128xi32, #tpu.memory_space<hbm>>) target(%dma_start3A_31 : memref<16x128xi32, #tpu.memory_space<vmem>>) target_semaphore(%arg13 : memref<!tpu.dma_semaphore, #tpu.memory_space<semaphore_mem>>)
    %barrier3A = arith.constant 0 : index
    tpu.barrier barrier_id(%barrier3A)
    %scan3A = arith.constant 0 : i32
    %scan3A_34 = arith.constant 0 : i32
    %scan3A_35 = arith.constant 5 : i32
    %scan3A_36 = arith.addi %scan3A_34, %scan3A_35 : i32
    %scan3A_37 = arith.constant 1 : i32
    scf.for %scan3A_40 = %scan3A_34 to %scan3A_36 step %scan3A_37  : i32 {
      %rem3A = arith.constant 2 : i32
      %rem3A_41 = arith.remsi %scan3A_40, %rem3A : i32
      %mul3A_42 = arith.constant 16 : i32
      %mul3A_43 = arith.muli %scan3A_40, %mul3A_42 : i32
      %add3A_44 = arith.addi %mul3A_2, %mul3A_43 : i32
      %dma_wait3A = arith.constant 0 : i32
      %dma_wait3A_45 = arith.constant 0 : i32
      %dma_wait3A_46 = tpu.memref_slice %arg7[%rem3A_41, %dma_wait3A, %dma_wait3A_45] : memref<2x16x128xi32, #tpu.memory_space<vmem>> -> memref<1x16x128xi32, #tpu.memory_space<vmem>>
      %dma_wait3A_47 = tpu.memref_squeeze %dma_wait3A_46 : memref<1x16x128xi32, #tpu.memory_space<vmem>> -> memref<16x128xi32, #tpu.memory_space<vmem>>
      %dma_wait3A_48 = arith.constant 0 : i32
      %dma_wait3A_49 = tpu.memref_slice %arg3[%add3A_44, %dma_wait3A_48] : memref<2560x128xi32, #tpu.memory_space<hbm>> -> memref<16x128xi32, #tpu.memory_space<hbm>>
      %dma_wait3A_50 = arith.constant 0 : i32
      %dma_wait3A_51 = arith.constant 0 : i32
      %dma_wait3A_52 = tpu.memref_slice %arg7[%rem3A_41, %dma_wait3A_50, %dma_wait3A_51] : memref<2x16x128xi32, #tpu.memory_space<vmem>> -> memref<1x16x128xi32, #tpu.memory_space<vmem>>
      %dma_wait3A_53 = tpu.memref_squeeze %dma_wait3A_52 : memref<1x16x128xi32, #tpu.memory_space<vmem>> -> memref<16x128xi32, #tpu.memory_space<vmem>>
      %dma_wait3A_54 = arith.constant 0 : i32
      %dma_wait3A_55 = tpu.memref_slice %arg3[%add3A_44, %dma_wait3A_54] : memref<2560x128xi32, #tpu.memory_space<hbm>> -> memref<16x128xi32, #tpu.memory_space<hbm>>
      tpu.wait_dma2 semaphore(%arg13 : memref<!tpu.dma_semaphore, #tpu.memory_space<semaphore_mem>>) src(%dma_wait3A_55 : memref<16x128xi32, #tpu.memory_space<hbm>>) dst(%dma_wait3A_53 : memref<16x128xi32, #tpu.memory_space<vmem>>)
      %mul3A_56 = arith.constant 16 : i32
      %mul3A_57 = arith.muli %scan3A_40, %mul3A_56 : i32
      %add3A_58 = arith.addi %mul3A_2, %mul3A_57 : i32
      %dma_wait3A_59 = arith.constant 0 : i32
      %dma_wait3A_60 = arith.constant 0 : i32
      %dma_wait3A_61 = tpu.memref_slice %arg8[%rem3A_41, %dma_wait3A_59, %dma_wait3A_60] : memref<2x16x128xi32, #tpu.memory_space<vmem>> -> memref<1x16x128xi32, #tpu.memory_space<vmem>>
      %dma_wait3A_62 = tpu.memref_squeeze %dma_wait3A_61 : memref<1x16x128xi32, #tpu.memory_space<vmem>> -> memref<16x128xi32, #tpu.memory_space<vmem>>
      %dma_wait3A_63 = arith.constant 0 : i32
      %dma_wait3A_64 = tpu.memref_slice %arg4[%add3A_58, %dma_wait3A_63] : memref<2560x128xi32, #tpu.memory_space<hbm>> -> memref<16x128xi32, #tpu.memory_space<hbm>>
      %dma_wait3A_65 = arith.constant 0 : i32
      %dma_wait3A_66 = arith.constant 0 : i32
      %dma_wait3A_67 = tpu.memref_slice %arg8[%rem3A_41, %dma_wait3A_65, %dma_wait3A_66] : memref<2x16x128xi32, #tpu.memory_space<vmem>> -> memref<1x16x128xi32, #tpu.memory_space<vmem>>
      %dma_wait3A_68 = tpu.memref_squeeze %dma_wait3A_67 : memref<1x16x128xi32, #tpu.memory_space<vmem>> -> memref<16x128xi32, #tpu.memory_space<vmem>>
      %dma_wait3A_69 = arith.constant 0 : i32
      %dma_wait3A_70 = tpu.memref_slice %arg4[%add3A_58, %dma_wait3A_69] : memref<2560x128xi32, #tpu.memory_space<hbm>> -> memref<16x128xi32, #tpu.memory_space<hbm>>
      tpu.wait_dma2 semaphore(%arg13 : memref<!tpu.dma_semaphore, #tpu.memory_space<semaphore_mem>>) src(%dma_wait3A_70 : memref<16x128xi32, #tpu.memory_space<hbm>>) dst(%dma_wait3A_68 : memref<16x128xi32, #tpu.memory_space<vmem>>)
      %add3A_71 = arith.constant 1 : i32
      %add3A_72 = arith.addi %scan3A_40, %add3A_71 : i32
      %lt3A = arith.constant 5 : i32
      %lt3A_73 = arith.cmpi slt, %add3A_72, %lt3A : i32
      %convert_element_type3A = arith.extui %lt3A_73 : i1 to i32
      %cond3A = arith.constant 0 : i32
      %cond3A_74 = arith.cmpi ne, %convert_element_type3A, %cond3A : i32
      scf.if %cond3A_74 {
        %add3A_93 = arith.constant 1 : i32
        %add3A_94 = arith.addi %scan3A_40, %add3A_93 : i32
        %sub3A = arith.constant 1 : i32
        %sub3A_95 = arith.subi %sub3A, %rem3A_41 : i32
        %mul3A_96 = arith.constant 16 : i32
        %mul3A_97 = arith.muli %add3A_94, %mul3A_96 : i32
        %add3A_98 = arith.addi %mul3A_2, %mul3A_97 : i32
        %dma_start3A_99 = arith.constant 0 : i32
        %dma_start3A_100 = arith.constant 0 : i32
        %dma_start3A_101 = tpu.memref_slice %arg7[%sub3A_95, %dma_start3A_99, %dma_start3A_100] : memref<2x16x128xi32, #tpu.memory_space<vmem>> -> memref<1x16x128xi32, #tpu.memory_space<vmem>>
        %dma_start3A_102 = tpu.memref_squeeze %dma_start3A_101 : memref<1x16x128xi32, #tpu.memory_space<vmem>> -> memref<16x128xi32, #tpu.memory_space<vmem>>
        %dma_start3A_103 = arith.constant 0 : i32
        %dma_start3A_104 = tpu.memref_slice %arg3[%add3A_98, %dma_start3A_103] : memref<2560x128xi32, #tpu.memory_space<hbm>> -> memref<16x128xi32, #tpu.memory_space<hbm>>
        %dma_start3A_105 = arith.constant 0 : i32
        %dma_start3A_106 = arith.constant 0 : i32
        %dma_start3A_107 = tpu.memref_slice %arg7[%sub3A_95, %dma_start3A_105, %dma_start3A_106] : memref<2x16x128xi32, #tpu.memory_space<vmem>> -> memref<1x16x128xi32, #tpu.memory_space<vmem>>
        %dma_start3A_108 = tpu.memref_squeeze %dma_start3A_107 : memref<1x16x128xi32, #tpu.memory_space<vmem>> -> memref<16x128xi32, #tpu.memory_space<vmem>>
        %dma_start3A_109 = arith.constant 0 : i32
        %dma_start3A_110 = tpu.memref_slice %arg3[%add3A_98, %dma_start3A_109] : memref<2560x128xi32, #tpu.memory_space<hbm>> -> memref<16x128xi32, #tpu.memory_space<hbm>>
        tpu.enqueue_dma source(%dma_start3A_110 : memref<16x128xi32, #tpu.memory_space<hbm>>) target(%dma_start3A_108 : memref<16x128xi32, #tpu.memory_space<vmem>>) target_semaphore(%arg13 : memref<!tpu.dma_semaphore, #tpu.memory_space<semaphore_mem>>)
        %mul3A_111 = arith.constant 16 : i32
        %mul3A_112 = arith.muli %add3A_94, %mul3A_111 : i32
        %add3A_113 = arith.addi %mul3A_2, %mul3A_112 : i32
        %dma_start3A_114 = arith.constant 0 : i32
        %dma_start3A_115 = arith.constant 0 : i32
        %dma_start3A_116 = tpu.memref_slice %arg8[%sub3A_95, %dma_start3A_114, %dma_start3A_115] : memref<2x16x128xi32, #tpu.memory_space<vmem>> -> memref<1x16x128xi32, #tpu.memory_space<vmem>>
        %dma_start3A_117 = tpu.memref_squeeze %dma_start3A_116 : memref<1x16x128xi32, #tpu.memory_space<vmem>> -> memref<16x128xi32, #tpu.memory_space<vmem>>
        %dma_start3A_118 = arith.constant 0 : i32
        %dma_start3A_119 = tpu.memref_slice %arg4[%add3A_113, %dma_start3A_118] : memref<2560x128xi32, #tpu.memory_space<hbm>> -> memref<16x128xi32, #tpu.memory_space<hbm>>
        %dma_start3A_120 = arith.constant 0 : i32
        %dma_start3A_121 = arith.constant 0 : i32
        %dma_start3A_122 = tpu.memref_slice %arg8[%sub3A_95, %dma_start3A_120, %dma_start3A_121] : memref<2x16x128xi32, #tpu.memory_space<vmem>> -> memref<1x16x128xi32, #tpu.memory_space<vmem>>
        %dma_start3A_123 = tpu.memref_squeeze %dma_start3A_122 : memref<1x16x128xi32, #tpu.memory_space<vmem>> -> memref<16x128xi32, #tpu.memory_space<vmem>>
        %dma_start3A_124 = arith.constant 0 : i32
        %dma_start3A_125 = tpu.memref_slice %arg4[%add3A_113, %dma_start3A_124] : memref<2560x128xi32, #tpu.memory_space<hbm>> -> memref<16x128xi32, #tpu.memory_space<hbm>>
        tpu.enqueue_dma source(%dma_start3A_125 : memref<16x128xi32, #tpu.memory_space<hbm>>) target(%dma_start3A_123 : memref<16x128xi32, #tpu.memory_space<vmem>>) target_semaphore(%arg13 : memref<!tpu.dma_semaphore, #tpu.memory_space<semaphore_mem>>)
      } else {
      }
      %dma_start3A_75 = arith.constant 0 : i32
      %dma_start3A_76 = arith.constant 0 : i32
      %dma_start3A_77 = arith.constant 0 : i32
      %dma_start3A_78 = arith.constant 0 : i32
      %dma_start3A_79 = tpu.memref_slice %arg9[%dma_start3A_76, %dma_start3A_77, %dma_start3A_78] : memref<2x128x128xf32, #tpu.memory_space<vmem>> -> memref<1x128x128xf32, #tpu.memory_space<vmem>>
      %dma_start3A_80 = tpu.memref_squeeze %dma_start3A_79 : memref<1x128x128xf32, #tpu.memory_space<vmem>> -> memref<128x128xf32, #tpu.memory_space<vmem>>
      %dma_start3A_81 = arith.constant 0 : i32
      %dma_start3A_82 = tpu.memref_slice %arg7[%rem3A_41, %dma_start3A_75, %dma_start3A_81] : memref<2x16x128xi32, #tpu.memory_space<vmem>> -> memref<1x1x128xi32, #tpu.memory_space<vmem>>
      %dma_start3A_83 = tpu.memref_squeeze %dma_start3A_82 : memref<1x1x128xi32, #tpu.memory_space<vmem>> -> memref<128xi32, #tpu.memory_space<vmem>>
      %dma_start3A_84 = arith.constant 0 : i32
      %dma_start3A_85 = arith.constant 0 : i32
      %dma_start3A_86 = tpu.memref_slice %arg2[%dma_start3A_84, %dma_start3A_85] : memref<10112x128xf32, #tpu.memory_space<hbm>> -> memref<10112x128xf32, #tpu.memory_space<hbm>>
      tpu.enqueue_indirect_dma source(%dma_start3A_86 : memref<10112x128xf32, #tpu.memory_space<hbm>>) target(%dma_start3A_80 : memref<128x128xf32, #tpu.memory_space<vmem>>) offsets(%dma_start3A_83 : memref<128xi32, #tpu.memory_space<vmem>>) semaphore(%arg11 : memref<!tpu.dma_semaphore, #tpu.memory_space<semaphore_mem>>)
      %scan3A_87 = arith.constant 0 : i32
      %scan3A_88 = arith.constant 0 : i32
      %scan3A_89 = arith.constant 8 : i32
      %scan3A_90 = arith.addi %scan3A_88, %scan3A_89 : i32
      %scan3A_91 = arith.constant 1 : i32
      scf.for %scan3A_93 = %scan3A_88 to %scan3A_90 step %scan3A_91  : i32 {
        %mul3A_94 = arith.constant 2 : i32
        %mul3A_95 = arith.muli %mul3A_94, %scan3A_93 : i32
        %add3A_96 = arith.constant 1 : i32
        %add3A_97 = arith.addi %mul3A_95, %add3A_96 : i32
        %dma_start3A_98 = arith.constant 1 : i32
        %dma_start3A_99 = arith.constant 0 : i32
        %dma_start3A_100 = arith.constant 0 : i32
        %dma_start3A_101 = tpu.memref_slice %arg9[%dma_start3A_98, %dma_start3A_99, %dma_start3A_100] : memref<2x128x128xf32, #tpu.memory_space<vmem>> -> memref<1x128x128xf32, #tpu.memory_space<vmem>>
        %dma_start3A_102 = tpu.memref_squeeze %dma_start3A_101 : memref<1x128x128xf32, #tpu.memory_space<vmem>> -> memref<128x128xf32, #tpu.memory_space<vmem>>
        %dma_start3A_103 = arith.constant 0 : i32
        %dma_start3A_104 = tpu.memref_slice %arg7[%rem3A_41, %add3A_97, %dma_start3A_103] : memref<2x16x128xi32, #tpu.memory_space<vmem>> -> memref<1x1x128xi32, #tpu.memory_space<vmem>>
        %dma_start3A_105 = tpu.memref_squeeze %dma_start3A_104 : memref<1x1x128xi32, #tpu.memory_space<vmem>> -> memref<128xi32, #tpu.memory_space<vmem>>
        %dma_start3A_106 = arith.constant 0 : i32
        %dma_start3A_107 = arith.constant 0 : i32
        %dma_start3A_108 = tpu.memref_slice %arg2[%dma_start3A_106, %dma_start3A_107] : memref<10112x128xf32, #tpu.memory_space<hbm>> -> memref<10112x128xf32, #tpu.memory_space<hbm>>
        tpu.enqueue_indirect_dma source(%dma_start3A_108 : memref<10112x128xf32, #tpu.memory_space<hbm>>) target(%dma_start3A_102 : memref<128x128xf32, #tpu.memory_space<vmem>>) offsets(%dma_start3A_105 : memref<128xi32, #tpu.memory_space<vmem>>) semaphore(%arg12 : memref<!tpu.dma_semaphore, #tpu.memory_space<semaphore_mem>>)
        %mul3A_109 = arith.constant 2 : i32
        %mul3A_110 = arith.muli %mul3A_109, %scan3A_93 : i32
        %dma_wait3A_111 = arith.constant 0 : i32
        %dma_wait3A_112 = arith.constant 0 : i32
        %dma_wait3A_113 = arith.constant 0 : i32
        %dma_wait3A_114 = tpu.memref_slice %arg9[%dma_wait3A_111, %dma_wait3A_112, %dma_wait3A_113] : memref<2x128x128xf32, #tpu.memory_space<vmem>> -> memref<1x128x128xf32, #tpu.memory_space<vmem>>
        %dma_wait3A_115 = tpu.memref_squeeze %dma_wait3A_114 : memref<1x128x128xf32, #tpu.memory_space<vmem>> -> memref<128x128xf32, #tpu.memory_space<vmem>>
        %dma_wait3A_116 = arith.constant 0 : i32
        %dma_wait3A_117 = tpu.memref_slice %arg7[%rem3A_41, %mul3A_110, %dma_wait3A_116] : memref<2x16x128xi32, #tpu.memory_space<vmem>> -> memref<1x1x128xi32, #tpu.memory_space<vmem>>
        %dma_wait3A_118 = tpu.memref_squeeze %dma_wait3A_117 : memref<1x1x128xi32, #tpu.memory_space<vmem>> -> memref<128xi32, #tpu.memory_space<vmem>>
        %dma_wait3A_119 = arith.constant 0 : i32
        %dma_wait3A_120 = arith.constant 0 : i32
        %dma_wait3A_121 = tpu.memref_slice %arg2[%dma_wait3A_119, %dma_wait3A_120] : memref<10112x128xf32, #tpu.memory_space<hbm>> -> memref<10112x128xf32, #tpu.memory_space<hbm>>
        tpu.wait_indirect_dma semaphore(%arg11 : memref<!tpu.dma_semaphore, #tpu.memory_space<semaphore_mem>>) src(%dma_wait3A_121 : memref<10112x128xf32, #tpu.memory_space<hbm>>) dst(%dma_wait3A_115 : memref<128x128xf32, #tpu.memory_space<vmem>>)
        %mul3A_122 = arith.constant 2 : i32
        %mul3A_123 = arith.muli %mul3A_122, %scan3A_93 : i32
        %run_scoped3A = arith.constant 0 : i32
        "tpu.region"() ({
          %run_scoped3A_153 = tpu.sem_alloc : memref<!tpu.dma_semaphore, #tpu.memory_space<semaphore_mem>>
          %dma_start3A_154 = arith.constant 0 : i32
          %dma_start3A_155 = arith.constant 0 : i32
          %dma_start3A_156 = tpu.memref_slice %arg9[%run_scoped3A, %dma_start3A_154, %dma_start3A_155] : memref<2x128x128xf32, #tpu.memory_space<vmem>> -> memref<1x128x128xf32, #tpu.memory_space<vmem>>
          %dma_start3A_157 = tpu.memref_squeeze %dma_start3A_156 : memref<1x128x128xf32, #tpu.memory_space<vmem>> -> memref<128x128xf32, #tpu.memory_space<vmem>>
          %dma_start3A_158 = arith.constant 0 : i32
          %dma_start3A_159 = tpu.memref_slice %arg8[%rem3A_41, %mul3A_123, %dma_start3A_158] : memref<2x16x128xi32, #tpu.memory_space<vmem>> -> memref<1x1x128xi32, #tpu.memory_space<vmem>>
          %dma_start3A_160 = tpu.memref_squeeze %dma_start3A_159 : memref<1x1x128xi32, #tpu.memory_space<vmem>> -> memref<128xi32, #tpu.memory_space<vmem>>
          %dma_start3A_161 = arith.constant 0 : i32
          %dma_start3A_162 = arith.constant 0 : i32
          %dma_start3A_163 = tpu.memref_slice %arg10[%dma_start3A_161, %dma_start3A_162] : memref<10112x128xf32, #tpu.memory_space<vmem_shared>> -> memref<10112x128xf32, #tpu.memory_space<vmem_shared>>
          tpu.enqueue_indirect_dma source(%dma_start3A_157 : memref<128x128xf32, #tpu.memory_space<vmem>>) target(%dma_start3A_163 : memref<10112x128xf32, #tpu.memory_space<vmem_shared>>) offsets(%dma_start3A_160 : memref<128xi32, #tpu.memory_space<vmem>>) semaphore(%run_scoped3A_153 : memref<!tpu.dma_semaphore, #tpu.memory_space<semaphore_mem>>) {add = true}
          %dma_wait3A_164 = arith.constant 0 : i32
          %dma_wait3A_165 = arith.constant 0 : i32
          %dma_wait3A_166 = tpu.memref_slice %arg9[%run_scoped3A, %dma_wait3A_164, %dma_wait3A_165] : memref<2x128x128xf32, #tpu.memory_space<vmem>> -> memref<1x128x128xf32, #tpu.memory_space<vmem>>
          %dma_wait3A_167 = tpu.memref_squeeze %dma_wait3A_166 : memref<1x128x128xf32, #tpu.memory_space<vmem>> -> memref<128x128xf32, #tpu.memory_space<vmem>>
          %dma_wait3A_168 = arith.constant 0 : i32
          %dma_wait3A_169 = tpu.memref_slice %arg8[%rem3A_41, %mul3A_123, %dma_wait3A_168] : memref<2x16x128xi32, #tpu.memory_space<vmem>> -> memref<1x1x128xi32, #tpu.memory_space<vmem>>
          %dma_wait3A_170 = tpu.memref_squeeze %dma_wait3A_169 : memref<1x1x128xi32, #tpu.memory_space<vmem>> -> memref<128xi32, #tpu.memory_space<vmem>>
          %dma_wait3A_171 = arith.constant 0 : i32
          %dma_wait3A_172 = arith.constant 0 : i32
          %dma_wait3A_173 = tpu.memref_slice %arg10[%dma_wait3A_171, %dma_wait3A_172] : memref<10112x128xf32, #tpu.memory_space<vmem_shared>> -> memref<10112x128xf32, #tpu.memory_space<vmem_shared>>
          tpu.wait_indirect_dma semaphore(%run_scoped3A_153 : memref<!tpu.dma_semaphore, #tpu.memory_space<semaphore_mem>>) src(%dma_wait3A_167 : memref<128x128xf32, #tpu.memory_space<vmem>>) dst(%dma_wait3A_173 : memref<10112x128xf32, #tpu.memory_space<vmem_shared>>)
          tpu.yield
        }) : () -> ()
        %mul3A_124 = arith.constant 2 : i32
        %mul3A_125 = arith.muli %mul3A_124, %scan3A_93 : i32
        %add3A_126 = arith.constant 2 : i32
        %add3A_127 = arith.addi %mul3A_125, %add3A_126 : i32
        %lt3A_128 = arith.constant 16 : i32
        %lt3A_129 = arith.cmpi slt, %add3A_127, %lt3A_128 : i32
        %convert_element_type3A_130 = arith.extui %lt3A_129 : i1 to i32
        %cond3A_131 = arith.constant 0 : i32
        %cond3A_132 = arith.cmpi ne, %convert_element_type3A_130, %cond3A_131 : i32
        scf.if %cond3A_132 {
          %mul3A_153 = arith.constant 2 : i32
          %mul3A_154 = arith.muli %mul3A_153, %scan3A_93 : i32
          %add3A_155 = arith.constant 2 : i32
          %add3A_156 = arith.addi %mul3A_154, %add3A_155 : i32
          %dma_start3A_157 = arith.constant 0 : i32
          %dma_start3A_158 = arith.constant 0 : i32
          %dma_start3A_159 = arith.constant 0 : i32
          %dma_start3A_160 = tpu.memref_slice %arg9[%dma_start3A_157, %dma_start3A_158, %dma_start3A_159] : memref<2x128x128xf32, #tpu.memory_space<vmem>> -> memref<1x128x128xf32, #tpu.memory_space<vmem>>
          %dma_start3A_161 = tpu.memref_squeeze %dma_start3A_160 : memref<1x128x128xf32, #tpu.memory_space<vmem>> -> memref<128x128xf32, #tpu.memory_space<vmem>>
          %dma_start3A_162 = arith.constant 0 : i32
          %dma_start3A_163 = tpu.memref_slice %arg7[%rem3A_41, %add3A_156, %dma_start3A_162] : memref<2x16x128xi32, #tpu.memory_space<vmem>> -> memref<1x1x128xi32, #tpu.memory_space<vmem>>
          %dma_start3A_164 = tpu.memref_squeeze %dma_start3A_163 : memref<1x1x128xi32, #tpu.memory_space<vmem>> -> memref<128xi32, #tpu.memory_space<vmem>>
          %dma_start3A_165 = arith.constant 0 : i32
          %dma_start3A_166 = arith.constant 0 : i32
          %dma_start3A_167 = tpu.memref_slice %arg2[%dma_start3A_165, %dma_start3A_166] : memref<10112x128xf32, #tpu.memory_space<hbm>> -> memref<10112x128xf32, #tpu.memory_space<hbm>>
          tpu.enqueue_indirect_dma source(%dma_start3A_167 : memref<10112x128xf32, #tpu.memory_space<hbm>>) target(%dma_start3A_161 : memref<128x128xf32, #tpu.memory_space<vmem>>) offsets(%dma_start3A_164 : memref<128xi32, #tpu.memory_space<vmem>>) semaphore(%arg11 : memref<!tpu.dma_semaphore, #tpu.memory_space<semaphore_mem>>)
        } else {
        }
        %mul3A_133 = arith.constant 2 : i32
        %mul3A_134 = arith.muli %mul3A_133, %scan3A_93 : i32
        %add3A_135 = arith.constant 1 : i32
        %add3A_136 = arith.addi %mul3A_134, %add3A_135 : i32
        %dma_wait3A_137 = arith.constant 1 : i32
        %dma_wait3A_138 = arith.constant 0 : i32
        %dma_wait3A_139 = arith.constant 0 : i32
        %dma_wait3A_140 = tpu.memref_slice %arg9[%dma_wait3A_137, %dma_wait3A_138, %dma_wait3A_139] : memref<2x128x128xf32, #tpu.memory_space<vmem>> -> memref<1x128x128xf32, #tpu.memory_space<vmem>>
        %dma_wait3A_141 = tpu.memref_squeeze %dma_wait3A_140 : memref<1x128x128xf32, #tpu.memory_space<vmem>> -> memref<128x128xf32, #tpu.memory_space<vmem>>
        %dma_wait3A_142 = arith.constant 0 : i32
        %dma_wait3A_143 = tpu.memref_slice %arg7[%rem3A_41, %add3A_136, %dma_wait3A_142] : memref<2x16x128xi32, #tpu.memory_space<vmem>> -> memref<1x1x128xi32, #tpu.memory_space<vmem>>
        %dma_wait3A_144 = tpu.memref_squeeze %dma_wait3A_143 : memref<1x1x128xi32, #tpu.memory_space<vmem>> -> memref<128xi32, #tpu.memory_space<vmem>>
        %dma_wait3A_145 = arith.constant 0 : i32
        %dma_wait3A_146 = arith.constant 0 : i32
        %dma_wait3A_147 = tpu.memref_slice %arg2[%dma_wait3A_145, %dma_wait3A_146] : memref<10112x128xf32, #tpu.memory_space<hbm>> -> memref<10112x128xf32, #tpu.memory_space<hbm>>
        tpu.wait_indirect_dma semaphore(%arg12 : memref<!tpu.dma_semaphore, #tpu.memory_space<semaphore_mem>>) src(%dma_wait3A_147 : memref<10112x128xf32, #tpu.memory_space<hbm>>) dst(%dma_wait3A_141 : memref<128x128xf32, #tpu.memory_space<vmem>>)
        %mul3A_148 = arith.constant 2 : i32
        %mul3A_149 = arith.muli %mul3A_148, %scan3A_93 : i32
        %add3A_150 = arith.constant 1 : i32
        %add3A_151 = arith.addi %mul3A_149, %add3A_150 : i32
        %run_scoped3A_152 = arith.constant 1 : i32
        "tpu.region"() ({
          %run_scoped3A_153 = tpu.sem_alloc : memref<!tpu.dma_semaphore, #tpu.memory_space<semaphore_mem>>
          %dma_start3A_154 = arith.constant 0 : i32
          %dma_start3A_155 = arith.constant 0 : i32
          %dma_start3A_156 = tpu.memref_slice %arg9[%run_scoped3A_152, %dma_start3A_154, %dma_start3A_155] : memref<2x128x128xf32, #tpu.memory_space<vmem>> -> memref<1x128x128xf32, #tpu.memory_space<vmem>>
          %dma_start3A_157 = tpu.memref_squeeze %dma_start3A_156 : memref<1x128x128xf32, #tpu.memory_space<vmem>> -> memref<128x128xf32, #tpu.memory_space<vmem>>
          %dma_start3A_158 = arith.constant 0 : i32
          %dma_start3A_159 = tpu.memref_slice %arg8[%rem3A_41, %add3A_151, %dma_start3A_158] : memref<2x16x128xi32, #tpu.memory_space<vmem>> -> memref<1x1x128xi32, #tpu.memory_space<vmem>>
          %dma_start3A_160 = tpu.memref_squeeze %dma_start3A_159 : memref<1x1x128xi32, #tpu.memory_space<vmem>> -> memref<128xi32, #tpu.memory_space<vmem>>
          %dma_start3A_161 = arith.constant 0 : i32
          %dma_start3A_162 = arith.constant 0 : i32
          %dma_start3A_163 = tpu.memref_slice %arg10[%dma_start3A_161, %dma_start3A_162] : memref<10112x128xf32, #tpu.memory_space<vmem_shared>> -> memref<10112x128xf32, #tpu.memory_space<vmem_shared>>
          tpu.enqueue_indirect_dma source(%dma_start3A_157 : memref<128x128xf32, #tpu.memory_space<vmem>>) target(%dma_start3A_163 : memref<10112x128xf32, #tpu.memory_space<vmem_shared>>) offsets(%dma_start3A_160 : memref<128xi32, #tpu.memory_space<vmem>>) semaphore(%run_scoped3A_153 : memref<!tpu.dma_semaphore, #tpu.memory_space<semaphore_mem>>) {add = true}
          %dma_wait3A_164 = arith.constant 0 : i32
          %dma_wait3A_165 = arith.constant 0 : i32
          %dma_wait3A_166 = tpu.memref_slice %arg9[%run_scoped3A_152, %dma_wait3A_164, %dma_wait3A_165] : memref<2x128x128xf32, #tpu.memory_space<vmem>> -> memref<1x128x128xf32, #tpu.memory_space<vmem>>
          %dma_wait3A_167 = tpu.memref_squeeze %dma_wait3A_166 : memref<1x128x128xf32, #tpu.memory_space<vmem>> -> memref<128x128xf32, #tpu.memory_space<vmem>>
          %dma_wait3A_168 = arith.constant 0 : i32
          %dma_wait3A_169 = tpu.memref_slice %arg8[%rem3A_41, %add3A_151, %dma_wait3A_168] : memref<2x16x128xi32, #tpu.memory_space<vmem>> -> memref<1x1x128xi32, #tpu.memory_space<vmem>>
          %dma_wait3A_170 = tpu.memref_squeeze %dma_wait3A_169 : memref<1x1x128xi32, #tpu.memory_space<vmem>> -> memref<128xi32, #tpu.memory_space<vmem>>
          %dma_wait3A_171 = arith.constant 0 : i32
          %dma_wait3A_172 = arith.constant 0 : i32
          %dma_wait3A_173 = tpu.memref_slice %arg10[%dma_wait3A_171, %dma_wait3A_172] : memref<10112x128xf32, #tpu.memory_space<vmem_shared>> -> memref<10112x128xf32, #tpu.memory_space<vmem_shared>>
          tpu.wait_indirect_dma semaphore(%run_scoped3A_153 : memref<!tpu.dma_semaphore, #tpu.memory_space<semaphore_mem>>) src(%dma_wait3A_167 : memref<128x128xf32, #tpu.memory_space<vmem>>) dst(%dma_wait3A_173 : memref<10112x128xf32, #tpu.memory_space<vmem_shared>>)
          tpu.yield
        }) : () -> ()
      }
      %scan3A_92 = arith.constant 8 : i32
    }
    %scan3A_38 = arith.constant 5 : i32
    %barrier3A_39 = arith.constant 0 : index
    tpu.barrier barrier_id(%barrier3A_39)
    "tpu.region"() ({
      %run_scoped3A = tpu.sem_alloc : memref<!tpu.dma_semaphore, #tpu.memory_space<semaphore_mem>>
      %dma_start3A_40 = arith.constant 0 : i32
      %dma_start3A_41 = tpu.memref_slice %arg6[%arg0, %mul3A_4, %dma_start3A_40] : memref<2x10112x128xf32, #tpu.memory_space<hbm>> -> memref<1x632x128xf32, #tpu.memory_space<hbm>>
      %dma_start3A_42 = tpu.memref_squeeze %dma_start3A_41 : memref<1x632x128xf32, #tpu.memory_space<hbm>> -> memref<632x128xf32, #tpu.memory_space<hbm>>
      %dma_start3A_43 = arith.constant 0 : i32
      %dma_start3A_44 = tpu.memref_slice %arg10[%mul3A_4, %dma_start3A_43] : memref<10112x128xf32, #tpu.memory_space<vmem_shared>> -> memref<632x128xf32, #tpu.memory_space<vmem_shared>>
      tpu.enqueue_dma source(%dma_start3A_44 : memref<632x128xf32, #tpu.memory_space<vmem_shared>>) target(%dma_start3A_42 : memref<632x128xf32, #tpu.memory_space<hbm>>) target_semaphore(%run_scoped3A : memref<!tpu.dma_semaphore, #tpu.memory_space<semaphore_mem>>)
      %dma_wait3A = arith.constant 0 : i32
      %dma_wait3A_45 = tpu.memref_slice %arg6[%arg0, %mul3A_4, %dma_wait3A] : memref<2x10112x128xf32, #tpu.memory_space<hbm>> -> memref<1x632x128xf32, #tpu.memory_space<hbm>>
      %dma_wait3A_46 = tpu.memref_squeeze %dma_wait3A_45 : memref<1x632x128xf32, #tpu.memory_space<hbm>> -> memref<632x128xf32, #tpu.memory_space<hbm>>
      %dma_wait3A_47 = arith.constant 0 : i32
      %dma_wait3A_48 = tpu.memref_slice %arg10[%mul3A_4, %dma_wait3A_47] : memref<10112x128xf32, #tpu.memory_space<vmem_shared>> -> memref<632x128xf32, #tpu.memory_space<vmem_shared>>
      tpu.wait_dma2 semaphore(%run_scoped3A : memref<!tpu.dma_semaphore, #tpu.memory_space<semaphore_mem>>) src(%dma_wait3A_48 : memref<632x128xf32, #tpu.memory_space<vmem_shared>>) dst(%dma_wait3A_46 : memref<632x128xf32, #tpu.memory_space<hbm>>)
      tpu.yield
    }) : () -> ()
    return
  }
}

#map = affine_map<(d0, d1) -> (0, 0)>
#map1 = affine_map<(d0, d1) -> (0, 0, 0)>
module attributes {stable_mosaic.version = 14 : i64} {
  func.func @scatter_kernel(%arg0: i32, %arg1: i32, %arg2: memref<10112x128xf32, #tpu.memory_space<hbm>>, %arg3: memref<2560x128xi32, #tpu.memory_space<hbm>>, %arg4: memref<2560x128xi32, #tpu.memory_space<hbm>>, %arg5: memref<10112x128xf32, #tpu.memory_space<hbm>>, %arg6: memref<2x10112x128xf32, #tpu.memory_space<hbm>>, %arg7: memref<2x16x128xi32, #tpu.memory_space<vmem>>, %arg8: memref<2x16x128xi32, #tpu.memory_space<vmem>>, %arg9: memref<2x128x128xf32, #tpu.memory_space<vmem>>, %arg10: memref<10112x128xf32, #tpu.memory_space<vmem_shared>>, %arg11: memref<!tpu.dma_semaphore, #tpu.memory_space<semaphore_mem>>, %arg12: memref<!tpu.dma_semaphore, #tpu.memory_space<semaphore_mem>>, %arg13: memref<!tpu.dma_semaphore, #tpu.memory_space<semaphore_mem>>) attributes {dimension_semantics = [#tpu.dimension_semantics<core_parallel>, #tpu.dimension_semantics<subcore_parallel>], iteration_bounds = array<i64: 2, 16>, scalar_prefetch = 0 : i64, scratch_operands = 7 : i64, tpu.core_type = #tpu.core_type<sc_vector_subcore>, window_params = [{transform_indices = #map}, {transform_indices = #map}, {transform_indices = #map}, {transform_indices = #map}, {transform_indices = #map1}]} {
    %mul3A = arith.constant 16 : i32
    %mul3A_0 = arith.muli %arg0, %mul3A : i32
    %add3A = arith.addi %mul3A_0, %arg1 : i32
    %mul3A_1 = arith.constant 80 : i32
    %mul3A_2 = arith.muli %add3A, %mul3A_1 : i32
    %mul3A_3 = arith.constant 632 : i32
    %mul3A_4 = arith.muli %arg1, %mul3A_3 : i32
    "tpu.region"() ({
      %run_scoped3A = tpu.sem_alloc : memref<!tpu.dma_semaphore, #tpu.memory_space<semaphore_mem>>
      %dma_start3A_40 = arith.constant 0 : i32
      %dma_start3A_41 = tpu.memref_slice %arg10[%mul3A_4, %dma_start3A_40] : memref<10112x128xf32, #tpu.memory_space<vmem_shared>> -> memref<632x128xf32, #tpu.memory_space<vmem_shared>>
      %dma_start3A_42 = arith.constant 0 : i32
      %dma_start3A_43 = tpu.memref_slice %arg5[%mul3A_4, %dma_start3A_42] : memref<10112x128xf32, #tpu.memory_space<hbm>> -> memref<632x128xf32, #tpu.memory_space<hbm>>
      tpu.enqueue_dma source(%dma_start3A_43 : memref<632x128xf32, #tpu.memory_space<hbm>>) target(%dma_start3A_41 : memref<632x128xf32, #tpu.memory_space<vmem_shared>>) target_semaphore(%run_scoped3A : memref<!tpu.dma_semaphore, #tpu.memory_space<semaphore_mem>>)
      %dma_wait3A = arith.constant 0 : i32
      %dma_wait3A_44 = tpu.memref_slice %arg10[%mul3A_4, %dma_wait3A] : memref<10112x128xf32, #tpu.memory_space<vmem_shared>> -> memref<632x128xf32, #tpu.memory_space<vmem_shared>>
      %dma_wait3A_45 = arith.constant 0 : i32
      %dma_wait3A_46 = tpu.memref_slice %arg5[%mul3A_4, %dma_wait3A_45] : memref<10112x128xf32, #tpu.memory_space<hbm>> -> memref<632x128xf32, #tpu.memory_space<hbm>>
      tpu.wait_dma2 semaphore(%run_scoped3A : memref<!tpu.dma_semaphore, #tpu.memory_space<semaphore_mem>>) src(%dma_wait3A_46 : memref<632x128xf32, #tpu.memory_space<hbm>>) dst(%dma_wait3A_44 : memref<632x128xf32, #tpu.memory_space<vmem_shared>>)
      tpu.yield
    }) : () -> ()
    %add3A_5 = arith.constant 0 : i32
    %add3A_6 = arith.addi %mul3A_2, %add3A_5 : i32
    %dma_start3A = arith.constant 0 : i32
    %dma_start3A_7 = arith.constant 0 : i32
    %dma_start3A_8 = arith.constant 0 : i32
    %dma_start3A_9 = tpu.memref_slice %arg7[%dma_start3A, %dma_start3A_7, %dma_start3A_8] : memref<2x16x128xi32, #tpu.memory_space<vmem>> -> memref<1x16x128xi32, #tpu.memory_space<vmem>>
    %dma_start3A_10 = tpu.memref_squeeze %dma_start3A_9 : memref<1x16x128xi32, #tpu.memory_space<vmem>> -> memref<16x128xi32, #tpu.memory_space<vmem>>
    %dma_start3A_11 = arith.constant 0 : i32
    %dma_start3A_12 = tpu.memref_slice %arg3[%add3A_6, %dma_start3A_11] : memref<2560x128xi32, #tpu.memory_space<hbm>> -> memref<16x128xi32, #tpu.memory_space<hbm>>
    %dma_start3A_13 = arith.constant 0 : i32
    %dma_start3A_14 = arith.constant 0 : i32
    %dma_start3A_15 = tpu.memref_slice %arg7[%dma_start3A, %dma_start3A_13, %dma_start3A_14] : memref<2x16x128xi32, #tpu.memory_space<vmem>> -> memref<1x16x128xi32, #tpu.memory_space<vmem>>
    %dma_start3A_16 = tpu.memref_squeeze %dma_start3A_15 : memref<1x16x128xi32, #tpu.memory_space<vmem>> -> memref<16x128xi32, #tpu.memory_space<vmem>>
    %dma_start3A_17 = arith.constant 0 : i32
    %dma_start3A_18 = tpu.memref_slice %arg3[%add3A_6, %dma_start3A_17] : memref<2560x128xi32, #tpu.memory_space<hbm>> -> memref<16x128xi32, #tpu.memory_space<hbm>>
    tpu.enqueue_dma source(%dma_start3A_18 : memref<16x128xi32, #tpu.memory_space<hbm>>) target(%dma_start3A_16 : memref<16x128xi32, #tpu.memory_space<vmem>>) target_semaphore(%arg13 : memref<!tpu.dma_semaphore, #tpu.memory_space<semaphore_mem>>)
    %add3A_19 = arith.constant 0 : i32
    %add3A_20 = arith.addi %mul3A_2, %add3A_19 : i32
    %dma_start3A_21 = arith.constant 0 : i32
    %dma_start3A_22 = arith.constant 0 : i32
    %dma_start3A_23 = arith.constant 0 : i32
    %dma_start3A_24 = tpu.memref_slice %arg8[%dma_start3A_21, %dma_start3A_22, %dma_start3A_23] : memref<2x16x128xi32, #tpu.memory_space<vmem>> -> memref<1x16x128xi32, #tpu.memory_space<vmem>>
    %dma_start3A_25 = tpu.memref_squeeze %dma_start3A_24 : memref<1x16x128xi32, #tpu.memory_space<vmem>> -> memref<16x128xi32, #tpu.memory_space<vmem>>
    %dma_start3A_26 = arith.constant 0 : i32
    %dma_start3A_27 = tpu.memref_slice %arg4[%add3A_20, %dma_start3A_26] : memref<2560x128xi32, #tpu.memory_space<hbm>> -> memref<16x128xi32, #tpu.memory_space<hbm>>
    %dma_start3A_28 = arith.constant 0 : i32
    %dma_start3A_29 = arith.constant 0 : i32
    %dma_start3A_30 = tpu.memref_slice %arg8[%dma_start3A_21, %dma_start3A_28, %dma_start3A_29] : memref<2x16x128xi32, #tpu.memory_space<vmem>> -> memref<1x16x128xi32, #tpu.memory_space<vmem>>
    %dma_start3A_31 = tpu.memref_squeeze %dma_start3A_30 : memref<1x16x128xi32, #tpu.memory_space<vmem>> -> memref<16x128xi32, #tpu.memory_space<vmem>>
    %dma_start3A_32 = arith.constant 0 : i32
    %dma_start3A_33 = tpu.memref_slice %arg4[%add3A_20, %dma_start3A_32] : memref<2560x128xi32, #tpu.memory_space<hbm>> -> memref<16x128xi32, #tpu.memory_space<hbm>>
    tpu.enqueue_dma source(%dma_start3A_33 : memref<16x128xi32, #tpu.memory_space<hbm>>) target(%dma_start3A_31 : memref<16x128xi32, #tpu.memory_space<vmem>>) target_semaphore(%arg13 : memref<!tpu.dma_semaphore, #tpu.memory_space<semaphore_mem>>)
    %barrier3A = arith.constant 0 : index
    tpu.barrier barrier_id(%barrier3A)
    %scan3A = arith.constant 0 : i32
    %scan3A_34 = arith.constant 0 : i32
    %scan3A_35 = arith.constant 5 : i32
    %scan3A_36 = arith.addi %scan3A_34, %scan3A_35 : i32
    %scan3A_37 = arith.constant 1 : i32
    scf.for %scan3A_40 = %scan3A_34 to %scan3A_36 step %scan3A_37  : i32 {
      %rem3A = arith.constant 2 : i32
      %rem3A_41 = arith.remsi %scan3A_40, %rem3A : i32
      %mul3A_42 = arith.constant 16 : i32
      %mul3A_43 = arith.muli %scan3A_40, %mul3A_42 : i32
      %add3A_44 = arith.addi %mul3A_2, %mul3A_43 : i32
      %dma_wait3A = arith.constant 0 : i32
      %dma_wait3A_45 = arith.constant 0 : i32
      %dma_wait3A_46 = tpu.memref_slice %arg7[%rem3A_41, %dma_wait3A, %dma_wait3A_45] : memref<2x16x128xi32, #tpu.memory_space<vmem>> -> memref<1x16x128xi32, #tpu.memory_space<vmem>>
      %dma_wait3A_47 = tpu.memref_squeeze %dma_wait3A_46 : memref<1x16x128xi32, #tpu.memory_space<vmem>> -> memref<16x128xi32, #tpu.memory_space<vmem>>
      %dma_wait3A_48 = arith.constant 0 : i32
      %dma_wait3A_49 = tpu.memref_slice %arg3[%add3A_44, %dma_wait3A_48] : memref<2560x128xi32, #tpu.memory_space<hbm>> -> memref<16x128xi32, #tpu.memory_space<hbm>>
      %dma_wait3A_50 = arith.constant 0 : i32
      %dma_wait3A_51 = arith.constant 0 : i32
      %dma_wait3A_52 = tpu.memref_slice %arg7[%rem3A_41, %dma_wait3A_50, %dma_wait3A_51] : memref<2x16x128xi32, #tpu.memory_space<vmem>> -> memref<1x16x128xi32, #tpu.memory_space<vmem>>
      %dma_wait3A_53 = tpu.memref_squeeze %dma_wait3A_52 : memref<1x16x128xi32, #tpu.memory_space<vmem>> -> memref<16x128xi32, #tpu.memory_space<vmem>>
      %dma_wait3A_54 = arith.constant 0 : i32
      %dma_wait3A_55 = tpu.memref_slice %arg3[%add3A_44, %dma_wait3A_54] : memref<2560x128xi32, #tpu.memory_space<hbm>> -> memref<16x128xi32, #tpu.memory_space<hbm>>
      tpu.wait_dma2 semaphore(%arg13 : memref<!tpu.dma_semaphore, #tpu.memory_space<semaphore_mem>>) src(%dma_wait3A_55 : memref<16x128xi32, #tpu.memory_space<hbm>>) dst(%dma_wait3A_53 : memref<16x128xi32, #tpu.memory_space<vmem>>)
      %mul3A_56 = arith.constant 16 : i32
      %mul3A_57 = arith.muli %scan3A_40, %mul3A_56 : i32
      %add3A_58 = arith.addi %mul3A_2, %mul3A_57 : i32
      %dma_wait3A_59 = arith.constant 0 : i32
      %dma_wait3A_60 = arith.constant 0 : i32
      %dma_wait3A_61 = tpu.memref_slice %arg8[%rem3A_41, %dma_wait3A_59, %dma_wait3A_60] : memref<2x16x128xi32, #tpu.memory_space<vmem>> -> memref<1x16x128xi32, #tpu.memory_space<vmem>>
      %dma_wait3A_62 = tpu.memref_squeeze %dma_wait3A_61 : memref<1x16x128xi32, #tpu.memory_space<vmem>> -> memref<16x128xi32, #tpu.memory_space<vmem>>
      %dma_wait3A_63 = arith.constant 0 : i32
      %dma_wait3A_64 = tpu.memref_slice %arg4[%add3A_58, %dma_wait3A_63] : memref<2560x128xi32, #tpu.memory_space<hbm>> -> memref<16x128xi32, #tpu.memory_space<hbm>>
      %dma_wait3A_65 = arith.constant 0 : i32
      %dma_wait3A_66 = arith.constant 0 : i32
      %dma_wait3A_67 = tpu.memref_slice %arg8[%rem3A_41, %dma_wait3A_65, %dma_wait3A_66] : memref<2x16x128xi32, #tpu.memory_space<vmem>> -> memref<1x16x128xi32, #tpu.memory_space<vmem>>
      %dma_wait3A_68 = tpu.memref_squeeze %dma_wait3A_67 : memref<1x16x128xi32, #tpu.memory_space<vmem>> -> memref<16x128xi32, #tpu.memory_space<vmem>>
      %dma_wait3A_69 = arith.constant 0 : i32
      %dma_wait3A_70 = tpu.memref_slice %arg4[%add3A_58, %dma_wait3A_69] : memref<2560x128xi32, #tpu.memory_space<hbm>> -> memref<16x128xi32, #tpu.memory_space<hbm>>
      tpu.wait_dma2 semaphore(%arg13 : memref<!tpu.dma_semaphore, #tpu.memory_space<semaphore_mem>>) src(%dma_wait3A_70 : memref<16x128xi32, #tpu.memory_space<hbm>>) dst(%dma_wait3A_68 : memref<16x128xi32, #tpu.memory_space<vmem>>)
      %add3A_71 = arith.constant 1 : i32
      %add3A_72 = arith.addi %scan3A_40, %add3A_71 : i32
      %lt3A = arith.constant 5 : i32
      %lt3A_73 = arith.cmpi slt, %add3A_72, %lt3A : i32
      %convert_element_type3A = arith.extui %lt3A_73 : i1 to i32
      %cond3A = arith.constant 0 : i32
      %cond3A_74 = arith.cmpi ne, %convert_element_type3A, %cond3A : i32
      scf.if %cond3A_74 {
        %add3A_93 = arith.constant 1 : i32
        %add3A_94 = arith.addi %scan3A_40, %add3A_93 : i32
        %sub3A = arith.constant 1 : i32
        %sub3A_95 = arith.subi %sub3A, %rem3A_41 : i32
        %mul3A_96 = arith.constant 16 : i32
        %mul3A_97 = arith.muli %add3A_94, %mul3A_96 : i32
        %add3A_98 = arith.addi %mul3A_2, %mul3A_97 : i32
        %dma_start3A_99 = arith.constant 0 : i32
        %dma_start3A_100 = arith.constant 0 : i32
        %dma_start3A_101 = tpu.memref_slice %arg7[%sub3A_95, %dma_start3A_99, %dma_start3A_100] : memref<2x16x128xi32, #tpu.memory_space<vmem>> -> memref<1x16x128xi32, #tpu.memory_space<vmem>>
        %dma_start3A_102 = tpu.memref_squeeze %dma_start3A_101 : memref<1x16x128xi32, #tpu.memory_space<vmem>> -> memref<16x128xi32, #tpu.memory_space<vmem>>
        %dma_start3A_103 = arith.constant 0 : i32
        %dma_start3A_104 = tpu.memref_slice %arg3[%add3A_98, %dma_start3A_103] : memref<2560x128xi32, #tpu.memory_space<hbm>> -> memref<16x128xi32, #tpu.memory_space<hbm>>
        %dma_start3A_105 = arith.constant 0 : i32
        %dma_start3A_106 = arith.constant 0 : i32
        %dma_start3A_107 = tpu.memref_slice %arg7[%sub3A_95, %dma_start3A_105, %dma_start3A_106] : memref<2x16x128xi32, #tpu.memory_space<vmem>> -> memref<1x16x128xi32, #tpu.memory_space<vmem>>
        %dma_start3A_108 = tpu.memref_squeeze %dma_start3A_107 : memref<1x16x128xi32, #tpu.memory_space<vmem>> -> memref<16x128xi32, #tpu.memory_space<vmem>>
        %dma_start3A_109 = arith.constant 0 : i32
        %dma_start3A_110 = tpu.memref_slice %arg3[%add3A_98, %dma_start3A_109] : memref<2560x128xi32, #tpu.memory_space<hbm>> -> memref<16x128xi32, #tpu.memory_space<hbm>>
        tpu.enqueue_dma source(%dma_start3A_110 : memref<16x128xi32, #tpu.memory_space<hbm>>) target(%dma_start3A_108 : memref<16x128xi32, #tpu.memory_space<vmem>>) target_semaphore(%arg13 : memref<!tpu.dma_semaphore, #tpu.memory_space<semaphore_mem>>)
        %mul3A_111 = arith.constant 16 : i32
        %mul3A_112 = arith.muli %add3A_94, %mul3A_111 : i32
        %add3A_113 = arith.addi %mul3A_2, %mul3A_112 : i32
        %dma_start3A_114 = arith.constant 0 : i32
        %dma_start3A_115 = arith.constant 0 : i32
        %dma_start3A_116 = tpu.memref_slice %arg8[%sub3A_95, %dma_start3A_114, %dma_start3A_115] : memref<2x16x128xi32, #tpu.memory_space<vmem>> -> memref<1x16x128xi32, #tpu.memory_space<vmem>>
        %dma_start3A_117 = tpu.memref_squeeze %dma_start3A_116 : memref<1x16x128xi32, #tpu.memory_space<vmem>> -> memref<16x128xi32, #tpu.memory_space<vmem>>
        %dma_start3A_118 = arith.constant 0 : i32
        %dma_start3A_119 = tpu.memref_slice %arg4[%add3A_113, %dma_start3A_118] : memref<2560x128xi32, #tpu.memory_space<hbm>> -> memref<16x128xi32, #tpu.memory_space<hbm>>
        %dma_start3A_120 = arith.constant 0 : i32
        %dma_start3A_121 = arith.constant 0 : i32
        %dma_start3A_122 = tpu.memref_slice %arg8[%sub3A_95, %dma_start3A_120, %dma_start3A_121] : memref<2x16x128xi32, #tpu.memory_space<vmem>> -> memref<1x16x128xi32, #tpu.memory_space<vmem>>
        %dma_start3A_123 = tpu.memref_squeeze %dma_start3A_122 : memref<1x16x128xi32, #tpu.memory_space<vmem>> -> memref<16x128xi32, #tpu.memory_space<vmem>>
        %dma_start3A_124 = arith.constant 0 : i32
        %dma_start3A_125 = tpu.memref_slice %arg4[%add3A_113, %dma_start3A_124] : memref<2560x128xi32, #tpu.memory_space<hbm>> -> memref<16x128xi32, #tpu.memory_space<hbm>>
        tpu.enqueue_dma source(%dma_start3A_125 : memref<16x128xi32, #tpu.memory_space<hbm>>) target(%dma_start3A_123 : memref<16x128xi32, #tpu.memory_space<vmem>>) target_semaphore(%arg13 : memref<!tpu.dma_semaphore, #tpu.memory_space<semaphore_mem>>)
      } else {
      }
      %dma_start3A_75 = arith.constant 0 : i32
      %dma_start3A_76 = arith.constant 0 : i32
      %dma_start3A_77 = arith.constant 0 : i32
      %dma_start3A_78 = arith.constant 0 : i32
      %dma_start3A_79 = tpu.memref_slice %arg9[%dma_start3A_76, %dma_start3A_77, %dma_start3A_78] : memref<2x128x128xf32, #tpu.memory_space<vmem>> -> memref<1x128x128xf32, #tpu.memory_space<vmem>>
      %dma_start3A_80 = tpu.memref_squeeze %dma_start3A_79 : memref<1x128x128xf32, #tpu.memory_space<vmem>> -> memref<128x128xf32, #tpu.memory_space<vmem>>
      %dma_start3A_81 = arith.constant 0 : i32
      %dma_start3A_82 = tpu.memref_slice %arg7[%rem3A_41, %dma_start3A_75, %dma_start3A_81] : memref<2x16x128xi32, #tpu.memory_space<vmem>> -> memref<1x1x128xi32, #tpu.memory_space<vmem>>
      %dma_start3A_83 = tpu.memref_squeeze %dma_start3A_82 : memref<1x1x128xi32, #tpu.memory_space<vmem>> -> memref<128xi32, #tpu.memory_space<vmem>>
      %dma_start3A_84 = arith.constant 0 : i32
      %dma_start3A_85 = arith.constant 0 : i32
      %dma_start3A_86 = tpu.memref_slice %arg2[%dma_start3A_84, %dma_start3A_85] : memref<10112x128xf32, #tpu.memory_space<hbm>> -> memref<10112x128xf32, #tpu.memory_space<hbm>>
      tpu.enqueue_indirect_dma source(%dma_start3A_86 : memref<10112x128xf32, #tpu.memory_space<hbm>>) target(%dma_start3A_80 : memref<128x128xf32, #tpu.memory_space<vmem>>) offsets(%dma_start3A_83 : memref<128xi32, #tpu.memory_space<vmem>>) semaphore(%arg11 : memref<!tpu.dma_semaphore, #tpu.memory_space<semaphore_mem>>)
      %scan3A_87 = arith.constant 0 : i32
      %scan3A_88 = arith.constant 0 : i32
      %scan3A_89 = arith.constant 8 : i32
      %scan3A_90 = arith.addi %scan3A_88, %scan3A_89 : i32
      %scan3A_91 = arith.constant 1 : i32
      scf.for %scan3A_93 = %scan3A_88 to %scan3A_90 step %scan3A_91  : i32 {
        %mul3A_94 = arith.constant 2 : i32
        %mul3A_95 = arith.muli %mul3A_94, %scan3A_93 : i32
        %add3A_96 = arith.constant 1 : i32
        %add3A_97 = arith.addi %mul3A_95, %add3A_96 : i32
        %dma_start3A_98 = arith.constant 1 : i32
        %dma_start3A_99 = arith.constant 0 : i32
        %dma_start3A_100 = arith.constant 0 : i32
        %dma_start3A_101 = tpu.memref_slice %arg9[%dma_start3A_98, %dma_start3A_99, %dma_start3A_100] : memref<2x128x128xf32, #tpu.memory_space<vmem>> -> memref<1x128x128xf32, #tpu.memory_space<vmem>>
        %dma_start3A_102 = tpu.memref_squeeze %dma_start3A_101 : memref<1x128x128xf32, #tpu.memory_space<vmem>> -> memref<128x128xf32, #tpu.memory_space<vmem>>
        %dma_start3A_103 = arith.constant 0 : i32
        %dma_start3A_104 = tpu.memref_slice %arg7[%rem3A_41, %add3A_97, %dma_start3A_103] : memref<2x16x128xi32, #tpu.memory_space<vmem>> -> memref<1x1x128xi32, #tpu.memory_space<vmem>>
        %dma_start3A_105 = tpu.memref_squeeze %dma_start3A_104 : memref<1x1x128xi32, #tpu.memory_space<vmem>> -> memref<128xi32, #tpu.memory_space<vmem>>
        %dma_start3A_106 = arith.constant 0 : i32
        %dma_start3A_107 = arith.constant 0 : i32
        %dma_start3A_108 = tpu.memref_slice %arg2[%dma_start3A_106, %dma_start3A_107] : memref<10112x128xf32, #tpu.memory_space<hbm>> -> memref<10112x128xf32, #tpu.memory_space<hbm>>
        tpu.enqueue_indirect_dma source(%dma_start3A_108 : memref<10112x128xf32, #tpu.memory_space<hbm>>) target(%dma_start3A_102 : memref<128x128xf32, #tpu.memory_space<vmem>>) offsets(%dma_start3A_105 : memref<128xi32, #tpu.memory_space<vmem>>) semaphore(%arg12 : memref<!tpu.dma_semaphore, #tpu.memory_space<semaphore_mem>>)
        %mul3A_109 = arith.constant 2 : i32
        %mul3A_110 = arith.muli %mul3A_109, %scan3A_93 : i32
        %dma_wait3A_111 = arith.constant 0 : i32
        %dma_wait3A_112 = arith.constant 0 : i32
        %dma_wait3A_113 = arith.constant 0 : i32
        %dma_wait3A_114 = tpu.memref_slice %arg9[%dma_wait3A_111, %dma_wait3A_112, %dma_wait3A_113] : memref<2x128x128xf32, #tpu.memory_space<vmem>> -> memref<1x128x128xf32, #tpu.memory_space<vmem>>
        %dma_wait3A_115 = tpu.memref_squeeze %dma_wait3A_114 : memref<1x128x128xf32, #tpu.memory_space<vmem>> -> memref<128x128xf32, #tpu.memory_space<vmem>>
        %dma_wait3A_116 = arith.constant 0 : i32
        %dma_wait3A_117 = tpu.memref_slice %arg7[%rem3A_41, %mul3A_110, %dma_wait3A_116] : memref<2x16x128xi32, #tpu.memory_space<vmem>> -> memref<1x1x128xi32, #tpu.memory_space<vmem>>
        %dma_wait3A_118 = tpu.memref_squeeze %dma_wait3A_117 : memref<1x1x128xi32, #tpu.memory_space<vmem>> -> memref<128xi32, #tpu.memory_space<vmem>>
        %dma_wait3A_119 = arith.constant 0 : i32
        %dma_wait3A_120 = arith.constant 0 : i32
        %dma_wait3A_121 = tpu.memref_slice %arg2[%dma_wait3A_119, %dma_wait3A_120] : memref<10112x128xf32, #tpu.memory_space<hbm>> -> memref<10112x128xf32, #tpu.memory_space<hbm>>
        tpu.wait_indirect_dma semaphore(%arg11 : memref<!tpu.dma_semaphore, #tpu.memory_space<semaphore_mem>>) src(%dma_wait3A_121 : memref<10112x128xf32, #tpu.memory_space<hbm>>) dst(%dma_wait3A_115 : memref<128x128xf32, #tpu.memory_space<vmem>>)
        %mul3A_122 = arith.constant 2 : i32
        %mul3A_123 = arith.muli %mul3A_122, %scan3A_93 : i32
        %run_scoped3A = arith.constant 0 : i32
        "tpu.region"() ({
          %run_scoped3A_153 = tpu.sem_alloc : memref<!tpu.dma_semaphore, #tpu.memory_space<semaphore_mem>>
          %dma_start3A_154 = arith.constant 0 : i32
          %dma_start3A_155 = arith.constant 0 : i32
          %dma_start3A_156 = tpu.memref_slice %arg9[%run_scoped3A, %dma_start3A_154, %dma_start3A_155] : memref<2x128x128xf32, #tpu.memory_space<vmem>> -> memref<1x128x128xf32, #tpu.memory_space<vmem>>
          %dma_start3A_157 = tpu.memref_squeeze %dma_start3A_156 : memref<1x128x128xf32, #tpu.memory_space<vmem>> -> memref<128x128xf32, #tpu.memory_space<vmem>>
          %dma_start3A_158 = arith.constant 0 : i32
          %dma_start3A_159 = tpu.memref_slice %arg8[%rem3A_41, %mul3A_123, %dma_start3A_158] : memref<2x16x128xi32, #tpu.memory_space<vmem>> -> memref<1x1x128xi32, #tpu.memory_space<vmem>>
          %dma_start3A_160 = tpu.memref_squeeze %dma_start3A_159 : memref<1x1x128xi32, #tpu.memory_space<vmem>> -> memref<128xi32, #tpu.memory_space<vmem>>
          %dma_start3A_161 = arith.constant 0 : i32
          %dma_start3A_162 = arith.constant 0 : i32
          %dma_start3A_163 = tpu.memref_slice %arg10[%dma_start3A_161, %dma_start3A_162] : memref<10112x128xf32, #tpu.memory_space<vmem_shared>> -> memref<10112x128xf32, #tpu.memory_space<vmem_shared>>
          tpu.enqueue_indirect_dma source(%dma_start3A_157 : memref<128x128xf32, #tpu.memory_space<vmem>>) target(%dma_start3A_163 : memref<10112x128xf32, #tpu.memory_space<vmem_shared>>) offsets(%dma_start3A_160 : memref<128xi32, #tpu.memory_space<vmem>>) semaphore(%run_scoped3A_153 : memref<!tpu.dma_semaphore, #tpu.memory_space<semaphore_mem>>) {add = true}
          %dma_wait3A_164 = arith.constant 0 : i32
          %dma_wait3A_165 = arith.constant 0 : i32
          %dma_wait3A_166 = tpu.memref_slice %arg9[%run_scoped3A, %dma_wait3A_164, %dma_wait3A_165] : memref<2x128x128xf32, #tpu.memory_space<vmem>> -> memref<1x128x128xf32, #tpu.memory_space<vmem>>
          %dma_wait3A_167 = tpu.memref_squeeze %dma_wait3A_166 : memref<1x128x128xf32, #tpu.memory_space<vmem>> -> memref<128x128xf32, #tpu.memory_space<vmem>>
          %dma_wait3A_168 = arith.constant 0 : i32
          %dma_wait3A_169 = tpu.memref_slice %arg8[%rem3A_41, %mul3A_123, %dma_wait3A_168] : memref<2x16x128xi32, #tpu.memory_space<vmem>> -> memref<1x1x128xi32, #tpu.memory_space<vmem>>
          %dma_wait3A_170 = tpu.memref_squeeze %dma_wait3A_169 : memref<1x1x128xi32, #tpu.memory_space<vmem>> -> memref<128xi32, #tpu.memory_space<vmem>>
          %dma_wait3A_171 = arith.constant 0 : i32
          %dma_wait3A_172 = arith.constant 0 : i32
          %dma_wait3A_173 = tpu.memref_slice %arg10[%dma_wait3A_171, %dma_wait3A_172] : memref<10112x128xf32, #tpu.memory_space<vmem_shared>> -> memref<10112x128xf32, #tpu.memory_space<vmem_shared>>
          tpu.wait_indirect_dma semaphore(%run_scoped3A_153 : memref<!tpu.dma_semaphore, #tpu.memory_space<semaphore_mem>>) src(%dma_wait3A_167 : memref<128x128xf32, #tpu.memory_space<vmem>>) dst(%dma_wait3A_173 : memref<10112x128xf32, #tpu.memory_space<vmem_shared>>)
          tpu.yield
        }) : () -> ()
        %mul3A_124 = arith.constant 2 : i32
        %mul3A_125 = arith.muli %mul3A_124, %scan3A_93 : i32
        %add3A_126 = arith.constant 2 : i32
        %add3A_127 = arith.addi %mul3A_125, %add3A_126 : i32
        %lt3A_128 = arith.constant 16 : i32
        %lt3A_129 = arith.cmpi slt, %add3A_127, %lt3A_128 : i32
        %convert_element_type3A_130 = arith.extui %lt3A_129 : i1 to i32
        %cond3A_131 = arith.constant 0 : i32
        %cond3A_132 = arith.cmpi ne, %convert_element_type3A_130, %cond3A_131 : i32
        scf.if %cond3A_132 {
          %mul3A_153 = arith.constant 2 : i32
          %mul3A_154 = arith.muli %mul3A_153, %scan3A_93 : i32
          %add3A_155 = arith.constant 2 : i32
          %add3A_156 = arith.addi %mul3A_154, %add3A_155 : i32
          %dma_start3A_157 = arith.constant 0 : i32
          %dma_start3A_158 = arith.constant 0 : i32
          %dma_start3A_159 = arith.constant 0 : i32
          %dma_start3A_160 = tpu.memref_slice %arg9[%dma_start3A_157, %dma_start3A_158, %dma_start3A_159] : memref<2x128x128xf32, #tpu.memory_space<vmem>> -> memref<1x128x128xf32, #tpu.memory_space<vmem>>
          %dma_start3A_161 = tpu.memref_squeeze %dma_start3A_160 : memref<1x128x128xf32, #tpu.memory_space<vmem>> -> memref<128x128xf32, #tpu.memory_space<vmem>>
          %dma_start3A_162 = arith.constant 0 : i32
          %dma_start3A_163 = tpu.memref_slice %arg7[%rem3A_41, %add3A_156, %dma_start3A_162] : memref<2x16x128xi32, #tpu.memory_space<vmem>> -> memref<1x1x128xi32, #tpu.memory_space<vmem>>
          %dma_start3A_164 = tpu.memref_squeeze %dma_start3A_163 : memref<1x1x128xi32, #tpu.memory_space<vmem>> -> memref<128xi32, #tpu.memory_space<vmem>>
          %dma_start3A_165 = arith.constant 0 : i32
          %dma_start3A_166 = arith.constant 0 : i32
          %dma_start3A_167 = tpu.memref_slice %arg2[%dma_start3A_165, %dma_start3A_166] : memref<10112x128xf32, #tpu.memory_space<hbm>> -> memref<10112x128xf32, #tpu.memory_space<hbm>>
          tpu.enqueue_indirect_dma source(%dma_start3A_167 : memref<10112x128xf32, #tpu.memory_space<hbm>>) target(%dma_start3A_161 : memref<128x128xf32, #tpu.memory_space<vmem>>) offsets(%dma_start3A_164 : memref<128xi32, #tpu.memory_space<vmem>>) semaphore(%arg11 : memref<!tpu.dma_semaphore, #tpu.memory_space<semaphore_mem>>)
        } else {
        }
        %mul3A_133 = arith.constant 2 : i32
        %mul3A_134 = arith.muli %mul3A_133, %scan3A_93 : i32
        %add3A_135 = arith.constant 1 : i32
        %add3A_136 = arith.addi %mul3A_134, %add3A_135 : i32
        %dma_wait3A_137 = arith.constant 1 : i32
        %dma_wait3A_138 = arith.constant 0 : i32
        %dma_wait3A_139 = arith.constant 0 : i32
        %dma_wait3A_140 = tpu.memref_slice %arg9[%dma_wait3A_137, %dma_wait3A_138, %dma_wait3A_139] : memref<2x128x128xf32, #tpu.memory_space<vmem>> -> memref<1x128x128xf32, #tpu.memory_space<vmem>>
        %dma_wait3A_141 = tpu.memref_squeeze %dma_wait3A_140 : memref<1x128x128xf32, #tpu.memory_space<vmem>> -> memref<128x128xf32, #tpu.memory_space<vmem>>
        %dma_wait3A_142 = arith.constant 0 : i32
        %dma_wait3A_143 = tpu.memref_slice %arg7[%rem3A_41, %add3A_136, %dma_wait3A_142] : memref<2x16x128xi32, #tpu.memory_space<vmem>> -> memref<1x1x128xi32, #tpu.memory_space<vmem>>
        %dma_wait3A_144 = tpu.memref_squeeze %dma_wait3A_143 : memref<1x1x128xi32, #tpu.memory_space<vmem>> -> memref<128xi32, #tpu.memory_space<vmem>>
        %dma_wait3A_145 = arith.constant 0 : i32
        %dma_wait3A_146 = arith.constant 0 : i32
        %dma_wait3A_147 = tpu.memref_slice %arg2[%dma_wait3A_145, %dma_wait3A_146] : memref<10112x128xf32, #tpu.memory_space<hbm>> -> memref<10112x128xf32, #tpu.memory_space<hbm>>
        tpu.wait_indirect_dma semaphore(%arg12 : memref<!tpu.dma_semaphore, #tpu.memory_space<semaphore_mem>>) src(%dma_wait3A_147 : memref<10112x128xf32, #tpu.memory_space<hbm>>) dst(%dma_wait3A_141 : memref<128x128xf32, #tpu.memory_space<vmem>>)
        %mul3A_148 = arith.constant 2 : i32
        %mul3A_149 = arith.muli %mul3A_148, %scan3A_93 : i32
        %add3A_150 = arith.constant 1 : i32
        %add3A_151 = arith.addi %mul3A_149, %add3A_150 : i32
        %run_scoped3A_152 = arith.constant 1 : i32
        "tpu.region"() ({
          %run_scoped3A_153 = tpu.sem_alloc : memref<!tpu.dma_semaphore, #tpu.memory_space<semaphore_mem>>
          %dma_start3A_154 = arith.constant 0 : i32
          %dma_start3A_155 = arith.constant 0 : i32
          %dma_start3A_156 = tpu.memref_slice %arg9[%run_scoped3A_152, %dma_start3A_154, %dma_start3A_155] : memref<2x128x128xf32, #tpu.memory_space<vmem>> -> memref<1x128x128xf32, #tpu.memory_space<vmem>>
          %dma_start3A_157 = tpu.memref_squeeze %dma_start3A_156 : memref<1x128x128xf32, #tpu.memory_space<vmem>> -> memref<128x128xf32, #tpu.memory_space<vmem>>
          %dma_start3A_158 = arith.constant 0 : i32
          %dma_start3A_159 = tpu.memref_slice %arg8[%rem3A_41, %add3A_151, %dma_start3A_158] : memref<2x16x128xi32, #tpu.memory_space<vmem>> -> memref<1x1x128xi32, #tpu.memory_space<vmem>>
          %dma_start3A_160 = tpu.memref_squeeze %dma_start3A_159 : memref<1x1x128xi32, #tpu.memory_space<vmem>> -> memref<128xi32, #tpu.memory_space<vmem>>
          %dma_start3A_161 = arith.constant 0 : i32
          %dma_start3A_162 = arith.constant 0 : i32
          %dma_start3A_163 = tpu.memref_slice %arg10[%dma_start3A_161, %dma_start3A_162] : memref<10112x128xf32, #tpu.memory_space<vmem_shared>> -> memref<10112x128xf32, #tpu.memory_space<vmem_shared>>
          tpu.enqueue_indirect_dma source(%dma_start3A_157 : memref<128x128xf32, #tpu.memory_space<vmem>>) target(%dma_start3A_163 : memref<10112x128xf32, #tpu.memory_space<vmem_shared>>) offsets(%dma_start3A_160 : memref<128xi32, #tpu.memory_space<vmem>>) semaphore(%run_scoped3A_153 : memref<!tpu.dma_semaphore, #tpu.memory_space<semaphore_mem>>) {add = true}
          %dma_wait3A_164 = arith.constant 0 : i32
          %dma_wait3A_165 = arith.constant 0 : i32
          %dma_wait3A_166 = tpu.memref_slice %arg9[%run_scoped3A_152, %dma_wait3A_164, %dma_wait3A_165] : memref<2x128x128xf32, #tpu.memory_space<vmem>> -> memref<1x128x128xf32, #tpu.memory_space<vmem>>
          %dma_wait3A_167 = tpu.memref_squeeze %dma_wait3A_166 : memref<1x128x128xf32, #tpu.memory_space<vmem>> -> memref<128x128xf32, #tpu.memory_space<vmem>>
          %dma_wait3A_168 = arith.constant 0 : i32
          %dma_wait3A_169 = tpu.memref_slice %arg8[%rem3A_41, %add3A_151, %dma_wait3A_168] : memref<2x16x128xi32, #tpu.memory_space<vmem>> -> memref<1x1x128xi32, #tpu.memory_space<vmem>>
          %dma_wait3A_170 = tpu.memref_squeeze %dma_wait3A_169 : memref<1x1x128xi32, #tpu.memory_space<vmem>> -> memref<128xi32, #tpu.memory_space<vmem>>
          %dma_wait3A_171 = arith.constant 0 : i32
          %dma_wait3A_172 = arith.constant 0 : i32
          %dma_wait3A_173 = tpu.memref_slice %arg10[%dma_wait3A_171, %dma_wait3A_172] : memref<10112x128xf32, #tpu.memory_space<vmem_shared>> -> memref<10112x128xf32, #tpu.memory_space<vmem_shared>>
          tpu.wait_indirect_dma semaphore(%run_scoped3A_153 : memref<!tpu.dma_semaphore, #tpu.memory_space<semaphore_mem>>) src(%dma_wait3A_167 : memref<128x128xf32, #tpu.memory_space<vmem>>) dst(%dma_wait3A_173 : memref<10112x128xf32, #tpu.memory_space<vmem_shared>>)
          tpu.yield
        }) : () -> ()
      }
      %scan3A_92 = arith.constant 8 : i32
    }
    %scan3A_38 = arith.constant 5 : i32
    %barrier3A_39 = arith.constant 0 : index
    tpu.barrier barrier_id(%barrier3A_39)
    "tpu.region"() ({
      %run_scoped3A = tpu.sem_alloc : memref<!tpu.dma_semaphore, #tpu.memory_space<semaphore_mem>>
      %dma_start3A_40 = arith.constant 0 : i32
      %dma_start3A_41 = tpu.memref_slice %arg6[%arg0, %mul3A_4, %dma_start3A_40] : memref<2x10112x128xf32, #tpu.memory_space<hbm>> -> memref<1x632x128xf32, #tpu.memory_space<hbm>>
      %dma_start3A_42 = tpu.memref_squeeze %dma_start3A_41 : memref<1x632x128xf32, #tpu.memory_space<hbm>> -> memref<632x128xf32, #tpu.memory_space<hbm>>
      %dma_start3A_43 = arith.constant 0 : i32
      %dma_start3A_44 = tpu.memref_slice %arg10[%mul3A_4, %dma_start3A_43] : memref<10112x128xf32, #tpu.memory_space<vmem_shared>> -> memref<632x128xf32, #tpu.memory_space<vmem_shared>>
      tpu.enqueue_dma source(%dma_start3A_44 : memref<632x128xf32, #tpu.memory_space<vmem_shared>>) target(%dma_start3A_42 : memref<632x128xf32, #tpu.memory_space<hbm>>) target_semaphore(%run_scoped3A : memref<!tpu.dma_semaphore, #tpu.memory_space<semaphore_mem>>)
      %dma_wait3A = arith.constant 0 : i32
      %dma_wait3A_45 = tpu.memref_slice %arg6[%arg0, %mul3A_4, %dma_wait3A] : memref<2x10112x128xf32, #tpu.memory_space<hbm>> -> memref<1x632x128xf32, #tpu.memory_space<hbm>>
      %dma_wait3A_46 = tpu.memref_squeeze %dma_wait3A_45 : memref<1x632x128xf32, #tpu.memory_space<hbm>> -> memref<632x128xf32, #tpu.memory_space<hbm>>
      %dma_wait3A_47 = arith.constant 0 : i32
      %dma_wait3A_48 = tpu.memref_slice %arg10[%mul3A_4, %dma_wait3A_47] : memref<10112x128xf32, #tpu.memory_space<vmem_shared>> -> memref<632x128xf32, #tpu.memory_space<vmem_shared>>
      tpu.wait_dma2 semaphore(%run_scoped3A : memref<!tpu.dma_semaphore, #tpu.memory_space<semaphore_mem>>) src(%dma_wait3A_48 : memref<632x128xf32, #tpu.memory_space<vmem_shared>>) dst(%dma_wait3A_46 : memref<632x128xf32, #tpu.memory_space<hbm>>)
      tpu.yield
    }) : () -> ()
    return
  }
}

#map = affine_map<(d0, d1) -> (0, 0)>
#map1 = affine_map<(d0, d1) -> (0, 0, 0)>
module attributes {stable_mosaic.version = 14 : i64} {
  func.func @scatter_kernel(%arg0: i32, %arg1: i32, %arg2: memref<10112x128xf32, #tpu.memory_space<hbm>>, %arg3: memref<2560x128xi32, #tpu.memory_space<hbm>>, %arg4: memref<2560x128xi32, #tpu.memory_space<hbm>>, %arg5: memref<10112x128xf32, #tpu.memory_space<hbm>>, %arg6: memref<2x10112x128xf32, #tpu.memory_space<hbm>>, %arg7: memref<2x16x128xi32, #tpu.memory_space<vmem>>, %arg8: memref<2x16x128xi32, #tpu.memory_space<vmem>>, %arg9: memref<2x128x128xf32, #tpu.memory_space<vmem>>, %arg10: memref<10112x128xf32, #tpu.memory_space<vmem_shared>>, %arg11: memref<!tpu.dma_semaphore, #tpu.memory_space<semaphore_mem>>, %arg12: memref<!tpu.dma_semaphore, #tpu.memory_space<semaphore_mem>>, %arg13: memref<!tpu.dma_semaphore, #tpu.memory_space<semaphore_mem>>) attributes {dimension_semantics = [#tpu.dimension_semantics<core_parallel>, #tpu.dimension_semantics<subcore_parallel>], iteration_bounds = array<i64: 2, 16>, scalar_prefetch = 0 : i64, scratch_operands = 7 : i64, tpu.core_type = #tpu.core_type<sc_vector_subcore>, window_params = [{transform_indices = #map}, {transform_indices = #map}, {transform_indices = #map}, {transform_indices = #map}, {transform_indices = #map1}]} {
    %mul3A = arith.constant 16 : i32
    %mul3A_0 = arith.muli %arg0, %mul3A : i32
    %add3A = arith.addi %mul3A_0, %arg1 : i32
    %mul3A_1 = arith.constant 80 : i32
    %mul3A_2 = arith.muli %add3A, %mul3A_1 : i32
    %mul3A_3 = arith.constant 632 : i32
    %mul3A_4 = arith.muli %arg1, %mul3A_3 : i32
    "tpu.region"() ({
      %run_scoped3A = tpu.sem_alloc : memref<!tpu.dma_semaphore, #tpu.memory_space<semaphore_mem>>
      %dma_start3A_40 = arith.constant 0 : i32
      %dma_start3A_41 = tpu.memref_slice %arg10[%mul3A_4, %dma_start3A_40] : memref<10112x128xf32, #tpu.memory_space<vmem_shared>> -> memref<632x128xf32, #tpu.memory_space<vmem_shared>>
      %dma_start3A_42 = arith.constant 0 : i32
      %dma_start3A_43 = tpu.memref_slice %arg5[%mul3A_4, %dma_start3A_42] : memref<10112x128xf32, #tpu.memory_space<hbm>> -> memref<632x128xf32, #tpu.memory_space<hbm>>
      tpu.enqueue_dma source(%dma_start3A_43 : memref<632x128xf32, #tpu.memory_space<hbm>>) target(%dma_start3A_41 : memref<632x128xf32, #tpu.memory_space<vmem_shared>>) target_semaphore(%run_scoped3A : memref<!tpu.dma_semaphore, #tpu.memory_space<semaphore_mem>>)
      %dma_wait3A = arith.constant 0 : i32
      %dma_wait3A_44 = tpu.memref_slice %arg10[%mul3A_4, %dma_wait3A] : memref<10112x128xf32, #tpu.memory_space<vmem_shared>> -> memref<632x128xf32, #tpu.memory_space<vmem_shared>>
      %dma_wait3A_45 = arith.constant 0 : i32
      %dma_wait3A_46 = tpu.memref_slice %arg5[%mul3A_4, %dma_wait3A_45] : memref<10112x128xf32, #tpu.memory_space<hbm>> -> memref<632x128xf32, #tpu.memory_space<hbm>>
      tpu.wait_dma2 semaphore(%run_scoped3A : memref<!tpu.dma_semaphore, #tpu.memory_space<semaphore_mem>>) src(%dma_wait3A_46 : memref<632x128xf32, #tpu.memory_space<hbm>>) dst(%dma_wait3A_44 : memref<632x128xf32, #tpu.memory_space<vmem_shared>>)
      tpu.yield
    }) : () -> ()
    %add3A_5 = arith.constant 0 : i32
    %add3A_6 = arith.addi %mul3A_2, %add3A_5 : i32
    %dma_start3A = arith.constant 0 : i32
    %dma_start3A_7 = arith.constant 0 : i32
    %dma_start3A_8 = arith.constant 0 : i32
    %dma_start3A_9 = tpu.memref_slice %arg7[%dma_start3A, %dma_start3A_7, %dma_start3A_8] : memref<2x16x128xi32, #tpu.memory_space<vmem>> -> memref<1x16x128xi32, #tpu.memory_space<vmem>>
    %dma_start3A_10 = tpu.memref_squeeze %dma_start3A_9 : memref<1x16x128xi32, #tpu.memory_space<vmem>> -> memref<16x128xi32, #tpu.memory_space<vmem>>
    %dma_start3A_11 = arith.constant 0 : i32
    %dma_start3A_12 = tpu.memref_slice %arg3[%add3A_6, %dma_start3A_11] : memref<2560x128xi32, #tpu.memory_space<hbm>> -> memref<16x128xi32, #tpu.memory_space<hbm>>
    %dma_start3A_13 = arith.constant 0 : i32
    %dma_start3A_14 = arith.constant 0 : i32
    %dma_start3A_15 = tpu.memref_slice %arg7[%dma_start3A, %dma_start3A_13, %dma_start3A_14] : memref<2x16x128xi32, #tpu.memory_space<vmem>> -> memref<1x16x128xi32, #tpu.memory_space<vmem>>
    %dma_start3A_16 = tpu.memref_squeeze %dma_start3A_15 : memref<1x16x128xi32, #tpu.memory_space<vmem>> -> memref<16x128xi32, #tpu.memory_space<vmem>>
    %dma_start3A_17 = arith.constant 0 : i32
    %dma_start3A_18 = tpu.memref_slice %arg3[%add3A_6, %dma_start3A_17] : memref<2560x128xi32, #tpu.memory_space<hbm>> -> memref<16x128xi32, #tpu.memory_space<hbm>>
    tpu.enqueue_dma source(%dma_start3A_18 : memref<16x128xi32, #tpu.memory_space<hbm>>) target(%dma_start3A_16 : memref<16x128xi32, #tpu.memory_space<vmem>>) target_semaphore(%arg13 : memref<!tpu.dma_semaphore, #tpu.memory_space<semaphore_mem>>)
    %add3A_19 = arith.constant 0 : i32
    %add3A_20 = arith.addi %mul3A_2, %add3A_19 : i32
    %dma_start3A_21 = arith.constant 0 : i32
    %dma_start3A_22 = arith.constant 0 : i32
    %dma_start3A_23 = arith.constant 0 : i32
    %dma_start3A_24 = tpu.memref_slice %arg8[%dma_start3A_21, %dma_start3A_22, %dma_start3A_23] : memref<2x16x128xi32, #tpu.memory_space<vmem>> -> memref<1x16x128xi32, #tpu.memory_space<vmem>>
    %dma_start3A_25 = tpu.memref_squeeze %dma_start3A_24 : memref<1x16x128xi32, #tpu.memory_space<vmem>> -> memref<16x128xi32, #tpu.memory_space<vmem>>
    %dma_start3A_26 = arith.constant 0 : i32
    %dma_start3A_27 = tpu.memref_slice %arg4[%add3A_20, %dma_start3A_26] : memref<2560x128xi32, #tpu.memory_space<hbm>> -> memref<16x128xi32, #tpu.memory_space<hbm>>
    %dma_start3A_28 = arith.constant 0 : i32
    %dma_start3A_29 = arith.constant 0 : i32
    %dma_start3A_30 = tpu.memref_slice %arg8[%dma_start3A_21, %dma_start3A_28, %dma_start3A_29] : memref<2x16x128xi32, #tpu.memory_space<vmem>> -> memref<1x16x128xi32, #tpu.memory_space<vmem>>
    %dma_start3A_31 = tpu.memref_squeeze %dma_start3A_30 : memref<1x16x128xi32, #tpu.memory_space<vmem>> -> memref<16x128xi32, #tpu.memory_space<vmem>>
    %dma_start3A_32 = arith.constant 0 : i32
    %dma_start3A_33 = tpu.memref_slice %arg4[%add3A_20, %dma_start3A_32] : memref<2560x128xi32, #tpu.memory_space<hbm>> -> memref<16x128xi32, #tpu.memory_space<hbm>>
    tpu.enqueue_dma source(%dma_start3A_33 : memref<16x128xi32, #tpu.memory_space<hbm>>) target(%dma_start3A_31 : memref<16x128xi32, #tpu.memory_space<vmem>>) target_semaphore(%arg13 : memref<!tpu.dma_semaphore, #tpu.memory_space<semaphore_mem>>)
    %barrier3A = arith.constant 0 : index
    tpu.barrier barrier_id(%barrier3A)
    %scan3A = arith.constant 0 : i32
    %scan3A_34 = arith.constant 0 : i32
    %scan3A_35 = arith.constant 5 : i32
    %scan3A_36 = arith.addi %scan3A_34, %scan3A_35 : i32
    %scan3A_37 = arith.constant 1 : i32
    scf.for %scan3A_40 = %scan3A_34 to %scan3A_36 step %scan3A_37  : i32 {
      %rem3A = arith.constant 2 : i32
      %rem3A_41 = arith.remsi %scan3A_40, %rem3A : i32
      %mul3A_42 = arith.constant 16 : i32
      %mul3A_43 = arith.muli %scan3A_40, %mul3A_42 : i32
      %add3A_44 = arith.addi %mul3A_2, %mul3A_43 : i32
      %dma_wait3A = arith.constant 0 : i32
      %dma_wait3A_45 = arith.constant 0 : i32
      %dma_wait3A_46 = tpu.memref_slice %arg7[%rem3A_41, %dma_wait3A, %dma_wait3A_45] : memref<2x16x128xi32, #tpu.memory_space<vmem>> -> memref<1x16x128xi32, #tpu.memory_space<vmem>>
      %dma_wait3A_47 = tpu.memref_squeeze %dma_wait3A_46 : memref<1x16x128xi32, #tpu.memory_space<vmem>> -> memref<16x128xi32, #tpu.memory_space<vmem>>
      %dma_wait3A_48 = arith.constant 0 : i32
      %dma_wait3A_49 = tpu.memref_slice %arg3[%add3A_44, %dma_wait3A_48] : memref<2560x128xi32, #tpu.memory_space<hbm>> -> memref<16x128xi32, #tpu.memory_space<hbm>>
      %dma_wait3A_50 = arith.constant 0 : i32
      %dma_wait3A_51 = arith.constant 0 : i32
      %dma_wait3A_52 = tpu.memref_slice %arg7[%rem3A_41, %dma_wait3A_50, %dma_wait3A_51] : memref<2x16x128xi32, #tpu.memory_space<vmem>> -> memref<1x16x128xi32, #tpu.memory_space<vmem>>
      %dma_wait3A_53 = tpu.memref_squeeze %dma_wait3A_52 : memref<1x16x128xi32, #tpu.memory_space<vmem>> -> memref<16x128xi32, #tpu.memory_space<vmem>>
      %dma_wait3A_54 = arith.constant 0 : i32
      %dma_wait3A_55 = tpu.memref_slice %arg3[%add3A_44, %dma_wait3A_54] : memref<2560x128xi32, #tpu.memory_space<hbm>> -> memref<16x128xi32, #tpu.memory_space<hbm>>
      tpu.wait_dma2 semaphore(%arg13 : memref<!tpu.dma_semaphore, #tpu.memory_space<semaphore_mem>>) src(%dma_wait3A_55 : memref<16x128xi32, #tpu.memory_space<hbm>>) dst(%dma_wait3A_53 : memref<16x128xi32, #tpu.memory_space<vmem>>)
      %mul3A_56 = arith.constant 16 : i32
      %mul3A_57 = arith.muli %scan3A_40, %mul3A_56 : i32
      %add3A_58 = arith.addi %mul3A_2, %mul3A_57 : i32
      %dma_wait3A_59 = arith.constant 0 : i32
      %dma_wait3A_60 = arith.constant 0 : i32
      %dma_wait3A_61 = tpu.memref_slice %arg8[%rem3A_41, %dma_wait3A_59, %dma_wait3A_60] : memref<2x16x128xi32, #tpu.memory_space<vmem>> -> memref<1x16x128xi32, #tpu.memory_space<vmem>>
      %dma_wait3A_62 = tpu.memref_squeeze %dma_wait3A_61 : memref<1x16x128xi32, #tpu.memory_space<vmem>> -> memref<16x128xi32, #tpu.memory_space<vmem>>
      %dma_wait3A_63 = arith.constant 0 : i32
      %dma_wait3A_64 = tpu.memref_slice %arg4[%add3A_58, %dma_wait3A_63] : memref<2560x128xi32, #tpu.memory_space<hbm>> -> memref<16x128xi32, #tpu.memory_space<hbm>>
      %dma_wait3A_65 = arith.constant 0 : i32
      %dma_wait3A_66 = arith.constant 0 : i32
      %dma_wait3A_67 = tpu.memref_slice %arg8[%rem3A_41, %dma_wait3A_65, %dma_wait3A_66] : memref<2x16x128xi32, #tpu.memory_space<vmem>> -> memref<1x16x128xi32, #tpu.memory_space<vmem>>
      %dma_wait3A_68 = tpu.memref_squeeze %dma_wait3A_67 : memref<1x16x128xi32, #tpu.memory_space<vmem>> -> memref<16x128xi32, #tpu.memory_space<vmem>>
      %dma_wait3A_69 = arith.constant 0 : i32
      %dma_wait3A_70 = tpu.memref_slice %arg4[%add3A_58, %dma_wait3A_69] : memref<2560x128xi32, #tpu.memory_space<hbm>> -> memref<16x128xi32, #tpu.memory_space<hbm>>
      tpu.wait_dma2 semaphore(%arg13 : memref<!tpu.dma_semaphore, #tpu.memory_space<semaphore_mem>>) src(%dma_wait3A_70 : memref<16x128xi32, #tpu.memory_space<hbm>>) dst(%dma_wait3A_68 : memref<16x128xi32, #tpu.memory_space<vmem>>)
      %add3A_71 = arith.constant 1 : i32
      %add3A_72 = arith.addi %scan3A_40, %add3A_71 : i32
      %lt3A = arith.constant 5 : i32
      %lt3A_73 = arith.cmpi slt, %add3A_72, %lt3A : i32
      %convert_element_type3A = arith.extui %lt3A_73 : i1 to i32
      %cond3A = arith.constant 0 : i32
      %cond3A_74 = arith.cmpi ne, %convert_element_type3A, %cond3A : i32
      scf.if %cond3A_74 {
        %add3A_93 = arith.constant 1 : i32
        %add3A_94 = arith.addi %scan3A_40, %add3A_93 : i32
        %sub3A = arith.constant 1 : i32
        %sub3A_95 = arith.subi %sub3A, %rem3A_41 : i32
        %mul3A_96 = arith.constant 16 : i32
        %mul3A_97 = arith.muli %add3A_94, %mul3A_96 : i32
        %add3A_98 = arith.addi %mul3A_2, %mul3A_97 : i32
        %dma_start3A_99 = arith.constant 0 : i32
        %dma_start3A_100 = arith.constant 0 : i32
        %dma_start3A_101 = tpu.memref_slice %arg7[%sub3A_95, %dma_start3A_99, %dma_start3A_100] : memref<2x16x128xi32, #tpu.memory_space<vmem>> -> memref<1x16x128xi32, #tpu.memory_space<vmem>>
        %dma_start3A_102 = tpu.memref_squeeze %dma_start3A_101 : memref<1x16x128xi32, #tpu.memory_space<vmem>> -> memref<16x128xi32, #tpu.memory_space<vmem>>
        %dma_start3A_103 = arith.constant 0 : i32
        %dma_start3A_104 = tpu.memref_slice %arg3[%add3A_98, %dma_start3A_103] : memref<2560x128xi32, #tpu.memory_space<hbm>> -> memref<16x128xi32, #tpu.memory_space<hbm>>
        %dma_start3A_105 = arith.constant 0 : i32
        %dma_start3A_106 = arith.constant 0 : i32
        %dma_start3A_107 = tpu.memref_slice %arg7[%sub3A_95, %dma_start3A_105, %dma_start3A_106] : memref<2x16x128xi32, #tpu.memory_space<vmem>> -> memref<1x16x128xi32, #tpu.memory_space<vmem>>
        %dma_start3A_108 = tpu.memref_squeeze %dma_start3A_107 : memref<1x16x128xi32, #tpu.memory_space<vmem>> -> memref<16x128xi32, #tpu.memory_space<vmem>>
        %dma_start3A_109 = arith.constant 0 : i32
        %dma_start3A_110 = tpu.memref_slice %arg3[%add3A_98, %dma_start3A_109] : memref<2560x128xi32, #tpu.memory_space<hbm>> -> memref<16x128xi32, #tpu.memory_space<hbm>>
        tpu.enqueue_dma source(%dma_start3A_110 : memref<16x128xi32, #tpu.memory_space<hbm>>) target(%dma_start3A_108 : memref<16x128xi32, #tpu.memory_space<vmem>>) target_semaphore(%arg13 : memref<!tpu.dma_semaphore, #tpu.memory_space<semaphore_mem>>)
        %mul3A_111 = arith.constant 16 : i32
        %mul3A_112 = arith.muli %add3A_94, %mul3A_111 : i32
        %add3A_113 = arith.addi %mul3A_2, %mul3A_112 : i32
        %dma_start3A_114 = arith.constant 0 : i32
        %dma_start3A_115 = arith.constant 0 : i32
        %dma_start3A_116 = tpu.memref_slice %arg8[%sub3A_95, %dma_start3A_114, %dma_start3A_115] : memref<2x16x128xi32, #tpu.memory_space<vmem>> -> memref<1x16x128xi32, #tpu.memory_space<vmem>>
        %dma_start3A_117 = tpu.memref_squeeze %dma_start3A_116 : memref<1x16x128xi32, #tpu.memory_space<vmem>> -> memref<16x128xi32, #tpu.memory_space<vmem>>
        %dma_start3A_118 = arith.constant 0 : i32
        %dma_start3A_119 = tpu.memref_slice %arg4[%add3A_113, %dma_start3A_118] : memref<2560x128xi32, #tpu.memory_space<hbm>> -> memref<16x128xi32, #tpu.memory_space<hbm>>
        %dma_start3A_120 = arith.constant 0 : i32
        %dma_start3A_121 = arith.constant 0 : i32
        %dma_start3A_122 = tpu.memref_slice %arg8[%sub3A_95, %dma_start3A_120, %dma_start3A_121] : memref<2x16x128xi32, #tpu.memory_space<vmem>> -> memref<1x16x128xi32, #tpu.memory_space<vmem>>
        %dma_start3A_123 = tpu.memref_squeeze %dma_start3A_122 : memref<1x16x128xi32, #tpu.memory_space<vmem>> -> memref<16x128xi32, #tpu.memory_space<vmem>>
        %dma_start3A_124 = arith.constant 0 : i32
        %dma_start3A_125 = tpu.memref_slice %arg4[%add3A_113, %dma_start3A_124] : memref<2560x128xi32, #tpu.memory_space<hbm>> -> memref<16x128xi32, #tpu.memory_space<hbm>>
        tpu.enqueue_dma source(%dma_start3A_125 : memref<16x128xi32, #tpu.memory_space<hbm>>) target(%dma_start3A_123 : memref<16x128xi32, #tpu.memory_space<vmem>>) target_semaphore(%arg13 : memref<!tpu.dma_semaphore, #tpu.memory_space<semaphore_mem>>)
      } else {
      }
      %dma_start3A_75 = arith.constant 0 : i32
      %dma_start3A_76 = arith.constant 0 : i32
      %dma_start3A_77 = arith.constant 0 : i32
      %dma_start3A_78 = arith.constant 0 : i32
      %dma_start3A_79 = tpu.memref_slice %arg9[%dma_start3A_76, %dma_start3A_77, %dma_start3A_78] : memref<2x128x128xf32, #tpu.memory_space<vmem>> -> memref<1x128x128xf32, #tpu.memory_space<vmem>>
      %dma_start3A_80 = tpu.memref_squeeze %dma_start3A_79 : memref<1x128x128xf32, #tpu.memory_space<vmem>> -> memref<128x128xf32, #tpu.memory_space<vmem>>
      %dma_start3A_81 = arith.constant 0 : i32
      %dma_start3A_82 = tpu.memref_slice %arg7[%rem3A_41, %dma_start3A_75, %dma_start3A_81] : memref<2x16x128xi32, #tpu.memory_space<vmem>> -> memref<1x1x128xi32, #tpu.memory_space<vmem>>
      %dma_start3A_83 = tpu.memref_squeeze %dma_start3A_82 : memref<1x1x128xi32, #tpu.memory_space<vmem>> -> memref<128xi32, #tpu.memory_space<vmem>>
      %dma_start3A_84 = arith.constant 0 : i32
      %dma_start3A_85 = arith.constant 0 : i32
      %dma_start3A_86 = tpu.memref_slice %arg2[%dma_start3A_84, %dma_start3A_85] : memref<10112x128xf32, #tpu.memory_space<hbm>> -> memref<10112x128xf32, #tpu.memory_space<hbm>>
      tpu.enqueue_indirect_dma source(%dma_start3A_86 : memref<10112x128xf32, #tpu.memory_space<hbm>>) target(%dma_start3A_80 : memref<128x128xf32, #tpu.memory_space<vmem>>) offsets(%dma_start3A_83 : memref<128xi32, #tpu.memory_space<vmem>>) semaphore(%arg11 : memref<!tpu.dma_semaphore, #tpu.memory_space<semaphore_mem>>)
      %scan3A_87 = arith.constant 0 : i32
      %scan3A_88 = arith.constant 0 : i32
      %scan3A_89 = arith.constant 8 : i32
      %scan3A_90 = arith.addi %scan3A_88, %scan3A_89 : i32
      %scan3A_91 = arith.constant 1 : i32
      scf.for %scan3A_93 = %scan3A_88 to %scan3A_90 step %scan3A_91  : i32 {
        %mul3A_94 = arith.constant 2 : i32
        %mul3A_95 = arith.muli %mul3A_94, %scan3A_93 : i32
        %add3A_96 = arith.constant 1 : i32
        %add3A_97 = arith.addi %mul3A_95, %add3A_96 : i32
        %dma_start3A_98 = arith.constant 1 : i32
        %dma_start3A_99 = arith.constant 0 : i32
        %dma_start3A_100 = arith.constant 0 : i32
        %dma_start3A_101 = tpu.memref_slice %arg9[%dma_start3A_98, %dma_start3A_99, %dma_start3A_100] : memref<2x128x128xf32, #tpu.memory_space<vmem>> -> memref<1x128x128xf32, #tpu.memory_space<vmem>>
        %dma_start3A_102 = tpu.memref_squeeze %dma_start3A_101 : memref<1x128x128xf32, #tpu.memory_space<vmem>> -> memref<128x128xf32, #tpu.memory_space<vmem>>
        %dma_start3A_103 = arith.constant 0 : i32
        %dma_start3A_104 = tpu.memref_slice %arg7[%rem3A_41, %add3A_97, %dma_start3A_103] : memref<2x16x128xi32, #tpu.memory_space<vmem>> -> memref<1x1x128xi32, #tpu.memory_space<vmem>>
        %dma_start3A_105 = tpu.memref_squeeze %dma_start3A_104 : memref<1x1x128xi32, #tpu.memory_space<vmem>> -> memref<128xi32, #tpu.memory_space<vmem>>
        %dma_start3A_106 = arith.constant 0 : i32
        %dma_start3A_107 = arith.constant 0 : i32
        %dma_start3A_108 = tpu.memref_slice %arg2[%dma_start3A_106, %dma_start3A_107] : memref<10112x128xf32, #tpu.memory_space<hbm>> -> memref<10112x128xf32, #tpu.memory_space<hbm>>
        tpu.enqueue_indirect_dma source(%dma_start3A_108 : memref<10112x128xf32, #tpu.memory_space<hbm>>) target(%dma_start3A_102 : memref<128x128xf32, #tpu.memory_space<vmem>>) offsets(%dma_start3A_105 : memref<128xi32, #tpu.memory_space<vmem>>) semaphore(%arg12 : memref<!tpu.dma_semaphore, #tpu.memory_space<semaphore_mem>>)
        %mul3A_109 = arith.constant 2 : i32
        %mul3A_110 = arith.muli %mul3A_109, %scan3A_93 : i32
        %dma_wait3A_111 = arith.constant 0 : i32
        %dma_wait3A_112 = arith.constant 0 : i32
        %dma_wait3A_113 = arith.constant 0 : i32
        %dma_wait3A_114 = tpu.memref_slice %arg9[%dma_wait3A_111, %dma_wait3A_112, %dma_wait3A_113] : memref<2x128x128xf32, #tpu.memory_space<vmem>> -> memref<1x128x128xf32, #tpu.memory_space<vmem>>
        %dma_wait3A_115 = tpu.memref_squeeze %dma_wait3A_114 : memref<1x128x128xf32, #tpu.memory_space<vmem>> -> memref<128x128xf32, #tpu.memory_space<vmem>>
        %dma_wait3A_116 = arith.constant 0 : i32
        %dma_wait3A_117 = tpu.memref_slice %arg7[%rem3A_41, %mul3A_110, %dma_wait3A_116] : memref<2x16x128xi32, #tpu.memory_space<vmem>> -> memref<1x1x128xi32, #tpu.memory_space<vmem>>
        %dma_wait3A_118 = tpu.memref_squeeze %dma_wait3A_117 : memref<1x1x128xi32, #tpu.memory_space<vmem>> -> memref<128xi32, #tpu.memory_space<vmem>>
        %dma_wait3A_119 = arith.constant 0 : i32
        %dma_wait3A_120 = arith.constant 0 : i32
        %dma_wait3A_121 = tpu.memref_slice %arg2[%dma_wait3A_119, %dma_wait3A_120] : memref<10112x128xf32, #tpu.memory_space<hbm>> -> memref<10112x128xf32, #tpu.memory_space<hbm>>
        tpu.wait_indirect_dma semaphore(%arg11 : memref<!tpu.dma_semaphore, #tpu.memory_space<semaphore_mem>>) src(%dma_wait3A_121 : memref<10112x128xf32, #tpu.memory_space<hbm>>) dst(%dma_wait3A_115 : memref<128x128xf32, #tpu.memory_space<vmem>>)
        %mul3A_122 = arith.constant 2 : i32
        %mul3A_123 = arith.muli %mul3A_122, %scan3A_93 : i32
        %run_scoped3A = arith.constant 0 : i32
        "tpu.region"() ({
          %run_scoped3A_153 = tpu.sem_alloc : memref<!tpu.dma_semaphore, #tpu.memory_space<semaphore_mem>>
          %dma_start3A_154 = arith.constant 0 : i32
          %dma_start3A_155 = arith.constant 0 : i32
          %dma_start3A_156 = tpu.memref_slice %arg9[%run_scoped3A, %dma_start3A_154, %dma_start3A_155] : memref<2x128x128xf32, #tpu.memory_space<vmem>> -> memref<1x128x128xf32, #tpu.memory_space<vmem>>
          %dma_start3A_157 = tpu.memref_squeeze %dma_start3A_156 : memref<1x128x128xf32, #tpu.memory_space<vmem>> -> memref<128x128xf32, #tpu.memory_space<vmem>>
          %dma_start3A_158 = arith.constant 0 : i32
          %dma_start3A_159 = tpu.memref_slice %arg8[%rem3A_41, %mul3A_123, %dma_start3A_158] : memref<2x16x128xi32, #tpu.memory_space<vmem>> -> memref<1x1x128xi32, #tpu.memory_space<vmem>>
          %dma_start3A_160 = tpu.memref_squeeze %dma_start3A_159 : memref<1x1x128xi32, #tpu.memory_space<vmem>> -> memref<128xi32, #tpu.memory_space<vmem>>
          %dma_start3A_161 = arith.constant 0 : i32
          %dma_start3A_162 = arith.constant 0 : i32
          %dma_start3A_163 = tpu.memref_slice %arg10[%dma_start3A_161, %dma_start3A_162] : memref<10112x128xf32, #tpu.memory_space<vmem_shared>> -> memref<10112x128xf32, #tpu.memory_space<vmem_shared>>
          tpu.enqueue_indirect_dma source(%dma_start3A_157 : memref<128x128xf32, #tpu.memory_space<vmem>>) target(%dma_start3A_163 : memref<10112x128xf32, #tpu.memory_space<vmem_shared>>) offsets(%dma_start3A_160 : memref<128xi32, #tpu.memory_space<vmem>>) semaphore(%run_scoped3A_153 : memref<!tpu.dma_semaphore, #tpu.memory_space<semaphore_mem>>) {add = true}
          %dma_wait3A_164 = arith.constant 0 : i32
          %dma_wait3A_165 = arith.constant 0 : i32
          %dma_wait3A_166 = tpu.memref_slice %arg9[%run_scoped3A, %dma_wait3A_164, %dma_wait3A_165] : memref<2x128x128xf32, #tpu.memory_space<vmem>> -> memref<1x128x128xf32, #tpu.memory_space<vmem>>
          %dma_wait3A_167 = tpu.memref_squeeze %dma_wait3A_166 : memref<1x128x128xf32, #tpu.memory_space<vmem>> -> memref<128x128xf32, #tpu.memory_space<vmem>>
          %dma_wait3A_168 = arith.constant 0 : i32
          %dma_wait3A_169 = tpu.memref_slice %arg8[%rem3A_41, %mul3A_123, %dma_wait3A_168] : memref<2x16x128xi32, #tpu.memory_space<vmem>> -> memref<1x1x128xi32, #tpu.memory_space<vmem>>
          %dma_wait3A_170 = tpu.memref_squeeze %dma_wait3A_169 : memref<1x1x128xi32, #tpu.memory_space<vmem>> -> memref<128xi32, #tpu.memory_space<vmem>>
          %dma_wait3A_171 = arith.constant 0 : i32
          %dma_wait3A_172 = arith.constant 0 : i32
          %dma_wait3A_173 = tpu.memref_slice %arg10[%dma_wait3A_171, %dma_wait3A_172] : memref<10112x128xf32, #tpu.memory_space<vmem_shared>> -> memref<10112x128xf32, #tpu.memory_space<vmem_shared>>
          tpu.wait_indirect_dma semaphore(%run_scoped3A_153 : memref<!tpu.dma_semaphore, #tpu.memory_space<semaphore_mem>>) src(%dma_wait3A_167 : memref<128x128xf32, #tpu.memory_space<vmem>>) dst(%dma_wait3A_173 : memref<10112x128xf32, #tpu.memory_space<vmem_shared>>)
          tpu.yield
        }) : () -> ()
        %mul3A_124 = arith.constant 2 : i32
        %mul3A_125 = arith.muli %mul3A_124, %scan3A_93 : i32
        %add3A_126 = arith.constant 2 : i32
        %add3A_127 = arith.addi %mul3A_125, %add3A_126 : i32
        %lt3A_128 = arith.constant 16 : i32
        %lt3A_129 = arith.cmpi slt, %add3A_127, %lt3A_128 : i32
        %convert_element_type3A_130 = arith.extui %lt3A_129 : i1 to i32
        %cond3A_131 = arith.constant 0 : i32
        %cond3A_132 = arith.cmpi ne, %convert_element_type3A_130, %cond3A_131 : i32
        scf.if %cond3A_132 {
          %mul3A_153 = arith.constant 2 : i32
          %mul3A_154 = arith.muli %mul3A_153, %scan3A_93 : i32
          %add3A_155 = arith.constant 2 : i32
          %add3A_156 = arith.addi %mul3A_154, %add3A_155 : i32
          %dma_start3A_157 = arith.constant 0 : i32
          %dma_start3A_158 = arith.constant 0 : i32
          %dma_start3A_159 = arith.constant 0 : i32
          %dma_start3A_160 = tpu.memref_slice %arg9[%dma_start3A_157, %dma_start3A_158, %dma_start3A_159] : memref<2x128x128xf32, #tpu.memory_space<vmem>> -> memref<1x128x128xf32, #tpu.memory_space<vmem>>
          %dma_start3A_161 = tpu.memref_squeeze %dma_start3A_160 : memref<1x128x128xf32, #tpu.memory_space<vmem>> -> memref<128x128xf32, #tpu.memory_space<vmem>>
          %dma_start3A_162 = arith.constant 0 : i32
          %dma_start3A_163 = tpu.memref_slice %arg7[%rem3A_41, %add3A_156, %dma_start3A_162] : memref<2x16x128xi32, #tpu.memory_space<vmem>> -> memref<1x1x128xi32, #tpu.memory_space<vmem>>
          %dma_start3A_164 = tpu.memref_squeeze %dma_start3A_163 : memref<1x1x128xi32, #tpu.memory_space<vmem>> -> memref<128xi32, #tpu.memory_space<vmem>>
          %dma_start3A_165 = arith.constant 0 : i32
          %dma_start3A_166 = arith.constant 0 : i32
          %dma_start3A_167 = tpu.memref_slice %arg2[%dma_start3A_165, %dma_start3A_166] : memref<10112x128xf32, #tpu.memory_space<hbm>> -> memref<10112x128xf32, #tpu.memory_space<hbm>>
          tpu.enqueue_indirect_dma source(%dma_start3A_167 : memref<10112x128xf32, #tpu.memory_space<hbm>>) target(%dma_start3A_161 : memref<128x128xf32, #tpu.memory_space<vmem>>) offsets(%dma_start3A_164 : memref<128xi32, #tpu.memory_space<vmem>>) semaphore(%arg11 : memref<!tpu.dma_semaphore, #tpu.memory_space<semaphore_mem>>)
        } else {
        }
        %mul3A_133 = arith.constant 2 : i32
        %mul3A_134 = arith.muli %mul3A_133, %scan3A_93 : i32
        %add3A_135 = arith.constant 1 : i32
        %add3A_136 = arith.addi %mul3A_134, %add3A_135 : i32
        %dma_wait3A_137 = arith.constant 1 : i32
        %dma_wait3A_138 = arith.constant 0 : i32
        %dma_wait3A_139 = arith.constant 0 : i32
        %dma_wait3A_140 = tpu.memref_slice %arg9[%dma_wait3A_137, %dma_wait3A_138, %dma_wait3A_139] : memref<2x128x128xf32, #tpu.memory_space<vmem>> -> memref<1x128x128xf32, #tpu.memory_space<vmem>>
        %dma_wait3A_141 = tpu.memref_squeeze %dma_wait3A_140 : memref<1x128x128xf32, #tpu.memory_space<vmem>> -> memref<128x128xf32, #tpu.memory_space<vmem>>
        %dma_wait3A_142 = arith.constant 0 : i32
        %dma_wait3A_143 = tpu.memref_slice %arg7[%rem3A_41, %add3A_136, %dma_wait3A_142] : memref<2x16x128xi32, #tpu.memory_space<vmem>> -> memref<1x1x128xi32, #tpu.memory_space<vmem>>
        %dma_wait3A_144 = tpu.memref_squeeze %dma_wait3A_143 : memref<1x1x128xi32, #tpu.memory_space<vmem>> -> memref<128xi32, #tpu.memory_space<vmem>>
        %dma_wait3A_145 = arith.constant 0 : i32
        %dma_wait3A_146 = arith.constant 0 : i32
        %dma_wait3A_147 = tpu.memref_slice %arg2[%dma_wait3A_145, %dma_wait3A_146] : memref<10112x128xf32, #tpu.memory_space<hbm>> -> memref<10112x128xf32, #tpu.memory_space<hbm>>
        tpu.wait_indirect_dma semaphore(%arg12 : memref<!tpu.dma_semaphore, #tpu.memory_space<semaphore_mem>>) src(%dma_wait3A_147 : memref<10112x128xf32, #tpu.memory_space<hbm>>) dst(%dma_wait3A_141 : memref<128x128xf32, #tpu.memory_space<vmem>>)
        %mul3A_148 = arith.constant 2 : i32
        %mul3A_149 = arith.muli %mul3A_148, %scan3A_93 : i32
        %add3A_150 = arith.constant 1 : i32
        %add3A_151 = arith.addi %mul3A_149, %add3A_150 : i32
        %run_scoped3A_152 = arith.constant 1 : i32
        "tpu.region"() ({
          %run_scoped3A_153 = tpu.sem_alloc : memref<!tpu.dma_semaphore, #tpu.memory_space<semaphore_mem>>
          %dma_start3A_154 = arith.constant 0 : i32
          %dma_start3A_155 = arith.constant 0 : i32
          %dma_start3A_156 = tpu.memref_slice %arg9[%run_scoped3A_152, %dma_start3A_154, %dma_start3A_155] : memref<2x128x128xf32, #tpu.memory_space<vmem>> -> memref<1x128x128xf32, #tpu.memory_space<vmem>>
          %dma_start3A_157 = tpu.memref_squeeze %dma_start3A_156 : memref<1x128x128xf32, #tpu.memory_space<vmem>> -> memref<128x128xf32, #tpu.memory_space<vmem>>
          %dma_start3A_158 = arith.constant 0 : i32
          %dma_start3A_159 = tpu.memref_slice %arg8[%rem3A_41, %add3A_151, %dma_start3A_158] : memref<2x16x128xi32, #tpu.memory_space<vmem>> -> memref<1x1x128xi32, #tpu.memory_space<vmem>>
          %dma_start3A_160 = tpu.memref_squeeze %dma_start3A_159 : memref<1x1x128xi32, #tpu.memory_space<vmem>> -> memref<128xi32, #tpu.memory_space<vmem>>
          %dma_start3A_161 = arith.constant 0 : i32
          %dma_start3A_162 = arith.constant 0 : i32
          %dma_start3A_163 = tpu.memref_slice %arg10[%dma_start3A_161, %dma_start3A_162] : memref<10112x128xf32, #tpu.memory_space<vmem_shared>> -> memref<10112x128xf32, #tpu.memory_space<vmem_shared>>
          tpu.enqueue_indirect_dma source(%dma_start3A_157 : memref<128x128xf32, #tpu.memory_space<vmem>>) target(%dma_start3A_163 : memref<10112x128xf32, #tpu.memory_space<vmem_shared>>) offsets(%dma_start3A_160 : memref<128xi32, #tpu.memory_space<vmem>>) semaphore(%run_scoped3A_153 : memref<!tpu.dma_semaphore, #tpu.memory_space<semaphore_mem>>) {add = true}
          %dma_wait3A_164 = arith.constant 0 : i32
          %dma_wait3A_165 = arith.constant 0 : i32
          %dma_wait3A_166 = tpu.memref_slice %arg9[%run_scoped3A_152, %dma_wait3A_164, %dma_wait3A_165] : memref<2x128x128xf32, #tpu.memory_space<vmem>> -> memref<1x128x128xf32, #tpu.memory_space<vmem>>
          %dma_wait3A_167 = tpu.memref_squeeze %dma_wait3A_166 : memref<1x128x128xf32, #tpu.memory_space<vmem>> -> memref<128x128xf32, #tpu.memory_space<vmem>>
          %dma_wait3A_168 = arith.constant 0 : i32
          %dma_wait3A_169 = tpu.memref_slice %arg8[%rem3A_41, %add3A_151, %dma_wait3A_168] : memref<2x16x128xi32, #tpu.memory_space<vmem>> -> memref<1x1x128xi32, #tpu.memory_space<vmem>>
          %dma_wait3A_170 = tpu.memref_squeeze %dma_wait3A_169 : memref<1x1x128xi32, #tpu.memory_space<vmem>> -> memref<128xi32, #tpu.memory_space<vmem>>
          %dma_wait3A_171 = arith.constant 0 : i32
          %dma_wait3A_172 = arith.constant 0 : i32
          %dma_wait3A_173 = tpu.memref_slice %arg10[%dma_wait3A_171, %dma_wait3A_172] : memref<10112x128xf32, #tpu.memory_space<vmem_shared>> -> memref<10112x128xf32, #tpu.memory_space<vmem_shared>>
          tpu.wait_indirect_dma semaphore(%run_scoped3A_153 : memref<!tpu.dma_semaphore, #tpu.memory_space<semaphore_mem>>) src(%dma_wait3A_167 : memref<128x128xf32, #tpu.memory_space<vmem>>) dst(%dma_wait3A_173 : memref<10112x128xf32, #tpu.memory_space<vmem_shared>>)
          tpu.yield
        }) : () -> ()
      }
      %scan3A_92 = arith.constant 8 : i32
    }
    %scan3A_38 = arith.constant 5 : i32
    %barrier3A_39 = arith.constant 0 : index
    tpu.barrier barrier_id(%barrier3A_39)
    "tpu.region"() ({
      %run_scoped3A = tpu.sem_alloc : memref<!tpu.dma_semaphore, #tpu.memory_space<semaphore_mem>>
      %dma_start3A_40 = arith.constant 0 : i32
      %dma_start3A_41 = tpu.memref_slice %arg6[%arg0, %mul3A_4, %dma_start3A_40] : memref<2x10112x128xf32, #tpu.memory_space<hbm>> -> memref<1x632x128xf32, #tpu.memory_space<hbm>>
      %dma_start3A_42 = tpu.memref_squeeze %dma_start3A_41 : memref<1x632x128xf32, #tpu.memory_space<hbm>> -> memref<632x128xf32, #tpu.memory_space<hbm>>
      %dma_start3A_43 = arith.constant 0 : i32
      %dma_start3A_44 = tpu.memref_slice %arg10[%mul3A_4, %dma_start3A_43] : memref<10112x128xf32, #tpu.memory_space<vmem_shared>> -> memref<632x128xf32, #tpu.memory_space<vmem_shared>>
      tpu.enqueue_dma source(%dma_start3A_44 : memref<632x128xf32, #tpu.memory_space<vmem_shared>>) target(%dma_start3A_42 : memref<632x128xf32, #tpu.memory_space<hbm>>) target_semaphore(%run_scoped3A : memref<!tpu.dma_semaphore, #tpu.memory_space<semaphore_mem>>)
      %dma_wait3A = arith.constant 0 : i32
      %dma_wait3A_45 = tpu.memref_slice %arg6[%arg0, %mul3A_4, %dma_wait3A] : memref<2x10112x128xf32, #tpu.memory_space<hbm>> -> memref<1x632x128xf32, #tpu.memory_space<hbm>>
      %dma_wait3A_46 = tpu.memref_squeeze %dma_wait3A_45 : memref<1x632x128xf32, #tpu.memory_space<hbm>> -> memref<632x128xf32, #tpu.memory_space<hbm>>
      %dma_wait3A_47 = arith.constant 0 : i32
      %dma_wait3A_48 = tpu.memref_slice %arg10[%mul3A_4, %dma_wait3A_47] : memref<10112x128xf32, #tpu.memory_space<vmem_shared>> -> memref<632x128xf32, #tpu.memory_space<vmem_shared>>
      tpu.wait_dma2 semaphore(%run_scoped3A : memref<!tpu.dma_semaphore, #tpu.memory_space<semaphore_mem>>) src(%dma_wait3A_48 : memref<632x128xf32, #tpu.memory_space<vmem_shared>>) dst(%dma_wait3A_46 : memref<632x128xf32, #tpu.memory_space<hbm>>)
      tpu.yield
    }) : () -> ()
    return
  }
}

#map = affine_map<(d0, d1) -> (0, 0)>
#map1 = affine_map<(d0, d1) -> (0, 0, 0)>
module attributes {stable_mosaic.version = 14 : i64} {
  func.func @scatter_kernel(%arg0: i32, %arg1: i32, %arg2: memref<10112x128xf32, #tpu.memory_space<hbm>>, %arg3: memref<2560x128xi32, #tpu.memory_space<hbm>>, %arg4: memref<2560x128xi32, #tpu.memory_space<hbm>>, %arg5: memref<10112x128xf32, #tpu.memory_space<hbm>>, %arg6: memref<2x10112x128xf32, #tpu.memory_space<hbm>>, %arg7: memref<2x16x128xi32, #tpu.memory_space<vmem>>, %arg8: memref<2x16x128xi32, #tpu.memory_space<vmem>>, %arg9: memref<2x128x128xf32, #tpu.memory_space<vmem>>, %arg10: memref<10112x128xf32, #tpu.memory_space<vmem_shared>>, %arg11: memref<!tpu.dma_semaphore, #tpu.memory_space<semaphore_mem>>, %arg12: memref<!tpu.dma_semaphore, #tpu.memory_space<semaphore_mem>>, %arg13: memref<!tpu.dma_semaphore, #tpu.memory_space<semaphore_mem>>) attributes {dimension_semantics = [#tpu.dimension_semantics<core_parallel>, #tpu.dimension_semantics<subcore_parallel>], iteration_bounds = array<i64: 2, 16>, scalar_prefetch = 0 : i64, scratch_operands = 7 : i64, tpu.core_type = #tpu.core_type<sc_vector_subcore>, window_params = [{transform_indices = #map}, {transform_indices = #map}, {transform_indices = #map}, {transform_indices = #map}, {transform_indices = #map1}]} {
    %mul3A = arith.constant 16 : i32
    %mul3A_0 = arith.muli %arg0, %mul3A : i32
    %add3A = arith.addi %mul3A_0, %arg1 : i32
    %mul3A_1 = arith.constant 80 : i32
    %mul3A_2 = arith.muli %add3A, %mul3A_1 : i32
    %mul3A_3 = arith.constant 632 : i32
    %mul3A_4 = arith.muli %arg1, %mul3A_3 : i32
    "tpu.region"() ({
      %run_scoped3A = tpu.sem_alloc : memref<!tpu.dma_semaphore, #tpu.memory_space<semaphore_mem>>
      %dma_start3A_40 = arith.constant 0 : i32
      %dma_start3A_41 = tpu.memref_slice %arg10[%mul3A_4, %dma_start3A_40] : memref<10112x128xf32, #tpu.memory_space<vmem_shared>> -> memref<632x128xf32, #tpu.memory_space<vmem_shared>>
      %dma_start3A_42 = arith.constant 0 : i32
      %dma_start3A_43 = tpu.memref_slice %arg5[%mul3A_4, %dma_start3A_42] : memref<10112x128xf32, #tpu.memory_space<hbm>> -> memref<632x128xf32, #tpu.memory_space<hbm>>
      tpu.enqueue_dma source(%dma_start3A_43 : memref<632x128xf32, #tpu.memory_space<hbm>>) target(%dma_start3A_41 : memref<632x128xf32, #tpu.memory_space<vmem_shared>>) target_semaphore(%run_scoped3A : memref<!tpu.dma_semaphore, #tpu.memory_space<semaphore_mem>>)
      %dma_wait3A = arith.constant 0 : i32
      %dma_wait3A_44 = tpu.memref_slice %arg10[%mul3A_4, %dma_wait3A] : memref<10112x128xf32, #tpu.memory_space<vmem_shared>> -> memref<632x128xf32, #tpu.memory_space<vmem_shared>>
      %dma_wait3A_45 = arith.constant 0 : i32
      %dma_wait3A_46 = tpu.memref_slice %arg5[%mul3A_4, %dma_wait3A_45] : memref<10112x128xf32, #tpu.memory_space<hbm>> -> memref<632x128xf32, #tpu.memory_space<hbm>>
      tpu.wait_dma2 semaphore(%run_scoped3A : memref<!tpu.dma_semaphore, #tpu.memory_space<semaphore_mem>>) src(%dma_wait3A_46 : memref<632x128xf32, #tpu.memory_space<hbm>>) dst(%dma_wait3A_44 : memref<632x128xf32, #tpu.memory_space<vmem_shared>>)
      tpu.yield
    }) : () -> ()
    %add3A_5 = arith.constant 0 : i32
    %add3A_6 = arith.addi %mul3A_2, %add3A_5 : i32
    %dma_start3A = arith.constant 0 : i32
    %dma_start3A_7 = arith.constant 0 : i32
    %dma_start3A_8 = arith.constant 0 : i32
    %dma_start3A_9 = tpu.memref_slice %arg7[%dma_start3A, %dma_start3A_7, %dma_start3A_8] : memref<2x16x128xi32, #tpu.memory_space<vmem>> -> memref<1x16x128xi32, #tpu.memory_space<vmem>>
    %dma_start3A_10 = tpu.memref_squeeze %dma_start3A_9 : memref<1x16x128xi32, #tpu.memory_space<vmem>> -> memref<16x128xi32, #tpu.memory_space<vmem>>
    %dma_start3A_11 = arith.constant 0 : i32
    %dma_start3A_12 = tpu.memref_slice %arg3[%add3A_6, %dma_start3A_11] : memref<2560x128xi32, #tpu.memory_space<hbm>> -> memref<16x128xi32, #tpu.memory_space<hbm>>
    %dma_start3A_13 = arith.constant 0 : i32
    %dma_start3A_14 = arith.constant 0 : i32
    %dma_start3A_15 = tpu.memref_slice %arg7[%dma_start3A, %dma_start3A_13, %dma_start3A_14] : memref<2x16x128xi32, #tpu.memory_space<vmem>> -> memref<1x16x128xi32, #tpu.memory_space<vmem>>
    %dma_start3A_16 = tpu.memref_squeeze %dma_start3A_15 : memref<1x16x128xi32, #tpu.memory_space<vmem>> -> memref<16x128xi32, #tpu.memory_space<vmem>>
    %dma_start3A_17 = arith.constant 0 : i32
    %dma_start3A_18 = tpu.memref_slice %arg3[%add3A_6, %dma_start3A_17] : memref<2560x128xi32, #tpu.memory_space<hbm>> -> memref<16x128xi32, #tpu.memory_space<hbm>>
    tpu.enqueue_dma source(%dma_start3A_18 : memref<16x128xi32, #tpu.memory_space<hbm>>) target(%dma_start3A_16 : memref<16x128xi32, #tpu.memory_space<vmem>>) target_semaphore(%arg13 : memref<!tpu.dma_semaphore, #tpu.memory_space<semaphore_mem>>)
    %add3A_19 = arith.constant 0 : i32
    %add3A_20 = arith.addi %mul3A_2, %add3A_19 : i32
    %dma_start3A_21 = arith.constant 0 : i32
    %dma_start3A_22 = arith.constant 0 : i32
    %dma_start3A_23 = arith.constant 0 : i32
    %dma_start3A_24 = tpu.memref_slice %arg8[%dma_start3A_21, %dma_start3A_22, %dma_start3A_23] : memref<2x16x128xi32, #tpu.memory_space<vmem>> -> memref<1x16x128xi32, #tpu.memory_space<vmem>>
    %dma_start3A_25 = tpu.memref_squeeze %dma_start3A_24 : memref<1x16x128xi32, #tpu.memory_space<vmem>> -> memref<16x128xi32, #tpu.memory_space<vmem>>
    %dma_start3A_26 = arith.constant 0 : i32
    %dma_start3A_27 = tpu.memref_slice %arg4[%add3A_20, %dma_start3A_26] : memref<2560x128xi32, #tpu.memory_space<hbm>> -> memref<16x128xi32, #tpu.memory_space<hbm>>
    %dma_start3A_28 = arith.constant 0 : i32
    %dma_start3A_29 = arith.constant 0 : i32
    %dma_start3A_30 = tpu.memref_slice %arg8[%dma_start3A_21, %dma_start3A_28, %dma_start3A_29] : memref<2x16x128xi32, #tpu.memory_space<vmem>> -> memref<1x16x128xi32, #tpu.memory_space<vmem>>
    %dma_start3A_31 = tpu.memref_squeeze %dma_start3A_30 : memref<1x16x128xi32, #tpu.memory_space<vmem>> -> memref<16x128xi32, #tpu.memory_space<vmem>>
    %dma_start3A_32 = arith.constant 0 : i32
    %dma_start3A_33 = tpu.memref_slice %arg4[%add3A_20, %dma_start3A_32] : memref<2560x128xi32, #tpu.memory_space<hbm>> -> memref<16x128xi32, #tpu.memory_space<hbm>>
    tpu.enqueue_dma source(%dma_start3A_33 : memref<16x128xi32, #tpu.memory_space<hbm>>) target(%dma_start3A_31 : memref<16x128xi32, #tpu.memory_space<vmem>>) target_semaphore(%arg13 : memref<!tpu.dma_semaphore, #tpu.memory_space<semaphore_mem>>)
    %barrier3A = arith.constant 0 : index
    tpu.barrier barrier_id(%barrier3A)
    %scan3A = arith.constant 0 : i32
    %scan3A_34 = arith.constant 0 : i32
    %scan3A_35 = arith.constant 5 : i32
    %scan3A_36 = arith.addi %scan3A_34, %scan3A_35 : i32
    %scan3A_37 = arith.constant 1 : i32
    scf.for %scan3A_40 = %scan3A_34 to %scan3A_36 step %scan3A_37  : i32 {
      %rem3A = arith.constant 2 : i32
      %rem3A_41 = arith.remsi %scan3A_40, %rem3A : i32
      %mul3A_42 = arith.constant 16 : i32
      %mul3A_43 = arith.muli %scan3A_40, %mul3A_42 : i32
      %add3A_44 = arith.addi %mul3A_2, %mul3A_43 : i32
      %dma_wait3A = arith.constant 0 : i32
      %dma_wait3A_45 = arith.constant 0 : i32
      %dma_wait3A_46 = tpu.memref_slice %arg7[%rem3A_41, %dma_wait3A, %dma_wait3A_45] : memref<2x16x128xi32, #tpu.memory_space<vmem>> -> memref<1x16x128xi32, #tpu.memory_space<vmem>>
      %dma_wait3A_47 = tpu.memref_squeeze %dma_wait3A_46 : memref<1x16x128xi32, #tpu.memory_space<vmem>> -> memref<16x128xi32, #tpu.memory_space<vmem>>
      %dma_wait3A_48 = arith.constant 0 : i32
      %dma_wait3A_49 = tpu.memref_slice %arg3[%add3A_44, %dma_wait3A_48] : memref<2560x128xi32, #tpu.memory_space<hbm>> -> memref<16x128xi32, #tpu.memory_space<hbm>>
      %dma_wait3A_50 = arith.constant 0 : i32
      %dma_wait3A_51 = arith.constant 0 : i32
      %dma_wait3A_52 = tpu.memref_slice %arg7[%rem3A_41, %dma_wait3A_50, %dma_wait3A_51] : memref<2x16x128xi32, #tpu.memory_space<vmem>> -> memref<1x16x128xi32, #tpu.memory_space<vmem>>
      %dma_wait3A_53 = tpu.memref_squeeze %dma_wait3A_52 : memref<1x16x128xi32, #tpu.memory_space<vmem>> -> memref<16x128xi32, #tpu.memory_space<vmem>>
      %dma_wait3A_54 = arith.constant 0 : i32
      %dma_wait3A_55 = tpu.memref_slice %arg3[%add3A_44, %dma_wait3A_54] : memref<2560x128xi32, #tpu.memory_space<hbm>> -> memref<16x128xi32, #tpu.memory_space<hbm>>
      tpu.wait_dma2 semaphore(%arg13 : memref<!tpu.dma_semaphore, #tpu.memory_space<semaphore_mem>>) src(%dma_wait3A_55 : memref<16x128xi32, #tpu.memory_space<hbm>>) dst(%dma_wait3A_53 : memref<16x128xi32, #tpu.memory_space<vmem>>)
      %mul3A_56 = arith.constant 16 : i32
      %mul3A_57 = arith.muli %scan3A_40, %mul3A_56 : i32
      %add3A_58 = arith.addi %mul3A_2, %mul3A_57 : i32
      %dma_wait3A_59 = arith.constant 0 : i32
      %dma_wait3A_60 = arith.constant 0 : i32
      %dma_wait3A_61 = tpu.memref_slice %arg8[%rem3A_41, %dma_wait3A_59, %dma_wait3A_60] : memref<2x16x128xi32, #tpu.memory_space<vmem>> -> memref<1x16x128xi32, #tpu.memory_space<vmem>>
      %dma_wait3A_62 = tpu.memref_squeeze %dma_wait3A_61 : memref<1x16x128xi32, #tpu.memory_space<vmem>> -> memref<16x128xi32, #tpu.memory_space<vmem>>
      %dma_wait3A_63 = arith.constant 0 : i32
      %dma_wait3A_64 = tpu.memref_slice %arg4[%add3A_58, %dma_wait3A_63] : memref<2560x128xi32, #tpu.memory_space<hbm>> -> memref<16x128xi32, #tpu.memory_space<hbm>>
      %dma_wait3A_65 = arith.constant 0 : i32
      %dma_wait3A_66 = arith.constant 0 : i32
      %dma_wait3A_67 = tpu.memref_slice %arg8[%rem3A_41, %dma_wait3A_65, %dma_wait3A_66] : memref<2x16x128xi32, #tpu.memory_space<vmem>> -> memref<1x16x128xi32, #tpu.memory_space<vmem>>
      %dma_wait3A_68 = tpu.memref_squeeze %dma_wait3A_67 : memref<1x16x128xi32, #tpu.memory_space<vmem>> -> memref<16x128xi32, #tpu.memory_space<vmem>>
      %dma_wait3A_69 = arith.constant 0 : i32
      %dma_wait3A_70 = tpu.memref_slice %arg4[%add3A_58, %dma_wait3A_69] : memref<2560x128xi32, #tpu.memory_space<hbm>> -> memref<16x128xi32, #tpu.memory_space<hbm>>
      tpu.wait_dma2 semaphore(%arg13 : memref<!tpu.dma_semaphore, #tpu.memory_space<semaphore_mem>>) src(%dma_wait3A_70 : memref<16x128xi32, #tpu.memory_space<hbm>>) dst(%dma_wait3A_68 : memref<16x128xi32, #tpu.memory_space<vmem>>)
      %add3A_71 = arith.constant 1 : i32
      %add3A_72 = arith.addi %scan3A_40, %add3A_71 : i32
      %lt3A = arith.constant 5 : i32
      %lt3A_73 = arith.cmpi slt, %add3A_72, %lt3A : i32
      %convert_element_type3A = arith.extui %lt3A_73 : i1 to i32
      %cond3A = arith.constant 0 : i32
      %cond3A_74 = arith.cmpi ne, %convert_element_type3A, %cond3A : i32
      scf.if %cond3A_74 {
        %add3A_93 = arith.constant 1 : i32
        %add3A_94 = arith.addi %scan3A_40, %add3A_93 : i32
        %sub3A = arith.constant 1 : i32
        %sub3A_95 = arith.subi %sub3A, %rem3A_41 : i32
        %mul3A_96 = arith.constant 16 : i32
        %mul3A_97 = arith.muli %add3A_94, %mul3A_96 : i32
        %add3A_98 = arith.addi %mul3A_2, %mul3A_97 : i32
        %dma_start3A_99 = arith.constant 0 : i32
        %dma_start3A_100 = arith.constant 0 : i32
        %dma_start3A_101 = tpu.memref_slice %arg7[%sub3A_95, %dma_start3A_99, %dma_start3A_100] : memref<2x16x128xi32, #tpu.memory_space<vmem>> -> memref<1x16x128xi32, #tpu.memory_space<vmem>>
        %dma_start3A_102 = tpu.memref_squeeze %dma_start3A_101 : memref<1x16x128xi32, #tpu.memory_space<vmem>> -> memref<16x128xi32, #tpu.memory_space<vmem>>
        %dma_start3A_103 = arith.constant 0 : i32
        %dma_start3A_104 = tpu.memref_slice %arg3[%add3A_98, %dma_start3A_103] : memref<2560x128xi32, #tpu.memory_space<hbm>> -> memref<16x128xi32, #tpu.memory_space<hbm>>
        %dma_start3A_105 = arith.constant 0 : i32
        %dma_start3A_106 = arith.constant 0 : i32
        %dma_start3A_107 = tpu.memref_slice %arg7[%sub3A_95, %dma_start3A_105, %dma_start3A_106] : memref<2x16x128xi32, #tpu.memory_space<vmem>> -> memref<1x16x128xi32, #tpu.memory_space<vmem>>
        %dma_start3A_108 = tpu.memref_squeeze %dma_start3A_107 : memref<1x16x128xi32, #tpu.memory_space<vmem>> -> memref<16x128xi32, #tpu.memory_space<vmem>>
        %dma_start3A_109 = arith.constant 0 : i32
        %dma_start3A_110 = tpu.memref_slice %arg3[%add3A_98, %dma_start3A_109] : memref<2560x128xi32, #tpu.memory_space<hbm>> -> memref<16x128xi32, #tpu.memory_space<hbm>>
        tpu.enqueue_dma source(%dma_start3A_110 : memref<16x128xi32, #tpu.memory_space<hbm>>) target(%dma_start3A_108 : memref<16x128xi32, #tpu.memory_space<vmem>>) target_semaphore(%arg13 : memref<!tpu.dma_semaphore, #tpu.memory_space<semaphore_mem>>)
        %mul3A_111 = arith.constant 16 : i32
        %mul3A_112 = arith.muli %add3A_94, %mul3A_111 : i32
        %add3A_113 = arith.addi %mul3A_2, %mul3A_112 : i32
        %dma_start3A_114 = arith.constant 0 : i32
        %dma_start3A_115 = arith.constant 0 : i32
        %dma_start3A_116 = tpu.memref_slice %arg8[%sub3A_95, %dma_start3A_114, %dma_start3A_115] : memref<2x16x128xi32, #tpu.memory_space<vmem>> -> memref<1x16x128xi32, #tpu.memory_space<vmem>>
        %dma_start3A_117 = tpu.memref_squeeze %dma_start3A_116 : memref<1x16x128xi32, #tpu.memory_space<vmem>> -> memref<16x128xi32, #tpu.memory_space<vmem>>
        %dma_start3A_118 = arith.constant 0 : i32
        %dma_start3A_119 = tpu.memref_slice %arg4[%add3A_113, %dma_start3A_118] : memref<2560x128xi32, #tpu.memory_space<hbm>> -> memref<16x128xi32, #tpu.memory_space<hbm>>
        %dma_start3A_120 = arith.constant 0 : i32
        %dma_start3A_121 = arith.constant 0 : i32
        %dma_start3A_122 = tpu.memref_slice %arg8[%sub3A_95, %dma_start3A_120, %dma_start3A_121] : memref<2x16x128xi32, #tpu.memory_space<vmem>> -> memref<1x16x128xi32, #tpu.memory_space<vmem>>
        %dma_start3A_123 = tpu.memref_squeeze %dma_start3A_122 : memref<1x16x128xi32, #tpu.memory_space<vmem>> -> memref<16x128xi32, #tpu.memory_space<vmem>>
        %dma_start3A_124 = arith.constant 0 : i32
        %dma_start3A_125 = tpu.memref_slice %arg4[%add3A_113, %dma_start3A_124] : memref<2560x128xi32, #tpu.memory_space<hbm>> -> memref<16x128xi32, #tpu.memory_space<hbm>>
        tpu.enqueue_dma source(%dma_start3A_125 : memref<16x128xi32, #tpu.memory_space<hbm>>) target(%dma_start3A_123 : memref<16x128xi32, #tpu.memory_space<vmem>>) target_semaphore(%arg13 : memref<!tpu.dma_semaphore, #tpu.memory_space<semaphore_mem>>)
      } else {
      }
      %dma_start3A_75 = arith.constant 0 : i32
      %dma_start3A_76 = arith.constant 0 : i32
      %dma_start3A_77 = arith.constant 0 : i32
      %dma_start3A_78 = arith.constant 0 : i32
      %dma_start3A_79 = tpu.memref_slice %arg9[%dma_start3A_76, %dma_start3A_77, %dma_start3A_78] : memref<2x128x128xf32, #tpu.memory_space<vmem>> -> memref<1x128x128xf32, #tpu.memory_space<vmem>>
      %dma_start3A_80 = tpu.memref_squeeze %dma_start3A_79 : memref<1x128x128xf32, #tpu.memory_space<vmem>> -> memref<128x128xf32, #tpu.memory_space<vmem>>
      %dma_start3A_81 = arith.constant 0 : i32
      %dma_start3A_82 = tpu.memref_slice %arg7[%rem3A_41, %dma_start3A_75, %dma_start3A_81] : memref<2x16x128xi32, #tpu.memory_space<vmem>> -> memref<1x1x128xi32, #tpu.memory_space<vmem>>
      %dma_start3A_83 = tpu.memref_squeeze %dma_start3A_82 : memref<1x1x128xi32, #tpu.memory_space<vmem>> -> memref<128xi32, #tpu.memory_space<vmem>>
      %dma_start3A_84 = arith.constant 0 : i32
      %dma_start3A_85 = arith.constant 0 : i32
      %dma_start3A_86 = tpu.memref_slice %arg2[%dma_start3A_84, %dma_start3A_85] : memref<10112x128xf32, #tpu.memory_space<hbm>> -> memref<10112x128xf32, #tpu.memory_space<hbm>>
      tpu.enqueue_indirect_dma source(%dma_start3A_86 : memref<10112x128xf32, #tpu.memory_space<hbm>>) target(%dma_start3A_80 : memref<128x128xf32, #tpu.memory_space<vmem>>) offsets(%dma_start3A_83 : memref<128xi32, #tpu.memory_space<vmem>>) semaphore(%arg11 : memref<!tpu.dma_semaphore, #tpu.memory_space<semaphore_mem>>)
      %scan3A_87 = arith.constant 0 : i32
      %scan3A_88 = arith.constant 0 : i32
      %scan3A_89 = arith.constant 8 : i32
      %scan3A_90 = arith.addi %scan3A_88, %scan3A_89 : i32
      %scan3A_91 = arith.constant 1 : i32
      scf.for %scan3A_93 = %scan3A_88 to %scan3A_90 step %scan3A_91  : i32 {
        %mul3A_94 = arith.constant 2 : i32
        %mul3A_95 = arith.muli %mul3A_94, %scan3A_93 : i32
        %add3A_96 = arith.constant 1 : i32
        %add3A_97 = arith.addi %mul3A_95, %add3A_96 : i32
        %dma_start3A_98 = arith.constant 1 : i32
        %dma_start3A_99 = arith.constant 0 : i32
        %dma_start3A_100 = arith.constant 0 : i32
        %dma_start3A_101 = tpu.memref_slice %arg9[%dma_start3A_98, %dma_start3A_99, %dma_start3A_100] : memref<2x128x128xf32, #tpu.memory_space<vmem>> -> memref<1x128x128xf32, #tpu.memory_space<vmem>>
        %dma_start3A_102 = tpu.memref_squeeze %dma_start3A_101 : memref<1x128x128xf32, #tpu.memory_space<vmem>> -> memref<128x128xf32, #tpu.memory_space<vmem>>
        %dma_start3A_103 = arith.constant 0 : i32
        %dma_start3A_104 = tpu.memref_slice %arg7[%rem3A_41, %add3A_97, %dma_start3A_103] : memref<2x16x128xi32, #tpu.memory_space<vmem>> -> memref<1x1x128xi32, #tpu.memory_space<vmem>>
        %dma_start3A_105 = tpu.memref_squeeze %dma_start3A_104 : memref<1x1x128xi32, #tpu.memory_space<vmem>> -> memref<128xi32, #tpu.memory_space<vmem>>
        %dma_start3A_106 = arith.constant 0 : i32
        %dma_start3A_107 = arith.constant 0 : i32
        %dma_start3A_108 = tpu.memref_slice %arg2[%dma_start3A_106, %dma_start3A_107] : memref<10112x128xf32, #tpu.memory_space<hbm>> -> memref<10112x128xf32, #tpu.memory_space<hbm>>
        tpu.enqueue_indirect_dma source(%dma_start3A_108 : memref<10112x128xf32, #tpu.memory_space<hbm>>) target(%dma_start3A_102 : memref<128x128xf32, #tpu.memory_space<vmem>>) offsets(%dma_start3A_105 : memref<128xi32, #tpu.memory_space<vmem>>) semaphore(%arg12 : memref<!tpu.dma_semaphore, #tpu.memory_space<semaphore_mem>>)
        %mul3A_109 = arith.constant 2 : i32
        %mul3A_110 = arith.muli %mul3A_109, %scan3A_93 : i32
        %dma_wait3A_111 = arith.constant 0 : i32
        %dma_wait3A_112 = arith.constant 0 : i32
        %dma_wait3A_113 = arith.constant 0 : i32
        %dma_wait3A_114 = tpu.memref_slice %arg9[%dma_wait3A_111, %dma_wait3A_112, %dma_wait3A_113] : memref<2x128x128xf32, #tpu.memory_space<vmem>> -> memref<1x128x128xf32, #tpu.memory_space<vmem>>
        %dma_wait3A_115 = tpu.memref_squeeze %dma_wait3A_114 : memref<1x128x128xf32, #tpu.memory_space<vmem>> -> memref<128x128xf32, #tpu.memory_space<vmem>>
        %dma_wait3A_116 = arith.constant 0 : i32
        %dma_wait3A_117 = tpu.memref_slice %arg7[%rem3A_41, %mul3A_110, %dma_wait3A_116] : memref<2x16x128xi32, #tpu.memory_space<vmem>> -> memref<1x1x128xi32, #tpu.memory_space<vmem>>
        %dma_wait3A_118 = tpu.memref_squeeze %dma_wait3A_117 : memref<1x1x128xi32, #tpu.memory_space<vmem>> -> memref<128xi32, #tpu.memory_space<vmem>>
        %dma_wait3A_119 = arith.constant 0 : i32
        %dma_wait3A_120 = arith.constant 0 : i32
        %dma_wait3A_121 = tpu.memref_slice %arg2[%dma_wait3A_119, %dma_wait3A_120] : memref<10112x128xf32, #tpu.memory_space<hbm>> -> memref<10112x128xf32, #tpu.memory_space<hbm>>
        tpu.wait_indirect_dma semaphore(%arg11 : memref<!tpu.dma_semaphore, #tpu.memory_space<semaphore_mem>>) src(%dma_wait3A_121 : memref<10112x128xf32, #tpu.memory_space<hbm>>) dst(%dma_wait3A_115 : memref<128x128xf32, #tpu.memory_space<vmem>>)
        %mul3A_122 = arith.constant 2 : i32
        %mul3A_123 = arith.muli %mul3A_122, %scan3A_93 : i32
        %run_scoped3A = arith.constant 0 : i32
        "tpu.region"() ({
          %run_scoped3A_153 = tpu.sem_alloc : memref<!tpu.dma_semaphore, #tpu.memory_space<semaphore_mem>>
          %dma_start3A_154 = arith.constant 0 : i32
          %dma_start3A_155 = arith.constant 0 : i32
          %dma_start3A_156 = tpu.memref_slice %arg9[%run_scoped3A, %dma_start3A_154, %dma_start3A_155] : memref<2x128x128xf32, #tpu.memory_space<vmem>> -> memref<1x128x128xf32, #tpu.memory_space<vmem>>
          %dma_start3A_157 = tpu.memref_squeeze %dma_start3A_156 : memref<1x128x128xf32, #tpu.memory_space<vmem>> -> memref<128x128xf32, #tpu.memory_space<vmem>>
          %dma_start3A_158 = arith.constant 0 : i32
          %dma_start3A_159 = tpu.memref_slice %arg8[%rem3A_41, %mul3A_123, %dma_start3A_158] : memref<2x16x128xi32, #tpu.memory_space<vmem>> -> memref<1x1x128xi32, #tpu.memory_space<vmem>>
          %dma_start3A_160 = tpu.memref_squeeze %dma_start3A_159 : memref<1x1x128xi32, #tpu.memory_space<vmem>> -> memref<128xi32, #tpu.memory_space<vmem>>
          %dma_start3A_161 = arith.constant 0 : i32
          %dma_start3A_162 = arith.constant 0 : i32
          %dma_start3A_163 = tpu.memref_slice %arg10[%dma_start3A_161, %dma_start3A_162] : memref<10112x128xf32, #tpu.memory_space<vmem_shared>> -> memref<10112x128xf32, #tpu.memory_space<vmem_shared>>
          tpu.enqueue_indirect_dma source(%dma_start3A_157 : memref<128x128xf32, #tpu.memory_space<vmem>>) target(%dma_start3A_163 : memref<10112x128xf32, #tpu.memory_space<vmem_shared>>) offsets(%dma_start3A_160 : memref<128xi32, #tpu.memory_space<vmem>>) semaphore(%run_scoped3A_153 : memref<!tpu.dma_semaphore, #tpu.memory_space<semaphore_mem>>) {add = true}
          %dma_wait3A_164 = arith.constant 0 : i32
          %dma_wait3A_165 = arith.constant 0 : i32
          %dma_wait3A_166 = tpu.memref_slice %arg9[%run_scoped3A, %dma_wait3A_164, %dma_wait3A_165] : memref<2x128x128xf32, #tpu.memory_space<vmem>> -> memref<1x128x128xf32, #tpu.memory_space<vmem>>
          %dma_wait3A_167 = tpu.memref_squeeze %dma_wait3A_166 : memref<1x128x128xf32, #tpu.memory_space<vmem>> -> memref<128x128xf32, #tpu.memory_space<vmem>>
          %dma_wait3A_168 = arith.constant 0 : i32
          %dma_wait3A_169 = tpu.memref_slice %arg8[%rem3A_41, %mul3A_123, %dma_wait3A_168] : memref<2x16x128xi32, #tpu.memory_space<vmem>> -> memref<1x1x128xi32, #tpu.memory_space<vmem>>
          %dma_wait3A_170 = tpu.memref_squeeze %dma_wait3A_169 : memref<1x1x128xi32, #tpu.memory_space<vmem>> -> memref<128xi32, #tpu.memory_space<vmem>>
          %dma_wait3A_171 = arith.constant 0 : i32
          %dma_wait3A_172 = arith.constant 0 : i32
          %dma_wait3A_173 = tpu.memref_slice %arg10[%dma_wait3A_171, %dma_wait3A_172] : memref<10112x128xf32, #tpu.memory_space<vmem_shared>> -> memref<10112x128xf32, #tpu.memory_space<vmem_shared>>
          tpu.wait_indirect_dma semaphore(%run_scoped3A_153 : memref<!tpu.dma_semaphore, #tpu.memory_space<semaphore_mem>>) src(%dma_wait3A_167 : memref<128x128xf32, #tpu.memory_space<vmem>>) dst(%dma_wait3A_173 : memref<10112x128xf32, #tpu.memory_space<vmem_shared>>)
          tpu.yield
        }) : () -> ()
        %mul3A_124 = arith.constant 2 : i32
        %mul3A_125 = arith.muli %mul3A_124, %scan3A_93 : i32
        %add3A_126 = arith.constant 2 : i32
        %add3A_127 = arith.addi %mul3A_125, %add3A_126 : i32
        %lt3A_128 = arith.constant 16 : i32
        %lt3A_129 = arith.cmpi slt, %add3A_127, %lt3A_128 : i32
        %convert_element_type3A_130 = arith.extui %lt3A_129 : i1 to i32
        %cond3A_131 = arith.constant 0 : i32
        %cond3A_132 = arith.cmpi ne, %convert_element_type3A_130, %cond3A_131 : i32
        scf.if %cond3A_132 {
          %mul3A_153 = arith.constant 2 : i32
          %mul3A_154 = arith.muli %mul3A_153, %scan3A_93 : i32
          %add3A_155 = arith.constant 2 : i32
          %add3A_156 = arith.addi %mul3A_154, %add3A_155 : i32
          %dma_start3A_157 = arith.constant 0 : i32
          %dma_start3A_158 = arith.constant 0 : i32
          %dma_start3A_159 = arith.constant 0 : i32
          %dma_start3A_160 = tpu.memref_slice %arg9[%dma_start3A_157, %dma_start3A_158, %dma_start3A_159] : memref<2x128x128xf32, #tpu.memory_space<vmem>> -> memref<1x128x128xf32, #tpu.memory_space<vmem>>
          %dma_start3A_161 = tpu.memref_squeeze %dma_start3A_160 : memref<1x128x128xf32, #tpu.memory_space<vmem>> -> memref<128x128xf32, #tpu.memory_space<vmem>>
          %dma_start3A_162 = arith.constant 0 : i32
          %dma_start3A_163 = tpu.memref_slice %arg7[%rem3A_41, %add3A_156, %dma_start3A_162] : memref<2x16x128xi32, #tpu.memory_space<vmem>> -> memref<1x1x128xi32, #tpu.memory_space<vmem>>
          %dma_start3A_164 = tpu.memref_squeeze %dma_start3A_163 : memref<1x1x128xi32, #tpu.memory_space<vmem>> -> memref<128xi32, #tpu.memory_space<vmem>>
          %dma_start3A_165 = arith.constant 0 : i32
          %dma_start3A_166 = arith.constant 0 : i32
          %dma_start3A_167 = tpu.memref_slice %arg2[%dma_start3A_165, %dma_start3A_166] : memref<10112x128xf32, #tpu.memory_space<hbm>> -> memref<10112x128xf32, #tpu.memory_space<hbm>>
          tpu.enqueue_indirect_dma source(%dma_start3A_167 : memref<10112x128xf32, #tpu.memory_space<hbm>>) target(%dma_start3A_161 : memref<128x128xf32, #tpu.memory_space<vmem>>) offsets(%dma_start3A_164 : memref<128xi32, #tpu.memory_space<vmem>>) semaphore(%arg11 : memref<!tpu.dma_semaphore, #tpu.memory_space<semaphore_mem>>)
        } else {
        }
        %mul3A_133 = arith.constant 2 : i32
        %mul3A_134 = arith.muli %mul3A_133, %scan3A_93 : i32
        %add3A_135 = arith.constant 1 : i32
        %add3A_136 = arith.addi %mul3A_134, %add3A_135 : i32
        %dma_wait3A_137 = arith.constant 1 : i32
        %dma_wait3A_138 = arith.constant 0 : i32
        %dma_wait3A_139 = arith.constant 0 : i32
        %dma_wait3A_140 = tpu.memref_slice %arg9[%dma_wait3A_137, %dma_wait3A_138, %dma_wait3A_139] : memref<2x128x128xf32, #tpu.memory_space<vmem>> -> memref<1x128x128xf32, #tpu.memory_space<vmem>>
        %dma_wait3A_141 = tpu.memref_squeeze %dma_wait3A_140 : memref<1x128x128xf32, #tpu.memory_space<vmem>> -> memref<128x128xf32, #tpu.memory_space<vmem>>
        %dma_wait3A_142 = arith.constant 0 : i32
        %dma_wait3A_143 = tpu.memref_slice %arg7[%rem3A_41, %add3A_136, %dma_wait3A_142] : memref<2x16x128xi32, #tpu.memory_space<vmem>> -> memref<1x1x128xi32, #tpu.memory_space<vmem>>
        %dma_wait3A_144 = tpu.memref_squeeze %dma_wait3A_143 : memref<1x1x128xi32, #tpu.memory_space<vmem>> -> memref<128xi32, #tpu.memory_space<vmem>>
        %dma_wait3A_145 = arith.constant 0 : i32
        %dma_wait3A_146 = arith.constant 0 : i32
        %dma_wait3A_147 = tpu.memref_slice %arg2[%dma_wait3A_145, %dma_wait3A_146] : memref<10112x128xf32, #tpu.memory_space<hbm>> -> memref<10112x128xf32, #tpu.memory_space<hbm>>
        tpu.wait_indirect_dma semaphore(%arg12 : memref<!tpu.dma_semaphore, #tpu.memory_space<semaphore_mem>>) src(%dma_wait3A_147 : memref<10112x128xf32, #tpu.memory_space<hbm>>) dst(%dma_wait3A_141 : memref<128x128xf32, #tpu.memory_space<vmem>>)
        %mul3A_148 = arith.constant 2 : i32
        %mul3A_149 = arith.muli %mul3A_148, %scan3A_93 : i32
        %add3A_150 = arith.constant 1 : i32
        %add3A_151 = arith.addi %mul3A_149, %add3A_150 : i32
        %run_scoped3A_152 = arith.constant 1 : i32
        "tpu.region"() ({
          %run_scoped3A_153 = tpu.sem_alloc : memref<!tpu.dma_semaphore, #tpu.memory_space<semaphore_mem>>
          %dma_start3A_154 = arith.constant 0 : i32
          %dma_start3A_155 = arith.constant 0 : i32
          %dma_start3A_156 = tpu.memref_slice %arg9[%run_scoped3A_152, %dma_start3A_154, %dma_start3A_155] : memref<2x128x128xf32, #tpu.memory_space<vmem>> -> memref<1x128x128xf32, #tpu.memory_space<vmem>>
          %dma_start3A_157 = tpu.memref_squeeze %dma_start3A_156 : memref<1x128x128xf32, #tpu.memory_space<vmem>> -> memref<128x128xf32, #tpu.memory_space<vmem>>
          %dma_start3A_158 = arith.constant 0 : i32
          %dma_start3A_159 = tpu.memref_slice %arg8[%rem3A_41, %add3A_151, %dma_start3A_158] : memref<2x16x128xi32, #tpu.memory_space<vmem>> -> memref<1x1x128xi32, #tpu.memory_space<vmem>>
          %dma_start3A_160 = tpu.memref_squeeze %dma_start3A_159 : memref<1x1x128xi32, #tpu.memory_space<vmem>> -> memref<128xi32, #tpu.memory_space<vmem>>
          %dma_start3A_161 = arith.constant 0 : i32
          %dma_start3A_162 = arith.constant 0 : i32
          %dma_start3A_163 = tpu.memref_slice %arg10[%dma_start3A_161, %dma_start3A_162] : memref<10112x128xf32, #tpu.memory_space<vmem_shared>> -> memref<10112x128xf32, #tpu.memory_space<vmem_shared>>
          tpu.enqueue_indirect_dma source(%dma_start3A_157 : memref<128x128xf32, #tpu.memory_space<vmem>>) target(%dma_start3A_163 : memref<10112x128xf32, #tpu.memory_space<vmem_shared>>) offsets(%dma_start3A_160 : memref<128xi32, #tpu.memory_space<vmem>>) semaphore(%run_scoped3A_153 : memref<!tpu.dma_semaphore, #tpu.memory_space<semaphore_mem>>) {add = true}
          %dma_wait3A_164 = arith.constant 0 : i32
          %dma_wait3A_165 = arith.constant 0 : i32
          %dma_wait3A_166 = tpu.memref_slice %arg9[%run_scoped3A_152, %dma_wait3A_164, %dma_wait3A_165] : memref<2x128x128xf32, #tpu.memory_space<vmem>> -> memref<1x128x128xf32, #tpu.memory_space<vmem>>
          %dma_wait3A_167 = tpu.memref_squeeze %dma_wait3A_166 : memref<1x128x128xf32, #tpu.memory_space<vmem>> -> memref<128x128xf32, #tpu.memory_space<vmem>>
          %dma_wait3A_168 = arith.constant 0 : i32
          %dma_wait3A_169 = tpu.memref_slice %arg8[%rem3A_41, %add3A_151, %dma_wait3A_168] : memref<2x16x128xi32, #tpu.memory_space<vmem>> -> memref<1x1x128xi32, #tpu.memory_space<vmem>>
          %dma_wait3A_170 = tpu.memref_squeeze %dma_wait3A_169 : memref<1x1x128xi32, #tpu.memory_space<vmem>> -> memref<128xi32, #tpu.memory_space<vmem>>
          %dma_wait3A_171 = arith.constant 0 : i32
          %dma_wait3A_172 = arith.constant 0 : i32
          %dma_wait3A_173 = tpu.memref_slice %arg10[%dma_wait3A_171, %dma_wait3A_172] : memref<10112x128xf32, #tpu.memory_space<vmem_shared>> -> memref<10112x128xf32, #tpu.memory_space<vmem_shared>>
          tpu.wait_indirect_dma semaphore(%run_scoped3A_153 : memref<!tpu.dma_semaphore, #tpu.memory_space<semaphore_mem>>) src(%dma_wait3A_167 : memref<128x128xf32, #tpu.memory_space<vmem>>) dst(%dma_wait3A_173 : memref<10112x128xf32, #tpu.memory_space<vmem_shared>>)
          tpu.yield
        }) : () -> ()
      }
      %scan3A_92 = arith.constant 8 : i32
    }
    %scan3A_38 = arith.constant 5 : i32
    %barrier3A_39 = arith.constant 0 : index
    tpu.barrier barrier_id(%barrier3A_39)
    "tpu.region"() ({
      %run_scoped3A = tpu.sem_alloc : memref<!tpu.dma_semaphore, #tpu.memory_space<semaphore_mem>>
      %dma_start3A_40 = arith.constant 0 : i32
      %dma_start3A_41 = tpu.memref_slice %arg6[%arg0, %mul3A_4, %dma_start3A_40] : memref<2x10112x128xf32, #tpu.memory_space<hbm>> -> memref<1x632x128xf32, #tpu.memory_space<hbm>>
      %dma_start3A_42 = tpu.memref_squeeze %dma_start3A_41 : memref<1x632x128xf32, #tpu.memory_space<hbm>> -> memref<632x128xf32, #tpu.memory_space<hbm>>
      %dma_start3A_43 = arith.constant 0 : i32
      %dma_start3A_44 = tpu.memref_slice %arg10[%mul3A_4, %dma_start3A_43] : memref<10112x128xf32, #tpu.memory_space<vmem_shared>> -> memref<632x128xf32, #tpu.memory_space<vmem_shared>>
      tpu.enqueue_dma source(%dma_start3A_44 : memref<632x128xf32, #tpu.memory_space<vmem_shared>>) target(%dma_start3A_42 : memref<632x128xf32, #tpu.memory_space<hbm>>) target_semaphore(%run_scoped3A : memref<!tpu.dma_semaphore, #tpu.memory_space<semaphore_mem>>)
      %dma_wait3A = arith.constant 0 : i32
      %dma_wait3A_45 = tpu.memref_slice %arg6[%arg0, %mul3A_4, %dma_wait3A] : memref<2x10112x128xf32, #tpu.memory_space<hbm>> -> memref<1x632x128xf32, #tpu.memory_space<hbm>>
      %dma_wait3A_46 = tpu.memref_squeeze %dma_wait3A_45 : memref<1x632x128xf32, #tpu.memory_space<hbm>> -> memref<632x128xf32, #tpu.memory_space<hbm>>
      %dma_wait3A_47 = arith.constant 0 : i32
      %dma_wait3A_48 = tpu.memref_slice %arg10[%mul3A_4, %dma_wait3A_47] : memref<10112x128xf32, #tpu.memory_space<vmem_shared>> -> memref<632x128xf32, #tpu.memory_space<vmem_shared>>
      tpu.wait_dma2 semaphore(%run_scoped3A : memref<!tpu.dma_semaphore, #tpu.memory_space<semaphore_mem>>) src(%dma_wait3A_48 : memref<632x128xf32, #tpu.memory_space<vmem_shared>>) dst(%dma_wait3A_46 : memref<632x128xf32, #tpu.memory_space<hbm>>)
      tpu.yield
    }) : () -> ()
    return
  }
}

module attributes {stable_mosaic.version = 14 : i64} {
  func.func @_prep_body(%arg0: i32, %arg1: memref<2528x1xf32, #tpu.memory_space<vmem>>, %arg2: memref<2528x1xf32, #tpu.memory_space<vmem>>, %arg3: memref<2528x128xf32, #tpu.memory_space<vmem>>, %arg4: memref<2528x128xf32, #tpu.memory_space<vmem>>, %arg5: memref<2528x1xf32, #tpu.memory_space<vmem>>) attributes {dimension_semantics = [#tpu.dimension_semantics<arbitrary>], iteration_bounds = array<i64: 4>, scalar_prefetch = 0 : i64, scratch_operands = 0 : i64, tpu.core_type = #tpu.core_type<tc>, window_params = [{transform_indices = @transform_0, window_bounds = array<i64: 2528, 1>}, {transform_indices = @transform_1, window_bounds = array<i64: 2528, 1>}, {transform_indices = @transform_2, window_bounds = array<i64: 2528, 128>}, {transform_indices = @transform_3, window_bounds = array<i64: 2528, 128>}, {transform_indices = @transform_4, window_bounds = array<i64: 2528, 1>}]} {
    %get3A = arith.constant 0 : index
    %get3A_0 = arith.constant 0 : index
    %get3A_1 = vector.load %arg1[%get3A, %get3A_0] : memref<2528x1xf32, #tpu.memory_space<vmem>>, vector<2528x1xf32>
    %get3A_2 = arith.constant 0 : index
    %get3A_3 = arith.constant 0 : index
    %get3A_4 = vector.load %arg2[%get3A_2, %get3A_3] : memref<2528x1xf32, #tpu.memory_space<vmem>>, vector<2528x1xf32>
    %add3A = arith.addf %get3A_1, %get3A_4 : vector<2528x1xf32>
    %gt3A = arith.constant 0.000000e+00 : f32
    %gt3A_5 = vector.broadcast %gt3A : f32 to vector<2528x1xf32>
    %gt3A_6 = arith.cmpf ogt, %add3A, %gt3A_5 : vector<2528x1xf32>
    %gt3A_7 = arith.constant 0.000000e+00 : f32
    %gt3A_8 = vector.broadcast %gt3A_7 : f32 to vector<2528x1xf32>
    %gt3A_9 = arith.cmpf ogt, %add3A, %gt3A_8 : vector<2528x1xf32>
    %jit3A = arith.constant 1.000000e+00 : f32
    %broadcast_in_dim3A = vector.broadcast %jit3A : f32 to vector<2528x1xf32>
    %select_n3A = arith.select %gt3A_9, %add3A, %broadcast_in_dim3A : vector<2528x1xi1>, vector<2528x1xf32>
    %rsqrt3A = math.rsqrt %select_n3A : vector<2528x1xf32>
    %jit3A_10 = arith.constant 0.000000e+00 : f32
    %broadcast_in_dim3A_11 = vector.broadcast %jit3A_10 : f32 to vector<2528x1xf32>
    %select_n3A_12 = arith.select %gt3A_6, %rsqrt3A, %broadcast_in_dim3A_11 : vector<2528x1xi1>, vector<2528x1xf32>
    %swap3A = arith.constant 0 : index
    %swap3A_13 = arith.constant 0 : index
    %swap3A_14 = vector.load %arg5[%swap3A, %swap3A_13] : memref<2528x1xf32, #tpu.memory_space<vmem>>, vector<2528x1xf32>
    tpu.vector_store %arg5[%swap3A, %swap3A_13], %select_n3A_12 {strides = array<i32>} : memref<2528x1xf32, #tpu.memory_space<vmem>>, vector<2528x1xf32>,
    %get3A_15 = arith.constant 0 : index
    %get3A_16 = arith.constant 0 : index
    %get3A_17 = vector.load %arg3[%get3A_15, %get3A_16] : memref<2528x128xf32, #tpu.memory_space<vmem>>, vector<2528x128xf32>
    %mul3A = vector.broadcast %select_n3A_12 : vector<2528x1xf32> to vector<2528x128xf32>
    %mul3A_18 = arith.mulf %get3A_17, %mul3A : vector<2528x128xf32>
    %swap3A_19 = arith.constant 0 : index
    %swap3A_20 = arith.constant 0 : index
    %swap3A_21 = vector.load %arg4[%swap3A_19, %swap3A_20] : memref<2528x128xf32, #tpu.memory_space<vmem>>, vector<2528x128xf32>
    tpu.vector_store %arg4[%swap3A_19, %swap3A_20], %mul3A_18 {strides = array<i32>} : memref<2528x128xf32, #tpu.memory_space<vmem>>, vector<2528x128xf32>,
    return
  }
  func.func @transform_0(%arg0: i32) -> (i32, i32) {
    %c0_i32 = arith.constant 0 : i32
    %c0_i32_0 = arith.constant 0 : i32
    return %arg0, %c0_i32 : i32, i32
  }
  func.func @transform_1(%arg0: i32) -> (i32, i32) {
    %c0_i32 = arith.constant 0 : i32
    %c0_i32_0 = arith.constant 0 : i32
    return %arg0, %c0_i32 : i32, i32
  }
  func.func @transform_2(%arg0: i32) -> (i32, i32) {
    %c0_i32 = arith.constant 0 : i32
    %c0_i32_0 = arith.constant 0 : i32
    return %arg0, %c0_i32 : i32, i32
  }
  func.func @transform_3(%arg0: i32) -> (i32, i32) {
    %c0_i32 = arith.constant 0 : i32
    %c0_i32_0 = arith.constant 0 : i32
    return %arg0, %c0_i32 : i32, i32
  }
  func.func @transform_4(%arg0: i32) -> (i32, i32) {
    %c0_i32 = arith.constant 0 : i32
    %c0_i32_0 = arith.constant 0 : i32
    return %arg0, %c0_i32 : i32, i32
  }
}

module attributes {stable_mosaic.version = 14 : i64} {
  func.func @_combine_body(%arg0: i32, %arg1: memref<2528x1xf32, #tpu.memory_space<vmem>>, %arg2: memref<2x2528x128xf32, #tpu.memory_space<vmem>>, %arg3: memref<2528x128xf32, #tpu.memory_space<vmem>>, %arg4: memref<2528x128xf32, #tpu.memory_space<vmem>>, %arg5: memref<2528x128xf32, #tpu.memory_space<vmem>>) attributes {dimension_semantics = [#tpu.dimension_semantics<arbitrary>], iteration_bounds = array<i64: 4>, scalar_prefetch = 0 : i64, scratch_operands = 0 : i64, tpu.core_type = #tpu.core_type<tc>, window_params = [{transform_indices = @transform_0, window_bounds = array<i64: 2528, 1>}, {transform_indices = @transform_1, window_bounds = array<i64: 2, 2528, 128>}, {transform_indices = @transform_2, window_bounds = array<i64: 2528, 128>}, {transform_indices = @transform_3, window_bounds = array<i64: 2528, 128>}, {transform_indices = @transform_4, window_bounds = array<i64: 2528, 128>}]} {
    %get3A = arith.constant 0 : index
    %get3A_0 = arith.constant 0 : index
    %get3A_1 = vector.load %arg1[%get3A, %get3A_0] : memref<2528x1xf32, #tpu.memory_space<vmem>>, vector<2528x1xf32>
    %get3A_2 = arith.constant 0 : index
    %get3A_3 = arith.constant 0 : index
    %get3A_4 = arith.constant 0 : index
    %get3A_5 = vector.load %arg2[%get3A_2, %get3A_3, %get3A_4] : memref<2x2528x128xf32, #tpu.memory_space<vmem>>, vector<1x2528x128xf32>
    %get3A_6 = vector.shape_cast %get3A_5 : vector<1x2528x128xf32> to vector<2528x128xf32>
    %get3A_7 = arith.constant 1 : index
    %get3A_8 = arith.constant 0 : index
    %get3A_9 = arith.constant 0 : index
    %get3A_10 = vector.load %arg2[%get3A_7, %get3A_8, %get3A_9] : memref<2x2528x128xf32, #tpu.memory_space<vmem>>, vector<1x2528x128xf32>
    %get3A_11 = vector.shape_cast %get3A_10 : vector<1x2528x128xf32> to vector<2528x128xf32>
    %add3A = arith.addf %get3A_6, %get3A_11 : vector<2528x128xf32>
    %mul3A = vector.broadcast %get3A_1 : vector<2528x1xf32> to vector<2528x128xf32>
    %mul3A_12 = arith.mulf %mul3A, %add3A : vector<2528x128xf32>
    %get3A_13 = arith.constant 0 : index
    %get3A_14 = arith.constant 0 : index
    %get3A_15 = vector.load %arg3[%get3A_13, %get3A_14] : memref<2528x128xf32, #tpu.memory_space<vmem>>, vector<2528x128xf32>
    %add3A_16 = arith.addf %get3A_15, %mul3A_12 : vector<2528x128xf32>
    %mul3A_17 = arith.constant 1.000000e+00 : f32
    %mul3A_18 = vector.broadcast %mul3A_17 : f32 to vector<2528x128xf32>
    %mul3A_19 = arith.mulf %add3A_16, %mul3A_18 : vector<2528x128xf32>
    %swap3A = arith.constant 0 : index
    %swap3A_20 = arith.constant 0 : index
    %swap3A_21 = vector.load %arg4[%swap3A, %swap3A_20] : memref<2528x128xf32, #tpu.memory_space<vmem>>, vector<2528x128xf32>
    tpu.vector_store %arg4[%swap3A, %swap3A_20], %mul3A_19 {strides = array<i32>} : memref<2528x128xf32, #tpu.memory_space<vmem>>, vector<2528x128xf32>,
    %mul3A_22 = vector.broadcast %get3A_1 : vector<2528x1xf32> to vector<2528x128xf32>
    %mul3A_23 = arith.mulf %mul3A_22, %mul3A_12 : vector<2528x128xf32>
    %swap3A_24 = arith.constant 0 : index
    %swap3A_25 = arith.constant 0 : index
    %swap3A_26 = vector.load %arg5[%swap3A_24, %swap3A_25] : memref<2528x128xf32, #tpu.memory_space<vmem>>, vector<2528x128xf32>
    tpu.vector_store %arg5[%swap3A_24, %swap3A_25], %mul3A_23 {strides = array<i32>} : memref<2528x128xf32, #tpu.memory_space<vmem>>, vector<2528x128xf32>,
    return
  }
  func.func @transform_0(%arg0: i32) -> (i32, i32) {
    %c0_i32 = arith.constant 0 : i32
    %c0_i32_0 = arith.constant 0 : i32
    return %arg0, %c0_i32 : i32, i32
  }
  func.func @transform_1(%arg0: i32) -> (i32, i32, i32) {
    %c0_i32 = arith.constant 0 : i32
    %c0_i32_0 = arith.constant 0 : i32
    %c0_i32_1 = arith.constant 0 : i32
    return %c0_i32, %arg0, %c0_i32_0 : i32, i32, i32
  }
  func.func @transform_2(%arg0: i32) -> (i32, i32) {
    %c0_i32 = arith.constant 0 : i32
    %c0_i32_0 = arith.constant 0 : i32
    return %arg0, %c0_i32 : i32, i32
  }
  func.func @transform_3(%arg0: i32) -> (i32, i32) {
    %c0_i32 = arith.constant 0 : i32
    %c0_i32_0 = arith.constant 0 : i32
    return %arg0, %c0_i32 : i32, i32
  }
  func.func @transform_4(%arg0: i32) -> (i32, i32) {
    %c0_i32 = arith.constant 0 : i32
    %c0_i32_0 = arith.constant 0 : i32
    return %arg0, %c0_i32 : i32, i32
  }
}

module attributes {stable_mosaic.version = 14 : i64} {
  func.func @_combine_body(%arg0: i32, %arg1: memref<2528x1xf32, #tpu.memory_space<vmem>>, %arg2: memref<2x2528x128xf32, #tpu.memory_space<vmem>>, %arg3: memref<2528x128xf32, #tpu.memory_space<vmem>>, %arg4: memref<2528x128xf32, #tpu.memory_space<vmem>>) attributes {dimension_semantics = [#tpu.dimension_semantics<arbitrary>], iteration_bounds = array<i64: 4>, scalar_prefetch = 0 : i64, scratch_operands = 0 : i64, tpu.core_type = #tpu.core_type<tc>, window_params = [{transform_indices = @transform_0, window_bounds = array<i64: 2528, 1>}, {transform_indices = @transform_1, window_bounds = array<i64: 2, 2528, 128>}, {transform_indices = @transform_2, window_bounds = array<i64: 2528, 128>}, {transform_indices = @transform_3, window_bounds = array<i64: 2528, 128>}]} {
    %get3A = arith.constant 0 : index
    %get3A_0 = arith.constant 0 : index
    %get3A_1 = vector.load %arg1[%get3A, %get3A_0] : memref<2528x1xf32, #tpu.memory_space<vmem>>, vector<2528x1xf32>
    %get3A_2 = arith.constant 0 : index
    %get3A_3 = arith.constant 0 : index
    %get3A_4 = arith.constant 0 : index
    %get3A_5 = vector.load %arg2[%get3A_2, %get3A_3, %get3A_4] : memref<2x2528x128xf32, #tpu.memory_space<vmem>>, vector<1x2528x128xf32>
    %get3A_6 = vector.shape_cast %get3A_5 : vector<1x2528x128xf32> to vector<2528x128xf32>
    %get3A_7 = arith.constant 1 : index
    %get3A_8 = arith.constant 0 : index
    %get3A_9 = arith.constant 0 : index
    %get3A_10 = vector.load %arg2[%get3A_7, %get3A_8, %get3A_9] : memref<2x2528x128xf32, #tpu.memory_space<vmem>>, vector<1x2528x128xf32>
    %get3A_11 = vector.shape_cast %get3A_10 : vector<1x2528x128xf32> to vector<2528x128xf32>
    %add3A = arith.addf %get3A_6, %get3A_11 : vector<2528x128xf32>
    %mul3A = vector.broadcast %get3A_1 : vector<2528x1xf32> to vector<2528x128xf32>
    %mul3A_12 = arith.mulf %mul3A, %add3A : vector<2528x128xf32>
    %get3A_13 = arith.constant 0 : index
    %get3A_14 = arith.constant 0 : index
    %get3A_15 = vector.load %arg3[%get3A_13, %get3A_14] : memref<2528x128xf32, #tpu.memory_space<vmem>>, vector<2528x128xf32>
    %add3A_16 = arith.addf %get3A_15, %mul3A_12 : vector<2528x128xf32>
    %mul3A_17 = arith.constant 4.000000e-02 : f32
    %mul3A_18 = vector.broadcast %mul3A_17 : f32 to vector<2528x128xf32>
    %mul3A_19 = arith.mulf %add3A_16, %mul3A_18 : vector<2528x128xf32>
    %swap3A = arith.constant 0 : index
    %swap3A_20 = arith.constant 0 : index
    %swap3A_21 = vector.load %arg4[%swap3A, %swap3A_20] : memref<2528x128xf32, #tpu.memory_space<vmem>>, vector<2528x128xf32>
    tpu.vector_store %arg4[%swap3A, %swap3A_20], %mul3A_19 {strides = array<i32>} : memref<2528x128xf32, #tpu.memory_space<vmem>>, vector<2528x128xf32>,
    return
  }
  func.func @transform_0(%arg0: i32) -> (i32, i32) {
    %c0_i32 = arith.constant 0 : i32
    %c0_i32_0 = arith.constant 0 : i32
    return %arg0, %c0_i32 : i32, i32
  }
  func.func @transform_1(%arg0: i32) -> (i32, i32, i32) {
    %c0_i32 = arith.constant 0 : i32
    %c0_i32_0 = arith.constant 0 : i32
    %c0_i32_1 = arith.constant 0 : i32
    return %c0_i32, %arg0, %c0_i32_0 : i32, i32, i32
  }
  func.func @transform_2(%arg0: i32) -> (i32, i32) {
    %c0_i32 = arith.constant 0 : i32
    %c0_i32_0 = arith.constant 0 : i32
    return %arg0, %c0_i32 : i32, i32
  }
  func.func @transform_3(%arg0: i32) -> (i32, i32) {
    %c0_i32 = arith.constant 0 : i32
    %c0_i32_0 = arith.constant 0 : i32
    return %arg0, %c0_i32 : i32, i32
  }
}

</mosaic_0001>

<sc_bundles>
// kernel: kernel.12.cloned.1.call-start
scs
__scs_entry_jumppad:
0x0: {  	(pc) =	sbr.rel $0x88, $3  }
0x1: {  	(tag) =	ssettag $0x0;
	lr =	simm.s32 $0x1  }
0x2: {  	[smem:$0x3F9E] =	sst lr;
	_ =	strace $0xD0000000  }
0x3: {  	_ = 	snop  }
0x4: {  	_ = 	snop  }
0x5: {  	_ = 	snop  }
0x6: {  	_ = 	snop  }
0x7: {  	_ = 	snop  }
__scs_overlays_trampoline_lowered:
0x8: {  	[smem:$0x3FAD] =	sst s0  }
0x9: {  	[smem:$0x3FAE] =	sst s1  }
0xa: {  	[smem:$0x3FAF] =	sst s2  }
0xb: {  	[smem:$0x3FB0] =	sst s3  }
0xc: {  	[smem:$0x3FB1] =	sst s4  }
0xd: {  	[smem:$0x3FB2] =	sst s5  }
0xe: {  	[smem:$0x3FB3] =	sst s6  }
0xf: {  	[smem:$0x3FB4] =	sst s7  }
0x10: {  	[smem:$0x3FB5] =	sst s8  }
0x11: {  	[smem:$0x3FB6] =	sst s9;
	s0 =	simm.s32 @!p0 $0x0  }
0x12: {  	s1 =	sld [smem:$0x3F9C];
	s0 =	simm.s32 @p0 $0x1  }
0x13: {  	[smem:$0x3FB7] =	sst s0;
	s0 =	simm.s32 @!p1 $0x0  }
0x14: {  	s2 =	sld [smem:$0x3F9B];
	s0 =	simm.s32 @p1 $0x1  }
0x15: {  	[smem:$0x3FB8] =	sst s0;
	s0 =	simm.s32 @!p2 $0x0  }
0x16: {  	s3 =	sld [smem:$0x3FDB];
	s0 =	simm.s32 @p2 $0x1  }
0x17: {  	s4 =	simm.s32 $0x1BF5;
	[smem:$0x3FBA] =	sst s0  }
0x18: {  	s0 =	sld [smem:$0x3F9D];
	_ =	swait.ge [sflag:s4], $0x0  }
0x19: {  	s7 =	sld [smem:$0x3F9E]  }
0x1a: {  	s8 =	sadd.s32 $0xFFFFE003, lr  }
0x1b: {  	s9 =	sadd.s32 $0xFFFFFEF7, lr;
	s5 =	simm.s32 $0xFFFFFFFF;
	p2 =	slt.u32 s8, $0xFFFFF086  }
0x1c: {  	p1 =	slt.u32 s9, $0xF7A;
	s5 =	simm.s32 @!p2 $0x0  }
0x1d: {  	s5 =	simm.s32 @p1 $0x1;
	p0 =	seq.s32 s7, s2  }
0x1e: {  	s7 =	smul.u32 @!p0 $0xF7A, s2;
	p2 =	seq.s32 @!p0 s5, $0x0  }
0x1f: {  	s9 =	smul.u32 $0xF7A, s1;
	s8 =	simm.s32 @!p0 $0x1BF5;
	p2 =	por !p2, p0  }
0x20: {  	[sflag:s8] =	ssyncset.s32 @!p0 $0xFFFFF086;
	s6 =	sadd.s32 @!p0 s3, s7;
	s7 =	simm.s32 @!p0 $0x108  }
0x21: {  	s3 =	sadd.s32 s3, s9;
	s6 =	sadd.s32 @!p0 $0x88, s6;
	s7 =	simm.s32 @p2 $0x1082  }
0x22: {  	[simem:s7], [sflag:s8] =	dma.local @!p0 [hbm:s6], $0xF7A  }
0x23: {  	s9 =	sor.u32 $0xD0000000, s2;
	s6 =	simm.s32 $0x108;
	_ =	swait.ge @!p0 [sflag:s8], $0x0  }
0x24: {  	s3 =	sadd.s32 $0x88, s3;
	s6 =	simm.s32 @!p1 $0x1082;
	[sflag:s4] =	ssyncset.s32 $0xFFFFF086  }
0x25: {  	[simem:s6], [sflag:s4] =	dma.local [hbm:s3], $0xF7A  }
0x26: {  	[smem:$0x3F9E] =	sst s1;
	(tag) =	ssettag s2;
	_ =	strace s9  }
0x27: {  	s1 =	sld [smem:$0x3FAE]  }
0x28: {  	s2 =	sld [smem:$0x3FAF]  }
0x29: {  	s4 =	sld [smem:$0x3FB1]  }
0x2a: {  	p0 =	seq.s32 s5, $0x0;
	s5 =	sld [smem:$0x3FB2]  }
0x2b: {  	s6 =	sld [smem:$0x3FB3]  }
0x2c: {  	s7 =	sld [smem:$0x3FB4]  }
0x2d: {  	s3 =	simm.s32 $0x108;
	s8 =	sld [smem:$0x3FB5]  }
0x2e: {  	s3 =	simm.s32 @!p0 $0x1082;
	s9 =	sld [smem:$0x3FB6]  }
0x2f: {  	lr =	sadd.s32 s0, s3;
	s0 =	sld [smem:$0x3FAD]  }
0x30: {  	s3 =	sld [smem:$0x3FB0]  }
0x31: {  	[smem:$0x3FB9] =	sst s10  }
0x32: {  	s10 =	sld [smem:$0x3FB7];
	_ =	sdelay $0x3  }
0x33: {  	p0 =	seq.s32 s10, $0x1;
	s10 =	sld [smem:$0x3FB9];
	_ =	sdelay $0x3  }
0x34: {  	[smem:$0x3FB9] =	sst s10  }
0x35: {  	s10 =	sld [smem:$0x3FB8];
	_ =	sdelay $0x3  }
0x36: {  	p1 =	seq.s32 s10, $0x1;
	s10 =	sld [smem:$0x3FB9];
	_ =	sdelay $0x3  }
0x37: {  	[smem:$0x3FB9] =	sst s10  }
0x38: {  	s10 =	sld [smem:$0x3FBA]  }
0x39: {  	_ = 	snop;
	(pc) =	sbr.ind lr, $3  }
0x3a: {  	_ = 	snop  }
0x3b: {  	_ = 	snop  }
0x3c: {  	p2 =	seq.s32 s10, $0x1;
	s10 =	sld [smem:$0x3FB9]  }
0x3d: {  	_ =	shalt  }
0x3e: {  	_ =	shalt  }
0x3f: {  	_ =	shalt  }
0x40: {  	_ =	shalt  }
0x41: {  	_ =	shalt  }
0x42: {  	_ =	shalt  }
0x43: {  	_ =	shalt  }
0x44: {  	_ =	shalt  }
0x45: {  	_ =	shalt  }
0x46: {  	_ =	shalt  }
0x47: {  	_ =	shalt  }
0x48: {  	_ =	shalt  }
0x49: {  	_ =	shalt  }
0x4a: {  	_ =	shalt  }
0x4b: {  	_ =	shalt  }
0x4c: {  	_ =	shalt  }
0x4d: {  	_ =	shalt  }
0x4e: {  	_ =	shalt  }
0x4f: {  	_ =	shalt  }
0x50: {  	_ =	shalt  }
0x51: {  	_ =	shalt  }
0x52: {  	_ =	shalt  }
0x53: {  	_ =	shalt  }
0x54: {  	_ =	shalt  }
0x55: {  	_ =	shalt  }
0x56: {  	_ =	shalt  }
0x57: {  	_ =	shalt  }
0x58: {  	_ =	shalt  }
0x59: {  	_ =	shalt  }
0x5a: {  	_ =	shalt  }
0x5b: {  	_ =	shalt  }
0x5c: {  	_ =	shalt  }
0x5d: {  	_ =	shalt  }
0x5e: {  	_ =	shalt  }
0x5f: {  	_ =	shalt  }
0x60: {  	_ =	shalt  }
0x61: {  	_ =	shalt  }
0x62: {  	_ =	shalt  }
0x63: {  	_ =	shalt  }
0x64: {  	_ =	shalt  }
0x65: {  	_ =	shalt  }
0x66: {  	_ =	shalt  }
0x67: {  	_ =	shalt  }
0x68: {  	_ =	shalt  }
0x69: {  	_ =	shalt  }
0x6a: {  	_ =	shalt  }
0x6b: {  	_ =	shalt  }
0x6c: {  	_ =	shalt  }
0x6d: {  	_ =	shalt  }
0x6e: {  	_ =	shalt  }
0x6f: {  	_ =	shalt  }
0x70: {  	_ =	shalt  }
0x71: {  	_ =	shalt  }
0x72: {  	_ =	shalt  }
0x73: {  	_ =	shalt  }
0x74: {  	_ =	shalt  }
0x75: {  	_ =	shalt  }
0x76: {  	_ =	shalt  }
0x77: {  	_ =	shalt  }
0x78: {  	_ =	shalt  }
0x79: {  	_ =	shalt  }
0x7a: {  	_ =	shalt  }
0x7b: {  	_ =	shalt  }
0x7c: {  	_ =	shalt  }
0x7d: {  	_ =	shalt  }
0x7e: {  	_ =	shalt  }
0x7f: {  	_ =	shalt  }
0x80: {  	_ =	shalt  }
0x81: {  	_ =	shalt  }
0x82: {  	_ =	shalt  }
0x83: {  	_ =	shalt  }
0x84: {  	_ =	shalt  }
0x85: {  	_ =	shalt  }
0x86: {  	_ =	shalt  }
0x87: {  	_ =	shalt  }
.Lfunc_end0:
.L_simem_size_0:
called_computation_lowered:
.L_overlay_start_0:
0x88: {  	s2 =	sld [smem:$0x3FD9]  }
0x89: {  	s3 =	sld [smem:$0x3FFE];
	_ =	sdelay $0x1  }
0x8a: {  	s1 =	srdreg.scid  }
0x8b: {  	s0 =	sand.u32 $0x1, s1  }
0x8c: {  	s14 =	sshll.u32 s0, $0xA;
	s2 =	sadd.s32 s3, s2  }
0x8d: {  	s2 =	sadd.s32 s2, s14  }
0x8e: {  	[smem:$0x3FC5] =	sst s2  }
0x8f: {  	_ = 	snop  }
0x90: {  	s2 =	sld [smem:$0x3FD0];
	_ =	sdelay $0x2  }
0x91: {  	s15 =	simm.s32 $0xA;
	s4 =	simm.s32 $0x10  }
0x92: {  	[smem:s4], [sflag:s15] =	dma.local [hbm:s2], $0x1  }
0x93: {  	_ =	swait.eq [sflag:s15], $0x1  }
0x94: {  	[sflag:s15] =	ssyncset.done $0x0  }
0x95: {  	[sflag:s15] =	ssyncadd.s32 $0xFFFFFFFF  }
0x96: {  	s16 =	sld [smem:$0x11];
	(tm) =	ssettm $0x1  }
0x97: {  	s17 =	sld [smem:$0x3FFB];
	_ =	sdelay $0x3  }
0x98: {  	_ =	strace s17  }
0x99: {  	s3 =	sld [smem:$0x3FFC];
	_ =	sdelay $0x3  }
0x9a: {  	_ =	strace s3  }
0x9b: {  	s3 =	sld [smem:$0x3FFD];
	_ =	sdelay $0x3  }
0x9c: {  	_ =	strace s3  }
0x9d: {  	_ =	strace $0x8FFFFFFF  }
0x9e: {  	s18 =	sld [smem:$0x3FDB];
	_ =	sdelay $0x1  }
0x9f: {  	s19 =	simm.s32 $_scs_section_size  }
0xa0: {  	s5 =	simm.s32 $_size__tile_overlayer_lowered;
	s6 =	simm.s32 $_tile_overlayer_lowered  }
0xa1: {  	s22 =	simm.s32 $0x1BFF;
	s21 =	sshll.u32 s6, $0x1;
	s3 =	sadd.s32 s19, s18  }
0xa2: {  	s7 =	simm.s32 $0x0;
	s20 =	sshll.u32 s5, $0x1;
	s5 =	sadd.s32 s21, s3  }
0xa3: {  	[timem:s7], [sflag:s22] =	dma.local [hbm:s5], s20  }
0xa4: {  	_ =	swait.ge [sflag:s22], s20  }
0xa5: {  	s4 =	ssub.s32 $0x0, s20;
	[sflag:s22] =	ssyncset.done $0x0  }
0xa6: {  	[sflag:s22] =	ssyncadd.s32 s4;
	_ =	sdelay $0x1  }
0xa7: {  	s23 =	simm.s32 $0x1B8B  }
0xa8: {  	_ =	swait.ge [sflag:s23], $0x1  }
0xa9: {  	[sflag:s23] =	ssyncset.done $0x0  }
0xaa: {  	s25 =	simm.s32 $0x1B8E;
	s24 =	sld [smem:$0x3FFE];
	[sflag:s23] =	ssyncadd.s32 $0xFFFFFFFF  }
0xab: {  	s26 =	simm.s32 $execute0_lowered;
	[smem:$0x3FD2] =	sst s25  }
0xac: {  	s5 =	sshll.u32 s26, $0x1;
	_ =	strace $0x80000046;
	[dreg:$0x1] =	wrdreg $0xFFFFFFFF  }
0xad: {  	s28 =	simm.s32 $_size_execute0_lowered;
	s3 =	sadd.s32 s3, s5;
	[dreg:$0x0] =	wrdreg $0x0  }
0xae: {  	s5 =	sshll.u32 s28, $0x1;
	[dreg:$0x2] =	wrdreg s3  }
0xaf: {  	[dreg:$0x3] =	wrdreg s5  }
0xb0: {  	[dreg:$0x4] =	wrdreg $0xC0  }
0xb1: {  	_ =	task [dreg:s7], $0x5FFFF  }
0xb2: {  	[dreg:$0x1] =	wrdreg $0xFFFFFFFF  }
0xb3: {  	[dreg:$0x0] =	wrdreg $0x60  }
0xb4: {  	[dreg:$0x2] =	wrdreg s16  }
0xb5: {  	[dreg:$0x3] =	wrdreg s24  }
0xb6: {  	[dreg:$0x4] =	wrdreg $0x2B000  }
0xb7: {  	[dreg:$0x5] =	wrdreg $0x9  }
0xb8: {  	_ =	task.clear_ibuf [dreg:s7], $0x6FFFF;
	_ =	strace $0x90000046  }
0xb9: {  	s29 =	simm.s32 $0x9;
	_ =	strace $0x80000048  }
0xba: {  	_ =	swait.ge [sflag:s29], $0x1  }
0xbb: {  	[sflag:s29] =	ssyncadd.s32 $0xFFFFFFFF  }
0xbc: {  	_ =	strace $0x90000048  }
0xbd: {  	_ =	sfence  }
0xbe: {  	s30 =	sld [smem:$0x0];
	_ =	sdelay $0x2  }
0xbf: {  	s31 =	sshll.u32 s1, $0xD;
	s1 =	sshrl.u32 s1, $0x2  }
0xc0: {  	s3 =	sand.u32 $0x4000, s31;
	s1 =	sadd.s32 s1, s30  }
0xc1: {  	s0 =	sor.u32 s3, s0;
	s1 =	sshll.u32 s1, $0x11  }
0xc2: {  	s0 =	sor.u32 s1, s0  }
0xc3: {  	s0 =	sadd.s32 $0x8F2B, s0  }
0xc4: {  	[sflag:s0] =	ssyncadd.remote.s32 $0x1  }
0xc5: {  	_ =	sfence.sel $0xFFFF  }
0xc6: {  	[dreg:$0x0] =	wrdreg $0xFFFFFFFF;
	(pc) =	sbr.abs _section_cstart, $3  }
0xc7: {  	[dreg:$0x1] =	wrdreg $0xFFFFFFFF  }
0xc8: {  	_ =	task.clear_ibuf [dreg:s7], $0x2FFFF;
	_ =	strace $0x9FFFFFFF  }
0xc9: {  	(tm) =	ssettm $0x7FFFFFFF  }
tec
execute0_lowered:
.L_overlay_start_1:
0x0: {  	(tag) =	ssettag $0x1  }
0x1: {  	s7 =	rddreg [dreg:$0x0]  }
0x2: {  	s5 =	rddreg [dreg:$0x1]  }
0x3: {  	s2 =	rddreg [dreg:$0x2]  }
0x4: {  	s0 =	rddreg [dreg:$0x3]  }
0x5: {  	s1 =	stileid.u32;
	s3 =	simm.s32 $0x0;
	s4 =	srdreg.scid  }
0x6: {  	s13 =	simm.s32 $0x80;
	s14 =	simm.s32 $0x0;
	s6 =	smul.u32 $0x278, s1  }
0x7: {  	[smem:$0x7FF] =	sst s3;
	s8 =	sand.u32 $0x1, s4;
	s4 =	sadd.s32 $0x2E00, s5  }
0x8: {  	_ =	strace $0x80000047;
	s10 =	smul.u32 $0x2780, s8;
	s11 =	sshll.u32 s8, $0x4  }
0x9: {  	s8 =	ssub.s32 $0x2, s8;
	s9 =	sshrl.u32 s6, $0x3;
	s11 =	sor.u32 s1, s11  }
0xa: {  	s12 =	sshrl.u32 s8, $0x1;
	s9 =	sadd.s32 s9, s5;
	s10 =	sadd.s32 s6, s10  }
0xb: {  	s11 =	smul.u32 $0x500, s11;
	s12 =	ssub.s32 s8, s12;
	s10 =	sshrl.u32 s10, $0x3  }
0xc: {  	s6 =	sadd.s32 s6, s2;
	s10 =	sadd.s32 s10, s5;
	s5 =	sadd.s32 $0x3000, s9  }
0xd: {  	s7 =	sadd.s32 s7, s11;
	s9 =	smax.u32 s12, $0x1;
	s11 =	simm.s32 $0x1  }
0xe: {  	s12 =	simm.s32 $0x2800;
	s8 =	sadd.s32 $0x3600, s10;
	s10 =	simm.s32 $0x2880  }
.LBB2_1:
0xf: {  	[tilespmem:s10], [sflag:$0x1] =	stream.linear.gather [hbm4b:s5+s3], $0x278, $0x38;
	[tilespmem:$0x2D78] =	vst v63  }
0x10: {  	_ =	swait.ge [sflag:s11], $0x278  }
0x11: {  	[sflag:s11] =	ssyncset.done $0x0  }
0x12: {  	[sflag:s11] =	ssyncadd.s32 $0xFFFFFD88  }
0x13: {  	[spmem:s6] =	stream.linear.scatter [tilespmem:s10], [sflag:$0x1], $0x278, $0x38;
	[tilespmem:$0x2D78] =	vst v63  }
0x14: {  	_ =	swait.ge [sflag:s11], $0x278  }
0x15: {  	[sflag:s11] =	ssyncset.done $0x0  }
0x16: {  	[sflag:s11] =	ssyncadd.s32 $0xFFFFFD88  }
0x17: {  	[tilespmem:s12], [sflag:$0x1] =	stream.linear.gather [hbm4b:s4+s3], $0x80, $0x38;
	[tilespmem:$0x2D78] =	vst v63  }
0x18: {  	_ =	swait.ge [sflag:s11], $0x80  }
0x19: {  	[sflag:s11] =	ssyncset.done $0x0  }
0x1a: {  	[sflag:s11] =	ssyncadd.s32 $0xFFFFFF80  }
0x1b: {  	[tilespmem:s3], [sflag:$0x1] =	stream.linear.gather [hbm4b:s7+s3], $0x2800, $0x38;
	[tilespmem:$0x2D78] =	vst v63  }
0x1c: {  	_ =	swait.ge [sflag:s11], $0x2800  }
0x1d: {  	[sflag:s11] =	ssyncset.done $0x0  }
0x1e: {  	[sflag:s11] =	ssyncadd.s32 $0xFFFFD800  }
0x1f: {  	s15 =	simm.s32 $0x0;
	[bflag:$0x0] =	sbarrier.arrive $0xFFFF  }
0x20: {  	[spmem:s2] =	stream.indirect.scatter.add.f32 [tilespmem:s12], [sflag:$0x1], $0x1, s15, s13, $0xb8;
	[tilespmem:$0x2D78] =	vst v63  }
0x21: {  	_ =	swait.ge [sflag:s11], $0x80  }
0x22: {  	s15 =	simm.s32 $0x200;
	[sflag:s11] =	ssyncset.done $0x0  }
.LBB2_2:
0x23: {  	s16 =	sshra.s32 s15, $0x2;
	[sflag:s11] =	ssyncadd.s32 $0xFFFFFF80;
	p0 =	sne.s32 s15, $0x9E00  }
0x24: {  	[spmem:s2] =	stream.indirect.scatter.add.f32 [tilespmem:s12], [sflag:$0x1], $0x1, s16, s13, $0xb8;
	[tilespmem:$0x2D78] =	vst v63  }
.Ltmp0:
0x25: {  	_ = 	snop;
	(pc) =	sbr.rel @p0 .LBB2_2-.Ltmp0, $4  }
0x26: {  	_ = 	snop  }
0x27: {  	s15 =	sadd.s32 $0x200, s15  }
0x28: {  	_ =	swait.ge [sflag:s11], $0x80  }
0x29: {  	[sflag:s11] =	ssyncset.done $0x0  }
0x2a: {  	[sflag:s11] =	ssyncadd.s32 $0xFFFFFF80  }
0x2b: {  	[bflag:$0x0] =	sbarrier.arrive $0xFFFF  }
0x2c: {  	[tilespmem:s10], [sflag:$0x1] =	stream.linear.gather [spmem:s6], $0x278, $0x38;
	[tilespmem:$0x2D78] =	vst v63  }
0x2d: {  	s14 =	sadd.s32 $0x1, s14;
	_ =	swait.ge [sflag:s11], $0x278  }
0x2e: {  	p0 =	sne.s32 s14, s9;
	[sflag:s11] =	ssyncset.done $0x0  }
.Ltmp1:
0x2f: {  	[sflag:s11] =	ssyncadd.s32 $0xFFFFFD88;
	(pc) =	sbr.rel @p0 .LBB2_1-.Ltmp1, $4  }
0x30: {  	[hbm4b:s8+s3] =	stream.linear.scatter [tilespmem:s10], [sflag:$0x1], $0x278, $0x38;
	[tilespmem:$0x2D78] =	vst v63  }
0x31: {  	_ =	swait.ge [sflag:s11], $0x278  }
0x32: {  	[sflag:s11] =	ssyncset.done $0x0  }
0x33: {  	[sflag:s11] =	ssyncadd.s32 $0xFFFFFD88  }
0x34: {  	_ =	sfence.sel $0x180000  }
0x35: {  	[bflag:$0x0] =	sbarrier.arrive $0xFFFF  }
0x36: {  	p0 =	sne.s32 s1, $0x0;
	_ =	strace $0x90000047  }
0x37: {  	s0 =	sadd.s32 @!p0 $0x100000, s0;
	[bflag:$0x2] =	sbarrier.arrive $0xFFFF  }
0x38: {  	[sflag:s0] =	ssyncadd.tile.s32 @!p0 $0x1;
	_ =	shalt  }
.Lfunc_end2:
_tile_overlayer_lowered:
.L_overlay_start_2:
0x39: {  	(tag) =	ssettag $0x2  }
0x3a: {  	s0 =	rddreg [dreg:$0x0];
	s2 =	stileid.u32  }
0x3b: {  	s1 =	rddreg [dreg:$0x1];
	p0 =	sne.s32 s2, $0x0  }
0x3c: {  	s3 =	rddreg [dreg:$0x2];
	[bflag:$0x3] =	sbarrier.arrive $0xFFFF;
	s2 =	simm.s32 @!p0 $0x1C01  }
0x3d: {  	[timem:s3], [sflag:s2] =	dma.local @!p0 [hbm:s0], s1  }
0x3e: {  	s0 =	simm.s32 @!p0 $0x1  }
0x3f: {  	_ =	swait.ge @!p0 [sflag:s0], s1  }
0x40: {  	s1 =	ssub.s32 @!p0 $0x0, s1;
	[sflag:s0] =	ssyncset.done @!p0 $0x0  }
0x41: {  	[sflag:s0] =	ssyncadd.s32 @!p0 s1  }
0x42: {  	[bflag:$0x3] =	sbarrier.arrive $0xFFFF  }
0x43: {  	_ =	shalt  }

// kernel: kernel.15.cloned.1.call-start
scs
__scs_entry_jumppad:
0x0: {  	(pc) =	sbr.rel $0x88, $3  }
0x1: {  	(tag) =	ssettag $0x0;
	lr =	simm.s32 $0x1  }
0x2: {  	[smem:$0x3F9E] =	sst lr;
	_ =	strace $0xD0000000  }
0x3: {  	_ = 	snop  }
0x4: {  	_ = 	snop  }
0x5: {  	_ = 	snop  }
0x6: {  	_ = 	snop  }
0x7: {  	_ = 	snop  }
__scs_overlays_trampoline_lowered:
0x8: {  	[smem:$0x3FAD] =	sst s0  }
0x9: {  	[smem:$0x3FAE] =	sst s1  }
0xa: {  	[smem:$0x3FAF] =	sst s2  }
0xb: {  	[smem:$0x3FB0] =	sst s3  }
0xc: {  	[smem:$0x3FB1] =	sst s4  }
0xd: {  	[smem:$0x3FB2] =	sst s5  }
0xe: {  	[smem:$0x3FB3] =	sst s6  }
0xf: {  	[smem:$0x3FB4] =	sst s7  }
0x10: {  	[smem:$0x3FB5] =	sst s8  }
0x11: {  	[smem:$0x3FB6] =	sst s9;
	s0 =	simm.s32 @!p0 $0x0  }
0x12: {  	s1 =	sld [smem:$0x3F9C];
	s0 =	simm.s32 @p0 $0x1  }
0x13: {  	[smem:$0x3FB7] =	sst s0;
	s0 =	simm.s32 @!p1 $0x0  }
0x14: {  	s2 =	sld [smem:$0x3F9B];
	s0 =	simm.s32 @p1 $0x1  }
0x15: {  	[smem:$0x3FB8] =	sst s0;
	s0 =	simm.s32 @!p2 $0x0  }
0x16: {  	s3 =	sld [smem:$0x3FDB];
	s0 =	simm.s32 @p2 $0x1  }
0x17: {  	s4 =	simm.s32 $0x1BF5;
	[smem:$0x3FBA] =	sst s0  }
0x18: {  	s0 =	sld [smem:$0x3F9D];
	_ =	swait.ge [sflag:s4], $0x0  }
0x19: {  	s7 =	sld [smem:$0x3F9E]  }
0x1a: {  	s8 =	sadd.s32 $0xFFFFE003, lr  }
0x1b: {  	s9 =	sadd.s32 $0xFFFFFEF7, lr;
	s5 =	simm.s32 $0xFFFFFFFF;
	p2 =	slt.u32 s8, $0xFFFFF086  }
0x1c: {  	p1 =	slt.u32 s9, $0xF7A;
	s5 =	simm.s32 @!p2 $0x0  }
0x1d: {  	s5 =	simm.s32 @p1 $0x1;
	p0 =	seq.s32 s7, s2  }
0x1e: {  	s7 =	smul.u32 @!p0 $0xF7A, s2;
	p2 =	seq.s32 @!p0 s5, $0x0  }
0x1f: {  	s9 =	smul.u32 $0xF7A, s1;
	s8 =	simm.s32 @!p0 $0x1BF5;
	p2 =	por !p2, p0  }
0x20: {  	[sflag:s8] =	ssyncset.s32 @!p0 $0xFFFFF086;
	s6 =	sadd.s32 @!p0 s3, s7;
	s7 =	simm.s32 @!p0 $0x108  }
0x21: {  	s3 =	sadd.s32 s3, s9;
	s6 =	sadd.s32 @!p0 $0x88, s6;
	s7 =	simm.s32 @p2 $0x1082  }
0x22: {  	[simem:s7], [sflag:s8] =	dma.local @!p0 [hbm:s6], $0xF7A  }
0x23: {  	s9 =	sor.u32 $0xD0000000, s2;
	s6 =	simm.s32 $0x108;
	_ =	swait.ge @!p0 [sflag:s8], $0x0  }
0x24: {  	s3 =	sadd.s32 $0x88, s3;
	s6 =	simm.s32 @!p1 $0x1082;
	[sflag:s4] =	ssyncset.s32 $0xFFFFF086  }
0x25: {  	[simem:s6], [sflag:s4] =	dma.local [hbm:s3], $0xF7A  }
0x26: {  	[smem:$0x3F9E] =	sst s1;
	(tag) =	ssettag s2;
	_ =	strace s9  }
0x27: {  	s1 =	sld [smem:$0x3FAE]  }
0x28: {  	s2 =	sld [smem:$0x3FAF]  }
0x29: {  	s4 =	sld [smem:$0x3FB1]  }
0x2a: {  	p0 =	seq.s32 s5, $0x0;
	s5 =	sld [smem:$0x3FB2]  }
0x2b: {  	s6 =	sld [smem:$0x3FB3]  }
0x2c: {  	s7 =	sld [smem:$0x3FB4]  }
0x2d: {  	s3 =	simm.s32 $0x108;
	s8 =	sld [smem:$0x3FB5]  }
0x2e: {  	s3 =	simm.s32 @!p0 $0x1082;
	s9 =	sld [smem:$0x3FB6]  }
0x2f: {  	lr =	sadd.s32 s0, s3;
	s0 =	sld [smem:$0x3FAD]  }
0x30: {  	s3 =	sld [smem:$0x3FB0]  }
0x31: {  	[smem:$0x3FB9] =	sst s10  }
0x32: {  	s10 =	sld [smem:$0x3FB7];
	_ =	sdelay $0x3  }
0x33: {  	p0 =	seq.s32 s10, $0x1;
	s10 =	sld [smem:$0x3FB9];
	_ =	sdelay $0x3  }
0x34: {  	[smem:$0x3FB9] =	sst s10  }
0x35: {  	s10 =	sld [smem:$0x3FB8];
	_ =	sdelay $0x3  }
0x36: {  	p1 =	seq.s32 s10, $0x1;
	s10 =	sld [smem:$0x3FB9];
	_ =	sdelay $0x3  }
0x37: {  	[smem:$0x3FB9] =	sst s10  }
0x38: {  	s10 =	sld [smem:$0x3FBA]  }
0x39: {  	_ = 	snop;
	(pc) =	sbr.ind lr, $3  }
0x3a: {  	_ = 	snop  }
0x3b: {  	_ = 	snop  }
0x3c: {  	p2 =	seq.s32 s10, $0x1;
	s10 =	sld [smem:$0x3FB9]  }
0x3d: {  	_ =	shalt  }
0x3e: {  	_ =	shalt  }
0x3f: {  	_ =	shalt  }
0x40: {  	_ =	shalt  }
0x41: {  	_ =	shalt  }
0x42: {  	_ =	shalt  }
0x43: {  	_ =	shalt  }
0x44: {  	_ =	shalt  }
0x45: {  	_ =	shalt  }
0x46: {  	_ =	shalt  }
0x47: {  	_ =	shalt  }
0x48: {  	_ =	shalt  }
0x49: {  	_ =	shalt  }
0x4a: {  	_ =	shalt  }
0x4b: {  	_ =	shalt  }
0x4c: {  	_ =	shalt  }
0x4d: {  	_ =	shalt  }
0x4e: {  	_ =	shalt  }
0x4f: {  	_ =	shalt  }
0x50: {  	_ =	shalt  }
0x51: {  	_ =	shalt  }
0x52: {  	_ =	shalt  }
0x53: {  	_ =	shalt  }
0x54: {  	_ =	shalt  }
0x55: {  	_ =	shalt  }
0x56: {  	_ =	shalt  }
0x57: {  	_ =	shalt  }
0x58: {  	_ =	shalt  }
0x59: {  	_ =	shalt  }
0x5a: {  	_ =	shalt  }
0x5b: {  	_ =	shalt  }
0x5c: {  	_ =	shalt  }
0x5d: {  	_ =	shalt  }
0x5e: {  	_ =	shalt  }
0x5f: {  	_ =	shalt  }
0x60: {  	_ =	shalt  }
0x61: {  	_ =	shalt  }
0x62: {  	_ =	shalt  }
0x63: {  	_ =	shalt  }
0x64: {  	_ =	shalt  }
0x65: {  	_ =	shalt  }
0x66: {  	_ =	shalt  }
0x67: {  	_ =	shalt  }
0x68: {  	_ =	shalt  }
0x69: {  	_ =	shalt  }
0x6a: {  	_ =	shalt  }
0x6b: {  	_ =	shalt  }
0x6c: {  	_ =	shalt  }
0x6d: {  	_ =	shalt  }
0x6e: {  	_ =	shalt  }
0x6f: {  	_ =	shalt  }
0x70: {  	_ =	shalt  }
0x71: {  	_ =	shalt  }
0x72: {  	_ =	shalt  }
0x73: {  	_ =	shalt  }
0x74: {  	_ =	shalt  }
0x75: {  	_ =	shalt  }
0x76: {  	_ =	shalt  }
0x77: {  	_ =	shalt  }
0x78: {  	_ =	shalt  }
0x79: {  	_ =	shalt  }
0x7a: {  	_ =	shalt  }
0x7b: {  	_ =	shalt  }
0x7c: {  	_ =	shalt  }
0x7d: {  	_ =	shalt  }
0x7e: {  	_ =	shalt  }
0x7f: {  	_ =	shalt  }
0x80: {  	_ =	shalt  }
0x81: {  	_ =	shalt  }
0x82: {  	_ =	shalt  }
0x83: {  	_ =	shalt  }
0x84: {  	_ =	shalt  }
0x85: {  	_ =	shalt  }
0x86: {  	_ =	shalt  }
0x87: {  	_ =	shalt  }
.Lfunc_end0:
.L_simem_size_0:
called_computation.1_lowered:
.L_overlay_start_0:
0x88: {  	s2 =	sld [smem:$0x3FD9]  }
0x89: {  	s3 =	sld [smem:$0x3FFE];
	_ =	sdelay $0x1  }
0x8a: {  	s1 =	srdreg.scid  }
0x8b: {  	s0 =	sand.u32 $0x1, s1  }
0x8c: {  	s14 =	sshll.u32 s0, $0xA;
	s2 =	sadd.s32 s3, s2  }
0x8d: {  	s2 =	sadd.s32 s2, s14  }
0x8e: {  	[smem:$0x3FC5] =	sst s2  }
0x8f: {  	_ = 	snop  }
0x90: {  	s2 =	sld [smem:$0x3FD0];
	_ =	sdelay $0x2  }
0x91: {  	s15 =	simm.s32 $0xA;
	s4 =	simm.s32 $0x10  }
0x92: {  	[smem:s4], [sflag:s15] =	dma.local [hbm:s2], $0x1  }
0x93: {  	_ =	swait.eq [sflag:s15], $0x1  }
0x94: {  	[sflag:s15] =	ssyncset.done $0x0  }
0x95: {  	s16 =	sld [smem:$0x10];
	[sflag:s15] =	ssyncadd.s32 $0xFFFFFFFF  }
0x96: {  	s17 =	sld [smem:$0x11];
	(tm) =	ssettm $0x1  }
0x97: {  	s18 =	sld [smem:$0x3FFB];
	_ =	sdelay $0x3  }
0x98: {  	_ =	strace s18  }
0x99: {  	s4 =	sld [smem:$0x3FFC];
	_ =	sdelay $0x3  }
0x9a: {  	_ =	strace s4  }
0x9b: {  	s4 =	sld [smem:$0x3FFD];
	_ =	sdelay $0x3  }
0x9c: {  	_ =	strace s4  }
0x9d: {  	_ =	strace $0x8FFFFFFF  }
0x9e: {  	s19 =	sld [smem:$0x3FDB];
	_ =	sdelay $0x1  }
0x9f: {  	s5 =	simm.s32 $_scs_section_size  }
0xa0: {  	s6 =	simm.s32 $_size__tile_overlayer_lowered;
	s7 =	simm.s32 $_tile_overlayer_lowered  }
0xa1: {  	s22 =	simm.s32 $0x1BFF;
	s21 =	sshll.u32 s7, $0x1;
	s4 =	sadd.s32 s5, s19  }
0xa2: {  	s8 =	simm.s32 $0x0;
	s20 =	sshll.u32 s6, $0x1;
	s6 =	sadd.s32 s21, s4  }
0xa3: {  	[timem:s8], [sflag:s22] =	dma.local [hbm:s6], s20  }
0xa4: {  	_ =	swait.ge [sflag:s22], s20  }
0xa5: {  	s5 =	ssub.s32 $0x0, s20;
	[sflag:s22] =	ssyncset.done $0x0  }
0xa6: {  	[sflag:s22] =	ssyncadd.s32 s5;
	_ =	sdelay $0x1  }
0xa7: {  	s23 =	simm.s32 $0x1B8B  }
0xa8: {  	_ =	swait.ge [sflag:s23], $0x1  }
0xa9: {  	[sflag:s23] =	ssyncset.done $0x0  }
0xaa: {  	s25 =	simm.s32 $0x1B8E;
	s24 =	sld [smem:$0x3FFE];
	[sflag:s23] =	ssyncadd.s32 $0xFFFFFFFF  }
0xab: {  	s26 =	simm.s32 $execute0_lowered;
	[smem:$0x3FD2] =	sst s25  }
0xac: {  	s6 =	sshll.u32 s26, $0x1;
	_ =	strace $0x80000049;
	[dreg:$0x1] =	wrdreg $0xFFFFFFFF  }
0xad: {  	s28 =	simm.s32 $_size_execute0_lowered;
	s4 =	sadd.s32 s4, s6;
	[dreg:$0x0] =	wrdreg $0x0  }
0xae: {  	s6 =	sshll.u32 s28, $0x1;
	[dreg:$0x2] =	wrdreg s4  }
0xaf: {  	[dreg:$0x3] =	wrdreg s6  }
0xb0: {  	[dreg:$0x4] =	wrdreg $0xC0  }
0xb1: {  	_ =	task [dreg:s8], $0x5FFFF  }
0xb2: {  	[dreg:$0x1] =	wrdreg $0xFFFFFFFF  }
0xb3: {  	[dreg:$0x0] =	wrdreg $0x60  }
0xb4: {  	[dreg:$0x2] =	wrdreg s24  }
0xb5: {  	[dreg:$0x3] =	wrdreg s16  }
0xb6: {  	[dreg:$0x4] =	wrdreg s17  }
0xb7: {  	[dreg:$0x5] =	wrdreg $0xA0000  }
0xb8: {  	[dreg:$0x6] =	wrdreg $0x9  }
0xb9: {  	_ =	task.clear_ibuf [dreg:s8], $0x7FFFF;
	_ =	strace $0x90000049  }
0xba: {  	s29 =	simm.s32 $0x9;
	_ =	strace $0x8000004B  }
0xbb: {  	_ =	swait.ge [sflag:s29], $0x1  }
0xbc: {  	[sflag:s29] =	ssyncadd.s32 $0xFFFFFFFF  }
0xbd: {  	_ =	strace $0x9000004B  }
0xbe: {  	_ =	sfence  }
0xbf: {  	s30 =	sld [smem:$0x0];
	_ =	sdelay $0x2  }
0xc0: {  	s31 =	sshll.u32 s1, $0xD;
	s1 =	sshrl.u32 s1, $0x2  }
0xc1: {  	s3 =	sand.u32 $0x4000, s31;
	s1 =	sadd.s32 s1, s30  }
0xc2: {  	s0 =	sor.u32 s3, s0;
	s1 =	sshll.u32 s1, $0x11  }
0xc3: {  	s0 =	sor.u32 s1, s0  }
0xc4: {  	s0 =	sadd.s32 $0x8F2B, s0  }
0xc5: {  	[sflag:s0] =	ssyncadd.remote.s32 $0x1  }
0xc6: {  	_ =	sfence.sel $0xFFFF  }
0xc7: {  	[dreg:$0x0] =	wrdreg $0xFFFFFFFF;
	(pc) =	sbr.abs _section_cstart, $3  }
0xc8: {  	[dreg:$0x1] =	wrdreg $0xFFFFFFFF  }
0xc9: {  	_ =	task.clear_ibuf [dreg:s8], $0x2FFFF;
	_ =	strace $0x9FFFFFFF  }
0xca: {  	(tm) =	ssettm $0x7FFFFFFF  }
0xcb: {  	_ =	shalt  }
tec
execute0_lowered:
.L_overlay_start_1:
0x0: {  	(tag) =	ssettag $0x1  }
0x1: {  	s7 =	rddreg [dreg:$0x0]  }
0x2: {  	s2 =	rddreg [dreg:$0x1]  }
0x3: {  	s3 =	rddreg [dreg:$0x2]  }
0x4: {  	s4 =	rddreg [dreg:$0x3]  }
0x5: {  	s0 =	rddreg [dreg:$0x4]  }
0x6: {  	s1 =	stileid.u32;
	s5 =	simm.s32 $0x0;
	s6 =	srdreg.scid  }
0x7: {  	s17 =	simm.s32 $0x80;
	s18 =	simm.s32 $0x2000;
	s19 =	simm.s32 $0x6000  }
0x8: {  	s20 =	simm.s32 $0x1;
	s21 =	simm.s32 $0x2;
	s8 =	smul.u32 $0x13C00, s1  }
0x9: {  	s22 =	simm.s32 $0x0;
	[smem:$0x7FF] =	sst s5;
	s25 =	smul.u32 $0x4F000, s1  }
0xa: {  	s9 =	sand.u32 $0x1, s6;
	s6 =	sadd.s32 $0x2B800, s7;
	s29 =	smul.u32 $0x2800, s1  }
0xb: {  	s30 =	sshll.u32 s1, $0x6;
	_ =	strace $0x8000004A;
	s11 =	smul.u32 $0x13C000, s9  }
0xc: {  	s12 =	sshll.u32 s9, $0x4;
	s13 =	ssub.s32 $0x2, s9;
	s15 =	smul.u32 $0x28000, s9  }
0xd: {  	s10 =	sshrl.u32 s8, $0x3;
	s24 =	sor.u32 s1, s12;
	s26 =	sshrl.u32 s13, $0x1  }
0xe: {  	s28 =	sshrl.u32 s25, $0x2;
	s10 =	sadd.s32 s10, s7;
	s8 =	sadd.s32 s8, s11  }
0xf: {  	s11 =	smul.u32 $0x500, s24;
	s13 =	ssub.s32 s13, s26;
	s16 =	sadd.s32 s28, s4  }
0x10: {  	s12 =	sadd.s32 s29, s15;
	s15 =	simm.s32 $0x1000;
	s8 =	sshrl.u32 s8, $0x3  }
0x11: {  	s31 =	sadd.s32 $0x800, s12;
	s12 =	smax.u32 s13, $0x1;
	s13 =	sshrl.u32 s16, $0x3  }
0x12: {  	s16 =	simm.s32 $0x3;
	s14 =	sadd.s32 s8, s7;
	s7 =	sadd.s32 $0x53000, s10  }
0x13: {  	s8 =	sor.u32 $0x1C04, s30;
	s9 =	sadd.s32 s2, s11;
	s10 =	sadd.s32 s3, s11  }
0x14: {  	[dreg:$0x5] =	wrdreg s31;
	s11 =	sadd.s32 $0x7A800, s14;
	s14 =	simm.s32 $0x4  }
.LBB2_1:
0x15: {  	[spmem:s13], [sflag:s8] =	dma.local [hbm:s7], $0x2780  }
0x16: {  	_ =	swait.ge [sflag:s14], $0x2780  }
0x17: {  	[sflag:s14] =	ssyncset.done $0x0  }
0x18: {  	[sflag:s14] =	ssyncadd.s32 $0xFFFFD880  }
0x19: {  	[tilespmem:s5], [sflag:$0x3] =	stream.linear.gather [hbm4b:s9+s5], $0x800, $0x38;
	[tilespmem:$0x1DC00] =	vst v63  }
0x1a: {  	_ = 	snop  }
0x1b: {  	[tilespmem:s15], [sflag:$0x3] =	stream.linear.gather [hbm4b:s10+s5], $0x800, $0x38;
	[tilespmem:$0x1DC00] =	vst v63  }
0x1c: {  	[bflag:$0x0] =	sbarrier.arrive $0xFFFF  }
0x1d: {  	_ =	swait.ge [sflag:s16], $0x800  }
0x1e: {  	[sflag:s16] =	ssyncset.done $0x0  }
0x1f: {  	[sflag:s16] =	ssyncadd.s32 $0xFFFFF800  }
0x20: {  	_ =	swait.ge [sflag:s16], $0x800  }
0x21: {  	p0 =	por $0x0, $0x0;
	s23 =	rddreg [dreg:$0x5]  }
0x22: {  	s28 =	simm.s32 @!p0 $0x0;
	s24 =	sadd.s32 @!p0 $0x0, s23  }
0x23: {  	[sflag:s16] =	ssyncset.done $0x0;
	s23 =	sand.u32 @!p0 $0x800, s5;
	s24 =	sshrl.u32 @!p0 s24, $0x3  }
0x24: {  	[sflag:s16] =	ssyncadd.s32 $0xFFFFF800;
	s25 =	sxor.u32 @!p0 $0x800, s23;
	s26 =	sadd.s32 @!p0 s2, s24  }
0x25: {  	[tilespmem:s25], [sflag:$0x3] =	stream.linear.gather @!p0 [hbm4b:s26+s28], $0x800, $0x38;
	[tilespmem:$0x1DC00] =	vst v63  }
0x26: {  	s24 =	sadd.s32 @!p0 s3, s24;
	s25 =	sxor.u32 @!p0 $0x1800, s23  }
0x27: {  	[tilespmem:s25], [sflag:$0x3] =	stream.linear.gather @!p0 [hbm4b:s24+s28], $0x800, $0x38;
	[tilespmem:$0x1DC00] =	vst v63  }
0x28: {  	s23 =	simm.s32 @p0 $0x0  }
0x29: {  	[tilespmem:s18], [sflag:$0x1] =	stream.indirect.gather [hbm4b:s6+s17], $0x80, s23, s17, $0xb8;
	[tilespmem:$0x1DC00] =	vst v63  }
0x2a: {  	s25 =	sor.u32 $0x80, s23  }
0x2b: {  	[tilespmem:s19], [sflag:$0x2] =	stream.indirect.gather [hbm4b:s6+s17], $0x80, s25, s17, $0xb8;
	[tilespmem:$0x1DC00] =	vst v63  }
0x2c: {  	_ =	swait.ge [sflag:s20], $0x4000  }
0x2d: {  	[sflag:s20] =	ssyncset.done $0x0  }
0x2e: {  	s26 =	sor.u32 $0x1000, s23;
	[sflag:s20] =	ssyncadd.s32 $0xFFFFC000  }
0x2f: {  	[spmem:s4] =	stream.indirect.scatter.add.f32 [tilespmem:s18], [sflag:$0x4], $0x80, s26, s17, $0xb8;
	[tilespmem:$0x1DC00] =	vst v63  }
0x30: {  	_ =	swait.ge [sflag:s14], $0x4000  }
0x31: {  	[sflag:s14] =	ssyncset.done $0x0  }
0x32: {  	s28 =	sadd.s32 $0x100, s23;
	[sflag:s14] =	ssyncadd.s32 $0xFFFFC000  }
0x33: {  	[tilespmem:s18], [sflag:$0x1] =	stream.indirect.gather [hbm4b:s6+s17], $0x80, s28, s17, $0xb8;
	[tilespmem:$0x1DC00] =	vst v63  }
0x34: {  	_ =	swait.ge [sflag:s21], $0x4000  }
0x35: {  	[sflag:s21] =	ssyncset.done $0x0  }
0x36: {  	s29 =	sor.u32 $0x1080, s23;
	[sflag:s21] =	ssyncadd.s32 $0xFFFFC000  }
0x37: {  	[spmem:s4] =	stream.indirect.scatter.add.f32 [tilespmem:s19], [sflag:$0x4], $0x80, s29, s17, $0xb8;
	[tilespmem:$0x1DC00] =	vst v63  }
0x38: {  	_ =	swait.ge [sflag:s14], $0x4000  }
0x39: {  	[sflag:s14] =	ssyncset.done $0x0  }
0x3a: {  	s30 =	sor.u32 $0x180, s23;
	[sflag:s14] =	ssyncadd.s32 $0xFFFFC000  }
0x3b: {  	[tilespmem:s19], [sflag:$0x2] =	stream.indirect.gather [hbm4b:s6+s17], $0x80, s30, s17, $0xb8;
	[tilespmem:$0x1DC00] =	vst v63  }
0x3c: {  	_ =	swait.ge [sflag:s20], $0x4000  }
0x3d: {  	[sflag:s20] =	ssyncset.done $0x0  }
0x3e: {  	s31 =	sadd.s32 $0x1100, s23;
	[sflag:s20] =	ssyncadd.s32 $0xFFFFC000  }
0x3f: {  	[spmem:s4] =	stream.indirect.scatter.add.f32 [tilespmem:s18], [sflag:$0x4], $0x80, s31, s17, $0xb8;
	[tilespmem:$0x1DC00] =	vst v63  }
0x40: {  	_ =	swait.ge [sflag:s14], $0x4000  }
0x41: {  	[sflag:s14] =	ssyncset.done $0x0  }
0x42: {  	s25 =	sadd.s32 $0x200, s23;
	[sflag:s14] =	ssyncadd.s32 $0xFFFFC000  }
0x43: {  	[tilespmem:s18], [sflag:$0x1] =	stream.indirect.gather [hbm4b:s6+s17], $0x80, s25, s17, $0xb8;
	[tilespmem:$0x1DC00] =	vst v63  }
0x44: {  	_ =	swait.ge [sflag:s21], $0x4000  }
0x45: {  	[sflag:s21] =	ssyncset.done $0x0  }
0x46: {  	s26 =	sor.u32 $0x1180, s23;
	[sflag:s21] =	ssyncadd.s32 $0xFFFFC000  }
0x47: {  	[spmem:s4] =	stream.indirect.scatter.add.f32 [tilespmem:s19], [sflag:$0x4], $0x80, s26, s17, $0xb8;
	[tilespmem:$0x1DC00] =	vst v63  }
0x48: {  	_ =	swait.ge [sflag:s14], $0x4000  }
0x49: {  	[sflag:s14] =	ssyncset.done $0x0  }
0x4a: {  	s28 =	sor.u32 $0x280, s23;
	[sflag:s14] =	ssyncadd.s32 $0xFFFFC000  }
0x4b: {  	[tilespmem:s19], [sflag:$0x2] =	stream.indirect.gather [hbm4b:s6+s17], $0x80, s28, s17, $0xb8;
	[tilespmem:$0x1DC00] =	vst v63  }
0x4c: {  	_ =	swait.ge [sflag:s20], $0x4000  }
0x4d: {  	[sflag:s20] =	ssyncset.done $0x0  }
0x4e: {  	s29 =	sadd.s32 $0x1200, s23;
	[sflag:s20] =	ssyncadd.s32 $0xFFFFC000  }
0x4f: {  	[spmem:s4] =	stream.indirect.scatter.add.f32 [tilespmem:s18], [sflag:$0x4], $0x80, s29, s17, $0xb8;
	[tilespmem:$0x1DC00] =	vst v63  }
0x50: {  	_ =	swait.ge [sflag:s14], $0x4000  }
0x51: {  	[sflag:s14] =	ssyncset.done $0x0  }
0x52: {  	s30 =	sadd.s32 $0x300, s23;
	[sflag:s14] =	ssyncadd.s32 $0xFFFFC000  }
0x53: {  	[tilespmem:s18], [sflag:$0x1] =	stream.indirect.gather [hbm4b:s6+s17], $0x80, s30, s17, $0xb8;
	[tilespmem:$0x1DC00] =	vst v63  }
0x54: {  	_ =	swait.ge [sflag:s21], $0x4000  }
0x55: {  	[sflag:s21] =	ssyncset.done $0x0  }
0x56: {  	s31 =	sor.u32 $0x1280, s23;
	[sflag:s21] =	ssyncadd.s32 $0xFFFFC000  }
0x57: {  	[spmem:s4] =	stream.indirect.scatter.add.f32 [tilespmem:s19], [sflag:$0x4], $0x80, s31, s17, $0xb8;
	[tilespmem:$0x1DC00] =	vst v63  }
0x58: {  	_ =	swait.ge [sflag:s14], $0x4000  }
0x59: {  	[sflag:s14] =	ssyncset.done $0x0  }
0x5a: {  	s25 =	sor.u32 $0x380, s23;
	[sflag:s14] =	ssyncadd.s32 $0xFFFFC000  }
0x5b: {  	[tilespmem:s19], [sflag:$0x2] =	stream.indirect.gather [hbm4b:s6+s17], $0x80, s25, s17, $0xb8;
	[tilespmem:$0x1DC00] =	vst v63  }
0x5c: {  	_ =	swait.ge [sflag:s20], $0x4000  }
0x5d: {  	[sflag:s20] =	ssyncset.done $0x0  }
0x5e: {  	s26 =	sadd.s32 $0x1300, s23;
	[sflag:s20] =	ssyncadd.s32 $0xFFFFC000  }
0x5f: {  	[spmem:s4] =	stream.indirect.scatter.add.f32 [tilespmem:s18], [sflag:$0x4], $0x80, s26, s17, $0xb8;
	[tilespmem:$0x1DC00] =	vst v63  }
0x60: {  	_ =	swait.ge [sflag:s14], $0x4000  }
0x61: {  	[sflag:s14] =	ssyncset.done $0x0  }
0x62: {  	s28 =	sadd.s32 $0x400, s23;
	[sflag:s14] =	ssyncadd.s32 $0xFFFFC000  }
0x63: {  	[tilespmem:s18], [sflag:$0x1] =	stream.indirect.gather [hbm4b:s6+s17], $0x80, s28, s17, $0xb8;
	[tilespmem:$0x1DC00] =	vst v63  }
0x64: {  	_ =	swait.ge [sflag:s21], $0x4000  }
0x65: {  	[sflag:s21] =	ssyncset.done $0x0  }
0x66: {  	s29 =	sor.u32 $0x1380, s23;
	[sflag:s21] =	ssyncadd.s32 $0xFFFFC000  }
0x67: {  	[spmem:s4] =	stream.indirect.scatter.add.f32 [tilespmem:s19], [sflag:$0x4], $0x80, s29, s17, $0xb8;
	[tilespmem:$0x1DC00] =	vst v63  }
0x68: {  	_ =	swait.ge [sflag:s14], $0x4000  }
0x69: {  	[sflag:s14] =	ssyncset.done $0x0  }
0x6a: {  	s30 =	sor.u32 $0x480, s23;
	[sflag:s14] =	ssyncadd.s32 $0xFFFFC000  }
0x6b: {  	[tilespmem:s19], [sflag:$0x2] =	stream.indirect.gather [hbm4b:s6+s17], $0x80, s30, s17, $0xb8;
	[tilespmem:$0x1DC00] =	vst v63  }
0x6c: {  	_ =	swait.ge [sflag:s20], $0x4000  }
0x6d: {  	[sflag:s20] =	ssyncset.done $0x0  }
0x6e: {  	s31 =	sadd.s32 $0x1400, s23;
	[sflag:s20] =	ssyncadd.s32 $0xFFFFC000  }
0x6f: {  	[spmem:s4] =	stream.indirect.scatter.add.f32 [tilespmem:s18], [sflag:$0x4], $0x80, s31, s17, $0xb8;
	[tilespmem:$0x1DC00] =	vst v63  }
0x70: {  	_ =	swait.ge [sflag:s14], $0x4000  }
0x71: {  	[sflag:s14] =	ssyncset.done $0x0  }
0x72: {  	s25 =	sadd.s32 $0x500, s23;
	[sflag:s14] =	ssyncadd.s32 $0xFFFFC000  }
0x73: {  	[tilespmem:s18], [sflag:$0x1] =	stream.indirect.gather [hbm4b:s6+s17], $0x80, s25, s17, $0xb8;
	[tilespmem:$0x1DC00] =	vst v63  }
0x74: {  	_ =	swait.ge [sflag:s21], $0x4000  }
0x75: {  	[sflag:s21] =	ssyncset.done $0x0  }
0x76: {  	s26 =	sor.u32 $0x1480, s23;
	[sflag:s21] =	ssyncadd.s32 $0xFFFFC000  }
0x77: {  	[spmem:s4] =	stream.indirect.scatter.add.f32 [tilespmem:s19], [sflag:$0x4], $0x80, s26, s17, $0xb8;
	[tilespmem:$0x1DC00] =	vst v63  }
0x78: {  	_ =	swait.ge [sflag:s14], $0x4000  }
0x79: {  	[sflag:s14] =	ssyncset.done $0x0  }
0x7a: {  	s28 =	sor.u32 $0x580, s23;
	[sflag:s14] =	ssyncadd.s32 $0xFFFFC000  }
0x7b: {  	[tilespmem:s19], [sflag:$0x2] =	stream.indirect.gather [hbm4b:s6+s17], $0x80, s28, s17, $0xb8;
	[tilespmem:$0x1DC00] =	vst v63  }
0x7c: {  	_ =	swait.ge [sflag:s20], $0x4000  }
0x7d: {  	[sflag:s20] =	ssyncset.done $0x0  }
0x7e: {  	s29 =	sadd.s32 $0x1500, s23;
	[sflag:s20] =	ssyncadd.s32 $0xFFFFC000  }
0x7f: {  	[spmem:s4] =	stream.indirect.scatter.add.f32 [tilespmem:s18], [sflag:$0x4], $0x80, s29, s17, $0xb8;
	[tilespmem:$0x1DC00] =	vst v63  }
0x80: {  	_ =	swait.ge [sflag:s14], $0x4000  }
0x81: {  	[sflag:s14] =	ssyncset.done $0x0  }
0x82: {  	s30 =	sadd.s32 $0x600, s23;
	[sflag:s14] =	ssyncadd.s32 $0xFFFFC000  }
0x83: {  	[tilespmem:s18], [sflag:$0x1] =	stream.indirect.gather [hbm4b:s6+s17], $0x80, s30, s17, $0xb8;
	[tilespmem:$0x1DC00] =	vst v63  }
0x84: {  	_ =	swait.ge [sflag:s21], $0x4000  }
0x85: {  	[sflag:s21] =	ssyncset.done $0x0  }
0x86: {  	s31 =	sor.u32 $0x1580, s23;
	[sflag:s21] =	ssyncadd.s32 $0xFFFFC000  }
0x87: {  	[spmem:s4] =	stream.indirect.scatter.add.f32 [tilespmem:s19], [sflag:$0x4], $0x80, s31, s17, $0xb8;
	[tilespmem:$0x1DC00] =	vst v63  }
0x88: {  	_ =	swait.ge [sflag:s14], $0x4000  }
0x89: {  	[sflag:s14] =	ssyncset.done $0x0  }
0x8a: {  	s25 =	sor.u32 $0x680, s23;
	[sflag:s14] =	ssyncadd.s32 $0xFFFFC000  }
0x8b: {  	[tilespmem:s19], [sflag:$0x2] =	stream.indirect.gather [hbm4b:s6+s17], $0x80, s25, s17, $0xb8;
	[tilespmem:$0x1DC00] =	vst v63  }
0x8c: {  	_ =	swait.ge [sflag:s20], $0x4000  }
0x8d: {  	[sflag:s20] =	ssyncset.done $0x0  }
0x8e: {  	s26 =	sadd.s32 $0x1600, s23;
	[sflag:s20] =	ssyncadd.s32 $0xFFFFC000  }
0x8f: {  	[spmem:s4] =	stream.indirect.scatter.add.f32 [tilespmem:s18], [sflag:$0x4], $0x80, s26, s17, $0xb8;
	[tilespmem:$0x1DC00] =	vst v63  }
0x90: {  	_ =	swait.ge [sflag:s14], $0x4000  }
0x91: {  	[sflag:s14] =	ssyncset.done $0x0  }
0x92: {  	s28 =	sadd.s32 $0x700, s23;
	[sflag:s14] =	ssyncadd.s32 $0xFFFFC000  }
0x93: {  	[tilespmem:s18], [sflag:$0x1] =	stream.indirect.gather [hbm4b:s6+s17], $0x80, s28, s17, $0xb8;
	[tilespmem:$0x1DC00] =	vst v63  }
0x94: {  	_ =	swait.ge [sflag:s21], $0x4000  }
0x95: {  	[sflag:s21] =	ssyncset.done $0x0  }
0x96: {  	s29 =	sor.u32 $0x1680, s23;
	[sflag:s21] =	ssyncadd.s32 $0xFFFFC000  }
0x97: {  	[spmem:s4] =	stream.indirect.scatter.add.f32 [tilespmem:s19], [sflag:$0x4], $0x80, s29, s17, $0xb8;
	[tilespmem:$0x1DC00] =	vst v63  }
0x98: {  	_ =	swait.ge [sflag:s14], $0x4000  }
0x99: {  	[sflag:s14] =	ssyncset.done $0x0  }
0x9a: {  	s30 =	sor.u32 $0x780, s23;
	[sflag:s14] =	ssyncadd.s32 $0xFFFFC000  }
0x9b: {  	[tilespmem:s19], [sflag:$0x2] =	stream.indirect.gather [hbm4b:s6+s17], $0x80, s30, s17, $0xb8;
	[tilespmem:$0x1DC00] =	vst v63  }
0x9c: {  	_ =	swait.ge [sflag:s20], $0x4000  }
0x9d: {  	[sflag:s20] =	ssyncset.done $0x0  }
0x9e: {  	s31 =	sadd.s32 $0x1700, s23;
	[sflag:s20] =	ssyncadd.s32 $0xFFFFC000  }
0x9f: {  	[spmem:s4] =	stream.indirect.scatter.add.f32 [tilespmem:s18], [sflag:$0x4], $0x80, s31, s17, $0xb8;
	[tilespmem:$0x1DC00] =	vst v63  }
0xa0: {  	_ =	swait.ge [sflag:s14], $0x4000  }
0xa1: {  	[sflag:s14] =	ssyncset.done $0x0  }
0xa2: {  	[sflag:s14] =	ssyncadd.s32 $0xFFFFC000  }
0xa3: {  	_ =	swait.ge [sflag:s21], $0x4000  }
0xa4: {  	[sflag:s21] =	ssyncset.done $0x0  }
0xa5: {  	s23 =	sor.u32 $0x1780, s23;
	[sflag:s21] =	ssyncadd.s32 $0xFFFFC000  }
0xa6: {  	[spmem:s4] =	stream.indirect.scatter.add.f32 [tilespmem:s19], [sflag:$0x4], $0x80, s23, s17, $0xb8;
	[tilespmem:$0x1DC00] =	vst v63  }
0xa7: {  	_ =	swait.ge [sflag:s14], $0x4000  }
0xa8: {  	s23 =	simm.s32 $0x800;
	[sflag:s14] =	ssyncset.done $0x0  }
.LBB2_2:
0xa9: {  	[sflag:s14] =	ssyncadd.s32 $0xFFFFC000  }
0xaa: {  	_ =	swait.ge [sflag:s16], $0x800  }
0xab: {  	[sflag:s16] =	ssyncset.done $0x0  }
0xac: {  	[sflag:s16] =	ssyncadd.s32 $0xFFFFF800  }
0xad: {  	s24 =	smov.u32 s23;
	_ =	swait.ge [sflag:s16], $0x800  }
0xae: {  	p1 =	seq.s32 s24, $0x2000;
	s25 =	rddreg [dreg:$0x5]  }
0xaf: {  	s29 =	simm.s32 @!p1 $0x0;
	s25 =	sadd.s32 @!p1 s24, s25  }
0xb0: {  	[sflag:s16] =	ssyncset.done $0x0;
	s24 =	sand.u32 @!p1 $0x800, s24;
	s25 =	sshrl.u32 @!p1 s25, $0x3  }
0xb1: {  	[sflag:s16] =	ssyncadd.s32 $0xFFFFF800;
	s26 =	sxor.u32 @!p1 $0x800, s24;
	s28 =	sadd.s32 @!p1 s2, s25  }
0xb2: {  	[tilespmem:s26], [sflag:$0x3] =	stream.linear.gather @!p1 [hbm4b:s28+s29], $0x800, $0x38;
	[tilespmem:$0x1DC00] =	vst v63  }
0xb3: {  	s25 =	sadd.s32 @!p1 s3, s25;
	s26 =	sxor.u32 @!p1 $0x1800, s24  }
0xb4: {  	[tilespmem:s26], [sflag:$0x3] =	stream.linear.gather @!p1 [hbm4b:s25+s29], $0x800, $0x38;
	[tilespmem:$0x1DC00] =	vst v63  }
0xb5: {  	s24 =	simm.s32 @p1 $0x0  }
0xb6: {  	[tilespmem:s18], [sflag:$0x1] =	stream.indirect.gather [hbm4b:s6+s17], $0x80, s24, s17, $0xb8;
	[tilespmem:$0x1DC00] =	vst v63  }
0xb7: {  	s26 =	sor.u32 $0x80, s24  }
0xb8: {  	[tilespmem:s19], [sflag:$0x2] =	stream.indirect.gather [hbm4b:s6+s17], $0x80, s26, s17, $0xb8;
	[tilespmem:$0x1DC00] =	vst v63  }
0xb9: {  	_ =	swait.ge [sflag:s20], $0x4000  }
0xba: {  	[sflag:s20] =	ssyncset.done $0x0  }
0xbb: {  	s28 =	sor.u32 $0x1000, s24;
	[sflag:s20] =	ssyncadd.s32 $0xFFFFC000  }
0xbc: {  	[spmem:s4] =	stream.indirect.scatter.add.f32 [tilespmem:s18], [sflag:$0x4], $0x80, s28, s17, $0xb8;
	[tilespmem:$0x1DC00] =	vst v63  }
0xbd: {  	_ =	swait.ge [sflag:s14], $0x4000  }
0xbe: {  	[sflag:s14] =	ssyncset.done $0x0  }
0xbf: {  	s29 =	sadd.s32 $0x100, s24;
	[sflag:s14] =	ssyncadd.s32 $0xFFFFC000  }
0xc0: {  	[tilespmem:s18], [sflag:$0x1] =	stream.indirect.gather [hbm4b:s6+s17], $0x80, s29, s17, $0xb8;
	[tilespmem:$0x1DC00] =	vst v63  }
0xc1: {  	_ =	swait.ge [sflag:s21], $0x4000  }
0xc2: {  	[sflag:s21] =	ssyncset.done $0x0  }
0xc3: {  	s30 =	sor.u32 $0x1080, s24;
	[sflag:s21] =	ssyncadd.s32 $0xFFFFC000  }
0xc4: {  	[spmem:s4] =	stream.indirect.scatter.add.f32 [tilespmem:s19], [sflag:$0x4], $0x80, s30, s17, $0xb8;
	[tilespmem:$0x1DC00] =	vst v63  }
0xc5: {  	_ =	swait.ge [sflag:s14], $0x4000  }
0xc6: {  	[sflag:s14] =	ssyncset.done $0x0  }
0xc7: {  	s31 =	sor.u32 $0x180, s24;
	[sflag:s14] =	ssyncadd.s32 $0xFFFFC000  }
0xc8: {  	[tilespmem:s19], [sflag:$0x2] =	stream.indirect.gather [hbm4b:s6+s17], $0x80, s31, s17, $0xb8;
	[tilespmem:$0x1DC00] =	vst v63  }
0xc9: {  	_ =	swait.ge [sflag:s20], $0x4000  }
0xca: {  	[sflag:s20] =	ssyncset.done $0x0  }
0xcb: {  	s26 =	sadd.s32 $0x1100, s24;
	[sflag:s20] =	ssyncadd.s32 $0xFFFFC000  }
0xcc: {  	[spmem:s4] =	stream.indirect.scatter.add.f32 [tilespmem:s18], [sflag:$0x4], $0x80, s26, s17, $0xb8;
	[tilespmem:$0x1DC00] =	vst v63  }
0xcd: {  	_ =	swait.ge [sflag:s14], $0x4000  }
0xce: {  	[sflag:s14] =	ssyncset.done $0x0  }
0xcf: {  	s28 =	sadd.s32 $0x200, s24;
	[sflag:s14] =	ssyncadd.s32 $0xFFFFC000  }
0xd0: {  	[tilespmem:s18], [sflag:$0x1] =	stream.indirect.gather [hbm4b:s6+s17], $0x80, s28, s17, $0xb8;
	[tilespmem:$0x1DC00] =	vst v63  }
0xd1: {  	_ =	swait.ge [sflag:s21], $0x4000  }
0xd2: {  	[sflag:s21] =	ssyncset.done $0x0  }
0xd3: {  	s29 =	sor.u32 $0x1180, s24;
	[sflag:s21] =	ssyncadd.s32 $0xFFFFC000  }
0xd4: {  	[spmem:s4] =	stream.indirect.scatter.add.f32 [tilespmem:s19], [sflag:$0x4], $0x80, s29, s17, $0xb8;
	[tilespmem:$0x1DC00] =	vst v63  }
0xd5: {  	_ =	swait.ge [sflag:s14], $0x4000  }
0xd6: {  	[sflag:s14] =	ssyncset.done $0x0  }
0xd7: {  	s30 =	sor.u32 $0x280, s24;
	[sflag:s14] =	ssyncadd.s32 $0xFFFFC000  }
0xd8: {  	[tilespmem:s19], [sflag:$0x2] =	stream.indirect.gather [hbm4b:s6+s17], $0x80, s30, s17, $0xb8;
	[tilespmem:$0x1DC00] =	vst v63  }
0xd9: {  	_ =	swait.ge [sflag:s20], $0x4000  }
0xda: {  	[sflag:s20] =	ssyncset.done $0x0  }
0xdb: {  	s31 =	sadd.s32 $0x1200, s24;
	[sflag:s20] =	ssyncadd.s32 $0xFFFFC000  }
0xdc: {  	[spmem:s4] =	stream.indirect.scatter.add.f32 [tilespmem:s18], [sflag:$0x4], $0x80, s31, s17, $0xb8;
	[tilespmem:$0x1DC00] =	vst v63  }
0xdd: {  	_ =	swait.ge [sflag:s14], $0x4000  }
0xde: {  	[sflag:s14] =	ssyncset.done $0x0  }
0xdf: {  	s26 =	sadd.s32 $0x300, s24;
	[sflag:s14] =	ssyncadd.s32 $0xFFFFC000  }
0xe0: {  	[tilespmem:s18], [sflag:$0x1] =	stream.indirect.gather [hbm4b:s6+s17], $0x80, s26, s17, $0xb8;
	[tilespmem:$0x1DC00] =	vst v63  }
0xe1: {  	_ =	swait.ge [sflag:s21], $0x4000  }
0xe2: {  	[sflag:s21] =	ssyncset.done $0x0  }
0xe3: {  	s28 =	sor.u32 $0x1280, s24;
	[sflag:s21] =	ssyncadd.s32 $0xFFFFC000  }
0xe4: {  	[spmem:s4] =	stream.indirect.scatter.add.f32 [tilespmem:s19], [sflag:$0x4], $0x80, s28, s17, $0xb8;
	[tilespmem:$0x1DC00] =	vst v63  }
0xe5: {  	_ =	swait.ge [sflag:s14], $0x4000  }
0xe6: {  	[sflag:s14] =	ssyncset.done $0x0  }
0xe7: {  	s29 =	sor.u32 $0x380, s24;
	[sflag:s14] =	ssyncadd.s32 $0xFFFFC000  }
0xe8: {  	[tilespmem:s19], [sflag:$0x2] =	stream.indirect.gather [hbm4b:s6+s17], $0x80, s29, s17, $0xb8;
	[tilespmem:$0x1DC00] =	vst v63  }
0xe9: {  	_ =	swait.ge [sflag:s20], $0x4000  }
0xea: {  	[sflag:s20] =	ssyncset.done $0x0  }
0xeb: {  	s30 =	sadd.s32 $0x1300, s24;
	[sflag:s20] =	ssyncadd.s32 $0xFFFFC000  }
0xec: {  	[spmem:s4] =	stream.indirect.scatter.add.f32 [tilespmem:s18], [sflag:$0x4], $0x80, s30, s17, $0xb8;
	[tilespmem:$0x1DC00] =	vst v63  }
0xed: {  	_ =	swait.ge [sflag:s14], $0x4000  }
0xee: {  	[sflag:s14] =	ssyncset.done $0x0  }
0xef: {  	s31 =	sadd.s32 $0x400, s24;
	[sflag:s14] =	ssyncadd.s32 $0xFFFFC000  }
0xf0: {  	[tilespmem:s18], [sflag:$0x1] =	stream.indirect.gather [hbm4b:s6+s17], $0x80, s31, s17, $0xb8;
	[tilespmem:$0x1DC00] =	vst v63  }
0xf1: {  	_ =	swait.ge [sflag:s21], $0x4000  }
0xf2: {  	[sflag:s21] =	ssyncset.done $0x0  }
0xf3: {  	s26 =	sor.u32 $0x1380, s24;
	[sflag:s21] =	ssyncadd.s32 $0xFFFFC000  }
0xf4: {  	[spmem:s4] =	stream.indirect.scatter.add.f32 [tilespmem:s19], [sflag:$0x4], $0x80, s26, s17, $0xb8;
	[tilespmem:$0x1DC00] =	vst v63  }
0xf5: {  	_ =	swait.ge [sflag:s14], $0x4000  }
0xf6: {  	[sflag:s14] =	ssyncset.done $0x0  }
0xf7: {  	s28 =	sor.u32 $0x480, s24;
	[sflag:s14] =	ssyncadd.s32 $0xFFFFC000  }
0xf8: {  	[tilespmem:s19], [sflag:$0x2] =	stream.indirect.gather [hbm4b:s6+s17], $0x80, s28, s17, $0xb8;
	[tilespmem:$0x1DC00] =	vst v63  }
0xf9: {  	_ =	swait.ge [sflag:s20], $0x4000  }
0xfa: {  	[sflag:s20] =	ssyncset.done $0x0  }
0xfb: {  	s29 =	sadd.s32 $0x1400, s24;
	[sflag:s20] =	ssyncadd.s32 $0xFFFFC000  }
0xfc: {  	[spmem:s4] =	stream.indirect.scatter.add.f32 [tilespmem:s18], [sflag:$0x4], $0x80, s29, s17, $0xb8;
	[tilespmem:$0x1DC00] =	vst v63  }
0xfd: {  	_ =	swait.ge [sflag:s14], $0x4000  }
0xfe: {  	[sflag:s14] =	ssyncset.done $0x0  }
0xff: {  	s30 =	sadd.s32 $0x500, s24;
	[sflag:s14] =	ssyncadd.s32 $0xFFFFC000  }
0x100: {  	[tilespmem:s18], [sflag:$0x1] =	stream.indirect.gather [hbm4b:s6+s17], $0x80, s30, s17, $0xb8;
	[tilespmem:$0x1DC00] =	vst v63  }
0x101: {  	_ =	swait.ge [sflag:s21], $0x4000  }
0x102: {  	[sflag:s21] =	ssyncset.done $0x0  }
0x103: {  	s31 =	sor.u32 $0x1480, s24;
	[sflag:s21] =	ssyncadd.s32 $0xFFFFC000  }
0x104: {  	[spmem:s4] =	stream.indirect.scatter.add.f32 [tilespmem:s19], [sflag:$0x4], $0x80, s31, s17, $0xb8;
	[tilespmem:$0x1DC00] =	vst v63  }
0x105: {  	_ =	swait.ge [sflag:s14], $0x4000  }
0x106: {  	[sflag:s14] =	ssyncset.done $0x0  }
0x107: {  	s26 =	sor.u32 $0x580, s24;
	[sflag:s14] =	ssyncadd.s32 $0xFFFFC000  }
0x108: {  	[tilespmem:s19], [sflag:$0x2] =	stream.indirect.gather [hbm4b:s6+s17], $0x80, s26, s17, $0xb8;
	[tilespmem:$0x1DC00] =	vst v63  }
0x109: {  	_ =	swait.ge [sflag:s20], $0x4000  }
0x10a: {  	[sflag:s20] =	ssyncset.done $0x0  }
0x10b: {  	s28 =	sadd.s32 $0x1500, s24;
	[sflag:s20] =	ssyncadd.s32 $0xFFFFC000  }
0x10c: {  	[spmem:s4] =	stream.indirect.scatter.add.f32 [tilespmem:s18], [sflag:$0x4], $0x80, s28, s17, $0xb8;
	[tilespmem:$0x1DC00] =	vst v63  }
0x10d: {  	_ =	swait.ge [sflag:s14], $0x4000  }
0x10e: {  	[sflag:s14] =	ssyncset.done $0x0  }
0x10f: {  	s29 =	sadd.s32 $0x600, s24;
	[sflag:s14] =	ssyncadd.s32 $0xFFFFC000  }
0x110: {  	[tilespmem:s18], [sflag:$0x1] =	stream.indirect.gather [hbm4b:s6+s17], $0x80, s29, s17, $0xb8;
	[tilespmem:$0x1DC00] =	vst v63  }
0x111: {  	_ =	swait.ge [sflag:s21], $0x4000  }
0x112: {  	[sflag:s21] =	ssyncset.done $0x0  }
0x113: {  	s30 =	sor.u32 $0x1580, s24;
	[sflag:s21] =	ssyncadd.s32 $0xFFFFC000  }
0x114: {  	[spmem:s4] =	stream.indirect.scatter.add.f32 [tilespmem:s19], [sflag:$0x4], $0x80, s30, s17, $0xb8;
	[tilespmem:$0x1DC00] =	vst v63  }
0x115: {  	_ =	swait.ge [sflag:s14], $0x4000  }
0x116: {  	[sflag:s14] =	ssyncset.done $0x0  }
0x117: {  	s31 =	sor.u32 $0x680, s24;
	[sflag:s14] =	ssyncadd.s32 $0xFFFFC000  }
0x118: {  	[tilespmem:s19], [sflag:$0x2] =	stream.indirect.gather [hbm4b:s6+s17], $0x80, s31, s17, $0xb8;
	[tilespmem:$0x1DC00] =	vst v63  }
0x119: {  	_ =	swait.ge [sflag:s20], $0x4000  }
0x11a: {  	[sflag:s20] =	ssyncset.done $0x0  }
0x11b: {  	s26 =	sadd.s32 $0x1600, s24;
	[sflag:s20] =	ssyncadd.s32 $0xFFFFC000  }
0x11c: {  	[spmem:s4] =	stream.indirect.scatter.add.f32 [tilespmem:s18], [sflag:$0x4], $0x80, s26, s17, $0xb8;
	[tilespmem:$0x1DC00] =	vst v63  }
0x11d: {  	_ =	swait.ge [sflag:s14], $0x4000  }
0x11e: {  	[sflag:s14] =	ssyncset.done $0x0  }
0x11f: {  	s28 =	sadd.s32 $0x700, s24;
	[sflag:s14] =	ssyncadd.s32 $0xFFFFC000  }
0x120: {  	[tilespmem:s18], [sflag:$0x1] =	stream.indirect.gather [hbm4b:s6+s17], $0x80, s28, s17, $0xb8;
	[tilespmem:$0x1DC00] =	vst v63  }
0x121: {  	_ =	swait.ge [sflag:s21], $0x4000  }
0x122: {  	[sflag:s21] =	ssyncset.done $0x0  }
0x123: {  	s29 =	sor.u32 $0x1680, s24;
	[sflag:s21] =	ssyncadd.s32 $0xFFFFC000  }
0x124: {  	[spmem:s4] =	stream.indirect.scatter.add.f32 [tilespmem:s19], [sflag:$0x4], $0x80, s29, s17, $0xb8;
	[tilespmem:$0x1DC00] =	vst v63  }
0x125: {  	_ =	swait.ge [sflag:s14], $0x4000  }
0x126: {  	[sflag:s14] =	ssyncset.done $0x0  }
0x127: {  	s30 =	sor.u32 $0x780, s24;
	[sflag:s14] =	ssyncadd.s32 $0xFFFFC000  }
0x128: {  	[tilespmem:s19], [sflag:$0x2] =	stream.indirect.gather [hbm4b:s6+s17], $0x80, s30, s17, $0xb8;
	[tilespmem:$0x1DC00] =	vst v63  }
0x129: {  	_ =	swait.ge [sflag:s20], $0x4000  }
0x12a: {  	[sflag:s20] =	ssyncset.done $0x0  }
0x12b: {  	s31 =	sadd.s32 $0x1700, s24;
	[sflag:s20] =	ssyncadd.s32 $0xFFFFC000  }
0x12c: {  	[spmem:s4] =	stream.indirect.scatter.add.f32 [tilespmem:s18], [sflag:$0x4], $0x80, s31, s17, $0xb8;
	[tilespmem:$0x1DC00] =	vst v63  }
0x12d: {  	_ =	swait.ge [sflag:s14], $0x4000  }
0x12e: {  	[sflag:s14] =	ssyncset.done $0x0  }
0x12f: {  	s23 =	sadd.s32 $0x800, s23;
	[sflag:s14] =	ssyncadd.s32 $0xFFFFC000  }
0x130: {  	p0 =	sne.s32 s23, $0x2800;
	_ =	swait.ge [sflag:s21], $0x4000  }
.Ltmp0:
0x131: {  	[sflag:s21] =	ssyncset.done $0x0;
	(pc) =	sbr.rel @p0 .LBB2_2-.Ltmp0, $4  }
0x132: {  	s24 =	sor.u32 $0x1780, s24;
	[sflag:s21] =	ssyncadd.s32 $0xFFFFC000  }
0x133: {  	[spmem:s4] =	stream.indirect.scatter.add.f32 [tilespmem:s19], [sflag:$0x4], $0x80, s24, s17, $0xb8;
	[tilespmem:$0x1DC00] =	vst v63  }
0x134: {  	_ =	swait.ge [sflag:s14], $0x4000  }
0x135: {  	[sflag:s14] =	ssyncset.done $0x0  }
0x136: {  	s22 =	sadd.s32 $0x1, s22  }
0x137: {  	[sflag:s14] =	ssyncadd.s32 $0xFFFFC000;
	p0 =	sne.s32 s22, s12  }
.Ltmp1:
0x138: {  	[bflag:$0x0] =	sbarrier.arrive $0xFFFF;
	(pc) =	sbr.rel @p0 .LBB2_1-.Ltmp1, $4  }
0x139: {  	[hbm:s11], [sflag:s8] =	dma.local [spmem:s13], $0x2780  }
0x13a: {  	_ =	swait.ge [sflag:s14], $0x2780  }
0x13b: {  	[sflag:s14] =	ssyncset.done $0x0  }
0x13c: {  	[sflag:s14] =	ssyncadd.s32 $0xFFFFD880  }
0x13d: {  	_ =	sfence.sel $0x180000  }
0x13e: {  	[bflag:$0x0] =	sbarrier.arrive $0xFFFF  }
0x13f: {  	p0 =	sne.s32 s1, $0x0;
	_ =	strace $0x9000004A  }
0x140: {  	s0 =	sadd.s32 @!p0 $0x100000, s0;
	[bflag:$0x2] =	sbarrier.arrive $0xFFFF  }
0x141: {  	[sflag:s0] =	ssyncadd.tile.s32 @!p0 $0x1;
	_ =	shalt  }
.Lfunc_end2:
_tile_overlayer_lowered:
.L_overlay_start_2:
0x142: {  	(tag) =	ssettag $0x2  }
0x143: {  	s0 =	rddreg [dreg:$0x0];
	s2 =	stileid.u32  }
0x144: {  	s1 =	rddreg [dreg:$0x1];
	p0 =	sne.s32 s2, $0x0  }
0x145: {  	s3 =	rddreg [dreg:$0x2];
	[bflag:$0x3] =	sbarrier.arrive $0xFFFF;
	s2 =	simm.s32 @!p0 $0x1C04  }
0x146: {  	[timem:s3], [sflag:s2] =	dma.local @!p0 [hbm:s0], s1  }
0x147: {  	s0 =	simm.s32 @!p0 $0x4  }
0x148: {  	_ =	swait.ge @!p0 [sflag:s0], s1  }
0x149: {  	s1 =	ssub.s32 @!p0 $0x0, s1;
	[sflag:s0] =	ssyncset.done @!p0 $0x0  }
0x14a: {  	[sflag:s0] =	ssyncadd.s32 @!p0 s1  }
0x14b: {  	[bflag:$0x3] =	sbarrier.arrive $0xFFFF  }
0x14c: {  	_ =	shalt  }

// kernel: kernel.18.cloned.1.call-start
scs
__scs_entry_jumppad:
0x0: {  	(pc) =	sbr.rel $0x88, $3  }
0x1: {  	(tag) =	ssettag $0x0;
	lr =	simm.s32 $0x1  }
0x2: {  	[smem:$0x3F9E] =	sst lr;
	_ =	strace $0xD0000000  }
0x3: {  	_ = 	snop  }
0x4: {  	_ = 	snop  }
0x5: {  	_ = 	snop  }
0x6: {  	_ = 	snop  }
0x7: {  	_ = 	snop  }
__scs_overlays_trampoline_lowered:
0x8: {  	[smem:$0x3FAD] =	sst s0  }
0x9: {  	[smem:$0x3FAE] =	sst s1  }
0xa: {  	[smem:$0x3FAF] =	sst s2  }
0xb: {  	[smem:$0x3FB0] =	sst s3  }
0xc: {  	[smem:$0x3FB1] =	sst s4  }
0xd: {  	[smem:$0x3FB2] =	sst s5  }
0xe: {  	[smem:$0x3FB3] =	sst s6  }
0xf: {  	[smem:$0x3FB4] =	sst s7  }
0x10: {  	[smem:$0x3FB5] =	sst s8  }
0x11: {  	[smem:$0x3FB6] =	sst s9;
	s0 =	simm.s32 @!p0 $0x0  }
0x12: {  	s1 =	sld [smem:$0x3F9C];
	s0 =	simm.s32 @p0 $0x1  }
0x13: {  	[smem:$0x3FB7] =	sst s0;
	s0 =	simm.s32 @!p1 $0x0  }
0x14: {  	s2 =	sld [smem:$0x3F9B];
	s0 =	simm.s32 @p1 $0x1  }
0x15: {  	[smem:$0x3FB8] =	sst s0;
	s0 =	simm.s32 @!p2 $0x0  }
0x16: {  	s3 =	sld [smem:$0x3FDB];
	s0 =	simm.s32 @p2 $0x1  }
0x17: {  	s4 =	simm.s32 $0x1BF5;
	[smem:$0x3FBA] =	sst s0  }
0x18: {  	s0 =	sld [smem:$0x3F9D];
	_ =	swait.ge [sflag:s4], $0x0  }
0x19: {  	s7 =	sld [smem:$0x3F9E]  }
0x1a: {  	s8 =	sadd.s32 $0xFFFFE003, lr  }
0x1b: {  	s9 =	sadd.s32 $0xFFFFFEF7, lr;
	s5 =	simm.s32 $0xFFFFFFFF;
	p2 =	slt.u32 s8, $0xFFFFF086  }
0x1c: {  	p1 =	slt.u32 s9, $0xF7A;
	s5 =	simm.s32 @!p2 $0x0  }
0x1d: {  	s5 =	simm.s32 @p1 $0x1;
	p0 =	seq.s32 s7, s2  }
0x1e: {  	s7 =	smul.u32 @!p0 $0xF7A, s2;
	p2 =	seq.s32 @!p0 s5, $0x0  }
0x1f: {  	s9 =	smul.u32 $0xF7A, s1;
	s8 =	simm.s32 @!p0 $0x1BF5;
	p2 =	por !p2, p0  }
0x20: {  	[sflag:s8] =	ssyncset.s32 @!p0 $0xFFFFF086;
	s6 =	sadd.s32 @!p0 s3, s7;
	s7 =	simm.s32 @!p0 $0x108  }
0x21: {  	s3 =	sadd.s32 s3, s9;
	s6 =	sadd.s32 @!p0 $0x88, s6;
	s7 =	simm.s32 @p2 $0x1082  }
0x22: {  	[simem:s7], [sflag:s8] =	dma.local @!p0 [hbm:s6], $0xF7A  }
0x23: {  	s9 =	sor.u32 $0xD0000000, s2;
	s6 =	simm.s32 $0x108;
	_ =	swait.ge @!p0 [sflag:s8], $0x0  }
0x24: {  	s3 =	sadd.s32 $0x88, s3;
	s6 =	simm.s32 @!p1 $0x1082;
	[sflag:s4] =	ssyncset.s32 $0xFFFFF086  }
0x25: {  	[simem:s6], [sflag:s4] =	dma.local [hbm:s3], $0xF7A  }
0x26: {  	[smem:$0x3F9E] =	sst s1;
	(tag) =	ssettag s2;
	_ =	strace s9  }
0x27: {  	s1 =	sld [smem:$0x3FAE]  }
0x28: {  	s2 =	sld [smem:$0x3FAF]  }
0x29: {  	s4 =	sld [smem:$0x3FB1]  }
0x2a: {  	p0 =	seq.s32 s5, $0x0;
	s5 =	sld [smem:$0x3FB2]  }
0x2b: {  	s6 =	sld [smem:$0x3FB3]  }
0x2c: {  	s7 =	sld [smem:$0x3FB4]  }
0x2d: {  	s3 =	simm.s32 $0x108;
	s8 =	sld [smem:$0x3FB5]  }
0x2e: {  	s3 =	simm.s32 @!p0 $0x1082;
	s9 =	sld [smem:$0x3FB6]  }
0x2f: {  	lr =	sadd.s32 s0, s3;
	s0 =	sld [smem:$0x3FAD]  }
0x30: {  	s3 =	sld [smem:$0x3FB0]  }
0x31: {  	[smem:$0x3FB9] =	sst s10  }
0x32: {  	s10 =	sld [smem:$0x3FB7];
	_ =	sdelay $0x3  }
0x33: {  	p0 =	seq.s32 s10, $0x1;
	s10 =	sld [smem:$0x3FB9];
	_ =	sdelay $0x3  }
0x34: {  	[smem:$0x3FB9] =	sst s10  }
0x35: {  	s10 =	sld [smem:$0x3FB8];
	_ =	sdelay $0x3  }
0x36: {  	p1 =	seq.s32 s10, $0x1;
	s10 =	sld [smem:$0x3FB9];
	_ =	sdelay $0x3  }
0x37: {  	[smem:$0x3FB9] =	sst s10  }
0x38: {  	s10 =	sld [smem:$0x3FBA]  }
0x39: {  	_ = 	snop;
	(pc) =	sbr.ind lr, $3  }
0x3a: {  	_ = 	snop  }
0x3b: {  	_ = 	snop  }
0x3c: {  	p2 =	seq.s32 s10, $0x1;
	s10 =	sld [smem:$0x3FB9]  }
0x3d: {  	_ =	shalt  }
0x3e: {  	_ =	shalt  }
0x3f: {  	_ =	shalt  }
0x40: {  	_ =	shalt  }
0x41: {  	_ =	shalt  }
0x42: {  	_ =	shalt  }
0x43: {  	_ =	shalt  }
0x44: {  	_ =	shalt  }
0x45: {  	_ =	shalt  }
0x46: {  	_ =	shalt  }
0x47: {  	_ =	shalt  }
0x48: {  	_ =	shalt  }
0x49: {  	_ =	shalt  }
0x4a: {  	_ =	shalt  }
0x4b: {  	_ =	shalt  }
0x4c: {  	_ =	shalt  }
0x4d: {  	_ =	shalt  }
0x4e: {  	_ =	shalt  }
0x4f: {  	_ =	shalt  }
0x50: {  	_ =	shalt  }
0x51: {  	_ =	shalt  }
0x52: {  	_ =	shalt  }
0x53: {  	_ =	shalt  }
0x54: {  	_ =	shalt  }
0x55: {  	_ =	shalt  }
0x56: {  	_ =	shalt  }
0x57: {  	_ =	shalt  }
0x58: {  	_ =	shalt  }
0x59: {  	_ =	shalt  }
0x5a: {  	_ =	shalt  }
0x5b: {  	_ =	shalt  }
0x5c: {  	_ =	shalt  }
0x5d: {  	_ =	shalt  }
0x5e: {  	_ =	shalt  }
0x5f: {  	_ =	shalt  }
0x60: {  	_ =	shalt  }
0x61: {  	_ =	shalt  }
0x62: {  	_ =	shalt  }
0x63: {  	_ =	shalt  }
0x64: {  	_ =	shalt  }
0x65: {  	_ =	shalt  }
0x66: {  	_ =	shalt  }
0x67: {  	_ =	shalt  }
0x68: {  	_ =	shalt  }
0x69: {  	_ =	shalt  }
0x6a: {  	_ =	shalt  }
0x6b: {  	_ =	shalt  }
0x6c: {  	_ =	shalt  }
0x6d: {  	_ =	shalt  }
0x6e: {  	_ =	shalt  }
0x6f: {  	_ =	shalt  }
0x70: {  	_ =	shalt  }
0x71: {  	_ =	shalt  }
0x72: {  	_ =	shalt  }
0x73: {  	_ =	shalt  }
0x74: {  	_ =	shalt  }
0x75: {  	_ =	shalt  }
0x76: {  	_ =	shalt  }
0x77: {  	_ =	shalt  }
0x78: {  	_ =	shalt  }
0x79: {  	_ =	shalt  }
0x7a: {  	_ =	shalt  }
0x7b: {  	_ =	shalt  }
0x7c: {  	_ =	shalt  }
0x7d: {  	_ =	shalt  }
0x7e: {  	_ =	shalt  }
0x7f: {  	_ =	shalt  }
0x80: {  	_ =	shalt  }
0x81: {  	_ =	shalt  }
0x82: {  	_ =	shalt  }
0x83: {  	_ =	shalt  }
0x84: {  	_ =	shalt  }
0x85: {  	_ =	shalt  }
0x86: {  	_ =	shalt  }
0x87: {  	_ =	shalt  }
.Lfunc_end0:
.L_simem_size_0:
called_computation.2_lowered:
.L_overlay_start_0:
0x88: {  	s2 =	sld [smem:$0x3FD9]  }
0x89: {  	s3 =	sld [smem:$0x3FFE];
	_ =	sdelay $0x1  }
0x8a: {  	s1 =	srdreg.scid  }
0x8b: {  	s0 =	sand.u32 $0x1, s1  }
0x8c: {  	s14 =	sshll.u32 s0, $0xA;
	s2 =	sadd.s32 s3, s2  }
0x8d: {  	s2 =	sadd.s32 s2, s14  }
0x8e: {  	[smem:$0x3FC5] =	sst s2  }
0x8f: {  	_ = 	snop  }
0x90: {  	s2 =	sld [smem:$0x3FD0];
	_ =	sdelay $0x2  }
0x91: {  	s15 =	simm.s32 $0xA;
	s4 =	simm.s32 $0x10  }
0x92: {  	[smem:s4], [sflag:s15] =	dma.local [hbm:s2], $0x1  }
0x93: {  	_ =	swait.eq [sflag:s15], $0x1  }
0x94: {  	[sflag:s15] =	ssyncset.done $0x0  }
0x95: {  	s16 =	sld [smem:$0x10];
	[sflag:s15] =	ssyncadd.s32 $0xFFFFFFFF  }
0x96: {  	s17 =	sld [smem:$0x11];
	(tm) =	ssettm $0x1  }
0x97: {  	s18 =	sld [smem:$0x3FFB];
	_ =	sdelay $0x3  }
0x98: {  	_ =	strace s18  }
0x99: {  	s4 =	sld [smem:$0x3FFC];
	_ =	sdelay $0x3  }
0x9a: {  	_ =	strace s4  }
0x9b: {  	s4 =	sld [smem:$0x3FFD];
	_ =	sdelay $0x3  }
0x9c: {  	_ =	strace s4  }
0x9d: {  	_ =	strace $0x8FFFFFFF  }
0x9e: {  	s19 =	sld [smem:$0x3FDB];
	_ =	sdelay $0x1  }
0x9f: {  	s5 =	simm.s32 $_scs_section_size  }
0xa0: {  	s6 =	simm.s32 $_size__tile_overlayer_lowered;
	s7 =	simm.s32 $_tile_overlayer_lowered  }
0xa1: {  	s22 =	simm.s32 $0x1BFF;
	s21 =	sshll.u32 s7, $0x1;
	s4 =	sadd.s32 s5, s19  }
0xa2: {  	s8 =	simm.s32 $0x0;
	s20 =	sshll.u32 s6, $0x1;
	s6 =	sadd.s32 s21, s4  }
0xa3: {  	[timem:s8], [sflag:s22] =	dma.local [hbm:s6], s20  }
0xa4: {  	_ =	swait.ge [sflag:s22], s20  }
0xa5: {  	s5 =	ssub.s32 $0x0, s20;
	[sflag:s22] =	ssyncset.done $0x0  }
0xa6: {  	[sflag:s22] =	ssyncadd.s32 s5;
	_ =	sdelay $0x1  }
0xa7: {  	s23 =	simm.s32 $0x1B8B  }
0xa8: {  	_ =	swait.ge [sflag:s23], $0x1  }
0xa9: {  	[sflag:s23] =	ssyncset.done $0x0  }
0xaa: {  	s25 =	simm.s32 $0x1B8E;
	s24 =	sld [smem:$0x3FFE];
	[sflag:s23] =	ssyncadd.s32 $0xFFFFFFFF  }
0xab: {  	s26 =	simm.s32 $execute0_lowered;
	[smem:$0x3FD2] =	sst s25  }
0xac: {  	s6 =	sshll.u32 s26, $0x1;
	_ =	strace $0x8000004C;
	[dreg:$0x1] =	wrdreg $0xFFFFFFFF  }
0xad: {  	s28 =	simm.s32 $_size_execute0_lowered;
	s4 =	sadd.s32 s4, s6;
	[dreg:$0x0] =	wrdreg $0x0  }
0xae: {  	s6 =	sshll.u32 s28, $0x1;
	[dreg:$0x2] =	wrdreg s4  }
0xaf: {  	[dreg:$0x3] =	wrdreg s6  }
0xb0: {  	[dreg:$0x4] =	wrdreg $0xC0  }
0xb1: {  	_ =	task [dreg:s8], $0x5FFFF  }
0xb2: {  	[dreg:$0x1] =	wrdreg $0xFFFFFFFF  }
0xb3: {  	[dreg:$0x0] =	wrdreg $0x60  }
0xb4: {  	[dreg:$0x2] =	wrdreg s24  }
0xb5: {  	[dreg:$0x3] =	wrdreg s16  }
0xb6: {  	[dreg:$0x4] =	wrdreg s17  }
0xb7: {  	[dreg:$0x5] =	wrdreg $0xA0000  }
0xb8: {  	[dreg:$0x6] =	wrdreg $0x9  }
0xb9: {  	_ =	task.clear_ibuf [dreg:s8], $0x7FFFF;
	_ =	strace $0x9000004C  }
0xba: {  	s29 =	simm.s32 $0x9;
	_ =	strace $0x8000004E  }
0xbb: {  	_ =	swait.ge [sflag:s29], $0x1  }
0xbc: {  	[sflag:s29] =	ssyncadd.s32 $0xFFFFFFFF  }
0xbd: {  	_ =	strace $0x9000004E  }
0xbe: {  	_ =	sfence  }
0xbf: {  	s30 =	sld [smem:$0x0];
	_ =	sdelay $0x2  }
0xc0: {  	s31 =	sshll.u32 s1, $0xD;
	s1 =	sshrl.u32 s1, $0x2  }
0xc1: {  	s3 =	sand.u32 $0x4000, s31;
	s1 =	sadd.s32 s1, s30  }
0xc2: {  	s0 =	sor.u32 s3, s0;
	s1 =	sshll.u32 s1, $0x11  }
0xc3: {  	s0 =	sor.u32 s1, s0  }
0xc4: {  	s0 =	sadd.s32 $0x8F2B, s0  }
0xc5: {  	[sflag:s0] =	ssyncadd.remote.s32 $0x1  }
0xc6: {  	_ =	sfence.sel $0xFFFF  }
0xc7: {  	[dreg:$0x0] =	wrdreg $0xFFFFFFFF;
	(pc) =	sbr.abs _section_cstart, $3  }
0xc8: {  	[dreg:$0x1] =	wrdreg $0xFFFFFFFF  }
0xc9: {  	_ =	task.clear_ibuf [dreg:s8], $0x2FFFF;
	_ =	strace $0x9FFFFFFF  }
0xca: {  	(tm) =	ssettm $0x7FFFFFFF  }
0xcb: {  	_ =	shalt  }
tec
execute0_lowered:
.L_overlay_start_1:
0x0: {  	(tag) =	ssettag $0x1  }
0x1: {  	s7 =	rddreg [dreg:$0x0]  }
0x2: {  	s2 =	rddreg [dreg:$0x1]  }
0x3: {  	s3 =	rddreg [dreg:$0x2]  }
0x4: {  	s4 =	rddreg [dreg:$0x3]  }
0x5: {  	s0 =	rddreg [dreg:$0x4]  }
0x6: {  	s1 =	stileid.u32;
	s5 =	simm.s32 $0x0;
	s6 =	srdreg.scid  }
0x7: {  	s17 =	simm.s32 $0x80;
	s18 =	simm.s32 $0x2000;
	s19 =	simm.s32 $0x6000  }
0x8: {  	s20 =	simm.s32 $0x1;
	s21 =	simm.s32 $0x2;
	s8 =	smul.u32 $0x13C00, s1  }
0x9: {  	s22 =	simm.s32 $0x0;
	[smem:$0x7FF] =	sst s5;
	s25 =	smul.u32 $0x4F000, s1  }
0xa: {  	s9 =	sand.u32 $0x1, s6;
	s6 =	sadd.s32 $0x2E00, s7;
	s29 =	smul.u32 $0x2800, s1  }
0xb: {  	s30 =	sshll.u32 s1, $0x6;
	_ =	strace $0x8000004D;
	s11 =	smul.u32 $0x13C000, s9  }
0xc: {  	s12 =	sshll.u32 s9, $0x4;
	s13 =	ssub.s32 $0x2, s9;
	s15 =	smul.u32 $0x28000, s9  }
0xd: {  	s10 =	sshrl.u32 s8, $0x3;
	s24 =	sor.u32 s1, s12;
	s26 =	sshrl.u32 s13, $0x1  }
0xe: {  	s28 =	sshrl.u32 s25, $0x2;
	s10 =	sadd.s32 s10, s7;
	s8 =	sadd.s32 s8, s11  }
0xf: {  	s11 =	smul.u32 $0x500, s24;
	s13 =	ssub.s32 s13, s26;
	s16 =	sadd.s32 s28, s4  }
0x10: {  	s12 =	sadd.s32 s29, s15;
	s15 =	simm.s32 $0x1000;
	s8 =	sshrl.u32 s8, $0x3  }
0x11: {  	s31 =	sadd.s32 $0x800, s12;
	s12 =	smax.u32 s13, $0x1;
	s13 =	sshrl.u32 s16, $0x3  }
0x12: {  	s16 =	simm.s32 $0x3;
	s14 =	sadd.s32 s8, s7;
	s7 =	sadd.s32 $0x53000, s10  }
0x13: {  	s8 =	sor.u32 $0x1C04, s30;
	s9 =	sadd.s32 s2, s11;
	s10 =	sadd.s32 s3, s11  }
0x14: {  	[dreg:$0x5] =	wrdreg s31;
	s11 =	sadd.s32 $0x7A800, s14;
	s14 =	simm.s32 $0x4  }
.LBB2_1:
0x15: {  	[spmem:s13], [sflag:s8] =	dma.local [hbm:s7], $0x2780  }
0x16: {  	_ =	swait.ge [sflag:s14], $0x2780  }
0x17: {  	[sflag:s14] =	ssyncset.done $0x0  }
0x18: {  	[sflag:s14] =	ssyncadd.s32 $0xFFFFD880  }
0x19: {  	[tilespmem:s5], [sflag:$0x3] =	stream.linear.gather [hbm4b:s9+s5], $0x800, $0x38;
	[tilespmem:$0x1DC00] =	vst v63  }
0x1a: {  	_ = 	snop  }
0x1b: {  	[tilespmem:s15], [sflag:$0x3] =	stream.linear.gather [hbm4b:s10+s5], $0x800, $0x38;
	[tilespmem:$0x1DC00] =	vst v63  }
0x1c: {  	[bflag:$0x0] =	sbarrier.arrive $0xFFFF  }
0x1d: {  	_ =	swait.ge [sflag:s16], $0x800  }
0x1e: {  	[sflag:s16] =	ssyncset.done $0x0  }
0x1f: {  	[sflag:s16] =	ssyncadd.s32 $0xFFFFF800  }
0x20: {  	_ =	swait.ge [sflag:s16], $0x800  }
0x21: {  	p0 =	por $0x0, $0x0;
	s23 =	rddreg [dreg:$0x5]  }
0x22: {  	s28 =	simm.s32 @!p0 $0x0;
	s24 =	sadd.s32 @!p0 $0x0, s23  }
0x23: {  	[sflag:s16] =	ssyncset.done $0x0;
	s23 =	sand.u32 @!p0 $0x800, s5;
	s24 =	sshrl.u32 @!p0 s24, $0x3  }
0x24: {  	[sflag:s16] =	ssyncadd.s32 $0xFFFFF800;
	s25 =	sxor.u32 @!p0 $0x800, s23;
	s26 =	sadd.s32 @!p0 s2, s24  }
0x25: {  	[tilespmem:s25], [sflag:$0x3] =	stream.linear.gather @!p0 [hbm4b:s26+s28], $0x800, $0x38;
	[tilespmem:$0x1DC00] =	vst v63  }
0x26: {  	s24 =	sadd.s32 @!p0 s3, s24;
	s25 =	sxor.u32 @!p0 $0x1800, s23  }
0x27: {  	[tilespmem:s25], [sflag:$0x3] =	stream.linear.gather @!p0 [hbm4b:s24+s28], $0x800, $0x38;
	[tilespmem:$0x1DC00] =	vst v63  }
0x28: {  	s23 =	simm.s32 @p0 $0x0  }
0x29: {  	[tilespmem:s18], [sflag:$0x1] =	stream.indirect.gather [hbm4b:s6+s17], $0x80, s23, s17, $0xb8;
	[tilespmem:$0x1DC00] =	vst v63  }
0x2a: {  	s25 =	sor.u32 $0x80, s23  }
0x2b: {  	[tilespmem:s19], [sflag:$0x2] =	stream.indirect.gather [hbm4b:s6+s17], $0x80, s25, s17, $0xb8;
	[tilespmem:$0x1DC00] =	vst v63  }
0x2c: {  	_ =	swait.ge [sflag:s20], $0x4000  }
0x2d: {  	[sflag:s20] =	ssyncset.done $0x0  }
0x2e: {  	s26 =	sor.u32 $0x1000, s23;
	[sflag:s20] =	ssyncadd.s32 $0xFFFFC000  }
0x2f: {  	[spmem:s4] =	stream.indirect.scatter.add.f32 [tilespmem:s18], [sflag:$0x4], $0x80, s26, s17, $0xb8;
	[tilespmem:$0x1DC00] =	vst v63  }
0x30: {  	_ =	swait.ge [sflag:s14], $0x4000  }
0x31: {  	[sflag:s14] =	ssyncset.done $0x0  }
0x32: {  	s28 =	sadd.s32 $0x100, s23;
	[sflag:s14] =	ssyncadd.s32 $0xFFFFC000  }
0x33: {  	[tilespmem:s18], [sflag:$0x1] =	stream.indirect.gather [hbm4b:s6+s17], $0x80, s28, s17, $0xb8;
	[tilespmem:$0x1DC00] =	vst v63  }
0x34: {  	_ =	swait.ge [sflag:s21], $0x4000  }
0x35: {  	[sflag:s21] =	ssyncset.done $0x0  }
0x36: {  	s29 =	sor.u32 $0x1080, s23;
	[sflag:s21] =	ssyncadd.s32 $0xFFFFC000  }
0x37: {  	[spmem:s4] =	stream.indirect.scatter.add.f32 [tilespmem:s19], [sflag:$0x4], $0x80, s29, s17, $0xb8;
	[tilespmem:$0x1DC00] =	vst v63  }
0x38: {  	_ =	swait.ge [sflag:s14], $0x4000  }
0x39: {  	[sflag:s14] =	ssyncset.done $0x0  }
0x3a: {  	s30 =	sor.u32 $0x180, s23;
	[sflag:s14] =	ssyncadd.s32 $0xFFFFC000  }
0x3b: {  	[tilespmem:s19], [sflag:$0x2] =	stream.indirect.gather [hbm4b:s6+s17], $0x80, s30, s17, $0xb8;
	[tilespmem:$0x1DC00] =	vst v63  }
0x3c: {  	_ =	swait.ge [sflag:s20], $0x4000  }
0x3d: {  	[sflag:s20] =	ssyncset.done $0x0  }
0x3e: {  	s31 =	sadd.s32 $0x1100, s23;
	[sflag:s20] =	ssyncadd.s32 $0xFFFFC000  }
0x3f: {  	[spmem:s4] =	stream.indirect.scatter.add.f32 [tilespmem:s18], [sflag:$0x4], $0x80, s31, s17, $0xb8;
	[tilespmem:$0x1DC00] =	vst v63  }
0x40: {  	_ =	swait.ge [sflag:s14], $0x4000  }
0x41: {  	[sflag:s14] =	ssyncset.done $0x0  }
0x42: {  	s25 =	sadd.s32 $0x200, s23;
	[sflag:s14] =	ssyncadd.s32 $0xFFFFC000  }
0x43: {  	[tilespmem:s18], [sflag:$0x1] =	stream.indirect.gather [hbm4b:s6+s17], $0x80, s25, s17, $0xb8;
	[tilespmem:$0x1DC00] =	vst v63  }
0x44: {  	_ =	swait.ge [sflag:s21], $0x4000  }
0x45: {  	[sflag:s21] =	ssyncset.done $0x0  }
0x46: {  	s26 =	sor.u32 $0x1180, s23;
	[sflag:s21] =	ssyncadd.s32 $0xFFFFC000  }
0x47: {  	[spmem:s4] =	stream.indirect.scatter.add.f32 [tilespmem:s19], [sflag:$0x4], $0x80, s26, s17, $0xb8;
	[tilespmem:$0x1DC00] =	vst v63  }
0x48: {  	_ =	swait.ge [sflag:s14], $0x4000  }
0x49: {  	[sflag:s14] =	ssyncset.done $0x0  }
0x4a: {  	s28 =	sor.u32 $0x280, s23;
	[sflag:s14] =	ssyncadd.s32 $0xFFFFC000  }
0x4b: {  	[tilespmem:s19], [sflag:$0x2] =	stream.indirect.gather [hbm4b:s6+s17], $0x80, s28, s17, $0xb8;
	[tilespmem:$0x1DC00] =	vst v63  }
0x4c: {  	_ =	swait.ge [sflag:s20], $0x4000  }
0x4d: {  	[sflag:s20] =	ssyncset.done $0x0  }
0x4e: {  	s29 =	sadd.s32 $0x1200, s23;
	[sflag:s20] =	ssyncadd.s32 $0xFFFFC000  }
0x4f: {  	[spmem:s4] =	stream.indirect.scatter.add.f32 [tilespmem:s18], [sflag:$0x4], $0x80, s29, s17, $0xb8;
	[tilespmem:$0x1DC00] =	vst v63  }
0x50: {  	_ =	swait.ge [sflag:s14], $0x4000  }
0x51: {  	[sflag:s14] =	ssyncset.done $0x0  }
0x52: {  	s30 =	sadd.s32 $0x300, s23;
	[sflag:s14] =	ssyncadd.s32 $0xFFFFC000  }
0x53: {  	[tilespmem:s18], [sflag:$0x1] =	stream.indirect.gather [hbm4b:s6+s17], $0x80, s30, s17, $0xb8;
	[tilespmem:$0x1DC00] =	vst v63  }
0x54: {  	_ =	swait.ge [sflag:s21], $0x4000  }
0x55: {  	[sflag:s21] =	ssyncset.done $0x0  }
0x56: {  	s31 =	sor.u32 $0x1280, s23;
	[sflag:s21] =	ssyncadd.s32 $0xFFFFC000  }
0x57: {  	[spmem:s4] =	stream.indirect.scatter.add.f32 [tilespmem:s19], [sflag:$0x4], $0x80, s31, s17, $0xb8;
	[tilespmem:$0x1DC00] =	vst v63  }
0x58: {  	_ =	swait.ge [sflag:s14], $0x4000  }
0x59: {  	[sflag:s14] =	ssyncset.done $0x0  }
0x5a: {  	s25 =	sor.u32 $0x380, s23;
	[sflag:s14] =	ssyncadd.s32 $0xFFFFC000  }
0x5b: {  	[tilespmem:s19], [sflag:$0x2] =	stream.indirect.gather [hbm4b:s6+s17], $0x80, s25, s17, $0xb8;
	[tilespmem:$0x1DC00] =	vst v63  }
0x5c: {  	_ =	swait.ge [sflag:s20], $0x4000  }
0x5d: {  	[sflag:s20] =	ssyncset.done $0x0  }
0x5e: {  	s26 =	sadd.s32 $0x1300, s23;
	[sflag:s20] =	ssyncadd.s32 $0xFFFFC000  }
0x5f: {  	[spmem:s4] =	stream.indirect.scatter.add.f32 [tilespmem:s18], [sflag:$0x4], $0x80, s26, s17, $0xb8;
	[tilespmem:$0x1DC00] =	vst v63  }
0x60: {  	_ =	swait.ge [sflag:s14], $0x4000  }
0x61: {  	[sflag:s14] =	ssyncset.done $0x0  }
0x62: {  	s28 =	sadd.s32 $0x400, s23;
	[sflag:s14] =	ssyncadd.s32 $0xFFFFC000  }
0x63: {  	[tilespmem:s18], [sflag:$0x1] =	stream.indirect.gather [hbm4b:s6+s17], $0x80, s28, s17, $0xb8;
	[tilespmem:$0x1DC00] =	vst v63  }
0x64: {  	_ =	swait.ge [sflag:s21], $0x4000  }
0x65: {  	[sflag:s21] =	ssyncset.done $0x0  }
0x66: {  	s29 =	sor.u32 $0x1380, s23;
	[sflag:s21] =	ssyncadd.s32 $0xFFFFC000  }
0x67: {  	[spmem:s4] =	stream.indirect.scatter.add.f32 [tilespmem:s19], [sflag:$0x4], $0x80, s29, s17, $0xb8;
	[tilespmem:$0x1DC00] =	vst v63  }
0x68: {  	_ =	swait.ge [sflag:s14], $0x4000  }
0x69: {  	[sflag:s14] =	ssyncset.done $0x0  }
0x6a: {  	s30 =	sor.u32 $0x480, s23;
	[sflag:s14] =	ssyncadd.s32 $0xFFFFC000  }
0x6b: {  	[tilespmem:s19], [sflag:$0x2] =	stream.indirect.gather [hbm4b:s6+s17], $0x80, s30, s17, $0xb8;
	[tilespmem:$0x1DC00] =	vst v63  }
0x6c: {  	_ =	swait.ge [sflag:s20], $0x4000  }
0x6d: {  	[sflag:s20] =	ssyncset.done $0x0  }
0x6e: {  	s31 =	sadd.s32 $0x1400, s23;
	[sflag:s20] =	ssyncadd.s32 $0xFFFFC000  }
0x6f: {  	[spmem:s4] =	stream.indirect.scatter.add.f32 [tilespmem:s18], [sflag:$0x4], $0x80, s31, s17, $0xb8;
	[tilespmem:$0x1DC00] =	vst v63  }
0x70: {  	_ =	swait.ge [sflag:s14], $0x4000  }
0x71: {  	[sflag:s14] =	ssyncset.done $0x0  }
0x72: {  	s25 =	sadd.s32 $0x500, s23;
	[sflag:s14] =	ssyncadd.s32 $0xFFFFC000  }
0x73: {  	[tilespmem:s18], [sflag:$0x1] =	stream.indirect.gather [hbm4b:s6+s17], $0x80, s25, s17, $0xb8;
	[tilespmem:$0x1DC00] =	vst v63  }
0x74: {  	_ =	swait.ge [sflag:s21], $0x4000  }
0x75: {  	[sflag:s21] =	ssyncset.done $0x0  }
0x76: {  	s26 =	sor.u32 $0x1480, s23;
	[sflag:s21] =	ssyncadd.s32 $0xFFFFC000  }
0x77: {  	[spmem:s4] =	stream.indirect.scatter.add.f32 [tilespmem:s19], [sflag:$0x4], $0x80, s26, s17, $0xb8;
	[tilespmem:$0x1DC00] =	vst v63  }
0x78: {  	_ =	swait.ge [sflag:s14], $0x4000  }
0x79: {  	[sflag:s14] =	ssyncset.done $0x0  }
0x7a: {  	s28 =	sor.u32 $0x580, s23;
	[sflag:s14] =	ssyncadd.s32 $0xFFFFC000  }
0x7b: {  	[tilespmem:s19], [sflag:$0x2] =	stream.indirect.gather [hbm4b:s6+s17], $0x80, s28, s17, $0xb8;
	[tilespmem:$0x1DC00] =	vst v63  }
0x7c: {  	_ =	swait.ge [sflag:s20], $0x4000  }
0x7d: {  	[sflag:s20] =	ssyncset.done $0x0  }
0x7e: {  	s29 =	sadd.s32 $0x1500, s23;
	[sflag:s20] =	ssyncadd.s32 $0xFFFFC000  }
0x7f: {  	[spmem:s4] =	stream.indirect.scatter.add.f32 [tilespmem:s18], [sflag:$0x4], $0x80, s29, s17, $0xb8;
	[tilespmem:$0x1DC00] =	vst v63  }
0x80: {  	_ =	swait.ge [sflag:s14], $0x4000  }
0x81: {  	[sflag:s14] =	ssyncset.done $0x0  }
0x82: {  	s30 =	sadd.s32 $0x600, s23;
	[sflag:s14] =	ssyncadd.s32 $0xFFFFC000  }
0x83: {  	[tilespmem:s18], [sflag:$0x1] =	stream.indirect.gather [hbm4b:s6+s17], $0x80, s30, s17, $0xb8;
	[tilespmem:$0x1DC00] =	vst v63  }
0x84: {  	_ =	swait.ge [sflag:s21], $0x4000  }
0x85: {  	[sflag:s21] =	ssyncset.done $0x0  }
0x86: {  	s31 =	sor.u32 $0x1580, s23;
	[sflag:s21] =	ssyncadd.s32 $0xFFFFC000  }
0x87: {  	[spmem:s4] =	stream.indirect.scatter.add.f32 [tilespmem:s19], [sflag:$0x4], $0x80, s31, s17, $0xb8;
	[tilespmem:$0x1DC00] =	vst v63  }
0x88: {  	_ =	swait.ge [sflag:s14], $0x4000  }
0x89: {  	[sflag:s14] =	ssyncset.done $0x0  }
0x8a: {  	s25 =	sor.u32 $0x680, s23;
	[sflag:s14] =	ssyncadd.s32 $0xFFFFC000  }
0x8b: {  	[tilespmem:s19], [sflag:$0x2] =	stream.indirect.gather [hbm4b:s6+s17], $0x80, s25, s17, $0xb8;
	[tilespmem:$0x1DC00] =	vst v63  }
0x8c: {  	_ =	swait.ge [sflag:s20], $0x4000  }
0x8d: {  	[sflag:s20] =	ssyncset.done $0x0  }
0x8e: {  	s26 =	sadd.s32 $0x1600, s23;
	[sflag:s20] =	ssyncadd.s32 $0xFFFFC000  }
0x8f: {  	[spmem:s4] =	stream.indirect.scatter.add.f32 [tilespmem:s18], [sflag:$0x4], $0x80, s26, s17, $0xb8;
	[tilespmem:$0x1DC00] =	vst v63  }
0x90: {  	_ =	swait.ge [sflag:s14], $0x4000  }
0x91: {  	[sflag:s14] =	ssyncset.done $0x0  }
0x92: {  	s28 =	sadd.s32 $0x700, s23;
	[sflag:s14] =	ssyncadd.s32 $0xFFFFC000  }
0x93: {  	[tilespmem:s18], [sflag:$0x1] =	stream.indirect.gather [hbm4b:s6+s17], $0x80, s28, s17, $0xb8;
	[tilespmem:$0x1DC00] =	vst v63  }
0x94: {  	_ =	swait.ge [sflag:s21], $0x4000  }
0x95: {  	[sflag:s21] =	ssyncset.done $0x0  }
0x96: {  	s29 =	sor.u32 $0x1680, s23;
	[sflag:s21] =	ssyncadd.s32 $0xFFFFC000  }
0x97: {  	[spmem:s4] =	stream.indirect.scatter.add.f32 [tilespmem:s19], [sflag:$0x4], $0x80, s29, s17, $0xb8;
	[tilespmem:$0x1DC00] =	vst v63  }
0x98: {  	_ =	swait.ge [sflag:s14], $0x4000  }
0x99: {  	[sflag:s14] =	ssyncset.done $0x0  }
0x9a: {  	s30 =	sor.u32 $0x780, s23;
	[sflag:s14] =	ssyncadd.s32 $0xFFFFC000  }
0x9b: {  	[tilespmem:s19], [sflag:$0x2] =	stream.indirect.gather [hbm4b:s6+s17], $0x80, s30, s17, $0xb8;
	[tilespmem:$0x1DC00] =	vst v63  }
0x9c: {  	_ =	swait.ge [sflag:s20], $0x4000  }
0x9d: {  	[sflag:s20] =	ssyncset.done $0x0  }
0x9e: {  	s31 =	sadd.s32 $0x1700, s23;
	[sflag:s20] =	ssyncadd.s32 $0xFFFFC000  }
0x9f: {  	[spmem:s4] =	stream.indirect.scatter.add.f32 [tilespmem:s18], [sflag:$0x4], $0x80, s31, s17, $0xb8;
	[tilespmem:$0x1DC00] =	vst v63  }
0xa0: {  	_ =	swait.ge [sflag:s14], $0x4000  }
0xa1: {  	[sflag:s14] =	ssyncset.done $0x0  }
0xa2: {  	[sflag:s14] =	ssyncadd.s32 $0xFFFFC000  }
0xa3: {  	_ =	swait.ge [sflag:s21], $0x4000  }
0xa4: {  	[sflag:s21] =	ssyncset.done $0x0  }
0xa5: {  	s23 =	sor.u32 $0x1780, s23;
	[sflag:s21] =	ssyncadd.s32 $0xFFFFC000  }
0xa6: {  	[spmem:s4] =	stream.indirect.scatter.add.f32 [tilespmem:s19], [sflag:$0x4], $0x80, s23, s17, $0xb8;
	[tilespmem:$0x1DC00] =	vst v63  }
0xa7: {  	_ =	swait.ge [sflag:s14], $0x4000  }
0xa8: {  	s23 =	simm.s32 $0x800;
	[sflag:s14] =	ssyncset.done $0x0  }
.LBB2_2:
0xa9: {  	[sflag:s14] =	ssyncadd.s32 $0xFFFFC000  }
0xaa: {  	_ =	swait.ge [sflag:s16], $0x800  }
0xab: {  	[sflag:s16] =	ssyncset.done $0x0  }
0xac: {  	[sflag:s16] =	ssyncadd.s32 $0xFFFFF800  }
0xad: {  	s24 =	smov.u32 s23;
	_ =	swait.ge [sflag:s16], $0x800  }
0xae: {  	p1 =	seq.s32 s24, $0x2000;
	s25 =	rddreg [dreg:$0x5]  }
0xaf: {  	s29 =	simm.s32 @!p1 $0x0;
	s25 =	sadd.s32 @!p1 s24, s25  }
0xb0: {  	[sflag:s16] =	ssyncset.done $0x0;
	s24 =	sand.u32 @!p1 $0x800, s24;
	s25 =	sshrl.u32 @!p1 s25, $0x3  }
0xb1: {  	[sflag:s16] =	ssyncadd.s32 $0xFFFFF800;
	s26 =	sxor.u32 @!p1 $0x800, s24;
	s28 =	sadd.s32 @!p1 s2, s25  }
0xb2: {  	[tilespmem:s26], [sflag:$0x3] =	stream.linear.gather @!p1 [hbm4b:s28+s29], $0x800, $0x38;
	[tilespmem:$0x1DC00] =	vst v63  }
0xb3: {  	s25 =	sadd.s32 @!p1 s3, s25;
	s26 =	sxor.u32 @!p1 $0x1800, s24  }
0xb4: {  	[tilespmem:s26], [sflag:$0x3] =	stream.linear.gather @!p1 [hbm4b:s25+s29], $0x800, $0x38;
	[tilespmem:$0x1DC00] =	vst v63  }
0xb5: {  	s24 =	simm.s32 @p1 $0x0  }
0xb6: {  	[tilespmem:s18], [sflag:$0x1] =	stream.indirect.gather [hbm4b:s6+s17], $0x80, s24, s17, $0xb8;
	[tilespmem:$0x1DC00] =	vst v63  }
0xb7: {  	s26 =	sor.u32 $0x80, s24  }
0xb8: {  	[tilespmem:s19], [sflag:$0x2] =	stream.indirect.gather [hbm4b:s6+s17], $0x80, s26, s17, $0xb8;
	[tilespmem:$0x1DC00] =	vst v63  }
0xb9: {  	_ =	swait.ge [sflag:s20], $0x4000  }
0xba: {  	[sflag:s20] =	ssyncset.done $0x0  }
0xbb: {  	s28 =	sor.u32 $0x1000, s24;
	[sflag:s20] =	ssyncadd.s32 $0xFFFFC000  }
0xbc: {  	[spmem:s4] =	stream.indirect.scatter.add.f32 [tilespmem:s18], [sflag:$0x4], $0x80, s28, s17, $0xb8;
	[tilespmem:$0x1DC00] =	vst v63  }
0xbd: {  	_ =	swait.ge [sflag:s14], $0x4000  }
0xbe: {  	[sflag:s14] =	ssyncset.done $0x0  }
0xbf: {  	s29 =	sadd.s32 $0x100, s24;
	[sflag:s14] =	ssyncadd.s32 $0xFFFFC000  }
0xc0: {  	[tilespmem:s18], [sflag:$0x1] =	stream.indirect.gather [hbm4b:s6+s17], $0x80, s29, s17, $0xb8;
	[tilespmem:$0x1DC00] =	vst v63  }
0xc1: {  	_ =	swait.ge [sflag:s21], $0x4000  }
0xc2: {  	[sflag:s21] =	ssyncset.done $0x0  }
0xc3: {  	s30 =	sor.u32 $0x1080, s24;
	[sflag:s21] =	ssyncadd.s32 $0xFFFFC000  }
0xc4: {  	[spmem:s4] =	stream.indirect.scatter.add.f32 [tilespmem:s19], [sflag:$0x4], $0x80, s30, s17, $0xb8;
	[tilespmem:$0x1DC00] =	vst v63  }
0xc5: {  	_ =	swait.ge [sflag:s14], $0x4000  }
0xc6: {  	[sflag:s14] =	ssyncset.done $0x0  }
0xc7: {  	s31 =	sor.u32 $0x180, s24;
	[sflag:s14] =	ssyncadd.s32 $0xFFFFC000  }
0xc8: {  	[tilespmem:s19], [sflag:$0x2] =	stream.indirect.gather [hbm4b:s6+s17], $0x80, s31, s17, $0xb8;
	[tilespmem:$0x1DC00] =	vst v63  }
0xc9: {  	_ =	swait.ge [sflag:s20], $0x4000  }
0xca: {  	[sflag:s20] =	ssyncset.done $0x0  }
0xcb: {  	s26 =	sadd.s32 $0x1100, s24;
	[sflag:s20] =	ssyncadd.s32 $0xFFFFC000  }
0xcc: {  	[spmem:s4] =	stream.indirect.scatter.add.f32 [tilespmem:s18], [sflag:$0x4], $0x80, s26, s17, $0xb8;
	[tilespmem:$0x1DC00] =	vst v63  }
0xcd: {  	_ =	swait.ge [sflag:s14], $0x4000  }
0xce: {  	[sflag:s14] =	ssyncset.done $0x0  }
0xcf: {  	s28 =	sadd.s32 $0x200, s24;
	[sflag:s14] =	ssyncadd.s32 $0xFFFFC000  }
0xd0: {  	[tilespmem:s18], [sflag:$0x1] =	stream.indirect.gather [hbm4b:s6+s17], $0x80, s28, s17, $0xb8;
	[tilespmem:$0x1DC00] =	vst v63  }
0xd1: {  	_ =	swait.ge [sflag:s21], $0x4000  }
0xd2: {  	[sflag:s21] =	ssyncset.done $0x0  }
0xd3: {  	s29 =	sor.u32 $0x1180, s24;
	[sflag:s21] =	ssyncadd.s32 $0xFFFFC000  }
0xd4: {  	[spmem:s4] =	stream.indirect.scatter.add.f32 [tilespmem:s19], [sflag:$0x4], $0x80, s29, s17, $0xb8;
	[tilespmem:$0x1DC00] =	vst v63  }
0xd5: {  	_ =	swait.ge [sflag:s14], $0x4000  }
0xd6: {  	[sflag:s14] =	ssyncset.done $0x0  }
0xd7: {  	s30 =	sor.u32 $0x280, s24;
	[sflag:s14] =	ssyncadd.s32 $0xFFFFC000  }
0xd8: {  	[tilespmem:s19], [sflag:$0x2] =	stream.indirect.gather [hbm4b:s6+s17], $0x80, s30, s17, $0xb8;
	[tilespmem:$0x1DC00] =	vst v63  }
0xd9: {  	_ =	swait.ge [sflag:s20], $0x4000  }
0xda: {  	[sflag:s20] =	ssyncset.done $0x0  }
0xdb: {  	s31 =	sadd.s32 $0x1200, s24;
	[sflag:s20] =	ssyncadd.s32 $0xFFFFC000  }
0xdc: {  	[spmem:s4] =	stream.indirect.scatter.add.f32 [tilespmem:s18], [sflag:$0x4], $0x80, s31, s17, $0xb8;
	[tilespmem:$0x1DC00] =	vst v63  }
0xdd: {  	_ =	swait.ge [sflag:s14], $0x4000  }
0xde: {  	[sflag:s14] =	ssyncset.done $0x0  }
0xdf: {  	s26 =	sadd.s32 $0x300, s24;
	[sflag:s14] =	ssyncadd.s32 $0xFFFFC000  }
0xe0: {  	[tilespmem:s18], [sflag:$0x1] =	stream.indirect.gather [hbm4b:s6+s17], $0x80, s26, s17, $0xb8;
	[tilespmem:$0x1DC00] =	vst v63  }
0xe1: {  	_ =	swait.ge [sflag:s21], $0x4000  }
0xe2: {  	[sflag:s21] =	ssyncset.done $0x0  }
0xe3: {  	s28 =	sor.u32 $0x1280, s24;
	[sflag:s21] =	ssyncadd.s32 $0xFFFFC000  }
0xe4: {  	[spmem:s4] =	stream.indirect.scatter.add.f32 [tilespmem:s19], [sflag:$0x4], $0x80, s28, s17, $0xb8;
	[tilespmem:$0x1DC00] =	vst v63  }
0xe5: {  	_ =	swait.ge [sflag:s14], $0x4000  }
0xe6: {  	[sflag:s14] =	ssyncset.done $0x0  }
0xe7: {  	s29 =	sor.u32 $0x380, s24;
	[sflag:s14] =	ssyncadd.s32 $0xFFFFC000  }
0xe8: {  	[tilespmem:s19], [sflag:$0x2] =	stream.indirect.gather [hbm4b:s6+s17], $0x80, s29, s17, $0xb8;
	[tilespmem:$0x1DC00] =	vst v63  }
0xe9: {  	_ =	swait.ge [sflag:s20], $0x4000  }
0xea: {  	[sflag:s20] =	ssyncset.done $0x0  }
0xeb: {  	s30 =	sadd.s32 $0x1300, s24;
	[sflag:s20] =	ssyncadd.s32 $0xFFFFC000  }
0xec: {  	[spmem:s4] =	stream.indirect.scatter.add.f32 [tilespmem:s18], [sflag:$0x4], $0x80, s30, s17, $0xb8;
	[tilespmem:$0x1DC00] =	vst v63  }
0xed: {  	_ =	swait.ge [sflag:s14], $0x4000  }
0xee: {  	[sflag:s14] =	ssyncset.done $0x0  }
0xef: {  	s31 =	sadd.s32 $0x400, s24;
	[sflag:s14] =	ssyncadd.s32 $0xFFFFC000  }
0xf0: {  	[tilespmem:s18], [sflag:$0x1] =	stream.indirect.gather [hbm4b:s6+s17], $0x80, s31, s17, $0xb8;
	[tilespmem:$0x1DC00] =	vst v63  }
0xf1: {  	_ =	swait.ge [sflag:s21], $0x4000  }
0xf2: {  	[sflag:s21] =	ssyncset.done $0x0  }
0xf3: {  	s26 =	sor.u32 $0x1380, s24;
	[sflag:s21] =	ssyncadd.s32 $0xFFFFC000  }
0xf4: {  	[spmem:s4] =	stream.indirect.scatter.add.f32 [tilespmem:s19], [sflag:$0x4], $0x80, s26, s17, $0xb8;
	[tilespmem:$0x1DC00] =	vst v63  }
0xf5: {  	_ =	swait.ge [sflag:s14], $0x4000  }
0xf6: {  	[sflag:s14] =	ssyncset.done $0x0  }
0xf7: {  	s28 =	sor.u32 $0x480, s24;
	[sflag:s14] =	ssyncadd.s32 $0xFFFFC000  }
0xf8: {  	[tilespmem:s19], [sflag:$0x2] =	stream.indirect.gather [hbm4b:s6+s17], $0x80, s28, s17, $0xb8;
	[tilespmem:$0x1DC00] =	vst v63  }
0xf9: {  	_ =	swait.ge [sflag:s20], $0x4000  }
0xfa: {  	[sflag:s20] =	ssyncset.done $0x0  }
0xfb: {  	s29 =	sadd.s32 $0x1400, s24;
	[sflag:s20] =	ssyncadd.s32 $0xFFFFC000  }
0xfc: {  	[spmem:s4] =	stream.indirect.scatter.add.f32 [tilespmem:s18], [sflag:$0x4], $0x80, s29, s17, $0xb8;
	[tilespmem:$0x1DC00] =	vst v63  }
0xfd: {  	_ =	swait.ge [sflag:s14], $0x4000  }
0xfe: {  	[sflag:s14] =	ssyncset.done $0x0  }
0xff: {  	s30 =	sadd.s32 $0x500, s24;
	[sflag:s14] =	ssyncadd.s32 $0xFFFFC000  }
0x100: {  	[tilespmem:s18], [sflag:$0x1] =	stream.indirect.gather [hbm4b:s6+s17], $0x80, s30, s17, $0xb8;
	[tilespmem:$0x1DC00] =	vst v63  }
0x101: {  	_ =	swait.ge [sflag:s21], $0x4000  }
0x102: {  	[sflag:s21] =	ssyncset.done $0x0  }
0x103: {  	s31 =	sor.u32 $0x1480, s24;
	[sflag:s21] =	ssyncadd.s32 $0xFFFFC000  }
0x104: {  	[spmem:s4] =	stream.indirect.scatter.add.f32 [tilespmem:s19], [sflag:$0x4], $0x80, s31, s17, $0xb8;
	[tilespmem:$0x1DC00] =	vst v63  }
0x105: {  	_ =	swait.ge [sflag:s14], $0x4000  }
0x106: {  	[sflag:s14] =	ssyncset.done $0x0  }
0x107: {  	s26 =	sor.u32 $0x580, s24;
	[sflag:s14] =	ssyncadd.s32 $0xFFFFC000  }
0x108: {  	[tilespmem:s19], [sflag:$0x2] =	stream.indirect.gather [hbm4b:s6+s17], $0x80, s26, s17, $0xb8;
	[tilespmem:$0x1DC00] =	vst v63  }
0x109: {  	_ =	swait.ge [sflag:s20], $0x4000  }
0x10a: {  	[sflag:s20] =	ssyncset.done $0x0  }
0x10b: {  	s28 =	sadd.s32 $0x1500, s24;
	[sflag:s20] =	ssyncadd.s32 $0xFFFFC000  }
0x10c: {  	[spmem:s4] =	stream.indirect.scatter.add.f32 [tilespmem:s18], [sflag:$0x4], $0x80, s28, s17, $0xb8;
	[tilespmem:$0x1DC00] =	vst v63  }
0x10d: {  	_ =	swait.ge [sflag:s14], $0x4000  }
0x10e: {  	[sflag:s14] =	ssyncset.done $0x0  }
0x10f: {  	s29 =	sadd.s32 $0x600, s24;
	[sflag:s14] =	ssyncadd.s32 $0xFFFFC000  }
0x110: {  	[tilespmem:s18], [sflag:$0x1] =	stream.indirect.gather [hbm4b:s6+s17], $0x80, s29, s17, $0xb8;
	[tilespmem:$0x1DC00] =	vst v63  }
0x111: {  	_ =	swait.ge [sflag:s21], $0x4000  }
0x112: {  	[sflag:s21] =	ssyncset.done $0x0  }
0x113: {  	s30 =	sor.u32 $0x1580, s24;
	[sflag:s21] =	ssyncadd.s32 $0xFFFFC000  }
0x114: {  	[spmem:s4] =	stream.indirect.scatter.add.f32 [tilespmem:s19], [sflag:$0x4], $0x80, s30, s17, $0xb8;
	[tilespmem:$0x1DC00] =	vst v63  }
0x115: {  	_ =	swait.ge [sflag:s14], $0x4000  }
0x116: {  	[sflag:s14] =	ssyncset.done $0x0  }
0x117: {  	s31 =	sor.u32 $0x680, s24;
	[sflag:s14] =	ssyncadd.s32 $0xFFFFC000  }
0x118: {  	[tilespmem:s19], [sflag:$0x2] =	stream.indirect.gather [hbm4b:s6+s17], $0x80, s31, s17, $0xb8;
	[tilespmem:$0x1DC00] =	vst v63  }
0x119: {  	_ =	swait.ge [sflag:s20], $0x4000  }
0x11a: {  	[sflag:s20] =	ssyncset.done $0x0  }
0x11b: {  	s26 =	sadd.s32 $0x1600, s24;
	[sflag:s20] =	ssyncadd.s32 $0xFFFFC000  }
0x11c: {  	[spmem:s4] =	stream.indirect.scatter.add.f32 [tilespmem:s18], [sflag:$0x4], $0x80, s26, s17, $0xb8;
	[tilespmem:$0x1DC00] =	vst v63  }
0x11d: {  	_ =	swait.ge [sflag:s14], $0x4000  }
0x11e: {  	[sflag:s14] =	ssyncset.done $0x0  }
0x11f: {  	s28 =	sadd.s32 $0x700, s24;
	[sflag:s14] =	ssyncadd.s32 $0xFFFFC000  }
0x120: {  	[tilespmem:s18], [sflag:$0x1] =	stream.indirect.gather [hbm4b:s6+s17], $0x80, s28, s17, $0xb8;
	[tilespmem:$0x1DC00] =	vst v63  }
0x121: {  	_ =	swait.ge [sflag:s21], $0x4000  }
0x122: {  	[sflag:s21] =	ssyncset.done $0x0  }
0x123: {  	s29 =	sor.u32 $0x1680, s24;
	[sflag:s21] =	ssyncadd.s32 $0xFFFFC000  }
0x124: {  	[spmem:s4] =	stream.indirect.scatter.add.f32 [tilespmem:s19], [sflag:$0x4], $0x80, s29, s17, $0xb8;
	[tilespmem:$0x1DC00] =	vst v63  }
0x125: {  	_ =	swait.ge [sflag:s14], $0x4000  }
0x126: {  	[sflag:s14] =	ssyncset.done $0x0  }
0x127: {  	s30 =	sor.u32 $0x780, s24;
	[sflag:s14] =	ssyncadd.s32 $0xFFFFC000  }
0x128: {  	[tilespmem:s19], [sflag:$0x2] =	stream.indirect.gather [hbm4b:s6+s17], $0x80, s30, s17, $0xb8;
	[tilespmem:$0x1DC00] =	vst v63  }
0x129: {  	_ =	swait.ge [sflag:s20], $0x4000  }
0x12a: {  	[sflag:s20] =	ssyncset.done $0x0  }
0x12b: {  	s31 =	sadd.s32 $0x1700, s24;
	[sflag:s20] =	ssyncadd.s32 $0xFFFFC000  }
0x12c: {  	[spmem:s4] =	stream.indirect.scatter.add.f32 [tilespmem:s18], [sflag:$0x4], $0x80, s31, s17, $0xb8;
	[tilespmem:$0x1DC00] =	vst v63  }
0x12d: {  	_ =	swait.ge [sflag:s14], $0x4000  }
0x12e: {  	[sflag:s14] =	ssyncset.done $0x0  }
0x12f: {  	s23 =	sadd.s32 $0x800, s23;
	[sflag:s14] =	ssyncadd.s32 $0xFFFFC000  }
0x130: {  	p0 =	sne.s32 s23, $0x2800;
	_ =	swait.ge [sflag:s21], $0x4000  }
.Ltmp0:
0x131: {  	[sflag:s21] =	ssyncset.done $0x0;
	(pc) =	sbr.rel @p0 .LBB2_2-.Ltmp0, $4  }
0x132: {  	s24 =	sor.u32 $0x1780, s24;
	[sflag:s21] =	ssyncadd.s32 $0xFFFFC000  }
0x133: {  	[spmem:s4] =	stream.indirect.scatter.add.f32 [tilespmem:s19], [sflag:$0x4], $0x80, s24, s17, $0xb8;
	[tilespmem:$0x1DC00] =	vst v63  }
0x134: {  	_ =	swait.ge [sflag:s14], $0x4000  }
0x135: {  	[sflag:s14] =	ssyncset.done $0x0  }
0x136: {  	s22 =	sadd.s32 $0x1, s22  }
0x137: {  	[sflag:s14] =	ssyncadd.s32 $0xFFFFC000;
	p0 =	sne.s32 s22, s12  }
.Ltmp1:
0x138: {  	[bflag:$0x0] =	sbarrier.arrive $0xFFFF;
	(pc) =	sbr.rel @p0 .LBB2_1-.Ltmp1, $4  }
0x139: {  	[hbm:s11], [sflag:s8] =	dma.local [spmem:s13], $0x2780  }
0x13a: {  	_ =	swait.ge [sflag:s14], $0x2780  }
0x13b: {  	[sflag:s14] =	ssyncset.done $0x0  }
0x13c: {  	[sflag:s14] =	ssyncadd.s32 $0xFFFFD880  }
0x13d: {  	_ =	sfence.sel $0x180000  }
0x13e: {  	[bflag:$0x0] =	sbarrier.arrive $0xFFFF  }
0x13f: {  	p0 =	sne.s32 s1, $0x0;
	_ =	strace $0x9000004D  }
0x140: {  	s0 =	sadd.s32 @!p0 $0x100000, s0;
	[bflag:$0x2] =	sbarrier.arrive $0xFFFF  }
0x141: {  	[sflag:s0] =	ssyncadd.tile.s32 @!p0 $0x1;
	_ =	shalt  }
.Lfunc_end2:
_tile_overlayer_lowered:
.L_overlay_start_2:
0x142: {  	(tag) =	ssettag $0x2  }
0x143: {  	s0 =	rddreg [dreg:$0x0];
	s2 =	stileid.u32  }
0x144: {  	s1 =	rddreg [dreg:$0x1];
	p0 =	sne.s32 s2, $0x0  }
0x145: {  	s3 =	rddreg [dreg:$0x2];
	[bflag:$0x3] =	sbarrier.arrive $0xFFFF;
	s2 =	simm.s32 @!p0 $0x1C04  }
0x146: {  	[timem:s3], [sflag:s2] =	dma.local @!p0 [hbm:s0], s1  }
0x147: {  	s0 =	simm.s32 @!p0 $0x4  }
0x148: {  	_ =	swait.ge @!p0 [sflag:s0], s1  }
0x149: {  	s1 =	ssub.s32 @!p0 $0x0, s1;
	[sflag:s0] =	ssyncset.done @!p0 $0x0  }
0x14a: {  	[sflag:s0] =	ssyncadd.s32 @!p0 s1  }
0x14b: {  	[bflag:$0x3] =	sbarrier.arrive $0xFFFF  }
0x14c: {  	_ =	shalt  }

// kernel: kernel.21.cloned.1.call-start
scs
__scs_entry_jumppad:
0x0: {  	(pc) =	sbr.rel $0x88, $3  }
0x1: {  	(tag) =	ssettag $0x0;
	lr =	simm.s32 $0x1  }
0x2: {  	[smem:$0x3F9E] =	sst lr;
	_ =	strace $0xD0000000  }
0x3: {  	_ = 	snop  }
0x4: {  	_ = 	snop  }
0x5: {  	_ = 	snop  }
0x6: {  	_ = 	snop  }
0x7: {  	_ = 	snop  }
__scs_overlays_trampoline_lowered:
0x8: {  	[smem:$0x3FAD] =	sst s0  }
0x9: {  	[smem:$0x3FAE] =	sst s1  }
0xa: {  	[smem:$0x3FAF] =	sst s2  }
0xb: {  	[smem:$0x3FB0] =	sst s3  }
0xc: {  	[smem:$0x3FB1] =	sst s4  }
0xd: {  	[smem:$0x3FB2] =	sst s5  }
0xe: {  	[smem:$0x3FB3] =	sst s6  }
0xf: {  	[smem:$0x3FB4] =	sst s7  }
0x10: {  	[smem:$0x3FB5] =	sst s8  }
0x11: {  	[smem:$0x3FB6] =	sst s9;
	s0 =	simm.s32 @!p0 $0x0  }
0x12: {  	s1 =	sld [smem:$0x3F9C];
	s0 =	simm.s32 @p0 $0x1  }
0x13: {  	[smem:$0x3FB7] =	sst s0;
	s0 =	simm.s32 @!p1 $0x0  }
0x14: {  	s2 =	sld [smem:$0x3F9B];
	s0 =	simm.s32 @p1 $0x1  }
0x15: {  	[smem:$0x3FB8] =	sst s0;
	s0 =	simm.s32 @!p2 $0x0  }
0x16: {  	s3 =	sld [smem:$0x3FDB];
	s0 =	simm.s32 @p2 $0x1  }
0x17: {  	s4 =	simm.s32 $0x1BF5;
	[smem:$0x3FBA] =	sst s0  }
0x18: {  	s0 =	sld [smem:$0x3F9D];
	_ =	swait.ge [sflag:s4], $0x0  }
0x19: {  	s7 =	sld [smem:$0x3F9E]  }
0x1a: {  	s8 =	sadd.s32 $0xFFFFE003, lr  }
0x1b: {  	s9 =	sadd.s32 $0xFFFFFEF7, lr;
	s5 =	simm.s32 $0xFFFFFFFF;
	p2 =	slt.u32 s8, $0xFFFFF086  }
0x1c: {  	p1 =	slt.u32 s9, $0xF7A;
	s5 =	simm.s32 @!p2 $0x0  }
0x1d: {  	s5 =	simm.s32 @p1 $0x1;
	p0 =	seq.s32 s7, s2  }
0x1e: {  	s7 =	smul.u32 @!p0 $0xF7A, s2;
	p2 =	seq.s32 @!p0 s5, $0x0  }
0x1f: {  	s9 =	smul.u32 $0xF7A, s1;
	s8 =	simm.s32 @!p0 $0x1BF5;
	p2 =	por !p2, p0  }
0x20: {  	[sflag:s8] =	ssyncset.s32 @!p0 $0xFFFFF086;
	s6 =	sadd.s32 @!p0 s3, s7;
	s7 =	simm.s32 @!p0 $0x108  }
0x21: {  	s3 =	sadd.s32 s3, s9;
	s6 =	sadd.s32 @!p0 $0x88, s6;
	s7 =	simm.s32 @p2 $0x1082  }
0x22: {  	[simem:s7], [sflag:s8] =	dma.local @!p0 [hbm:s6], $0xF7A  }
0x23: {  	s9 =	sor.u32 $0xD0000000, s2;
	s6 =	simm.s32 $0x108;
	_ =	swait.ge @!p0 [sflag:s8], $0x0  }
0x24: {  	s3 =	sadd.s32 $0x88, s3;
	s6 =	simm.s32 @!p1 $0x1082;
	[sflag:s4] =	ssyncset.s32 $0xFFFFF086  }
0x25: {  	[simem:s6], [sflag:s4] =	dma.local [hbm:s3], $0xF7A  }
0x26: {  	[smem:$0x3F9E] =	sst s1;
	(tag) =	ssettag s2;
	_ =	strace s9  }
0x27: {  	s1 =	sld [smem:$0x3FAE]  }
0x28: {  	s2 =	sld [smem:$0x3FAF]  }
0x29: {  	s4 =	sld [smem:$0x3FB1]  }
0x2a: {  	p0 =	seq.s32 s5, $0x0;
	s5 =	sld [smem:$0x3FB2]  }
0x2b: {  	s6 =	sld [smem:$0x3FB3]  }
0x2c: {  	s7 =	sld [smem:$0x3FB4]  }
0x2d: {  	s3 =	simm.s32 $0x108;
	s8 =	sld [smem:$0x3FB5]  }
0x2e: {  	s3 =	simm.s32 @!p0 $0x1082;
	s9 =	sld [smem:$0x3FB6]  }
0x2f: {  	lr =	sadd.s32 s0, s3;
	s0 =	sld [smem:$0x3FAD]  }
0x30: {  	s3 =	sld [smem:$0x3FB0]  }
0x31: {  	[smem:$0x3FB9] =	sst s10  }
0x32: {  	s10 =	sld [smem:$0x3FB7];
	_ =	sdelay $0x3  }
0x33: {  	p0 =	seq.s32 s10, $0x1;
	s10 =	sld [smem:$0x3FB9];
	_ =	sdelay $0x3  }
0x34: {  	[smem:$0x3FB9] =	sst s10  }
0x35: {  	s10 =	sld [smem:$0x3FB8];
	_ =	sdelay $0x3  }
0x36: {  	p1 =	seq.s32 s10, $0x1;
	s10 =	sld [smem:$0x3FB9];
	_ =	sdelay $0x3  }
0x37: {  	[smem:$0x3FB9] =	sst s10  }
0x38: {  	s10 =	sld [smem:$0x3FBA]  }
0x39: {  	_ = 	snop;
	(pc) =	sbr.ind lr, $3  }
0x3a: {  	_ = 	snop  }
0x3b: {  	_ = 	snop  }
0x3c: {  	p2 =	seq.s32 s10, $0x1;
	s10 =	sld [smem:$0x3FB9]  }
0x3d: {  	_ =	shalt  }
0x3e: {  	_ =	shalt  }
0x3f: {  	_ =	shalt  }
0x40: {  	_ =	shalt  }
0x41: {  	_ =	shalt  }
0x42: {  	_ =	shalt  }
0x43: {  	_ =	shalt  }
0x44: {  	_ =	shalt  }
0x45: {  	_ =	shalt  }
0x46: {  	_ =	shalt  }
0x47: {  	_ =	shalt  }
0x48: {  	_ =	shalt  }
0x49: {  	_ =	shalt  }
0x4a: {  	_ =	shalt  }
0x4b: {  	_ =	shalt  }
0x4c: {  	_ =	shalt  }
0x4d: {  	_ =	shalt  }
0x4e: {  	_ =	shalt  }
0x4f: {  	_ =	shalt  }
0x50: {  	_ =	shalt  }
0x51: {  	_ =	shalt  }
0x52: {  	_ =	shalt  }
0x53: {  	_ =	shalt  }
0x54: {  	_ =	shalt  }
0x55: {  	_ =	shalt  }
0x56: {  	_ =	shalt  }
0x57: {  	_ =	shalt  }
0x58: {  	_ =	shalt  }
0x59: {  	_ =	shalt  }
0x5a: {  	_ =	shalt  }
0x5b: {  	_ =	shalt  }
0x5c: {  	_ =	shalt  }
0x5d: {  	_ =	shalt  }
0x5e: {  	_ =	shalt  }
0x5f: {  	_ =	shalt  }
0x60: {  	_ =	shalt  }
0x61: {  	_ =	shalt  }
0x62: {  	_ =	shalt  }
0x63: {  	_ =	shalt  }
0x64: {  	_ =	shalt  }
0x65: {  	_ =	shalt  }
0x66: {  	_ =	shalt  }
0x67: {  	_ =	shalt  }
0x68: {  	_ =	shalt  }
0x69: {  	_ =	shalt  }
0x6a: {  	_ =	shalt  }
0x6b: {  	_ =	shalt  }
0x6c: {  	_ =	shalt  }
0x6d: {  	_ =	shalt  }
0x6e: {  	_ =	shalt  }
0x6f: {  	_ =	shalt  }
0x70: {  	_ =	shalt  }
0x71: {  	_ =	shalt  }
0x72: {  	_ =	shalt  }
0x73: {  	_ =	shalt  }
0x74: {  	_ =	shalt  }
0x75: {  	_ =	shalt  }
0x76: {  	_ =	shalt  }
0x77: {  	_ =	shalt  }
0x78: {  	_ =	shalt  }
0x79: {  	_ =	shalt  }
0x7a: {  	_ =	shalt  }
0x7b: {  	_ =	shalt  }
0x7c: {  	_ =	shalt  }
0x7d: {  	_ =	shalt  }
0x7e: {  	_ =	shalt  }
0x7f: {  	_ =	shalt  }
0x80: {  	_ =	shalt  }
0x81: {  	_ =	shalt  }
0x82: {  	_ =	shalt  }
0x83: {  	_ =	shalt  }
0x84: {  	_ =	shalt  }
0x85: {  	_ =	shalt  }
0x86: {  	_ =	shalt  }
0x87: {  	_ =	shalt  }
.Lfunc_end0:
.L_simem_size_0:
called_computation.3_lowered:
.L_overlay_start_0:
0x88: {  	s2 =	sld [smem:$0x3FD9]  }
0x89: {  	s3 =	sld [smem:$0x3FFE];
	_ =	sdelay $0x1  }
0x8a: {  	s1 =	srdreg.scid  }
0x8b: {  	s0 =	sand.u32 $0x1, s1  }
0x8c: {  	s14 =	sshll.u32 s0, $0xA;
	s2 =	sadd.s32 s3, s2  }
0x8d: {  	s2 =	sadd.s32 s2, s14  }
0x8e: {  	[smem:$0x3FC5] =	sst s2  }
0x8f: {  	_ = 	snop  }
0x90: {  	s2 =	sld [smem:$0x3FD0];
	_ =	sdelay $0x2  }
0x91: {  	s15 =	simm.s32 $0xA;
	s4 =	simm.s32 $0x10  }
0x92: {  	[smem:s4], [sflag:s15] =	dma.local [hbm:s2], $0x1  }
0x93: {  	_ =	swait.eq [sflag:s15], $0x1  }
0x94: {  	[sflag:s15] =	ssyncset.done $0x0  }
0x95: {  	s16 =	sld [smem:$0x10];
	[sflag:s15] =	ssyncadd.s32 $0xFFFFFFFF  }
0x96: {  	s17 =	sld [smem:$0x11];
	(tm) =	ssettm $0x1  }
0x97: {  	s18 =	sld [smem:$0x3FFB];
	_ =	sdelay $0x3  }
0x98: {  	_ =	strace s18  }
0x99: {  	s4 =	sld [smem:$0x3FFC];
	_ =	sdelay $0x3  }
0x9a: {  	_ =	strace s4  }
0x9b: {  	s4 =	sld [smem:$0x3FFD];
	_ =	sdelay $0x3  }
0x9c: {  	_ =	strace s4  }
0x9d: {  	_ =	strace $0x8FFFFFFF  }
0x9e: {  	s19 =	sld [smem:$0x3FDB];
	_ =	sdelay $0x1  }
0x9f: {  	s5 =	simm.s32 $_scs_section_size  }
0xa0: {  	s6 =	simm.s32 $_size__tile_overlayer_lowered;
	s7 =	simm.s32 $_tile_overlayer_lowered  }
0xa1: {  	s22 =	simm.s32 $0x1BFF;
	s21 =	sshll.u32 s7, $0x1;
	s4 =	sadd.s32 s5, s19  }
0xa2: {  	s8 =	simm.s32 $0x0;
	s20 =	sshll.u32 s6, $0x1;
	s6 =	sadd.s32 s21, s4  }
0xa3: {  	[timem:s8], [sflag:s22] =	dma.local [hbm:s6], s20  }
0xa4: {  	_ =	swait.ge [sflag:s22], s20  }
0xa5: {  	s5 =	ssub.s32 $0x0, s20;
	[sflag:s22] =	ssyncset.done $0x0  }
0xa6: {  	[sflag:s22] =	ssyncadd.s32 s5;
	_ =	sdelay $0x1  }
0xa7: {  	s23 =	simm.s32 $0x1B8B  }
0xa8: {  	_ =	swait.ge [sflag:s23], $0x1  }
0xa9: {  	[sflag:s23] =	ssyncset.done $0x0  }
0xaa: {  	s25 =	simm.s32 $0x1B8E;
	s24 =	sld [smem:$0x3FFE];
	[sflag:s23] =	ssyncadd.s32 $0xFFFFFFFF  }
0xab: {  	s26 =	simm.s32 $execute0_lowered;
	[smem:$0x3FD2] =	sst s25  }
0xac: {  	s6 =	sshll.u32 s26, $0x1;
	_ =	strace $0x8000004F;
	[dreg:$0x1] =	wrdreg $0xFFFFFFFF  }
0xad: {  	s28 =	simm.s32 $_size_execute0_lowered;
	s4 =	sadd.s32 s4, s6;
	[dreg:$0x0] =	wrdreg $0x0  }
0xae: {  	s6 =	sshll.u32 s28, $0x1;
	[dreg:$0x2] =	wrdreg s4  }
0xaf: {  	[dreg:$0x3] =	wrdreg s6  }
0xb0: {  	[dreg:$0x4] =	wrdreg $0xC0  }
0xb1: {  	_ =	task [dreg:s8], $0x5FFFF  }
0xb2: {  	[dreg:$0x1] =	wrdreg $0xFFFFFFFF  }
0xb3: {  	[dreg:$0x0] =	wrdreg $0x60  }
0xb4: {  	[dreg:$0x2] =	wrdreg s24  }
0xb5: {  	[dreg:$0x3] =	wrdreg s16  }
0xb6: {  	[dreg:$0x4] =	wrdreg s17  }
0xb7: {  	[dreg:$0x5] =	wrdreg $0xA0000  }
0xb8: {  	[dreg:$0x6] =	wrdreg $0x9  }
0xb9: {  	_ =	task.clear_ibuf [dreg:s8], $0x7FFFF;
	_ =	strace $0x9000004F  }
0xba: {  	s29 =	simm.s32 $0x9;
	_ =	strace $0x80000051  }
0xbb: {  	_ =	swait.ge [sflag:s29], $0x1  }
0xbc: {  	[sflag:s29] =	ssyncadd.s32 $0xFFFFFFFF  }
0xbd: {  	_ =	strace $0x90000051  }
0xbe: {  	_ =	sfence  }
0xbf: {  	s30 =	sld [smem:$0x0];
	_ =	sdelay $0x2  }
0xc0: {  	s31 =	sshll.u32 s1, $0xD;
	s1 =	sshrl.u32 s1, $0x2  }
0xc1: {  	s3 =	sand.u32 $0x4000, s31;
	s1 =	sadd.s32 s1, s30  }
0xc2: {  	s0 =	sor.u32 s3, s0;
	s1 =	sshll.u32 s1, $0x11  }
0xc3: {  	s0 =	sor.u32 s1, s0  }
0xc4: {  	s0 =	sadd.s32 $0x8F2B, s0  }
0xc5: {  	[sflag:s0] =	ssyncadd.remote.s32 $0x1  }
0xc6: {  	_ =	sfence.sel $0xFFFF  }
0xc7: {  	[dreg:$0x0] =	wrdreg $0xFFFFFFFF;
	(pc) =	sbr.abs _section_cstart, $3  }
0xc8: {  	[dreg:$0x1] =	wrdreg $0xFFFFFFFF  }
0xc9: {  	_ =	task.clear_ibuf [dreg:s8], $0x2FFFF;
	_ =	strace $0x9FFFFFFF  }
0xca: {  	(tm) =	ssettm $0x7FFFFFFF  }
0xcb: {  	_ =	shalt  }
tec
execute0_lowered:
.L_overlay_start_1:
0x0: {  	(tag) =	ssettag $0x1  }
0x1: {  	s7 =	rddreg [dreg:$0x0]  }
0x2: {  	s2 =	rddreg [dreg:$0x1]  }
0x3: {  	s3 =	rddreg [dreg:$0x2]  }
0x4: {  	s4 =	rddreg [dreg:$0x3]  }
0x5: {  	s0 =	rddreg [dreg:$0x4]  }
0x6: {  	s1 =	stileid.u32;
	s5 =	simm.s32 $0x0;
	s6 =	srdreg.scid  }
0x7: {  	s17 =	simm.s32 $0x80;
	s18 =	simm.s32 $0x2000;
	s19 =	simm.s32 $0x6000  }
0x8: {  	s20 =	simm.s32 $0x1;
	s21 =	simm.s32 $0x2;
	s8 =	smul.u32 $0x13C00, s1  }
0x9: {  	s22 =	simm.s32 $0x0;
	[smem:$0x7FF] =	sst s5;
	s25 =	smul.u32 $0x4F000, s1  }
0xa: {  	s9 =	sand.u32 $0x1, s6;
	s6 =	sadd.s32 $0x2E00, s7;
	s29 =	smul.u32 $0x2800, s1  }
0xb: {  	s30 =	sshll.u32 s1, $0x6;
	_ =	strace $0x80000050;
	s11 =	smul.u32 $0x13C000, s9  }
0xc: {  	s12 =	sshll.u32 s9, $0x4;
	s13 =	ssub.s32 $0x2, s9;
	s15 =	smul.u32 $0x28000, s9  }
0xd: {  	s10 =	sshrl.u32 s8, $0x3;
	s24 =	sor.u32 s1, s12;
	s26 =	sshrl.u32 s13, $0x1  }
0xe: {  	s28 =	sshrl.u32 s25, $0x2;
	s10 =	sadd.s32 s10, s7;
	s8 =	sadd.s32 s8, s11  }
0xf: {  	s11 =	smul.u32 $0x500, s24;
	s13 =	ssub.s32 s13, s26;
	s16 =	sadd.s32 s28, s4  }
0x10: {  	s12 =	sadd.s32 s29, s15;
	s15 =	simm.s32 $0x1000;
	s8 =	sshrl.u32 s8, $0x3  }
0x11: {  	s31 =	sadd.s32 $0x800, s12;
	s12 =	smax.u32 s13, $0x1;
	s13 =	sshrl.u32 s16, $0x3  }
0x12: {  	s16 =	simm.s32 $0x3;
	s14 =	sadd.s32 s8, s7;
	s7 =	sadd.s32 $0x53000, s10  }
0x13: {  	s8 =	sor.u32 $0x1C04, s30;
	s9 =	sadd.s32 s2, s11;
	s10 =	sadd.s32 s3, s11  }
0x14: {  	[dreg:$0x5] =	wrdreg s31;
	s11 =	sadd.s32 $0x7A800, s14;
	s14 =	simm.s32 $0x4  }
.LBB2_1:
0x15: {  	[spmem:s13], [sflag:s8] =	dma.local [hbm:s7], $0x2780  }
0x16: {  	_ =	swait.ge [sflag:s14], $0x2780  }
0x17: {  	[sflag:s14] =	ssyncset.done $0x0  }
0x18: {  	[sflag:s14] =	ssyncadd.s32 $0xFFFFD880  }
0x19: {  	[tilespmem:s5], [sflag:$0x3] =	stream.linear.gather [hbm4b:s9+s5], $0x800, $0x38;
	[tilespmem:$0x1DC00] =	vst v63  }
0x1a: {  	_ = 	snop  }
0x1b: {  	[tilespmem:s15], [sflag:$0x3] =	stream.linear.gather [hbm4b:s10+s5], $0x800, $0x38;
	[tilespmem:$0x1DC00] =	vst v63  }
0x1c: {  	[bflag:$0x0] =	sbarrier.arrive $0xFFFF  }
0x1d: {  	_ =	swait.ge [sflag:s16], $0x800  }
0x1e: {  	[sflag:s16] =	ssyncset.done $0x0  }
0x1f: {  	[sflag:s16] =	ssyncadd.s32 $0xFFFFF800  }
0x20: {  	_ =	swait.ge [sflag:s16], $0x800  }
0x21: {  	p0 =	por $0x0, $0x0;
	s23 =	rddreg [dreg:$0x5]  }
0x22: {  	s28 =	simm.s32 @!p0 $0x0;
	s24 =	sadd.s32 @!p0 $0x0, s23  }
0x23: {  	[sflag:s16] =	ssyncset.done $0x0;
	s23 =	sand.u32 @!p0 $0x800, s5;
	s24 =	sshrl.u32 @!p0 s24, $0x3  }
0x24: {  	[sflag:s16] =	ssyncadd.s32 $0xFFFFF800;
	s25 =	sxor.u32 @!p0 $0x800, s23;
	s26 =	sadd.s32 @!p0 s2, s24  }
0x25: {  	[tilespmem:s25], [sflag:$0x3] =	stream.linear.gather @!p0 [hbm4b:s26+s28], $0x800, $0x38;
	[tilespmem:$0x1DC00] =	vst v63  }
0x26: {  	s24 =	sadd.s32 @!p0 s3, s24;
	s25 =	sxor.u32 @!p0 $0x1800, s23  }
0x27: {  	[tilespmem:s25], [sflag:$0x3] =	stream.linear.gather @!p0 [hbm4b:s24+s28], $0x800, $0x38;
	[tilespmem:$0x1DC00] =	vst v63  }
0x28: {  	s23 =	simm.s32 @p0 $0x0  }
0x29: {  	[tilespmem:s18], [sflag:$0x1] =	stream.indirect.gather [hbm4b:s6+s17], $0x80, s23, s17, $0xb8;
	[tilespmem:$0x1DC00] =	vst v63  }
0x2a: {  	s25 =	sor.u32 $0x80, s23  }
0x2b: {  	[tilespmem:s19], [sflag:$0x2] =	stream.indirect.gather [hbm4b:s6+s17], $0x80, s25, s17, $0xb8;
	[tilespmem:$0x1DC00] =	vst v63  }
0x2c: {  	_ =	swait.ge [sflag:s20], $0x4000  }
0x2d: {  	[sflag:s20] =	ssyncset.done $0x0  }
0x2e: {  	s26 =	sor.u32 $0x1000, s23;
	[sflag:s20] =	ssyncadd.s32 $0xFFFFC000  }
0x2f: {  	[spmem:s4] =	stream.indirect.scatter.add.f32 [tilespmem:s18], [sflag:$0x4], $0x80, s26, s17, $0xb8;
	[tilespmem:$0x1DC00] =	vst v63  }
0x30: {  	_ =	swait.ge [sflag:s14], $0x4000  }
0x31: {  	[sflag:s14] =	ssyncset.done $0x0  }
0x32: {  	s28 =	sadd.s32 $0x100, s23;
	[sflag:s14] =	ssyncadd.s32 $0xFFFFC000  }
0x33: {  	[tilespmem:s18], [sflag:$0x1] =	stream.indirect.gather [hbm4b:s6+s17], $0x80, s28, s17, $0xb8;
	[tilespmem:$0x1DC00] =	vst v63  }
0x34: {  	_ =	swait.ge [sflag:s21], $0x4000  }
0x35: {  	[sflag:s21] =	ssyncset.done $0x0  }
0x36: {  	s29 =	sor.u32 $0x1080, s23;
	[sflag:s21] =	ssyncadd.s32 $0xFFFFC000  }
0x37: {  	[spmem:s4] =	stream.indirect.scatter.add.f32 [tilespmem:s19], [sflag:$0x4], $0x80, s29, s17, $0xb8;
	[tilespmem:$0x1DC00] =	vst v63  }
0x38: {  	_ =	swait.ge [sflag:s14], $0x4000  }
0x39: {  	[sflag:s14] =	ssyncset.done $0x0  }
0x3a: {  	s30 =	sor.u32 $0x180, s23;
	[sflag:s14] =	ssyncadd.s32 $0xFFFFC000  }
0x3b: {  	[tilespmem:s19], [sflag:$0x2] =	stream.indirect.gather [hbm4b:s6+s17], $0x80, s30, s17, $0xb8;
	[tilespmem:$0x1DC00] =	vst v63  }
0x3c: {  	_ =	swait.ge [sflag:s20], $0x4000  }
0x3d: {  	[sflag:s20] =	ssyncset.done $0x0  }
0x3e: {  	s31 =	sadd.s32 $0x1100, s23;
	[sflag:s20] =	ssyncadd.s32 $0xFFFFC000  }
0x3f: {  	[spmem:s4] =	stream.indirect.scatter.add.f32 [tilespmem:s18], [sflag:$0x4], $0x80, s31, s17, $0xb8;
	[tilespmem:$0x1DC00] =	vst v63  }
0x40: {  	_ =	swait.ge [sflag:s14], $0x4000  }
0x41: {  	[sflag:s14] =	ssyncset.done $0x0  }
0x42: {  	s25 =	sadd.s32 $0x200, s23;
	[sflag:s14] =	ssyncadd.s32 $0xFFFFC000  }
0x43: {  	[tilespmem:s18], [sflag:$0x1] =	stream.indirect.gather [hbm4b:s6+s17], $0x80, s25, s17, $0xb8;
	[tilespmem:$0x1DC00] =	vst v63  }
0x44: {  	_ =	swait.ge [sflag:s21], $0x4000  }
0x45: {  	[sflag:s21] =	ssyncset.done $0x0  }
0x46: {  	s26 =	sor.u32 $0x1180, s23;
	[sflag:s21] =	ssyncadd.s32 $0xFFFFC000  }
0x47: {  	[spmem:s4] =	stream.indirect.scatter.add.f32 [tilespmem:s19], [sflag:$0x4], $0x80, s26, s17, $0xb8;
	[tilespmem:$0x1DC00] =	vst v63  }
0x48: {  	_ =	swait.ge [sflag:s14], $0x4000  }
0x49: {  	[sflag:s14] =	ssyncset.done $0x0  }
0x4a: {  	s28 =	sor.u32 $0x280, s23;
	[sflag:s14] =	ssyncadd.s32 $0xFFFFC000  }
0x4b: {  	[tilespmem:s19], [sflag:$0x2] =	stream.indirect.gather [hbm4b:s6+s17], $0x80, s28, s17, $0xb8;
	[tilespmem:$0x1DC00] =	vst v63  }
0x4c: {  	_ =	swait.ge [sflag:s20], $0x4000  }
0x4d: {  	[sflag:s20] =	ssyncset.done $0x0  }
0x4e: {  	s29 =	sadd.s32 $0x1200, s23;
	[sflag:s20] =	ssyncadd.s32 $0xFFFFC000  }
0x4f: {  	[spmem:s4] =	stream.indirect.scatter.add.f32 [tilespmem:s18], [sflag:$0x4], $0x80, s29, s17, $0xb8;
	[tilespmem:$0x1DC00] =	vst v63  }
0x50: {  	_ =	swait.ge [sflag:s14], $0x4000  }
0x51: {  	[sflag:s14] =	ssyncset.done $0x0  }
0x52: {  	s30 =	sadd.s32 $0x300, s23;
	[sflag:s14] =	ssyncadd.s32 $0xFFFFC000  }
0x53: {  	[tilespmem:s18], [sflag:$0x1] =	stream.indirect.gather [hbm4b:s6+s17], $0x80, s30, s17, $0xb8;
	[tilespmem:$0x1DC00] =	vst v63  }
0x54: {  	_ =	swait.ge [sflag:s21], $0x4000  }
0x55: {  	[sflag:s21] =	ssyncset.done $0x0  }
0x56: {  	s31 =	sor.u32 $0x1280, s23;
	[sflag:s21] =	ssyncadd.s32 $0xFFFFC000  }
0x57: {  	[spmem:s4] =	stream.indirect.scatter.add.f32 [tilespmem:s19], [sflag:$0x4], $0x80, s31, s17, $0xb8;
	[tilespmem:$0x1DC00] =	vst v63  }
0x58: {  	_ =	swait.ge [sflag:s14], $0x4000  }
0x59: {  	[sflag:s14] =	ssyncset.done $0x0  }
0x5a: {  	s25 =	sor.u32 $0x380, s23;
	[sflag:s14] =	ssyncadd.s32 $0xFFFFC000  }
0x5b: {  	[tilespmem:s19], [sflag:$0x2] =	stream.indirect.gather [hbm4b:s6+s17], $0x80, s25, s17, $0xb8;
	[tilespmem:$0x1DC00] =	vst v63  }
0x5c: {  	_ =	swait.ge [sflag:s20], $0x4000  }
0x5d: {  	[sflag:s20] =	ssyncset.done $0x0  }
0x5e: {  	s26 =	sadd.s32 $0x1300, s23;
	[sflag:s20] =	ssyncadd.s32 $0xFFFFC000  }
0x5f: {  	[spmem:s4] =	stream.indirect.scatter.add.f32 [tilespmem:s18], [sflag:$0x4], $0x80, s26, s17, $0xb8;
	[tilespmem:$0x1DC00] =	vst v63  }
0x60: {  	_ =	swait.ge [sflag:s14], $0x4000  }
0x61: {  	[sflag:s14] =	ssyncset.done $0x0  }
0x62: {  	s28 =	sadd.s32 $0x400, s23;
	[sflag:s14] =	ssyncadd.s32 $0xFFFFC000  }
0x63: {  	[tilespmem:s18], [sflag:$0x1] =	stream.indirect.gather [hbm4b:s6+s17], $0x80, s28, s17, $0xb8;
	[tilespmem:$0x1DC00] =	vst v63  }
0x64: {  	_ =	swait.ge [sflag:s21], $0x4000  }
0x65: {  	[sflag:s21] =	ssyncset.done $0x0  }
0x66: {  	s29 =	sor.u32 $0x1380, s23;
	[sflag:s21] =	ssyncadd.s32 $0xFFFFC000  }
0x67: {  	[spmem:s4] =	stream.indirect.scatter.add.f32 [tilespmem:s19], [sflag:$0x4], $0x80, s29, s17, $0xb8;
	[tilespmem:$0x1DC00] =	vst v63  }
0x68: {  	_ =	swait.ge [sflag:s14], $0x4000  }
0x69: {  	[sflag:s14] =	ssyncset.done $0x0  }
0x6a: {  	s30 =	sor.u32 $0x480, s23;
	[sflag:s14] =	ssyncadd.s32 $0xFFFFC000  }
0x6b: {  	[tilespmem:s19], [sflag:$0x2] =	stream.indirect.gather [hbm4b:s6+s17], $0x80, s30, s17, $0xb8;
	[tilespmem:$0x1DC00] =	vst v63  }
0x6c: {  	_ =	swait.ge [sflag:s20], $0x4000  }
0x6d: {  	[sflag:s20] =	ssyncset.done $0x0  }
0x6e: {  	s31 =	sadd.s32 $0x1400, s23;
	[sflag:s20] =	ssyncadd.s32 $0xFFFFC000  }
0x6f: {  	[spmem:s4] =	stream.indirect.scatter.add.f32 [tilespmem:s18], [sflag:$0x4], $0x80, s31, s17, $0xb8;
	[tilespmem:$0x1DC00] =	vst v63  }
0x70: {  	_ =	swait.ge [sflag:s14], $0x4000  }
0x71: {  	[sflag:s14] =	ssyncset.done $0x0  }
0x72: {  	s25 =	sadd.s32 $0x500, s23;
	[sflag:s14] =	ssyncadd.s32 $0xFFFFC000  }
0x73: {  	[tilespmem:s18], [sflag:$0x1] =	stream.indirect.gather [hbm4b:s6+s17], $0x80, s25, s17, $0xb8;
	[tilespmem:$0x1DC00] =	vst v63  }
0x74: {  	_ =	swait.ge [sflag:s21], $0x4000  }
0x75: {  	[sflag:s21] =	ssyncset.done $0x0  }
0x76: {  	s26 =	sor.u32 $0x1480, s23;
	[sflag:s21] =	ssyncadd.s32 $0xFFFFC000  }
0x77: {  	[spmem:s4] =	stream.indirect.scatter.add.f32 [tilespmem:s19], [sflag:$0x4], $0x80, s26, s17, $0xb8;
	[tilespmem:$0x1DC00] =	vst v63  }
0x78: {  	_ =	swait.ge [sflag:s14], $0x4000  }
0x79: {  	[sflag:s14] =	ssyncset.done $0x0  }
0x7a: {  	s28 =	sor.u32 $0x580, s23;
	[sflag:s14] =	ssyncadd.s32 $0xFFFFC000  }
0x7b: {  	[tilespmem:s19], [sflag:$0x2] =	stream.indirect.gather [hbm4b:s6+s17], $0x80, s28, s17, $0xb8;
	[tilespmem:$0x1DC00] =	vst v63  }
0x7c: {  	_ =	swait.ge [sflag:s20], $0x4000  }
0x7d: {  	[sflag:s20] =	ssyncset.done $0x0  }
0x7e: {  	s29 =	sadd.s32 $0x1500, s23;
	[sflag:s20] =	ssyncadd.s32 $0xFFFFC000  }
0x7f: {  	[spmem:s4] =	stream.indirect.scatter.add.f32 [tilespmem:s18], [sflag:$0x4], $0x80, s29, s17, $0xb8;
	[tilespmem:$0x1DC00] =	vst v63  }
0x80: {  	_ =	swait.ge [sflag:s14], $0x4000  }
0x81: {  	[sflag:s14] =	ssyncset.done $0x0  }
0x82: {  	s30 =	sadd.s32 $0x600, s23;
	[sflag:s14] =	ssyncadd.s32 $0xFFFFC000  }
0x83: {  	[tilespmem:s18], [sflag:$0x1] =	stream.indirect.gather [hbm4b:s6+s17], $0x80, s30, s17, $0xb8;
	[tilespmem:$0x1DC00] =	vst v63  }
0x84: {  	_ =	swait.ge [sflag:s21], $0x4000  }
0x85: {  	[sflag:s21] =	ssyncset.done $0x0  }
0x86: {  	s31 =	sor.u32 $0x1580, s23;
	[sflag:s21] =	ssyncadd.s32 $0xFFFFC000  }
0x87: {  	[spmem:s4] =	stream.indirect.scatter.add.f32 [tilespmem:s19], [sflag:$0x4], $0x80, s31, s17, $0xb8;
	[tilespmem:$0x1DC00] =	vst v63  }
0x88: {  	_ =	swait.ge [sflag:s14], $0x4000  }
0x89: {  	[sflag:s14] =	ssyncset.done $0x0  }
0x8a: {  	s25 =	sor.u32 $0x680, s23;
	[sflag:s14] =	ssyncadd.s32 $0xFFFFC000  }
0x8b: {  	[tilespmem:s19], [sflag:$0x2] =	stream.indirect.gather [hbm4b:s6+s17], $0x80, s25, s17, $0xb8;
	[tilespmem:$0x1DC00] =	vst v63  }
0x8c: {  	_ =	swait.ge [sflag:s20], $0x4000  }
0x8d: {  	[sflag:s20] =	ssyncset.done $0x0  }
0x8e: {  	s26 =	sadd.s32 $0x1600, s23;
	[sflag:s20] =	ssyncadd.s32 $0xFFFFC000  }
0x8f: {  	[spmem:s4] =	stream.indirect.scatter.add.f32 [tilespmem:s18], [sflag:$0x4], $0x80, s26, s17, $0xb8;
	[tilespmem:$0x1DC00] =	vst v63  }
0x90: {  	_ =	swait.ge [sflag:s14], $0x4000  }
0x91: {  	[sflag:s14] =	ssyncset.done $0x0  }
0x92: {  	s28 =	sadd.s32 $0x700, s23;
	[sflag:s14] =	ssyncadd.s32 $0xFFFFC000  }
0x93: {  	[tilespmem:s18], [sflag:$0x1] =	stream.indirect.gather [hbm4b:s6+s17], $0x80, s28, s17, $0xb8;
	[tilespmem:$0x1DC00] =	vst v63  }
0x94: {  	_ =	swait.ge [sflag:s21], $0x4000  }
0x95: {  	[sflag:s21] =	ssyncset.done $0x0  }
0x96: {  	s29 =	sor.u32 $0x1680, s23;
	[sflag:s21] =	ssyncadd.s32 $0xFFFFC000  }
0x97: {  	[spmem:s4] =	stream.indirect.scatter.add.f32 [tilespmem:s19], [sflag:$0x4], $0x80, s29, s17, $0xb8;
	[tilespmem:$0x1DC00] =	vst v63  }
0x98: {  	_ =	swait.ge [sflag:s14], $0x4000  }
0x99: {  	[sflag:s14] =	ssyncset.done $0x0  }
0x9a: {  	s30 =	sor.u32 $0x780, s23;
	[sflag:s14] =	ssyncadd.s32 $0xFFFFC000  }
0x9b: {  	[tilespmem:s19], [sflag:$0x2] =	stream.indirect.gather [hbm4b:s6+s17], $0x80, s30, s17, $0xb8;
	[tilespmem:$0x1DC00] =	vst v63  }
0x9c: {  	_ =	swait.ge [sflag:s20], $0x4000  }
0x9d: {  	[sflag:s20] =	ssyncset.done $0x0  }
0x9e: {  	s31 =	sadd.s32 $0x1700, s23;
	[sflag:s20] =	ssyncadd.s32 $0xFFFFC000  }
0x9f: {  	[spmem:s4] =	stream.indirect.scatter.add.f32 [tilespmem:s18], [sflag:$0x4], $0x80, s31, s17, $0xb8;
	[tilespmem:$0x1DC00] =	vst v63  }
0xa0: {  	_ =	swait.ge [sflag:s14], $0x4000  }
0xa1: {  	[sflag:s14] =	ssyncset.done $0x0  }
0xa2: {  	[sflag:s14] =	ssyncadd.s32 $0xFFFFC000  }
0xa3: {  	_ =	swait.ge [sflag:s21], $0x4000  }
0xa4: {  	[sflag:s21] =	ssyncset.done $0x0  }
0xa5: {  	s23 =	sor.u32 $0x1780, s23;
	[sflag:s21] =	ssyncadd.s32 $0xFFFFC000  }
0xa6: {  	[spmem:s4] =	stream.indirect.scatter.add.f32 [tilespmem:s19], [sflag:$0x4], $0x80, s23, s17, $0xb8;
	[tilespmem:$0x1DC00] =	vst v63  }
0xa7: {  	_ =	swait.ge [sflag:s14], $0x4000  }
0xa8: {  	s23 =	simm.s32 $0x800;
	[sflag:s14] =	ssyncset.done $0x0  }
.LBB2_2:
0xa9: {  	[sflag:s14] =	ssyncadd.s32 $0xFFFFC000  }
0xaa: {  	_ =	swait.ge [sflag:s16], $0x800  }
0xab: {  	[sflag:s16] =	ssyncset.done $0x0  }
0xac: {  	[sflag:s16] =	ssyncadd.s32 $0xFFFFF800  }
0xad: {  	s24 =	smov.u32 s23;
	_ =	swait.ge [sflag:s16], $0x800  }
0xae: {  	p1 =	seq.s32 s24, $0x2000;
	s25 =	rddreg [dreg:$0x5]  }
0xaf: {  	s29 =	simm.s32 @!p1 $0x0;
	s25 =	sadd.s32 @!p1 s24, s25  }
0xb0: {  	[sflag:s16] =	ssyncset.done $0x0;
	s24 =	sand.u32 @!p1 $0x800, s24;
	s25 =	sshrl.u32 @!p1 s25, $0x3  }
0xb1: {  	[sflag:s16] =	ssyncadd.s32 $0xFFFFF800;
	s26 =	sxor.u32 @!p1 $0x800, s24;
	s28 =	sadd.s32 @!p1 s2, s25  }
0xb2: {  	[tilespmem:s26], [sflag:$0x3] =	stream.linear.gather @!p1 [hbm4b:s28+s29], $0x800, $0x38;
	[tilespmem:$0x1DC00] =	vst v63  }
0xb3: {  	s25 =	sadd.s32 @!p1 s3, s25;
	s26 =	sxor.u32 @!p1 $0x1800, s24  }
0xb4: {  	[tilespmem:s26], [sflag:$0x3] =	stream.linear.gather @!p1 [hbm4b:s25+s29], $0x800, $0x38;
	[tilespmem:$0x1DC00] =	vst v63  }
0xb5: {  	s24 =	simm.s32 @p1 $0x0  }
0xb6: {  	[tilespmem:s18], [sflag:$0x1] =	stream.indirect.gather [hbm4b:s6+s17], $0x80, s24, s17, $0xb8;
	[tilespmem:$0x1DC00] =	vst v63  }
0xb7: {  	s26 =	sor.u32 $0x80, s24  }
0xb8: {  	[tilespmem:s19], [sflag:$0x2] =	stream.indirect.gather [hbm4b:s6+s17], $0x80, s26, s17, $0xb8;
	[tilespmem:$0x1DC00] =	vst v63  }
0xb9: {  	_ =	swait.ge [sflag:s20], $0x4000  }
0xba: {  	[sflag:s20] =	ssyncset.done $0x0  }
0xbb: {  	s28 =	sor.u32 $0x1000, s24;
	[sflag:s20] =	ssyncadd.s32 $0xFFFFC000  }
0xbc: {  	[spmem:s4] =	stream.indirect.scatter.add.f32 [tilespmem:s18], [sflag:$0x4], $0x80, s28, s17, $0xb8;
	[tilespmem:$0x1DC00] =	vst v63  }
0xbd: {  	_ =	swait.ge [sflag:s14], $0x4000  }
0xbe: {  	[sflag:s14] =	ssyncset.done $0x0  }
0xbf: {  	s29 =	sadd.s32 $0x100, s24;
	[sflag:s14] =	ssyncadd.s32 $0xFFFFC000  }
0xc0: {  	[tilespmem:s18], [sflag:$0x1] =	stream.indirect.gather [hbm4b:s6+s17], $0x80, s29, s17, $0xb8;
	[tilespmem:$0x1DC00] =	vst v63  }
0xc1: {  	_ =	swait.ge [sflag:s21], $0x4000  }
0xc2: {  	[sflag:s21] =	ssyncset.done $0x0  }
0xc3: {  	s30 =	sor.u32 $0x1080, s24;
	[sflag:s21] =	ssyncadd.s32 $0xFFFFC000  }
0xc4: {  	[spmem:s4] =	stream.indirect.scatter.add.f32 [tilespmem:s19], [sflag:$0x4], $0x80, s30, s17, $0xb8;
	[tilespmem:$0x1DC00] =	vst v63  }
0xc5: {  	_ =	swait.ge [sflag:s14], $0x4000  }
0xc6: {  	[sflag:s14] =	ssyncset.done $0x0  }
0xc7: {  	s31 =	sor.u32 $0x180, s24;
	[sflag:s14] =	ssyncadd.s32 $0xFFFFC000  }
0xc8: {  	[tilespmem:s19], [sflag:$0x2] =	stream.indirect.gather [hbm4b:s6+s17], $0x80, s31, s17, $0xb8;
	[tilespmem:$0x1DC00] =	vst v63  }
0xc9: {  	_ =	swait.ge [sflag:s20], $0x4000  }
0xca: {  	[sflag:s20] =	ssyncset.done $0x0  }
0xcb: {  	s26 =	sadd.s32 $0x1100, s24;
	[sflag:s20] =	ssyncadd.s32 $0xFFFFC000  }
0xcc: {  	[spmem:s4] =	stream.indirect.scatter.add.f32 [tilespmem:s18], [sflag:$0x4], $0x80, s26, s17, $0xb8;
	[tilespmem:$0x1DC00] =	vst v63  }
0xcd: {  	_ =	swait.ge [sflag:s14], $0x4000  }
0xce: {  	[sflag:s14] =	ssyncset.done $0x0  }
0xcf: {  	s28 =	sadd.s32 $0x200, s24;
	[sflag:s14] =	ssyncadd.s32 $0xFFFFC000  }
0xd0: {  	[tilespmem:s18], [sflag:$0x1] =	stream.indirect.gather [hbm4b:s6+s17], $0x80, s28, s17, $0xb8;
	[tilespmem:$0x1DC00] =	vst v63  }
0xd1: {  	_ =	swait.ge [sflag:s21], $0x4000  }
0xd2: {  	[sflag:s21] =	ssyncset.done $0x0  }
0xd3: {  	s29 =	sor.u32 $0x1180, s24;
	[sflag:s21] =	ssyncadd.s32 $0xFFFFC000  }
0xd4: {  	[spmem:s4] =	stream.indirect.scatter.add.f32 [tilespmem:s19], [sflag:$0x4], $0x80, s29, s17, $0xb8;
	[tilespmem:$0x1DC00] =	vst v63  }
0xd5: {  	_ =	swait.ge [sflag:s14], $0x4000  }
0xd6: {  	[sflag:s14] =	ssyncset.done $0x0  }
0xd7: {  	s30 =	sor.u32 $0x280, s24;
	[sflag:s14] =	ssyncadd.s32 $0xFFFFC000  }
0xd8: {  	[tilespmem:s19], [sflag:$0x2] =	stream.indirect.gather [hbm4b:s6+s17], $0x80, s30, s17, $0xb8;
	[tilespmem:$0x1DC00] =	vst v63  }
0xd9: {  	_ =	swait.ge [sflag:s20], $0x4000  }
0xda: {  	[sflag:s20] =	ssyncset.done $0x0  }
0xdb: {  	s31 =	sadd.s32 $0x1200, s24;
	[sflag:s20] =	ssyncadd.s32 $0xFFFFC000  }
0xdc: {  	[spmem:s4] =	stream.indirect.scatter.add.f32 [tilespmem:s18], [sflag:$0x4], $0x80, s31, s17, $0xb8;
	[tilespmem:$0x1DC00] =	vst v63  }
0xdd: {  	_ =	swait.ge [sflag:s14], $0x4000  }
0xde: {  	[sflag:s14] =	ssyncset.done $0x0  }
0xdf: {  	s26 =	sadd.s32 $0x300, s24;
	[sflag:s14] =	ssyncadd.s32 $0xFFFFC000  }
0xe0: {  	[tilespmem:s18], [sflag:$0x1] =	stream.indirect.gather [hbm4b:s6+s17], $0x80, s26, s17, $0xb8;
	[tilespmem:$0x1DC00] =	vst v63  }
0xe1: {  	_ =	swait.ge [sflag:s21], $0x4000  }
0xe2: {  	[sflag:s21] =	ssyncset.done $0x0  }
0xe3: {  	s28 =	sor.u32 $0x1280, s24;
	[sflag:s21] =	ssyncadd.s32 $0xFFFFC000  }
0xe4: {  	[spmem:s4] =	stream.indirect.scatter.add.f32 [tilespmem:s19], [sflag:$0x4], $0x80, s28, s17, $0xb8;
	[tilespmem:$0x1DC00] =	vst v63  }
0xe5: {  	_ =	swait.ge [sflag:s14], $0x4000  }
0xe6: {  	[sflag:s14] =	ssyncset.done $0x0  }
0xe7: {  	s29 =	sor.u32 $0x380, s24;
	[sflag:s14] =	ssyncadd.s32 $0xFFFFC000  }
0xe8: {  	[tilespmem:s19], [sflag:$0x2] =	stream.indirect.gather [hbm4b:s6+s17], $0x80, s29, s17, $0xb8;
	[tilespmem:$0x1DC00] =	vst v63  }
0xe9: {  	_ =	swait.ge [sflag:s20], $0x4000  }
0xea: {  	[sflag:s20] =	ssyncset.done $0x0  }
0xeb: {  	s30 =	sadd.s32 $0x1300, s24;
	[sflag:s20] =	ssyncadd.s32 $0xFFFFC000  }
0xec: {  	[spmem:s4] =	stream.indirect.scatter.add.f32 [tilespmem:s18], [sflag:$0x4], $0x80, s30, s17, $0xb8;
	[tilespmem:$0x1DC00] =	vst v63  }
0xed: {  	_ =	swait.ge [sflag:s14], $0x4000  }
0xee: {  	[sflag:s14] =	ssyncset.done $0x0  }
0xef: {  	s31 =	sadd.s32 $0x400, s24;
	[sflag:s14] =	ssyncadd.s32 $0xFFFFC000  }
0xf0: {  	[tilespmem:s18], [sflag:$0x1] =	stream.indirect.gather [hbm4b:s6+s17], $0x80, s31, s17, $0xb8;
	[tilespmem:$0x1DC00] =	vst v63  }
0xf1: {  	_ =	swait.ge [sflag:s21], $0x4000  }
0xf2: {  	[sflag:s21] =	ssyncset.done $0x0  }
0xf3: {  	s26 =	sor.u32 $0x1380, s24;
	[sflag:s21] =	ssyncadd.s32 $0xFFFFC000  }
0xf4: {  	[spmem:s4] =	stream.indirect.scatter.add.f32 [tilespmem:s19], [sflag:$0x4], $0x80, s26, s17, $0xb8;
	[tilespmem:$0x1DC00] =	vst v63  }
0xf5: {  	_ =	swait.ge [sflag:s14], $0x4000  }
0xf6: {  	[sflag:s14] =	ssyncset.done $0x0  }
0xf7: {  	s28 =	sor.u32 $0x480, s24;
	[sflag:s14] =	ssyncadd.s32 $0xFFFFC000  }
0xf8: {  	[tilespmem:s19], [sflag:$0x2] =	stream.indirect.gather [hbm4b:s6+s17], $0x80, s28, s17, $0xb8;
	[tilespmem:$0x1DC00] =	vst v63  }
0xf9: {  	_ =	swait.ge [sflag:s20], $0x4000  }
0xfa: {  	[sflag:s20] =	ssyncset.done $0x0  }
0xfb: {  	s29 =	sadd.s32 $0x1400, s24;
	[sflag:s20] =	ssyncadd.s32 $0xFFFFC000  }
0xfc: {  	[spmem:s4] =	stream.indirect.scatter.add.f32 [tilespmem:s18], [sflag:$0x4], $0x80, s29, s17, $0xb8;
	[tilespmem:$0x1DC00] =	vst v63  }
0xfd: {  	_ =	swait.ge [sflag:s14], $0x4000  }
0xfe: {  	[sflag:s14] =	ssyncset.done $0x0  }
0xff: {  	s30 =	sadd.s32 $0x500, s24;
	[sflag:s14] =	ssyncadd.s32 $0xFFFFC000  }
0x100: {  	[tilespmem:s18], [sflag:$0x1] =	stream.indirect.gather [hbm4b:s6+s17], $0x80, s30, s17, $0xb8;
	[tilespmem:$0x1DC00] =	vst v63  }
0x101: {  	_ =	swait.ge [sflag:s21], $0x4000  }
0x102: {  	[sflag:s21] =	ssyncset.done $0x0  }
0x103: {  	s31 =	sor.u32 $0x1480, s24;
	[sflag:s21] =	ssyncadd.s32 $0xFFFFC000  }
0x104: {  	[spmem:s4] =	stream.indirect.scatter.add.f32 [tilespmem:s19], [sflag:$0x4], $0x80, s31, s17, $0xb8;
	[tilespmem:$0x1DC00] =	vst v63  }
0x105: {  	_ =	swait.ge [sflag:s14], $0x4000  }
0x106: {  	[sflag:s14] =	ssyncset.done $0x0  }
0x107: {  	s26 =	sor.u32 $0x580, s24;
	[sflag:s14] =	ssyncadd.s32 $0xFFFFC000  }
0x108: {  	[tilespmem:s19], [sflag:$0x2] =	stream.indirect.gather [hbm4b:s6+s17], $0x80, s26, s17, $0xb8;
	[tilespmem:$0x1DC00] =	vst v63  }
0x109: {  	_ =	swait.ge [sflag:s20], $0x4000  }
0x10a: {  	[sflag:s20] =	ssyncset.done $0x0  }
0x10b: {  	s28 =	sadd.s32 $0x1500, s24;
	[sflag:s20] =	ssyncadd.s32 $0xFFFFC000  }
0x10c: {  	[spmem:s4] =	stream.indirect.scatter.add.f32 [tilespmem:s18], [sflag:$0x4], $0x80, s28, s17, $0xb8;
	[tilespmem:$0x1DC00] =	vst v63  }
0x10d: {  	_ =	swait.ge [sflag:s14], $0x4000  }
0x10e: {  	[sflag:s14] =	ssyncset.done $0x0  }
0x10f: {  	s29 =	sadd.s32 $0x600, s24;
	[sflag:s14] =	ssyncadd.s32 $0xFFFFC000  }
0x110: {  	[tilespmem:s18], [sflag:$0x1] =	stream.indirect.gather [hbm4b:s6+s17], $0x80, s29, s17, $0xb8;
	[tilespmem:$0x1DC00] =	vst v63  }
0x111: {  	_ =	swait.ge [sflag:s21], $0x4000  }
0x112: {  	[sflag:s21] =	ssyncset.done $0x0  }
0x113: {  	s30 =	sor.u32 $0x1580, s24;
	[sflag:s21] =	ssyncadd.s32 $0xFFFFC000  }
0x114: {  	[spmem:s4] =	stream.indirect.scatter.add.f32 [tilespmem:s19], [sflag:$0x4], $0x80, s30, s17, $0xb8;
	[tilespmem:$0x1DC00] =	vst v63  }
0x115: {  	_ =	swait.ge [sflag:s14], $0x4000  }
0x116: {  	[sflag:s14] =	ssyncset.done $0x0  }
0x117: {  	s31 =	sor.u32 $0x680, s24;
	[sflag:s14] =	ssyncadd.s32 $0xFFFFC000  }
0x118: {  	[tilespmem:s19], [sflag:$0x2] =	stream.indirect.gather [hbm4b:s6+s17], $0x80, s31, s17, $0xb8;
	[tilespmem:$0x1DC00] =	vst v63  }
0x119: {  	_ =	swait.ge [sflag:s20], $0x4000  }
0x11a: {  	[sflag:s20] =	ssyncset.done $0x0  }
0x11b: {  	s26 =	sadd.s32 $0x1600, s24;
	[sflag:s20] =	ssyncadd.s32 $0xFFFFC000  }
0x11c: {  	[spmem:s4] =	stream.indirect.scatter.add.f32 [tilespmem:s18], [sflag:$0x4], $0x80, s26, s17, $0xb8;
	[tilespmem:$0x1DC00] =	vst v63  }
0x11d: {  	_ =	swait.ge [sflag:s14], $0x4000  }
0x11e: {  	[sflag:s14] =	ssyncset.done $0x0  }
0x11f: {  	s28 =	sadd.s32 $0x700, s24;
	[sflag:s14] =	ssyncadd.s32 $0xFFFFC000  }
0x120: {  	[tilespmem:s18], [sflag:$0x1] =	stream.indirect.gather [hbm4b:s6+s17], $0x80, s28, s17, $0xb8;
	[tilespmem:$0x1DC00] =	vst v63  }
0x121: {  	_ =	swait.ge [sflag:s21], $0x4000  }
0x122: {  	[sflag:s21] =	ssyncset.done $0x0  }
0x123: {  	s29 =	sor.u32 $0x1680, s24;
	[sflag:s21] =	ssyncadd.s32 $0xFFFFC000  }
0x124: {  	[spmem:s4] =	stream.indirect.scatter.add.f32 [tilespmem:s19], [sflag:$0x4], $0x80, s29, s17, $0xb8;
	[tilespmem:$0x1DC00] =	vst v63  }
0x125: {  	_ =	swait.ge [sflag:s14], $0x4000  }
0x126: {  	[sflag:s14] =	ssyncset.done $0x0  }
0x127: {  	s30 =	sor.u32 $0x780, s24;
	[sflag:s14] =	ssyncadd.s32 $0xFFFFC000  }
0x128: {  	[tilespmem:s19], [sflag:$0x2] =	stream.indirect.gather [hbm4b:s6+s17], $0x80, s30, s17, $0xb8;
	[tilespmem:$0x1DC00] =	vst v63  }
0x129: {  	_ =	swait.ge [sflag:s20], $0x4000  }
0x12a: {  	[sflag:s20] =	ssyncset.done $0x0  }
0x12b: {  	s31 =	sadd.s32 $0x1700, s24;
	[sflag:s20] =	ssyncadd.s32 $0xFFFFC000  }
0x12c: {  	[spmem:s4] =	stream.indirect.scatter.add.f32 [tilespmem:s18], [sflag:$0x4], $0x80, s31, s17, $0xb8;
	[tilespmem:$0x1DC00] =	vst v63  }
0x12d: {  	_ =	swait.ge [sflag:s14], $0x4000  }
0x12e: {  	[sflag:s14] =	ssyncset.done $0x0  }
0x12f: {  	s23 =	sadd.s32 $0x800, s23;
	[sflag:s14] =	ssyncadd.s32 $0xFFFFC000  }
0x130: {  	p0 =	sne.s32 s23, $0x2800;
	_ =	swait.ge [sflag:s21], $0x4000  }
.Ltmp0:
0x131: {  	[sflag:s21] =	ssyncset.done $0x0;
	(pc) =	sbr.rel @p0 .LBB2_2-.Ltmp0, $4  }
0x132: {  	s24 =	sor.u32 $0x1780, s24;
	[sflag:s21] =	ssyncadd.s32 $0xFFFFC000  }
0x133: {  	[spmem:s4] =	stream.indirect.scatter.add.f32 [tilespmem:s19], [sflag:$0x4], $0x80, s24, s17, $0xb8;
	[tilespmem:$0x1DC00] =	vst v63  }
0x134: {  	_ =	swait.ge [sflag:s14], $0x4000  }
0x135: {  	[sflag:s14] =	ssyncset.done $0x0  }
0x136: {  	s22 =	sadd.s32 $0x1, s22  }
0x137: {  	[sflag:s14] =	ssyncadd.s32 $0xFFFFC000;
	p0 =	sne.s32 s22, s12  }
.Ltmp1:
0x138: {  	[bflag:$0x0] =	sbarrier.arrive $0xFFFF;
	(pc) =	sbr.rel @p0 .LBB2_1-.Ltmp1, $4  }
0x139: {  	[hbm:s11], [sflag:s8] =	dma.local [spmem:s13], $0x2780  }
0x13a: {  	_ =	swait.ge [sflag:s14], $0x2780  }
0x13b: {  	[sflag:s14] =	ssyncset.done $0x0  }
0x13c: {  	[sflag:s14] =	ssyncadd.s32 $0xFFFFD880  }
0x13d: {  	_ =	sfence.sel $0x180000  }
0x13e: {  	[bflag:$0x0] =	sbarrier.arrive $0xFFFF  }
0x13f: {  	p0 =	sne.s32 s1, $0x0;
	_ =	strace $0x90000050  }
0x140: {  	s0 =	sadd.s32 @!p0 $0x100000, s0;
	[bflag:$0x2] =	sbarrier.arrive $0xFFFF  }
0x141: {  	[sflag:s0] =	ssyncadd.tile.s32 @!p0 $0x1;
	_ =	shalt  }
.Lfunc_end2:
_tile_overlayer_lowered:
.L_overlay_start_2:
0x142: {  	(tag) =	ssettag $0x2  }
0x143: {  	s0 =	rddreg [dreg:$0x0];
	s2 =	stileid.u32  }
0x144: {  	s1 =	rddreg [dreg:$0x1];
	p0 =	sne.s32 s2, $0x0  }
0x145: {  	s3 =	rddreg [dreg:$0x2];
	[bflag:$0x3] =	sbarrier.arrive $0xFFFF;
	s2 =	simm.s32 @!p0 $0x1C04  }
0x146: {  	[timem:s3], [sflag:s2] =	dma.local @!p0 [hbm:s0], s1  }
0x147: {  	s0 =	simm.s32 @!p0 $0x4  }
0x148: {  	_ =	swait.ge @!p0 [sflag:s0], s1  }
0x149: {  	s1 =	ssub.s32 @!p0 $0x0, s1;
	[sflag:s0] =	ssyncset.done @!p0 $0x0  }
0x14a: {  	[sflag:s0] =	ssyncadd.s32 @!p0 s1  }
0x14b: {  	[bflag:$0x3] =	sbarrier.arrive $0xFFFF  }
0x14c: {  	_ =	shalt  }

// kernel: kernel.24.cloned.1.call-start
scs
__scs_entry_jumppad:
0x0: {  	(pc) =	sbr.rel $0x88, $3  }
0x1: {  	(tag) =	ssettag $0x0;
	lr =	simm.s32 $0x1  }
0x2: {  	[smem:$0x3F9E] =	sst lr;
	_ =	strace $0xD0000000  }
0x3: {  	_ = 	snop  }
0x4: {  	_ = 	snop  }
0x5: {  	_ = 	snop  }
0x6: {  	_ = 	snop  }
0x7: {  	_ = 	snop  }
__scs_overlays_trampoline_lowered:
0x8: {  	[smem:$0x3FAD] =	sst s0  }
0x9: {  	[smem:$0x3FAE] =	sst s1  }
0xa: {  	[smem:$0x3FAF] =	sst s2  }
0xb: {  	[smem:$0x3FB0] =	sst s3  }
0xc: {  	[smem:$0x3FB1] =	sst s4  }
0xd: {  	[smem:$0x3FB2] =	sst s5  }
0xe: {  	[smem:$0x3FB3] =	sst s6  }
0xf: {  	[smem:$0x3FB4] =	sst s7  }
0x10: {  	[smem:$0x3FB5] =	sst s8  }
0x11: {  	[smem:$0x3FB6] =	sst s9;
	s0 =	simm.s32 @!p0 $0x0  }
0x12: {  	s1 =	sld [smem:$0x3F9C];
	s0 =	simm.s32 @p0 $0x1  }
0x13: {  	[smem:$0x3FB7] =	sst s0;
	s0 =	simm.s32 @!p1 $0x0  }
0x14: {  	s2 =	sld [smem:$0x3F9B];
	s0 =	simm.s32 @p1 $0x1  }
0x15: {  	[smem:$0x3FB8] =	sst s0;
	s0 =	simm.s32 @!p2 $0x0  }
0x16: {  	s3 =	sld [smem:$0x3FDB];
	s0 =	simm.s32 @p2 $0x1  }
0x17: {  	s4 =	simm.s32 $0x1BF5;
	[smem:$0x3FBA] =	sst s0  }
0x18: {  	s0 =	sld [smem:$0x3F9D];
	_ =	swait.ge [sflag:s4], $0x0  }
0x19: {  	s7 =	sld [smem:$0x3F9E]  }
0x1a: {  	s8 =	sadd.s32 $0xFFFFE003, lr  }
0x1b: {  	s9 =	sadd.s32 $0xFFFFFEF7, lr;
	s5 =	simm.s32 $0xFFFFFFFF;
	p2 =	slt.u32 s8, $0xFFFFF086  }
0x1c: {  	p1 =	slt.u32 s9, $0xF7A;
	s5 =	simm.s32 @!p2 $0x0  }
0x1d: {  	s5 =	simm.s32 @p1 $0x1;
	p0 =	seq.s32 s7, s2  }
0x1e: {  	s7 =	smul.u32 @!p0 $0xF7A, s2;
	p2 =	seq.s32 @!p0 s5, $0x0  }
0x1f: {  	s9 =	smul.u32 $0xF7A, s1;
	s8 =	simm.s32 @!p0 $0x1BF5;
	p2 =	por !p2, p0  }
0x20: {  	[sflag:s8] =	ssyncset.s32 @!p0 $0xFFFFF086;
	s6 =	sadd.s32 @!p0 s3, s7;
	s7 =	simm.s32 @!p0 $0x108  }
0x21: {  	s3 =	sadd.s32 s3, s9;
	s6 =	sadd.s32 @!p0 $0x88, s6;
	s7 =	simm.s32 @p2 $0x1082  }
0x22: {  	[simem:s7], [sflag:s8] =	dma.local @!p0 [hbm:s6], $0xF7A  }
0x23: {  	s9 =	sor.u32 $0xD0000000, s2;
	s6 =	simm.s32 $0x108;
	_ =	swait.ge @!p0 [sflag:s8], $0x0  }
0x24: {  	s3 =	sadd.s32 $0x88, s3;
	s6 =	simm.s32 @!p1 $0x1082;
	[sflag:s4] =	ssyncset.s32 $0xFFFFF086  }
0x25: {  	[simem:s6], [sflag:s4] =	dma.local [hbm:s3], $0xF7A  }
0x26: {  	[smem:$0x3F9E] =	sst s1;
	(tag) =	ssettag s2;
	_ =	strace s9  }
0x27: {  	s1 =	sld [smem:$0x3FAE]  }
0x28: {  	s2 =	sld [smem:$0x3FAF]  }
0x29: {  	s4 =	sld [smem:$0x3FB1]  }
0x2a: {  	p0 =	seq.s32 s5, $0x0;
	s5 =	sld [smem:$0x3FB2]  }
0x2b: {  	s6 =	sld [smem:$0x3FB3]  }
0x2c: {  	s7 =	sld [smem:$0x3FB4]  }
0x2d: {  	s3 =	simm.s32 $0x108;
	s8 =	sld [smem:$0x3FB5]  }
0x2e: {  	s3 =	simm.s32 @!p0 $0x1082;
	s9 =	sld [smem:$0x3FB6]  }
0x2f: {  	lr =	sadd.s32 s0, s3;
	s0 =	sld [smem:$0x3FAD]  }
0x30: {  	s3 =	sld [smem:$0x3FB0]  }
0x31: {  	[smem:$0x3FB9] =	sst s10  }
0x32: {  	s10 =	sld [smem:$0x3FB7];
	_ =	sdelay $0x3  }
0x33: {  	p0 =	seq.s32 s10, $0x1;
	s10 =	sld [smem:$0x3FB9];
	_ =	sdelay $0x3  }
0x34: {  	[smem:$0x3FB9] =	sst s10  }
0x35: {  	s10 =	sld [smem:$0x3FB8];
	_ =	sdelay $0x3  }
0x36: {  	p1 =	seq.s32 s10, $0x1;
	s10 =	sld [smem:$0x3FB9];
	_ =	sdelay $0x3  }
0x37: {  	[smem:$0x3FB9] =	sst s10  }
0x38: {  	s10 =	sld [smem:$0x3FBA]  }
0x39: {  	_ = 	snop;
	(pc) =	sbr.ind lr, $3  }
0x3a: {  	_ = 	snop  }
0x3b: {  	_ = 	snop  }
0x3c: {  	p2 =	seq.s32 s10, $0x1;
	s10 =	sld [smem:$0x3FB9]  }
0x3d: {  	_ =	shalt  }
0x3e: {  	_ =	shalt  }
0x3f: {  	_ =	shalt  }
0x40: {  	_ =	shalt  }
0x41: {  	_ =	shalt  }
0x42: {  	_ =	shalt  }
0x43: {  	_ =	shalt  }
0x44: {  	_ =	shalt  }
0x45: {  	_ =	shalt  }
0x46: {  	_ =	shalt  }
0x47: {  	_ =	shalt  }
0x48: {  	_ =	shalt  }
0x49: {  	_ =	shalt  }
0x4a: {  	_ =	shalt  }
0x4b: {  	_ =	shalt  }
0x4c: {  	_ =	shalt  }
0x4d: {  	_ =	shalt  }
0x4e: {  	_ =	shalt  }
0x4f: {  	_ =	shalt  }
0x50: {  	_ =	shalt  }
0x51: {  	_ =	shalt  }
0x52: {  	_ =	shalt  }
0x53: {  	_ =	shalt  }
0x54: {  	_ =	shalt  }
0x55: {  	_ =	shalt  }
0x56: {  	_ =	shalt  }
0x57: {  	_ =	shalt  }
0x58: {  	_ =	shalt  }
0x59: {  	_ =	shalt  }
0x5a: {  	_ =	shalt  }
0x5b: {  	_ =	shalt  }
0x5c: {  	_ =	shalt  }
0x5d: {  	_ =	shalt  }
0x5e: {  	_ =	shalt  }
0x5f: {  	_ =	shalt  }
0x60: {  	_ =	shalt  }
0x61: {  	_ =	shalt  }
0x62: {  	_ =	shalt  }
0x63: {  	_ =	shalt  }
0x64: {  	_ =	shalt  }
0x65: {  	_ =	shalt  }
0x66: {  	_ =	shalt  }
0x67: {  	_ =	shalt  }
0x68: {  	_ =	shalt  }
0x69: {  	_ =	shalt  }
0x6a: {  	_ =	shalt  }
0x6b: {  	_ =	shalt  }
0x6c: {  	_ =	shalt  }
0x6d: {  	_ =	shalt  }
0x6e: {  	_ =	shalt  }
0x6f: {  	_ =	shalt  }
0x70: {  	_ =	shalt  }
0x71: {  	_ =	shalt  }
0x72: {  	_ =	shalt  }
0x73: {  	_ =	shalt  }
0x74: {  	_ =	shalt  }
0x75: {  	_ =	shalt  }
0x76: {  	_ =	shalt  }
0x77: {  	_ =	shalt  }
0x78: {  	_ =	shalt  }
0x79: {  	_ =	shalt  }
0x7a: {  	_ =	shalt  }
0x7b: {  	_ =	shalt  }
0x7c: {  	_ =	shalt  }
0x7d: {  	_ =	shalt  }
0x7e: {  	_ =	shalt  }
0x7f: {  	_ =	shalt  }
0x80: {  	_ =	shalt  }
0x81: {  	_ =	shalt  }
0x82: {  	_ =	shalt  }
0x83: {  	_ =	shalt  }
0x84: {  	_ =	shalt  }
0x85: {  	_ =	shalt  }
0x86: {  	_ =	shalt  }
0x87: {  	_ =	shalt  }
.Lfunc_end0:
.L_simem_size_0:
called_computation.4_lowered:
.L_overlay_start_0:
0x88: {  	s2 =	sld [smem:$0x3FD9]  }
0x89: {  	s3 =	sld [smem:$0x3FFE];
	_ =	sdelay $0x1  }
0x8a: {  	s1 =	srdreg.scid  }
0x8b: {  	s0 =	sand.u32 $0x1, s1  }
0x8c: {  	s14 =	sshll.u32 s0, $0xA;
	s2 =	sadd.s32 s3, s2  }
0x8d: {  	s2 =	sadd.s32 s2, s14  }
0x8e: {  	[smem:$0x3FC5] =	sst s2  }
0x8f: {  	_ = 	snop  }
0x90: {  	s2 =	sld [smem:$0x3FD0];
	_ =	sdelay $0x2  }
0x91: {  	s15 =	simm.s32 $0xA;
	s4 =	simm.s32 $0x10  }
0x92: {  	[smem:s4], [sflag:s15] =	dma.local [hbm:s2], $0x1  }
0x93: {  	_ =	swait.eq [sflag:s15], $0x1  }
0x94: {  	[sflag:s15] =	ssyncset.done $0x0  }
0x95: {  	s16 =	sld [smem:$0x10];
	[sflag:s15] =	ssyncadd.s32 $0xFFFFFFFF  }
0x96: {  	s17 =	sld [smem:$0x11];
	(tm) =	ssettm $0x1  }
0x97: {  	s18 =	sld [smem:$0x3FFB];
	_ =	sdelay $0x3  }
0x98: {  	_ =	strace s18  }
0x99: {  	s4 =	sld [smem:$0x3FFC];
	_ =	sdelay $0x3  }
0x9a: {  	_ =	strace s4  }
0x9b: {  	s4 =	sld [smem:$0x3FFD];
	_ =	sdelay $0x3  }
0x9c: {  	_ =	strace s4  }
0x9d: {  	_ =	strace $0x8FFFFFFF  }
0x9e: {  	s19 =	sld [smem:$0x3FDB];
	_ =	sdelay $0x1  }
0x9f: {  	s5 =	simm.s32 $_scs_section_size  }
0xa0: {  	s6 =	simm.s32 $_size__tile_overlayer_lowered;
	s7 =	simm.s32 $_tile_overlayer_lowered  }
0xa1: {  	s22 =	simm.s32 $0x1BFF;
	s21 =	sshll.u32 s7, $0x1;
	s4 =	sadd.s32 s5, s19  }
0xa2: {  	s8 =	simm.s32 $0x0;
	s20 =	sshll.u32 s6, $0x1;
	s6 =	sadd.s32 s21, s4  }
0xa3: {  	[timem:s8], [sflag:s22] =	dma.local [hbm:s6], s20  }
0xa4: {  	_ =	swait.ge [sflag:s22], s20  }
0xa5: {  	s5 =	ssub.s32 $0x0, s20;
	[sflag:s22] =	ssyncset.done $0x0  }
0xa6: {  	[sflag:s22] =	ssyncadd.s32 s5;
	_ =	sdelay $0x1  }
0xa7: {  	s23 =	simm.s32 $0x1B8B  }
0xa8: {  	_ =	swait.ge [sflag:s23], $0x1  }
0xa9: {  	[sflag:s23] =	ssyncset.done $0x0  }
0xaa: {  	s25 =	simm.s32 $0x1B8E;
	s24 =	sld [smem:$0x3FFE];
	[sflag:s23] =	ssyncadd.s32 $0xFFFFFFFF  }
0xab: {  	s26 =	simm.s32 $execute0_lowered;
	[smem:$0x3FD2] =	sst s25  }
0xac: {  	s6 =	sshll.u32 s26, $0x1;
	_ =	strace $0x80000052;
	[dreg:$0x1] =	wrdreg $0xFFFFFFFF  }
0xad: {  	s28 =	simm.s32 $_size_execute0_lowered;
	s4 =	sadd.s32 s4, s6;
	[dreg:$0x0] =	wrdreg $0x0  }
0xae: {  	s6 =	sshll.u32 s28, $0x1;
	[dreg:$0x2] =	wrdreg s4  }
0xaf: {  	[dreg:$0x3] =	wrdreg s6  }
0xb0: {  	[dreg:$0x4] =	wrdreg $0xC0  }
0xb1: {  	_ =	task [dreg:s8], $0x5FFFF  }
0xb2: {  	[dreg:$0x1] =	wrdreg $0xFFFFFFFF  }
0xb3: {  	[dreg:$0x0] =	wrdreg $0x60  }
0xb4: {  	[dreg:$0x2] =	wrdreg s24  }
0xb5: {  	[dreg:$0x3] =	wrdreg s16  }
0xb6: {  	[dreg:$0x4] =	wrdreg s17  }
0xb7: {  	[dreg:$0x5] =	wrdreg $0xA0000  }
0xb8: {  	[dreg:$0x6] =	wrdreg $0x9  }
0xb9: {  	_ =	task.clear_ibuf [dreg:s8], $0x7FFFF;
	_ =	strace $0x90000052  }
0xba: {  	s29 =	simm.s32 $0x9;
	_ =	strace $0x80000054  }
0xbb: {  	_ =	swait.ge [sflag:s29], $0x1  }
0xbc: {  	[sflag:s29] =	ssyncadd.s32 $0xFFFFFFFF  }
0xbd: {  	_ =	strace $0x90000054  }
0xbe: {  	_ =	sfence  }
0xbf: {  	s30 =	sld [smem:$0x0];
	_ =	sdelay $0x2  }
0xc0: {  	s31 =	sshll.u32 s1, $0xD;
	s1 =	sshrl.u32 s1, $0x2  }
0xc1: {  	s3 =	sand.u32 $0x4000, s31;
	s1 =	sadd.s32 s1, s30  }
0xc2: {  	s0 =	sor.u32 s3, s0;
	s1 =	sshll.u32 s1, $0x11  }
0xc3: {  	s0 =	sor.u32 s1, s0  }
0xc4: {  	s0 =	sadd.s32 $0x8F2B, s0  }
0xc5: {  	[sflag:s0] =	ssyncadd.remote.s32 $0x1  }
0xc6: {  	_ =	sfence.sel $0xFFFF  }
0xc7: {  	[dreg:$0x0] =	wrdreg $0xFFFFFFFF;
	(pc) =	sbr.abs _section_cstart, $3  }
0xc8: {  	[dreg:$0x1] =	wrdreg $0xFFFFFFFF  }
0xc9: {  	_ =	task.clear_ibuf [dreg:s8], $0x2FFFF;
	_ =	strace $0x9FFFFFFF  }
0xca: {  	(tm) =	ssettm $0x7FFFFFFF  }
0xcb: {  	_ =	shalt  }
tec
execute0_lowered:
.L_overlay_start_1:
0x0: {  	(tag) =	ssettag $0x1  }
0x1: {  	s7 =	rddreg [dreg:$0x0]  }
0x2: {  	s2 =	rddreg [dreg:$0x1]  }
0x3: {  	s3 =	rddreg [dreg:$0x2]  }
0x4: {  	s4 =	rddreg [dreg:$0x3]  }
0x5: {  	s0 =	rddreg [dreg:$0x4]  }
0x6: {  	s1 =	stileid.u32;
	s5 =	simm.s32 $0x0;
	s6 =	srdreg.scid  }
0x7: {  	s17 =	simm.s32 $0x80;
	s18 =	simm.s32 $0x2000;
	s19 =	simm.s32 $0x6000  }
0x8: {  	s20 =	simm.s32 $0x1;
	s21 =	simm.s32 $0x2;
	s8 =	smul.u32 $0x13C00, s1  }
0x9: {  	s22 =	simm.s32 $0x0;
	[smem:$0x7FF] =	sst s5;
	s25 =	smul.u32 $0x4F000, s1  }
0xa: {  	s9 =	sand.u32 $0x1, s6;
	s6 =	sadd.s32 $0x2E00, s7;
	s29 =	smul.u32 $0x2800, s1  }
0xb: {  	s30 =	sshll.u32 s1, $0x6;
	_ =	strace $0x80000053;
	s11 =	smul.u32 $0x13C000, s9  }
0xc: {  	s12 =	sshll.u32 s9, $0x4;
	s13 =	ssub.s32 $0x2, s9;
	s15 =	smul.u32 $0x28000, s9  }
0xd: {  	s10 =	sshrl.u32 s8, $0x3;
	s24 =	sor.u32 s1, s12;
	s26 =	sshrl.u32 s13, $0x1  }
0xe: {  	s28 =	sshrl.u32 s25, $0x2;
	s10 =	sadd.s32 s10, s7;
	s8 =	sadd.s32 s8, s11  }
0xf: {  	s11 =	smul.u32 $0x500, s24;
	s13 =	ssub.s32 s13, s26;
	s16 =	sadd.s32 s28, s4  }
0x10: {  	s12 =	sadd.s32 s29, s15;
	s15 =	simm.s32 $0x1000;
	s8 =	sshrl.u32 s8, $0x3  }
0x11: {  	s31 =	sadd.s32 $0x800, s12;
	s12 =	smax.u32 s13, $0x1;
	s13 =	sshrl.u32 s16, $0x3  }
0x12: {  	s16 =	simm.s32 $0x3;
	s14 =	sadd.s32 s8, s7;
	s7 =	sadd.s32 $0x53000, s10  }
0x13: {  	s8 =	sor.u32 $0x1C04, s30;
	s9 =	sadd.s32 s2, s11;
	s10 =	sadd.s32 s3, s11  }
0x14: {  	[dreg:$0x5] =	wrdreg s31;
	s11 =	sadd.s32 $0x7A800, s14;
	s14 =	simm.s32 $0x4  }
.LBB2_1:
0x15: {  	[spmem:s13], [sflag:s8] =	dma.local [hbm:s7], $0x2780  }
0x16: {  	_ =	swait.ge [sflag:s14], $0x2780  }
0x17: {  	[sflag:s14] =	ssyncset.done $0x0  }
0x18: {  	[sflag:s14] =	ssyncadd.s32 $0xFFFFD880  }
0x19: {  	[tilespmem:s5], [sflag:$0x3] =	stream.linear.gather [hbm4b:s9+s5], $0x800, $0x38;
	[tilespmem:$0x1DC00] =	vst v63  }
0x1a: {  	_ = 	snop  }
0x1b: {  	[tilespmem:s15], [sflag:$0x3] =	stream.linear.gather [hbm4b:s10+s5], $0x800, $0x38;
	[tilespmem:$0x1DC00] =	vst v63  }
0x1c: {  	[bflag:$0x0] =	sbarrier.arrive $0xFFFF  }
0x1d: {  	_ =	swait.ge [sflag:s16], $0x800  }
0x1e: {  	[sflag:s16] =	ssyncset.done $0x0  }
0x1f: {  	[sflag:s16] =	ssyncadd.s32 $0xFFFFF800  }
0x20: {  	_ =	swait.ge [sflag:s16], $0x800  }
0x21: {  	p0 =	por $0x0, $0x0;
	s23 =	rddreg [dreg:$0x5]  }
0x22: {  	s28 =	simm.s32 @!p0 $0x0;
	s24 =	sadd.s32 @!p0 $0x0, s23  }
0x23: {  	[sflag:s16] =	ssyncset.done $0x0;
	s23 =	sand.u32 @!p0 $0x800, s5;
	s24 =	sshrl.u32 @!p0 s24, $0x3  }
0x24: {  	[sflag:s16] =	ssyncadd.s32 $0xFFFFF800;
	s25 =	sxor.u32 @!p0 $0x800, s23;
	s26 =	sadd.s32 @!p0 s2, s24  }
0x25: {  	[tilespmem:s25], [sflag:$0x3] =	stream.linear.gather @!p0 [hbm4b:s26+s28], $0x800, $0x38;
	[tilespmem:$0x1DC00] =	vst v63  }
0x26: {  	s24 =	sadd.s32 @!p0 s3, s24;
	s25 =	sxor.u32 @!p0 $0x1800, s23  }
0x27: {  	[tilespmem:s25], [sflag:$0x3] =	stream.linear.gather @!p0 [hbm4b:s24+s28], $0x800, $0x38;
	[tilespmem:$0x1DC00] =	vst v63  }
0x28: {  	s23 =	simm.s32 @p0 $0x0  }
0x29: {  	[tilespmem:s18], [sflag:$0x1] =	stream.indirect.gather [hbm4b:s6+s17], $0x80, s23, s17, $0xb8;
	[tilespmem:$0x1DC00] =	vst v63  }
0x2a: {  	s25 =	sor.u32 $0x80, s23  }
0x2b: {  	[tilespmem:s19], [sflag:$0x2] =	stream.indirect.gather [hbm4b:s6+s17], $0x80, s25, s17, $0xb8;
	[tilespmem:$0x1DC00] =	vst v63  }
0x2c: {  	_ =	swait.ge [sflag:s20], $0x4000  }
0x2d: {  	[sflag:s20] =	ssyncset.done $0x0  }
0x2e: {  	s26 =	sor.u32 $0x1000, s23;
	[sflag:s20] =	ssyncadd.s32 $0xFFFFC000  }
0x2f: {  	[spmem:s4] =	stream.indirect.scatter.add.f32 [tilespmem:s18], [sflag:$0x4], $0x80, s26, s17, $0xb8;
	[tilespmem:$0x1DC00] =	vst v63  }
0x30: {  	_ =	swait.ge [sflag:s14], $0x4000  }
0x31: {  	[sflag:s14] =	ssyncset.done $0x0  }
0x32: {  	s28 =	sadd.s32 $0x100, s23;
	[sflag:s14] =	ssyncadd.s32 $0xFFFFC000  }
0x33: {  	[tilespmem:s18], [sflag:$0x1] =	stream.indirect.gather [hbm4b:s6+s17], $0x80, s28, s17, $0xb8;
	[tilespmem:$0x1DC00] =	vst v63  }
0x34: {  	_ =	swait.ge [sflag:s21], $0x4000  }
0x35: {  	[sflag:s21] =	ssyncset.done $0x0  }
0x36: {  	s29 =	sor.u32 $0x1080, s23;
	[sflag:s21] =	ssyncadd.s32 $0xFFFFC000  }
0x37: {  	[spmem:s4] =	stream.indirect.scatter.add.f32 [tilespmem:s19], [sflag:$0x4], $0x80, s29, s17, $0xb8;
	[tilespmem:$0x1DC00] =	vst v63  }
0x38: {  	_ =	swait.ge [sflag:s14], $0x4000  }
0x39: {  	[sflag:s14] =	ssyncset.done $0x0  }
0x3a: {  	s30 =	sor.u32 $0x180, s23;
	[sflag:s14] =	ssyncadd.s32 $0xFFFFC000  }
0x3b: {  	[tilespmem:s19], [sflag:$0x2] =	stream.indirect.gather [hbm4b:s6+s17], $0x80, s30, s17, $0xb8;
	[tilespmem:$0x1DC00] =	vst v63  }
0x3c: {  	_ =	swait.ge [sflag:s20], $0x4000  }
0x3d: {  	[sflag:s20] =	ssyncset.done $0x0  }
0x3e: {  	s31 =	sadd.s32 $0x1100, s23;
	[sflag:s20] =	ssyncadd.s32 $0xFFFFC000  }
0x3f: {  	[spmem:s4] =	stream.indirect.scatter.add.f32 [tilespmem:s18], [sflag:$0x4], $0x80, s31, s17, $0xb8;
	[tilespmem:$0x1DC00] =	vst v63  }
0x40: {  	_ =	swait.ge [sflag:s14], $0x4000  }
0x41: {  	[sflag:s14] =	ssyncset.done $0x0  }
0x42: {  	s25 =	sadd.s32 $0x200, s23;
	[sflag:s14] =	ssyncadd.s32 $0xFFFFC000  }
0x43: {  	[tilespmem:s18], [sflag:$0x1] =	stream.indirect.gather [hbm4b:s6+s17], $0x80, s25, s17, $0xb8;
	[tilespmem:$0x1DC00] =	vst v63  }
0x44: {  	_ =	swait.ge [sflag:s21], $0x4000  }
0x45: {  	[sflag:s21] =	ssyncset.done $0x0  }
0x46: {  	s26 =	sor.u32 $0x1180, s23;
	[sflag:s21] =	ssyncadd.s32 $0xFFFFC000  }
0x47: {  	[spmem:s4] =	stream.indirect.scatter.add.f32 [tilespmem:s19], [sflag:$0x4], $0x80, s26, s17, $0xb8;
	[tilespmem:$0x1DC00] =	vst v63  }
0x48: {  	_ =	swait.ge [sflag:s14], $0x4000  }
0x49: {  	[sflag:s14] =	ssyncset.done $0x0  }
0x4a: {  	s28 =	sor.u32 $0x280, s23;
	[sflag:s14] =	ssyncadd.s32 $0xFFFFC000  }
0x4b: {  	[tilespmem:s19], [sflag:$0x2] =	stream.indirect.gather [hbm4b:s6+s17], $0x80, s28, s17, $0xb8;
	[tilespmem:$0x1DC00] =	vst v63  }
0x4c: {  	_ =	swait.ge [sflag:s20], $0x4000  }
0x4d: {  	[sflag:s20] =	ssyncset.done $0x0  }
0x4e: {  	s29 =	sadd.s32 $0x1200, s23;
	[sflag:s20] =	ssyncadd.s32 $0xFFFFC000  }
0x4f: {  	[spmem:s4] =	stream.indirect.scatter.add.f32 [tilespmem:s18], [sflag:$0x4], $0x80, s29, s17, $0xb8;
	[tilespmem:$0x1DC00] =	vst v63  }
0x50: {  	_ =	swait.ge [sflag:s14], $0x4000  }
0x51: {  	[sflag:s14] =	ssyncset.done $0x0  }
0x52: {  	s30 =	sadd.s32 $0x300, s23;
	[sflag:s14] =	ssyncadd.s32 $0xFFFFC000  }
0x53: {  	[tilespmem:s18], [sflag:$0x1] =	stream.indirect.gather [hbm4b:s6+s17], $0x80, s30, s17, $0xb8;
	[tilespmem:$0x1DC00] =	vst v63  }
0x54: {  	_ =	swait.ge [sflag:s21], $0x4000  }
0x55: {  	[sflag:s21] =	ssyncset.done $0x0  }
0x56: {  	s31 =	sor.u32 $0x1280, s23;
	[sflag:s21] =	ssyncadd.s32 $0xFFFFC000  }
0x57: {  	[spmem:s4] =	stream.indirect.scatter.add.f32 [tilespmem:s19], [sflag:$0x4], $0x80, s31, s17, $0xb8;
	[tilespmem:$0x1DC00] =	vst v63  }
0x58: {  	_ =	swait.ge [sflag:s14], $0x4000  }
0x59: {  	[sflag:s14] =	ssyncset.done $0x0  }
0x5a: {  	s25 =	sor.u32 $0x380, s23;
	[sflag:s14] =	ssyncadd.s32 $0xFFFFC000  }
0x5b: {  	[tilespmem:s19], [sflag:$0x2] =	stream.indirect.gather [hbm4b:s6+s17], $0x80, s25, s17, $0xb8;
	[tilespmem:$0x1DC00] =	vst v63  }
0x5c: {  	_ =	swait.ge [sflag:s20], $0x4000  }
0x5d: {  	[sflag:s20] =	ssyncset.done $0x0  }
0x5e: {  	s26 =	sadd.s32 $0x1300, s23;
	[sflag:s20] =	ssyncadd.s32 $0xFFFFC000  }
0x5f: {  	[spmem:s4] =	stream.indirect.scatter.add.f32 [tilespmem:s18], [sflag:$0x4], $0x80, s26, s17, $0xb8;
	[tilespmem:$0x1DC00] =	vst v63  }
0x60: {  	_ =	swait.ge [sflag:s14], $0x4000  }
0x61: {  	[sflag:s14] =	ssyncset.done $0x0  }
0x62: {  	s28 =	sadd.s32 $0x400, s23;
	[sflag:s14] =	ssyncadd.s32 $0xFFFFC000  }
0x63: {  	[tilespmem:s18], [sflag:$0x1] =	stream.indirect.gather [hbm4b:s6+s17], $0x80, s28, s17, $0xb8;
	[tilespmem:$0x1DC00] =	vst v63  }
0x64: {  	_ =	swait.ge [sflag:s21], $0x4000  }
0x65: {  	[sflag:s21] =	ssyncset.done $0x0  }
0x66: {  	s29 =	sor.u32 $0x1380, s23;
	[sflag:s21] =	ssyncadd.s32 $0xFFFFC000  }
0x67: {  	[spmem:s4] =	stream.indirect.scatter.add.f32 [tilespmem:s19], [sflag:$0x4], $0x80, s29, s17, $0xb8;
	[tilespmem:$0x1DC00] =	vst v63  }
0x68: {  	_ =	swait.ge [sflag:s14], $0x4000  }
0x69: {  	[sflag:s14] =	ssyncset.done $0x0  }
0x6a: {  	s30 =	sor.u32 $0x480, s23;
	[sflag:s14] =	ssyncadd.s32 $0xFFFFC000  }
0x6b: {  	[tilespmem:s19], [sflag:$0x2] =	stream.indirect.gather [hbm4b:s6+s17], $0x80, s30, s17, $0xb8;
	[tilespmem:$0x1DC00] =	vst v63  }
0x6c: {  	_ =	swait.ge [sflag:s20], $0x4000  }
0x6d: {  	[sflag:s20] =	ssyncset.done $0x0  }
0x6e: {  	s31 =	sadd.s32 $0x1400, s23;
	[sflag:s20] =	ssyncadd.s32 $0xFFFFC000  }
0x6f: {  	[spmem:s4] =	stream.indirect.scatter.add.f32 [tilespmem:s18], [sflag:$0x4], $0x80, s31, s17, $0xb8;
	[tilespmem:$0x1DC00] =	vst v63  }
0x70: {  	_ =	swait.ge [sflag:s14], $0x4000  }
0x71: {  	[sflag:s14] =	ssyncset.done $0x0  }
0x72: {  	s25 =	sadd.s32 $0x500, s23;
	[sflag:s14] =	ssyncadd.s32 $0xFFFFC000  }
0x73: {  	[tilespmem:s18], [sflag:$0x1] =	stream.indirect.gather [hbm4b:s6+s17], $0x80, s25, s17, $0xb8;
	[tilespmem:$0x1DC00] =	vst v63  }
0x74: {  	_ =	swait.ge [sflag:s21], $0x4000  }
0x75: {  	[sflag:s21] =	ssyncset.done $0x0  }
0x76: {  	s26 =	sor.u32 $0x1480, s23;
	[sflag:s21] =	ssyncadd.s32 $0xFFFFC000  }
0x77: {  	[spmem:s4] =	stream.indirect.scatter.add.f32 [tilespmem:s19], [sflag:$0x4], $0x80, s26, s17, $0xb8;
	[tilespmem:$0x1DC00] =	vst v63  }
0x78: {  	_ =	swait.ge [sflag:s14], $0x4000  }
0x79: {  	[sflag:s14] =	ssyncset.done $0x0  }
0x7a: {  	s28 =	sor.u32 $0x580, s23;
	[sflag:s14] =	ssyncadd.s32 $0xFFFFC000  }
0x7b: {  	[tilespmem:s19], [sflag:$0x2] =	stream.indirect.gather [hbm4b:s6+s17], $0x80, s28, s17, $0xb8;
	[tilespmem:$0x1DC00] =	vst v63  }
0x7c: {  	_ =	swait.ge [sflag:s20], $0x4000  }
0x7d: {  	[sflag:s20] =	ssyncset.done $0x0  }
0x7e: {  	s29 =	sadd.s32 $0x1500, s23;
	[sflag:s20] =	ssyncadd.s32 $0xFFFFC000  }
0x7f: {  	[spmem:s4] =	stream.indirect.scatter.add.f32 [tilespmem:s18], [sflag:$0x4], $0x80, s29, s17, $0xb8;
	[tilespmem:$0x1DC00] =	vst v63  }
0x80: {  	_ =	swait.ge [sflag:s14], $0x4000  }
0x81: {  	[sflag:s14] =	ssyncset.done $0x0  }
0x82: {  	s30 =	sadd.s32 $0x600, s23;
	[sflag:s14] =	ssyncadd.s32 $0xFFFFC000  }
0x83: {  	[tilespmem:s18], [sflag:$0x1] =	stream.indirect.gather [hbm4b:s6+s17], $0x80, s30, s17, $0xb8;
	[tilespmem:$0x1DC00] =	vst v63  }
0x84: {  	_ =	swait.ge [sflag:s21], $0x4000  }
0x85: {  	[sflag:s21] =	ssyncset.done $0x0  }
0x86: {  	s31 =	sor.u32 $0x1580, s23;
	[sflag:s21] =	ssyncadd.s32 $0xFFFFC000  }
0x87: {  	[spmem:s4] =	stream.indirect.scatter.add.f32 [tilespmem:s19], [sflag:$0x4], $0x80, s31, s17, $0xb8;
	[tilespmem:$0x1DC00] =	vst v63  }
0x88: {  	_ =	swait.ge [sflag:s14], $0x4000  }
0x89: {  	[sflag:s14] =	ssyncset.done $0x0  }
0x8a: {  	s25 =	sor.u32 $0x680, s23;
	[sflag:s14] =	ssyncadd.s32 $0xFFFFC000  }
0x8b: {  	[tilespmem:s19], [sflag:$0x2] =	stream.indirect.gather [hbm4b:s6+s17], $0x80, s25, s17, $0xb8;
	[tilespmem:$0x1DC00] =	vst v63  }
0x8c: {  	_ =	swait.ge [sflag:s20], $0x4000  }
0x8d: {  	[sflag:s20] =	ssyncset.done $0x0  }
0x8e: {  	s26 =	sadd.s32 $0x1600, s23;
	[sflag:s20] =	ssyncadd.s32 $0xFFFFC000  }
0x8f: {  	[spmem:s4] =	stream.indirect.scatter.add.f32 [tilespmem:s18], [sflag:$0x4], $0x80, s26, s17, $0xb8;
	[tilespmem:$0x1DC00] =	vst v63  }
0x90: {  	_ =	swait.ge [sflag:s14], $0x4000  }
0x91: {  	[sflag:s14] =	ssyncset.done $0x0  }
0x92: {  	s28 =	sadd.s32 $0x700, s23;
	[sflag:s14] =	ssyncadd.s32 $0xFFFFC000  }
0x93: {  	[tilespmem:s18], [sflag:$0x1] =	stream.indirect.gather [hbm4b:s6+s17], $0x80, s28, s17, $0xb8;
	[tilespmem:$0x1DC00] =	vst v63  }
0x94: {  	_ =	swait.ge [sflag:s21], $0x4000  }
0x95: {  	[sflag:s21] =	ssyncset.done $0x0  }
0x96: {  	s29 =	sor.u32 $0x1680, s23;
	[sflag:s21] =	ssyncadd.s32 $0xFFFFC000  }
0x97: {  	[spmem:s4] =	stream.indirect.scatter.add.f32 [tilespmem:s19], [sflag:$0x4], $0x80, s29, s17, $0xb8;
	[tilespmem:$0x1DC00] =	vst v63  }
0x98: {  	_ =	swait.ge [sflag:s14], $0x4000  }
0x99: {  	[sflag:s14] =	ssyncset.done $0x0  }
0x9a: {  	s30 =	sor.u32 $0x780, s23;
	[sflag:s14] =	ssyncadd.s32 $0xFFFFC000  }
0x9b: {  	[tilespmem:s19], [sflag:$0x2] =	stream.indirect.gather [hbm4b:s6+s17], $0x80, s30, s17, $0xb8;
	[tilespmem:$0x1DC00] =	vst v63  }
0x9c: {  	_ =	swait.ge [sflag:s20], $0x4000  }
0x9d: {  	[sflag:s20] =	ssyncset.done $0x0  }
0x9e: {  	s31 =	sadd.s32 $0x1700, s23;
	[sflag:s20] =	ssyncadd.s32 $0xFFFFC000  }
0x9f: {  	[spmem:s4] =	stream.indirect.scatter.add.f32 [tilespmem:s18], [sflag:$0x4], $0x80, s31, s17, $0xb8;
	[tilespmem:$0x1DC00] =	vst v63  }
0xa0: {  	_ =	swait.ge [sflag:s14], $0x4000  }
0xa1: {  	[sflag:s14] =	ssyncset.done $0x0  }
0xa2: {  	[sflag:s14] =	ssyncadd.s32 $0xFFFFC000  }
0xa3: {  	_ =	swait.ge [sflag:s21], $0x4000  }
0xa4: {  	[sflag:s21] =	ssyncset.done $0x0  }
0xa5: {  	s23 =	sor.u32 $0x1780, s23;
	[sflag:s21] =	ssyncadd.s32 $0xFFFFC000  }
0xa6: {  	[spmem:s4] =	stream.indirect.scatter.add.f32 [tilespmem:s19], [sflag:$0x4], $0x80, s23, s17, $0xb8;
	[tilespmem:$0x1DC00] =	vst v63  }
0xa7: {  	_ =	swait.ge [sflag:s14], $0x4000  }
0xa8: {  	s23 =	simm.s32 $0x800;
	[sflag:s14] =	ssyncset.done $0x0  }
.LBB2_2:
0xa9: {  	[sflag:s14] =	ssyncadd.s32 $0xFFFFC000  }
0xaa: {  	_ =	swait.ge [sflag:s16], $0x800  }
0xab: {  	[sflag:s16] =	ssyncset.done $0x0  }
0xac: {  	[sflag:s16] =	ssyncadd.s32 $0xFFFFF800  }
0xad: {  	s24 =	smov.u32 s23;
	_ =	swait.ge [sflag:s16], $0x800  }
0xae: {  	p1 =	seq.s32 s24, $0x2000;
	s25 =	rddreg [dreg:$0x5]  }
0xaf: {  	s29 =	simm.s32 @!p1 $0x0;
	s25 =	sadd.s32 @!p1 s24, s25  }
0xb0: {  	[sflag:s16] =	ssyncset.done $0x0;
	s24 =	sand.u32 @!p1 $0x800, s24;
	s25 =	sshrl.u32 @!p1 s25, $0x3  }
0xb1: {  	[sflag:s16] =	ssyncadd.s32 $0xFFFFF800;
	s26 =	sxor.u32 @!p1 $0x800, s24;
	s28 =	sadd.s32 @!p1 s2, s25  }
0xb2: {  	[tilespmem:s26], [sflag:$0x3] =	stream.linear.gather @!p1 [hbm4b:s28+s29], $0x800, $0x38;
	[tilespmem:$0x1DC00] =	vst v63  }
0xb3: {  	s25 =	sadd.s32 @!p1 s3, s25;
	s26 =	sxor.u32 @!p1 $0x1800, s24  }
0xb4: {  	[tilespmem:s26], [sflag:$0x3] =	stream.linear.gather @!p1 [hbm4b:s25+s29], $0x800, $0x38;
	[tilespmem:$0x1DC00] =	vst v63  }
0xb5: {  	s24 =	simm.s32 @p1 $0x0  }
0xb6: {  	[tilespmem:s18], [sflag:$0x1] =	stream.indirect.gather [hbm4b:s6+s17], $0x80, s24, s17, $0xb8;
	[tilespmem:$0x1DC00] =	vst v63  }
0xb7: {  	s26 =	sor.u32 $0x80, s24  }
0xb8: {  	[tilespmem:s19], [sflag:$0x2] =	stream.indirect.gather [hbm4b:s6+s17], $0x80, s26, s17, $0xb8;
	[tilespmem:$0x1DC00] =	vst v63  }
0xb9: {  	_ =	swait.ge [sflag:s20], $0x4000  }
0xba: {  	[sflag:s20] =	ssyncset.done $0x0  }
0xbb: {  	s28 =	sor.u32 $0x1000, s24;
	[sflag:s20] =	ssyncadd.s32 $0xFFFFC000  }
0xbc: {  	[spmem:s4] =	stream.indirect.scatter.add.f32 [tilespmem:s18], [sflag:$0x4], $0x80, s28, s17, $0xb8;
	[tilespmem:$0x1DC00] =	vst v63  }
0xbd: {  	_ =	swait.ge [sflag:s14], $0x4000  }
0xbe: {  	[sflag:s14] =	ssyncset.done $0x0  }
0xbf: {  	s29 =	sadd.s32 $0x100, s24;
	[sflag:s14] =	ssyncadd.s32 $0xFFFFC000  }
0xc0: {  	[tilespmem:s18], [sflag:$0x1] =	stream.indirect.gather [hbm4b:s6+s17], $0x80, s29, s17, $0xb8;
	[tilespmem:$0x1DC00] =	vst v63  }
0xc1: {  	_ =	swait.ge [sflag:s21], $0x4000  }
0xc2: {  	[sflag:s21] =	ssyncset.done $0x0  }
0xc3: {  	s30 =	sor.u32 $0x1080, s24;
	[sflag:s21] =	ssyncadd.s32 $0xFFFFC000  }
0xc4: {  	[spmem:s4] =	stream.indirect.scatter.add.f32 [tilespmem:s19], [sflag:$0x4], $0x80, s30, s17, $0xb8;
	[tilespmem:$0x1DC00] =	vst v63  }
0xc5: {  	_ =	swait.ge [sflag:s14], $0x4000  }
0xc6: {  	[sflag:s14] =	ssyncset.done $0x0  }
0xc7: {  	s31 =	sor.u32 $0x180, s24;
	[sflag:s14] =	ssyncadd.s32 $0xFFFFC000  }
0xc8: {  	[tilespmem:s19], [sflag:$0x2] =	stream.indirect.gather [hbm4b:s6+s17], $0x80, s31, s17, $0xb8;
	[tilespmem:$0x1DC00] =	vst v63  }
0xc9: {  	_ =	swait.ge [sflag:s20], $0x4000  }
0xca: {  	[sflag:s20] =	ssyncset.done $0x0  }
0xcb: {  	s26 =	sadd.s32 $0x1100, s24;
	[sflag:s20] =	ssyncadd.s32 $0xFFFFC000  }
0xcc: {  	[spmem:s4] =	stream.indirect.scatter.add.f32 [tilespmem:s18], [sflag:$0x4], $0x80, s26, s17, $0xb8;
	[tilespmem:$0x1DC00] =	vst v63  }
0xcd: {  	_ =	swait.ge [sflag:s14], $0x4000  }
0xce: {  	[sflag:s14] =	ssyncset.done $0x0  }
0xcf: {  	s28 =	sadd.s32 $0x200, s24;
	[sflag:s14] =	ssyncadd.s32 $0xFFFFC000  }
0xd0: {  	[tilespmem:s18], [sflag:$0x1] =	stream.indirect.gather [hbm4b:s6+s17], $0x80, s28, s17, $0xb8;
	[tilespmem:$0x1DC00] =	vst v63  }
0xd1: {  	_ =	swait.ge [sflag:s21], $0x4000  }
0xd2: {  	[sflag:s21] =	ssyncset.done $0x0  }
0xd3: {  	s29 =	sor.u32 $0x1180, s24;
	[sflag:s21] =	ssyncadd.s32 $0xFFFFC000  }
0xd4: {  	[spmem:s4] =	stream.indirect.scatter.add.f32 [tilespmem:s19], [sflag:$0x4], $0x80, s29, s17, $0xb8;
	[tilespmem:$0x1DC00] =	vst v63  }
0xd5: {  	_ =	swait.ge [sflag:s14], $0x4000  }
0xd6: {  	[sflag:s14] =	ssyncset.done $0x0  }
0xd7: {  	s30 =	sor.u32 $0x280, s24;
	[sflag:s14] =	ssyncadd.s32 $0xFFFFC000  }
0xd8: {  	[tilespmem:s19], [sflag:$0x2] =	stream.indirect.gather [hbm4b:s6+s17], $0x80, s30, s17, $0xb8;
	[tilespmem:$0x1DC00] =	vst v63  }
0xd9: {  	_ =	swait.ge [sflag:s20], $0x4000  }
0xda: {  	[sflag:s20] =	ssyncset.done $0x0  }
0xdb: {  	s31 =	sadd.s32 $0x1200, s24;
	[sflag:s20] =	ssyncadd.s32 $0xFFFFC000  }
0xdc: {  	[spmem:s4] =	stream.indirect.scatter.add.f32 [tilespmem:s18], [sflag:$0x4], $0x80, s31, s17, $0xb8;
	[tilespmem:$0x1DC00] =	vst v63  }
0xdd: {  	_ =	swait.ge [sflag:s14], $0x4000  }
0xde: {  	[sflag:s14] =	ssyncset.done $0x0  }
0xdf: {  	s26 =	sadd.s32 $0x300, s24;
	[sflag:s14] =	ssyncadd.s32 $0xFFFFC000  }
0xe0: {  	[tilespmem:s18], [sflag:$0x1] =	stream.indirect.gather [hbm4b:s6+s17], $0x80, s26, s17, $0xb8;
	[tilespmem:$0x1DC00] =	vst v63  }
0xe1: {  	_ =	swait.ge [sflag:s21], $0x4000  }
0xe2: {  	[sflag:s21] =	ssyncset.done $0x0  }
0xe3: {  	s28 =	sor.u32 $0x1280, s24;
	[sflag:s21] =	ssyncadd.s32 $0xFFFFC000  }
0xe4: {  	[spmem:s4] =	stream.indirect.scatter.add.f32 [tilespmem:s19], [sflag:$0x4], $0x80, s28, s17, $0xb8;
	[tilespmem:$0x1DC00] =	vst v63  }
0xe5: {  	_ =	swait.ge [sflag:s14], $0x4000  }
0xe6: {  	[sflag:s14] =	ssyncset.done $0x0  }
0xe7: {  	s29 =	sor.u32 $0x380, s24;
	[sflag:s14] =	ssyncadd.s32 $0xFFFFC000  }
0xe8: {  	[tilespmem:s19], [sflag:$0x2] =	stream.indirect.gather [hbm4b:s6+s17], $0x80, s29, s17, $0xb8;
	[tilespmem:$0x1DC00] =	vst v63  }
0xe9: {  	_ =	swait.ge [sflag:s20], $0x4000  }
0xea: {  	[sflag:s20] =	ssyncset.done $0x0  }
0xeb: {  	s30 =	sadd.s32 $0x1300, s24;
	[sflag:s20] =	ssyncadd.s32 $0xFFFFC000  }
0xec: {  	[spmem:s4] =	stream.indirect.scatter.add.f32 [tilespmem:s18], [sflag:$0x4], $0x80, s30, s17, $0xb8;
	[tilespmem:$0x1DC00] =	vst v63  }
0xed: {  	_ =	swait.ge [sflag:s14], $0x4000  }
0xee: {  	[sflag:s14] =	ssyncset.done $0x0  }
0xef: {  	s31 =	sadd.s32 $0x400, s24;
	[sflag:s14] =	ssyncadd.s32 $0xFFFFC000  }
0xf0: {  	[tilespmem:s18], [sflag:$0x1] =	stream.indirect.gather [hbm4b:s6+s17], $0x80, s31, s17, $0xb8;
	[tilespmem:$0x1DC00] =	vst v63  }
0xf1: {  	_ =	swait.ge [sflag:s21], $0x4000  }
0xf2: {  	[sflag:s21] =	ssyncset.done $0x0  }
0xf3: {  	s26 =	sor.u32 $0x1380, s24;
	[sflag:s21] =	ssyncadd.s32 $0xFFFFC000  }
0xf4: {  	[spmem:s4] =	stream.indirect.scatter.add.f32 [tilespmem:s19], [sflag:$0x4], $0x80, s26, s17, $0xb8;
	[tilespmem:$0x1DC00] =	vst v63  }
0xf5: {  	_ =	swait.ge [sflag:s14], $0x4000  }
0xf6: {  	[sflag:s14] =	ssyncset.done $0x0  }
0xf7: {  	s28 =	sor.u32 $0x480, s24;
	[sflag:s14] =	ssyncadd.s32 $0xFFFFC000  }
0xf8: {  	[tilespmem:s19], [sflag:$0x2] =	stream.indirect.gather [hbm4b:s6+s17], $0x80, s28, s17, $0xb8;
	[tilespmem:$0x1DC00] =	vst v63  }
0xf9: {  	_ =	swait.ge [sflag:s20], $0x4000  }
0xfa: {  	[sflag:s20] =	ssyncset.done $0x0  }
0xfb: {  	s29 =	sadd.s32 $0x1400, s24;
	[sflag:s20] =	ssyncadd.s32 $0xFFFFC000  }
0xfc: {  	[spmem:s4] =	stream.indirect.scatter.add.f32 [tilespmem:s18], [sflag:$0x4], $0x80, s29, s17, $0xb8;
	[tilespmem:$0x1DC00] =	vst v63  }
0xfd: {  	_ =	swait.ge [sflag:s14], $0x4000  }
0xfe: {  	[sflag:s14] =	ssyncset.done $0x0  }
0xff: {  	s30 =	sadd.s32 $0x500, s24;
	[sflag:s14] =	ssyncadd.s32 $0xFFFFC000  }
0x100: {  	[tilespmem:s18], [sflag:$0x1] =	stream.indirect.gather [hbm4b:s6+s17], $0x80, s30, s17, $0xb8;
	[tilespmem:$0x1DC00] =	vst v63  }
0x101: {  	_ =	swait.ge [sflag:s21], $0x4000  }
0x102: {  	[sflag:s21] =	ssyncset.done $0x0  }
0x103: {  	s31 =	sor.u32 $0x1480, s24;
	[sflag:s21] =	ssyncadd.s32 $0xFFFFC000  }
0x104: {  	[spmem:s4] =	stream.indirect.scatter.add.f32 [tilespmem:s19], [sflag:$0x4], $0x80, s31, s17, $0xb8;
	[tilespmem:$0x1DC00] =	vst v63  }
0x105: {  	_ =	swait.ge [sflag:s14], $0x4000  }
0x106: {  	[sflag:s14] =	ssyncset.done $0x0  }
0x107: {  	s26 =	sor.u32 $0x580, s24;
	[sflag:s14] =	ssyncadd.s32 $0xFFFFC000  }
0x108: {  	[tilespmem:s19], [sflag:$0x2] =	stream.indirect.gather [hbm4b:s6+s17], $0x80, s26, s17, $0xb8;
	[tilespmem:$0x1DC00] =	vst v63  }
0x109: {  	_ =	swait.ge [sflag:s20], $0x4000  }
0x10a: {  	[sflag:s20] =	ssyncset.done $0x0  }
0x10b: {  	s28 =	sadd.s32 $0x1500, s24;
	[sflag:s20] =	ssyncadd.s32 $0xFFFFC000  }
0x10c: {  	[spmem:s4] =	stream.indirect.scatter.add.f32 [tilespmem:s18], [sflag:$0x4], $0x80, s28, s17, $0xb8;
	[tilespmem:$0x1DC00] =	vst v63  }
0x10d: {  	_ =	swait.ge [sflag:s14], $0x4000  }
0x10e: {  	[sflag:s14] =	ssyncset.done $0x0  }
0x10f: {  	s29 =	sadd.s32 $0x600, s24;
	[sflag:s14] =	ssyncadd.s32 $0xFFFFC000  }
0x110: {  	[tilespmem:s18], [sflag:$0x1] =	stream.indirect.gather [hbm4b:s6+s17], $0x80, s29, s17, $0xb8;
	[tilespmem:$0x1DC00] =	vst v63  }
0x111: {  	_ =	swait.ge [sflag:s21], $0x4000  }
0x112: {  	[sflag:s21] =	ssyncset.done $0x0  }
0x113: {  	s30 =	sor.u32 $0x1580, s24;
	[sflag:s21] =	ssyncadd.s32 $0xFFFFC000  }
0x114: {  	[spmem:s4] =	stream.indirect.scatter.add.f32 [tilespmem:s19], [sflag:$0x4], $0x80, s30, s17, $0xb8;
	[tilespmem:$0x1DC00] =	vst v63  }
0x115: {  	_ =	swait.ge [sflag:s14], $0x4000  }
0x116: {  	[sflag:s14] =	ssyncset.done $0x0  }
0x117: {  	s31 =	sor.u32 $0x680, s24;
	[sflag:s14] =	ssyncadd.s32 $0xFFFFC000  }
0x118: {  	[tilespmem:s19], [sflag:$0x2] =	stream.indirect.gather [hbm4b:s6+s17], $0x80, s31, s17, $0xb8;
	[tilespmem:$0x1DC00] =	vst v63  }
0x119: {  	_ =	swait.ge [sflag:s20], $0x4000  }
0x11a: {  	[sflag:s20] =	ssyncset.done $0x0  }
0x11b: {  	s26 =	sadd.s32 $0x1600, s24;
	[sflag:s20] =	ssyncadd.s32 $0xFFFFC000  }
0x11c: {  	[spmem:s4] =	stream.indirect.scatter.add.f32 [tilespmem:s18], [sflag:$0x4], $0x80, s26, s17, $0xb8;
	[tilespmem:$0x1DC00] =	vst v63  }
0x11d: {  	_ =	swait.ge [sflag:s14], $0x4000  }
0x11e: {  	[sflag:s14] =	ssyncset.done $0x0  }
0x11f: {  	s28 =	sadd.s32 $0x700, s24;
	[sflag:s14] =	ssyncadd.s32 $0xFFFFC000  }
0x120: {  	[tilespmem:s18], [sflag:$0x1] =	stream.indirect.gather [hbm4b:s6+s17], $0x80, s28, s17, $0xb8;
	[tilespmem:$0x1DC00] =	vst v63  }
0x121: {  	_ =	swait.ge [sflag:s21], $0x4000  }
0x122: {  	[sflag:s21] =	ssyncset.done $0x0  }
0x123: {  	s29 =	sor.u32 $0x1680, s24;
	[sflag:s21] =	ssyncadd.s32 $0xFFFFC000  }
0x124: {  	[spmem:s4] =	stream.indirect.scatter.add.f32 [tilespmem:s19], [sflag:$0x4], $0x80, s29, s17, $0xb8;
	[tilespmem:$0x1DC00] =	vst v63  }
0x125: {  	_ =	swait.ge [sflag:s14], $0x4000  }
0x126: {  	[sflag:s14] =	ssyncset.done $0x0  }
0x127: {  	s30 =	sor.u32 $0x780, s24;
	[sflag:s14] =	ssyncadd.s32 $0xFFFFC000  }
0x128: {  	[tilespmem:s19], [sflag:$0x2] =	stream.indirect.gather [hbm4b:s6+s17], $0x80, s30, s17, $0xb8;
	[tilespmem:$0x1DC00] =	vst v63  }
0x129: {  	_ =	swait.ge [sflag:s20], $0x4000  }
0x12a: {  	[sflag:s20] =	ssyncset.done $0x0  }
0x12b: {  	s31 =	sadd.s32 $0x1700, s24;
	[sflag:s20] =	ssyncadd.s32 $0xFFFFC000  }
0x12c: {  	[spmem:s4] =	stream.indirect.scatter.add.f32 [tilespmem:s18], [sflag:$0x4], $0x80, s31, s17, $0xb8;
	[tilespmem:$0x1DC00] =	vst v63  }
0x12d: {  	_ =	swait.ge [sflag:s14], $0x4000  }
0x12e: {  	[sflag:s14] =	ssyncset.done $0x0  }
0x12f: {  	s23 =	sadd.s32 $0x800, s23;
	[sflag:s14] =	ssyncadd.s32 $0xFFFFC000  }
0x130: {  	p0 =	sne.s32 s23, $0x2800;
	_ =	swait.ge [sflag:s21], $0x4000  }
.Ltmp0:
0x131: {  	[sflag:s21] =	ssyncset.done $0x0;
	(pc) =	sbr.rel @p0 .LBB2_2-.Ltmp0, $4  }
0x132: {  	s24 =	sor.u32 $0x1780, s24;
	[sflag:s21] =	ssyncadd.s32 $0xFFFFC000  }
0x133: {  	[spmem:s4] =	stream.indirect.scatter.add.f32 [tilespmem:s19], [sflag:$0x4], $0x80, s24, s17, $0xb8;
	[tilespmem:$0x1DC00] =	vst v63  }
0x134: {  	_ =	swait.ge [sflag:s14], $0x4000  }
0x135: {  	[sflag:s14] =	ssyncset.done $0x0  }
0x136: {  	s22 =	sadd.s32 $0x1, s22  }
0x137: {  	[sflag:s14] =	ssyncadd.s32 $0xFFFFC000;
	p0 =	sne.s32 s22, s12  }
.Ltmp1:
0x138: {  	[bflag:$0x0] =	sbarrier.arrive $0xFFFF;
	(pc) =	sbr.rel @p0 .LBB2_1-.Ltmp1, $4  }
0x139: {  	[hbm:s11], [sflag:s8] =	dma.local [spmem:s13], $0x2780  }
0x13a: {  	_ =	swait.ge [sflag:s14], $0x2780  }
0x13b: {  	[sflag:s14] =	ssyncset.done $0x0  }
0x13c: {  	[sflag:s14] =	ssyncadd.s32 $0xFFFFD880  }
0x13d: {  	_ =	sfence.sel $0x180000  }
0x13e: {  	[bflag:$0x0] =	sbarrier.arrive $0xFFFF  }
0x13f: {  	p0 =	sne.s32 s1, $0x0;
	_ =	strace $0x90000053  }
0x140: {  	s0 =	sadd.s32 @!p0 $0x100000, s0;
	[bflag:$0x2] =	sbarrier.arrive $0xFFFF  }
0x141: {  	[sflag:s0] =	ssyncadd.tile.s32 @!p0 $0x1;
	_ =	shalt  }
.Lfunc_end2:
_tile_overlayer_lowered:
.L_overlay_start_2:
0x142: {  	(tag) =	ssettag $0x2  }
0x143: {  	s0 =	rddreg [dreg:$0x0];
	s2 =	stileid.u32  }
0x144: {  	s1 =	rddreg [dreg:$0x1];
	p0 =	sne.s32 s2, $0x0  }
0x145: {  	s3 =	rddreg [dreg:$0x2];
	[bflag:$0x3] =	sbarrier.arrive $0xFFFF;
	s2 =	simm.s32 @!p0 $0x1C04  }
0x146: {  	[timem:s3], [sflag:s2] =	dma.local @!p0 [hbm:s0], s1  }
0x147: {  	s0 =	simm.s32 @!p0 $0x4  }
0x148: {  	_ =	swait.ge @!p0 [sflag:s0], s1  }
0x149: {  	s1 =	ssub.s32 @!p0 $0x0, s1;
	[sflag:s0] =	ssyncset.done @!p0 $0x0  }
0x14a: {  	[sflag:s0] =	ssyncadd.s32 @!p0 s1  }
0x14b: {  	[bflag:$0x3] =	sbarrier.arrive $0xFFFF  }
0x14c: {  	_ =	shalt  }

</sc_bundles>
